<compile_context>
chip_gen: v7x
topology: tpu7x:2x2x1
jax: 0.10.2.dev20260603
libtpu: 0.0.44.dev20260713+nightly
codegen_flags: <defaults>
</compile_context>

<pallas_src>
import functools

import jax
import jax.numpy as jnp
from jax import lax
from jax.experimental import pallas as pl
from jax.experimental.pallas import tpu as pltpu
from jax.experimental.pallas import tpu_sc as plsc

_CHUNK = 512
_NBUF = 4
_LAG = 3


@functools.cache
def _build(n_rows, dim, chunk, nbuf, lag):
    mesh = plsc.VectorSubcoreMesh(core_axis_name="c", subcore_axis_name="s")
    nc = mesh.num_cores
    ns = mesh.num_subcores
    n_workers = nc * ns
    rows_per_w = n_rows // n_workers
    n_chunks = rows_per_w // chunk

    def body(idx_hbm, table_hbm, out_hbm, idx_v, rows_v, gsems, wsems):
        wid = lax.axis_index("s") * nc + lax.axis_index("c")
        base = wid * rows_per_w
        pltpu.sync_copy(idx_hbm.at[pl.ds(base, rows_per_w)], idx_v)

        gh = [None] * nbuf
        wh = [None] * nbuf

        def start_gather(ci):
            b = ci % nbuf
            gh[b] = pltpu.async_copy(
                table_hbm.at[idx_v.at[pl.ds(ci * chunk, chunk)]],
                rows_v.at[b],
                gsems[b],
            )

        def start_write(ci):
            b = ci % nbuf
            wh[b] = pltpu.async_copy(
                rows_v.at[b],
                out_hbm.at[pl.ds(base + ci * chunk, chunk)],
                wsems[b],
            )

        for i in range(n_chunks + lag):
            if i < n_chunks:
                b = i % nbuf
                if i >= nbuf:
                    wh[b].wait()
                start_gather(i)
            j = i - lag
            if 0 <= j < n_chunks:
                gh[j % nbuf].wait()
                start_write(j)
        for j in range(max(n_chunks - nbuf, 0), n_chunks):
            wh[j % nbuf].wait()

    return pl.kernel(
        body,
        out_type=jax.ShapeDtypeStruct((n_rows, dim), jnp.float32),
        mesh=mesh,
        scratch_types=[
            pltpu.VMEM((rows_per_w,), jnp.int32),
            pltpu.VMEM((nbuf, chunk, dim), jnp.float32),
            [pltpu.SemaphoreType.DMA] * nbuf,
            [pltpu.SemaphoreType.DMA] * nbuf,
        ],
        compiler_params=pltpu.CompilerParams(use_tc_tiling_on_sc=False),
    )


def kernel(indices, table):
    b, h = indices.shape
    _, d = table.shape
    n_rows = b * h
    idx_flat = indices.reshape(n_rows).astype(jnp.int32)
    out = _build(n_rows, d, _CHUNK, _NBUF, _LAG)(idx_flat, table)
    return out.reshape(b, h, d)

# --- scband reference (transcript-rebuilt; emitter-appended) ---
"""Pipeline reference for scband-nnlm-39986145526138 (READ-ONLY COPY).

The authoritative reference and input builder live on the scoring server;
editing this copy changes nothing except your own understanding.
"""

import jax, jax.numpy as jnp
import numpy as np

NUM_EMBEDDINGS = 1000000
EMBED_DIM = 32
BATCH = 16384
HIST = 50

def setup_inputs(seed: int = 0) -> dict:
    key = jax.random.key(seed)
    k_idx, k_tab = jax.random.split(key)
    indices = jax.random.randint(k_idx, (BATCH, HIST), 0, NUM_EMBEDDINGS, dtype=jnp.int64 if jax.config.jax_enable_x64 else jnp.int32)
    table = jax.random.normal(k_tab, (NUM_EMBEDDINGS, EMBED_DIM), dtype=jnp.float32)
    return {"indices": indices, "table": table}

def reference(indices, table):
    # Faithful nn.Embedding forward: row gather from the embedding table.
    out = jnp.take(table, indices, axis=0)  # [B, L, D]
    return out

if __name__ == "__main__":
    import jax
    _d = setup_inputs()
    print(jax.jit(kernel)(*tuple(_d.values())))

</pallas_src>

<mosaic_0001>
#map = affine_map<(d0, d1) -> (0)>
#map1 = affine_map<(d0, d1) -> (0, 0)>
module attributes {stable_mosaic.version = 14 : i64} {
  func.func @body(%arg0: i32, %arg1: i32, %arg2: memref<819200xi32, #tpu.memory_space<hbm>>, %arg3: memref<1000000x32xf32, #tpu.memory_space<hbm>>, %arg4: memref<819200x32xf32, #tpu.memory_space<hbm>>, %arg5: memref<25600xi32, #tpu.memory_space<vmem>>, %arg6: memref<4x512x32xf32, #tpu.memory_space<vmem>>, %arg7: memref<!tpu.dma_semaphore, #tpu.memory_space<semaphore_mem>>, %arg8: memref<!tpu.dma_semaphore, #tpu.memory_space<semaphore_mem>>, %arg9: memref<!tpu.dma_semaphore, #tpu.memory_space<semaphore_mem>>, %arg10: memref<!tpu.dma_semaphore, #tpu.memory_space<semaphore_mem>>, %arg11: memref<!tpu.dma_semaphore, #tpu.memory_space<semaphore_mem>>, %arg12: memref<!tpu.dma_semaphore, #tpu.memory_space<semaphore_mem>>, %arg13: memref<!tpu.dma_semaphore, #tpu.memory_space<semaphore_mem>>, %arg14: memref<!tpu.dma_semaphore, #tpu.memory_space<semaphore_mem>>) attributes {dimension_semantics = [#tpu.dimension_semantics<core_parallel>, #tpu.dimension_semantics<subcore_parallel>], iteration_bounds = array<i64: 2, 16>, scalar_prefetch = 0 : i64, scratch_operands = 10 : i64, tpu.core_type = #tpu.core_type<sc_vector_subcore>, window_params = [{transform_indices = #map}, {transform_indices = #map1}, {transform_indices = #map1}]} {
    %mul3A = arith.constant 2 : i32
    %mul3A_0 = arith.muli %arg1, %mul3A : i32
    %add3A = arith.addi %mul3A_0, %arg0 : i32
    %mul3A_1 = arith.constant 25600 : i32
    %mul3A_2 = arith.muli %add3A, %mul3A_1 : i32
    "tpu.region"() ({
      %run_scoped3A = tpu.sem_alloc : memref<!tpu.dma_semaphore, #tpu.memory_space<semaphore_mem>>
      %dma_start3A_2401 = tpu.memref_slice %arg2[%mul3A_2] : memref<819200xi32, #tpu.memory_space<hbm>> -> memref<25600xi32, #tpu.memory_space<hbm>>
      %dma_start3A_2402 = tpu.memref_slice %arg2[%mul3A_2] : memref<819200xi32, #tpu.memory_space<hbm>> -> memref<25600xi32, #tpu.memory_space<hbm>>
      tpu.enqueue_dma source(%dma_start3A_2402 : memref<25600xi32, #tpu.memory_space<hbm>>) target(%arg5 : memref<25600xi32, #tpu.memory_space<vmem>>) target_semaphore(%run_scoped3A : memref<!tpu.dma_semaphore, #tpu.memory_space<semaphore_mem>>)
      %dma_wait3A_2403 = tpu.memref_slice %arg2[%mul3A_2] : memref<819200xi32, #tpu.memory_space<hbm>> -> memref<25600xi32, #tpu.memory_space<hbm>>
      %dma_wait3A_2404 = tpu.memref_slice %arg2[%mul3A_2] : memref<819200xi32, #tpu.memory_space<hbm>> -> memref<25600xi32, #tpu.memory_space<hbm>>
      tpu.wait_dma2 semaphore(%run_scoped3A : memref<!tpu.dma_semaphore, #tpu.memory_space<semaphore_mem>>) src(%dma_wait3A_2404 : memref<25600xi32, #tpu.memory_space<hbm>>) dst(%arg5 : memref<25600xi32, #tpu.memory_space<vmem>>)
      tpu.yield
    }) : () -> ()
    %dma_start3A = arith.constant 0 : i32
    %dma_start3A_3 = arith.constant 0 : i32
    %dma_start3A_4 = arith.constant 0 : i32
    %dma_start3A_5 = tpu.memref_slice %arg6[%dma_start3A, %dma_start3A_3, %dma_start3A_4] : memref<4x512x32xf32, #tpu.memory_space<vmem>> -> memref<1x512x32xf32, #tpu.memory_space<vmem>>
    %dma_start3A_6 = tpu.memref_squeeze %dma_start3A_5 : memref<1x512x32xf32, #tpu.memory_space<vmem>> -> memref<512x32xf32, #tpu.memory_space<vmem>>
    %dma_start3A_7 = arith.constant 0 : i32
    %dma_start3A_8 = tpu.memref_slice %arg5[%dma_start3A_7] : memref<25600xi32, #tpu.memory_space<vmem>> -> memref<512xi32, #tpu.memory_space<vmem>>
    %dma_start3A_9 = arith.constant 0 : i32
    %dma_start3A_10 = arith.constant 0 : i32
    %dma_start3A_11 = tpu.memref_slice %arg3[%dma_start3A_9, %dma_start3A_10] : memref<1000000x32xf32, #tpu.memory_space<hbm>> -> memref<1000000x32xf32, #tpu.memory_space<hbm>>
    tpu.enqueue_indirect_dma source(%dma_start3A_11 : memref<1000000x32xf32, #tpu.memory_space<hbm>>) target(%dma_start3A_6 : memref<512x32xf32, #tpu.memory_space<vmem>>) offsets(%dma_start3A_8 : memref<512xi32, #tpu.memory_space<vmem>>) semaphore(%arg7 : memref<!tpu.dma_semaphore, #tpu.memory_space<semaphore_mem>>)
    %dma_start3A_12 = arith.constant 1 : i32
    %dma_start3A_13 = arith.constant 0 : i32
    %dma_start3A_14 = arith.constant 0 : i32
    %dma_start3A_15 = tpu.memref_slice %arg6[%dma_start3A_12, %dma_start3A_13, %dma_start3A_14] : memref<4x512x32xf32, #tpu.memory_space<vmem>> -> memref<1x512x32xf32, #tpu.memory_space<vmem>>
    %dma_start3A_16 = tpu.memref_squeeze %dma_start3A_15 : memref<1x512x32xf32, #tpu.memory_space<vmem>> -> memref<512x32xf32, #tpu.memory_space<vmem>>
    %dma_start3A_17 = arith.constant 512 : i32
    %dma_start3A_18 = tpu.memref_slice %arg5[%dma_start3A_17] : memref<25600xi32, #tpu.memory_space<vmem>> -> memref<512xi32, #tpu.memory_space<vmem>>
    %dma_start3A_19 = arith.constant 0 : i32
    %dma_start3A_20 = arith.constant 0 : i32
    %dma_start3A_21 = tpu.memref_slice %arg3[%dma_start3A_19, %dma_start3A_20] : memref<1000000x32xf32, #tpu.memory_space<hbm>> -> memref<1000000x32xf32, #tpu.memory_space<hbm>>
    tpu.enqueue_indirect_dma source(%dma_start3A_21 : memref<1000000x32xf32, #tpu.memory_space<hbm>>) target(%dma_start3A_16 : memref<512x32xf32, #tpu.memory_space<vmem>>) offsets(%dma_start3A_18 : memref<512xi32, #tpu.memory_space<vmem>>) semaphore(%arg8 : memref<!tpu.dma_semaphore, #tpu.memory_space<semaphore_mem>>)
    %dma_start3A_22 = arith.constant 2 : i32
    %dma_start3A_23 = arith.constant 0 : i32
    %dma_start3A_24 = arith.constant 0 : i32
    %dma_start3A_25 = tpu.memref_slice %arg6[%dma_start3A_22, %dma_start3A_23, %dma_start3A_24] : memref<4x512x32xf32, #tpu.memory_space<vmem>> -> memref<1x512x32xf32, #tpu.memory_space<vmem>>
    %dma_start3A_26 = tpu.memref_squeeze %dma_start3A_25 : memref<1x512x32xf32, #tpu.memory_space<vmem>> -> memref<512x32xf32, #tpu.memory_space<vmem>>
    %dma_start3A_27 = arith.constant 1024 : i32
    %dma_start3A_28 = tpu.memref_slice %arg5[%dma_start3A_27] : memref<25600xi32, #tpu.memory_space<vmem>> -> memref<512xi32, #tpu.memory_space<vmem>>
    %dma_start3A_29 = arith.constant 0 : i32
    %dma_start3A_30 = arith.constant 0 : i32
    %dma_start3A_31 = tpu.memref_slice %arg3[%dma_start3A_29, %dma_start3A_30] : memref<1000000x32xf32, #tpu.memory_space<hbm>> -> memref<1000000x32xf32, #tpu.memory_space<hbm>>
    tpu.enqueue_indirect_dma source(%dma_start3A_31 : memref<1000000x32xf32, #tpu.memory_space<hbm>>) target(%dma_start3A_26 : memref<512x32xf32, #tpu.memory_space<vmem>>) offsets(%dma_start3A_28 : memref<512xi32, #tpu.memory_space<vmem>>) semaphore(%arg9 : memref<!tpu.dma_semaphore, #tpu.memory_space<semaphore_mem>>)
    %dma_start3A_32 = arith.constant 3 : i32
    %dma_start3A_33 = arith.constant 0 : i32
    %dma_start3A_34 = arith.constant 0 : i32
    %dma_start3A_35 = tpu.memref_slice %arg6[%dma_start3A_32, %dma_start3A_33, %dma_start3A_34] : memref<4x512x32xf32, #tpu.memory_space<vmem>> -> memref<1x512x32xf32, #tpu.memory_space<vmem>>
    %dma_start3A_36 = tpu.memref_squeeze %dma_start3A_35 : memref<1x512x32xf32, #tpu.memory_space<vmem>> -> memref<512x32xf32, #tpu.memory_space<vmem>>
    %dma_start3A_37 = arith.constant 1536 : i32
    %dma_start3A_38 = tpu.memref_slice %arg5[%dma_start3A_37] : memref<25600xi32, #tpu.memory_space<vmem>> -> memref<512xi32, #tpu.memory_space<vmem>>
    %dma_start3A_39 = arith.constant 0 : i32
    %dma_start3A_40 = arith.constant 0 : i32
    %dma_start3A_41 = tpu.memref_slice %arg3[%dma_start3A_39, %dma_start3A_40] : memref<1000000x32xf32, #tpu.memory_space<hbm>> -> memref<1000000x32xf32, #tpu.memory_space<hbm>>
    tpu.enqueue_indirect_dma source(%dma_start3A_41 : memref<1000000x32xf32, #tpu.memory_space<hbm>>) target(%dma_start3A_36 : memref<512x32xf32, #tpu.memory_space<vmem>>) offsets(%dma_start3A_38 : memref<512xi32, #tpu.memory_space<vmem>>) semaphore(%arg10 : memref<!tpu.dma_semaphore, #tpu.memory_space<semaphore_mem>>)
    %dma_wait3A = arith.constant 0 : i32
    %dma_wait3A_42 = arith.constant 0 : i32
    %dma_wait3A_43 = arith.constant 0 : i32
    %dma_wait3A_44 = tpu.memref_slice %arg6[%dma_wait3A, %dma_wait3A_42, %dma_wait3A_43] : memref<4x512x32xf32, #tpu.memory_space<vmem>> -> memref<1x512x32xf32, #tpu.memory_space<vmem>>
    %dma_wait3A_45 = tpu.memref_squeeze %dma_wait3A_44 : memref<1x512x32xf32, #tpu.memory_space<vmem>> -> memref<512x32xf32, #tpu.memory_space<vmem>>
    %dma_wait3A_46 = arith.constant 0 : i32
    %dma_wait3A_47 = tpu.memref_slice %arg5[%dma_wait3A_46] : memref<25600xi32, #tpu.memory_space<vmem>> -> memref<512xi32, #tpu.memory_space<vmem>>
    %dma_wait3A_48 = arith.constant 0 : i32
    %dma_wait3A_49 = arith.constant 0 : i32
    %dma_wait3A_50 = tpu.memref_slice %arg3[%dma_wait3A_48, %dma_wait3A_49] : memref<1000000x32xf32, #tpu.memory_space<hbm>> -> memref<1000000x32xf32, #tpu.memory_space<hbm>>
    tpu.wait_indirect_dma semaphore(%arg7 : memref<!tpu.dma_semaphore, #tpu.memory_space<semaphore_mem>>) src(%dma_wait3A_50 : memref<1000000x32xf32, #tpu.memory_space<hbm>>) dst(%dma_wait3A_45 : memref<512x32xf32, #tpu.memory_space<vmem>>)
    %add3A_51 = arith.constant 0 : i32
    %add3A_52 = arith.addi %mul3A_2, %add3A_51 : i32
    %dma_start3A_53 = arith.constant 0 : i32
    %dma_start3A_54 = arith.constant 0 : i32
    %dma_start3A_55 = arith.constant 0 : i32
    %dma_start3A_56 = tpu.memref_slice %arg6[%dma_start3A_53, %dma_start3A_54, %dma_start3A_55] : memref<4x512x32xf32, #tpu.memory_space<vmem>> -> memref<1x512x32xf32, #tpu.memory_space<vmem>>
    %dma_start3A_57 = tpu.memref_squeeze %dma_start3A_56 : memref<1x512x32xf32, #tpu.memory_space<vmem>> -> memref<512x32xf32, #tpu.memory_space<vmem>>
    %dma_start3A_58 = arith.constant 0 : i32
    %dma_start3A_59 = tpu.memref_slice %arg4[%add3A_52, %dma_start3A_58] : memref<819200x32xf32, #tpu.memory_space<hbm>> -> memref<512x32xf32, #tpu.memory_space<hbm>>
    %dma_start3A_60 = arith.constant 0 : i32
    %dma_start3A_61 = tpu.memref_slice %arg4[%add3A_52, %dma_start3A_60] : memref<819200x32xf32, #tpu.memory_space<hbm>> -> memref<512x32xf32, #tpu.memory_space<hbm>>
    %dma_start3A_62 = arith.constant 0 : i32
    %dma_start3A_63 = arith.constant 0 : i32
    %dma_start3A_64 = tpu.memref_slice %arg6[%dma_start3A_53, %dma_start3A_62, %dma_start3A_63] : memref<4x512x32xf32, #tpu.memory_space<vmem>> -> memref<1x512x32xf32, #tpu.memory_space<vmem>>
    %dma_start3A_65 = tpu.memref_squeeze %dma_start3A_64 : memref<1x512x32xf32, #tpu.memory_space<vmem>> -> memref<512x32xf32, #tpu.memory_space<vmem>>
    tpu.enqueue_dma source(%dma_start3A_65 : memref<512x32xf32, #tpu.memory_space<vmem>>) target(%dma_start3A_61 : memref<512x32xf32, #tpu.memory_space<hbm>>) target_semaphore(%arg11 : memref<!tpu.dma_semaphore, #tpu.memory_space<semaphore_mem>>)
    %dma_wait3A_66 = arith.constant 0 : i32
    %dma_wait3A_67 = arith.constant 0 : i32
    %dma_wait3A_68 = arith.constant 0 : i32
    %dma_wait3A_69 = tpu.memref_slice %arg6[%dma_wait3A_66, %dma_wait3A_67, %dma_wait3A_68] : memref<4x512x32xf32, #tpu.memory_space<vmem>> -> memref<1x512x32xf32, #tpu.memory_space<vmem>>
    %dma_wait3A_70 = tpu.memref_squeeze %dma_wait3A_69 : memref<1x512x32xf32, #tpu.memory_space<vmem>> -> memref<512x32xf32, #tpu.memory_space<vmem>>
    %dma_wait3A_71 = arith.constant 0 : i32
    %dma_wait3A_72 = tpu.memref_slice %arg4[%add3A_52, %dma_wait3A_71] : memref<819200x32xf32, #tpu.memory_space<hbm>> -> memref<512x32xf32, #tpu.memory_space<hbm>>
    %dma_wait3A_73 = arith.constant 0 : i32
    %dma_wait3A_74 = tpu.memref_slice %arg4[%add3A_52, %dma_wait3A_73] : memref<819200x32xf32, #tpu.memory_space<hbm>> -> memref<512x32xf32, #tpu.memory_space<hbm>>
    %dma_wait3A_75 = arith.constant 0 : i32
    %dma_wait3A_76 = arith.constant 0 : i32
    %dma_wait3A_77 = tpu.memref_slice %arg6[%dma_wait3A_66, %dma_wait3A_75, %dma_wait3A_76] : memref<4x512x32xf32, #tpu.memory_space<vmem>> -> memref<1x512x32xf32, #tpu.memory_space<vmem>>
    %dma_wait3A_78 = tpu.memref_squeeze %dma_wait3A_77 : memref<1x512x32xf32, #tpu.memory_space<vmem>> -> memref<512x32xf32, #tpu.memory_space<vmem>>
    tpu.wait_dma2 semaphore(%arg11 : memref<!tpu.dma_semaphore, #tpu.memory_space<semaphore_mem>>) src(%dma_wait3A_78 : memref<512x32xf32, #tpu.memory_space<vmem>>) dst(%dma_wait3A_74 : memref<512x32xf32, #tpu.memory_space<hbm>>)
    %dma_start3A_79 = arith.constant 0 : i32
    %dma_start3A_80 = arith.constant 0 : i32
    %dma_start3A_81 = arith.constant 0 : i32
    %dma_start3A_82 = tpu.memref_slice %arg6[%dma_start3A_79, %dma_start3A_80, %dma_start3A_81] : memref<4x512x32xf32, #tpu.memory_space<vmem>> -> memref<1x512x32xf32, #tpu.memory_space<vmem>>
    %dma_start3A_83 = tpu.memref_squeeze %dma_start3A_82 : memref<1x512x32xf32, #tpu.memory_space<vmem>> -> memref<512x32xf32, #tpu.memory_space<vmem>>
    %dma_start3A_84 = arith.constant 2048 : i32
    %dma_start3A_85 = tpu.memref_slice %arg5[%dma_start3A_84] : memref<25600xi32, #tpu.memory_space<vmem>> -> memref<512xi32, #tpu.memory_space<vmem>>
    %dma_start3A_86 = arith.constant 0 : i32
    %dma_start3A_87 = arith.constant 0 : i32
    %dma_start3A_88 = tpu.memref_slice %arg3[%dma_start3A_86, %dma_start3A_87] : memref<1000000x32xf32, #tpu.memory_space<hbm>> -> memref<1000000x32xf32, #tpu.memory_space<hbm>>
    tpu.enqueue_indirect_dma source(%dma_start3A_88 : memref<1000000x32xf32, #tpu.memory_space<hbm>>) target(%dma_start3A_83 : memref<512x32xf32, #tpu.memory_space<vmem>>) offsets(%dma_start3A_85 : memref<512xi32, #tpu.memory_space<vmem>>) semaphore(%arg7 : memref<!tpu.dma_semaphore, #tpu.memory_space<semaphore_mem>>)
    %dma_wait3A_89 = arith.constant 1 : i32
    %dma_wait3A_90 = arith.constant 0 : i32
    %dma_wait3A_91 = arith.constant 0 : i32
    %dma_wait3A_92 = tpu.memref_slice %arg6[%dma_wait3A_89, %dma_wait3A_90, %dma_wait3A_91] : memref<4x512x32xf32, #tpu.memory_space<vmem>> -> memref<1x512x32xf32, #tpu.memory_space<vmem>>
    %dma_wait3A_93 = tpu.memref_squeeze %dma_wait3A_92 : memref<1x512x32xf32, #tpu.memory_space<vmem>> -> memref<512x32xf32, #tpu.memory_space<vmem>>
    %dma_wait3A_94 = arith.constant 512 : i32
    %dma_wait3A_95 = tpu.memref_slice %arg5[%dma_wait3A_94] : memref<25600xi32, #tpu.memory_space<vmem>> -> memref<512xi32, #tpu.memory_space<vmem>>
    %dma_wait3A_96 = arith.constant 0 : i32
    %dma_wait3A_97 = arith.constant 0 : i32
    %dma_wait3A_98 = tpu.memref_slice %arg3[%dma_wait3A_96, %dma_wait3A_97] : memref<1000000x32xf32, #tpu.memory_space<hbm>> -> memref<1000000x32xf32, #tpu.memory_space<hbm>>
    tpu.wait_indirect_dma semaphore(%arg8 : memref<!tpu.dma_semaphore, #tpu.memory_space<semaphore_mem>>) src(%dma_wait3A_98 : memref<1000000x32xf32, #tpu.memory_space<hbm>>) dst(%dma_wait3A_93 : memref<512x32xf32, #tpu.memory_space<vmem>>)
    %add3A_99 = arith.constant 512 : i32
    %add3A_100 = arith.addi %mul3A_2, %add3A_99 : i32
    %dma_start3A_101 = arith.constant 1 : i32
    %dma_start3A_102 = arith.constant 0 : i32
    %dma_start3A_103 = arith.constant 0 : i32
    %dma_start3A_104 = tpu.memref_slice %arg6[%dma_start3A_101, %dma_start3A_102, %dma_start3A_103] : memref<4x512x32xf32, #tpu.memory_space<vmem>> -> memref<1x512x32xf32, #tpu.memory_space<vmem>>
    %dma_start3A_105 = tpu.memref_squeeze %dma_start3A_104 : memref<1x512x32xf32, #tpu.memory_space<vmem>> -> memref<512x32xf32, #tpu.memory_space<vmem>>
    %dma_start3A_106 = arith.constant 0 : i32
    %dma_start3A_107 = tpu.memref_slice %arg4[%add3A_100, %dma_start3A_106] : memref<819200x32xf32, #tpu.memory_space<hbm>> -> memref<512x32xf32, #tpu.memory_space<hbm>>
    %dma_start3A_108 = arith.constant 0 : i32
    %dma_start3A_109 = tpu.memref_slice %arg4[%add3A_100, %dma_start3A_108] : memref<819200x32xf32, #tpu.memory_space<hbm>> -> memref<512x32xf32, #tpu.memory_space<hbm>>
    %dma_start3A_110 = arith.constant 0 : i32
    %dma_start3A_111 = arith.constant 0 : i32
    %dma_start3A_112 = tpu.memref_slice %arg6[%dma_start3A_101, %dma_start3A_110, %dma_start3A_111] : memref<4x512x32xf32, #tpu.memory_space<vmem>> -> memref<1x512x32xf32, #tpu.memory_space<vmem>>
    %dma_start3A_113 = tpu.memref_squeeze %dma_start3A_112 : memref<1x512x32xf32, #tpu.memory_space<vmem>> -> memref<512x32xf32, #tpu.memory_space<vmem>>
    tpu.enqueue_dma source(%dma_start3A_113 : memref<512x32xf32, #tpu.memory_space<vmem>>) target(%dma_start3A_109 : memref<512x32xf32, #tpu.memory_space<hbm>>) target_semaphore(%arg12 : memref<!tpu.dma_semaphore, #tpu.memory_space<semaphore_mem>>)
    %dma_wait3A_114 = arith.constant 1 : i32
    %dma_wait3A_115 = arith.constant 0 : i32
    %dma_wait3A_116 = arith.constant 0 : i32
    %dma_wait3A_117 = tpu.memref_slice %arg6[%dma_wait3A_114, %dma_wait3A_115, %dma_wait3A_116] : memref<4x512x32xf32, #tpu.memory_space<vmem>> -> memref<1x512x32xf32, #tpu.memory_space<vmem>>
    %dma_wait3A_118 = tpu.memref_squeeze %dma_wait3A_117 : memref<1x512x32xf32, #tpu.memory_space<vmem>> -> memref<512x32xf32, #tpu.memory_space<vmem>>
    %dma_wait3A_119 = arith.constant 0 : i32
    %dma_wait3A_120 = tpu.memref_slice %arg4[%add3A_100, %dma_wait3A_119] : memref<819200x32xf32, #tpu.memory_space<hbm>> -> memref<512x32xf32, #tpu.memory_space<hbm>>
    %dma_wait3A_121 = arith.constant 0 : i32
    %dma_wait3A_122 = tpu.memref_slice %arg4[%add3A_100, %dma_wait3A_121] : memref<819200x32xf32, #tpu.memory_space<hbm>> -> memref<512x32xf32, #tpu.memory_space<hbm>>
    %dma_wait3A_123 = arith.constant 0 : i32
    %dma_wait3A_124 = arith.constant 0 : i32
    %dma_wait3A_125 = tpu.memref_slice %arg6[%dma_wait3A_114, %dma_wait3A_123, %dma_wait3A_124] : memref<4x512x32xf32, #tpu.memory_space<vmem>> -> memref<1x512x32xf32, #tpu.memory_space<vmem>>
    %dma_wait3A_126 = tpu.memref_squeeze %dma_wait3A_125 : memref<1x512x32xf32, #tpu.memory_space<vmem>> -> memref<512x32xf32, #tpu.memory_space<vmem>>
    tpu.wait_dma2 semaphore(%arg12 : memref<!tpu.dma_semaphore, #tpu.memory_space<semaphore_mem>>) src(%dma_wait3A_126 : memref<512x32xf32, #tpu.memory_space<vmem>>) dst(%dma_wait3A_122 : memref<512x32xf32, #tpu.memory_space<hbm>>)
    %dma_start3A_127 = arith.constant 1 : i32
    %dma_start3A_128 = arith.constant 0 : i32
    %dma_start3A_129 = arith.constant 0 : i32
    %dma_start3A_130 = tpu.memref_slice %arg6[%dma_start3A_127, %dma_start3A_128, %dma_start3A_129] : memref<4x512x32xf32, #tpu.memory_space<vmem>> -> memref<1x512x32xf32, #tpu.memory_space<vmem>>
    %dma_start3A_131 = tpu.memref_squeeze %dma_start3A_130 : memref<1x512x32xf32, #tpu.memory_space<vmem>> -> memref<512x32xf32, #tpu.memory_space<vmem>>
    %dma_start3A_132 = arith.constant 2560 : i32
    %dma_start3A_133 = tpu.memref_slice %arg5[%dma_start3A_132] : memref<25600xi32, #tpu.memory_space<vmem>> -> memref<512xi32, #tpu.memory_space<vmem>>
    %dma_start3A_134 = arith.constant 0 : i32
    %dma_start3A_135 = arith.constant 0 : i32
    %dma_start3A_136 = tpu.memref_slice %arg3[%dma_start3A_134, %dma_start3A_135] : memref<1000000x32xf32, #tpu.memory_space<hbm>> -> memref<1000000x32xf32, #tpu.memory_space<hbm>>
    tpu.enqueue_indirect_dma source(%dma_start3A_136 : memref<1000000x32xf32, #tpu.memory_space<hbm>>) target(%dma_start3A_131 : memref<512x32xf32, #tpu.memory_space<vmem>>) offsets(%dma_start3A_133 : memref<512xi32, #tpu.memory_space<vmem>>) semaphore(%arg8 : memref<!tpu.dma_semaphore, #tpu.memory_space<semaphore_mem>>)
    %dma_wait3A_137 = arith.constant 2 : i32
    %dma_wait3A_138 = arith.constant 0 : i32
    %dma_wait3A_139 = arith.constant 0 : i32
    %dma_wait3A_140 = tpu.memref_slice %arg6[%dma_wait3A_137, %dma_wait3A_138, %dma_wait3A_139] : memref<4x512x32xf32, #tpu.memory_space<vmem>> -> memref<1x512x32xf32, #tpu.memory_space<vmem>>
    %dma_wait3A_141 = tpu.memref_squeeze %dma_wait3A_140 : memref<1x512x32xf32, #tpu.memory_space<vmem>> -> memref<512x32xf32, #tpu.memory_space<vmem>>
    %dma_wait3A_142 = arith.constant 1024 : i32
    %dma_wait3A_143 = tpu.memref_slice %arg5[%dma_wait3A_142] : memref<25600xi32, #tpu.memory_space<vmem>> -> memref<512xi32, #tpu.memory_space<vmem>>
    %dma_wait3A_144 = arith.constant 0 : i32
    %dma_wait3A_145 = arith.constant 0 : i32
    %dma_wait3A_146 = tpu.memref_slice %arg3[%dma_wait3A_144, %dma_wait3A_145] : memref<1000000x32xf32, #tpu.memory_space<hbm>> -> memref<1000000x32xf32, #tpu.memory_space<hbm>>
    tpu.wait_indirect_dma semaphore(%arg9 : memref<!tpu.dma_semaphore, #tpu.memory_space<semaphore_mem>>) src(%dma_wait3A_146 : memref<1000000x32xf32, #tpu.memory_space<hbm>>) dst(%dma_wait3A_141 : memref<512x32xf32, #tpu.memory_space<vmem>>)
    %add3A_147 = arith.constant 1024 : i32
    %add3A_148 = arith.addi %mul3A_2, %add3A_147 : i32
    %dma_start3A_149 = arith.constant 2 : i32
    %dma_start3A_150 = arith.constant 0 : i32
    %dma_start3A_151 = arith.constant 0 : i32
    %dma_start3A_152 = tpu.memref_slice %arg6[%dma_start3A_149, %dma_start3A_150, %dma_start3A_151] : memref<4x512x32xf32, #tpu.memory_space<vmem>> -> memref<1x512x32xf32, #tpu.memory_space<vmem>>
    %dma_start3A_153 = tpu.memref_squeeze %dma_start3A_152 : memref<1x512x32xf32, #tpu.memory_space<vmem>> -> memref<512x32xf32, #tpu.memory_space<vmem>>
    %dma_start3A_154 = arith.constant 0 : i32
    %dma_start3A_155 = tpu.memref_slice %arg4[%add3A_148, %dma_start3A_154] : memref<819200x32xf32, #tpu.memory_space<hbm>> -> memref<512x32xf32, #tpu.memory_space<hbm>>
    %dma_start3A_156 = arith.constant 0 : i32
    %dma_start3A_157 = tpu.memref_slice %arg4[%add3A_148, %dma_start3A_156] : memref<819200x32xf32, #tpu.memory_space<hbm>> -> memref<512x32xf32, #tpu.memory_space<hbm>>
    %dma_start3A_158 = arith.constant 0 : i32
    %dma_start3A_159 = arith.constant 0 : i32
    %dma_start3A_160 = tpu.memref_slice %arg6[%dma_start3A_149, %dma_start3A_158, %dma_start3A_159] : memref<4x512x32xf32, #tpu.memory_space<vmem>> -> memref<1x512x32xf32, #tpu.memory_space<vmem>>
    %dma_start3A_161 = tpu.memref_squeeze %dma_start3A_160 : memref<1x512x32xf32, #tpu.memory_space<vmem>> -> memref<512x32xf32, #tpu.memory_space<vmem>>
    tpu.enqueue_dma source(%dma_start3A_161 : memref<512x32xf32, #tpu.memory_space<vmem>>) target(%dma_start3A_157 : memref<512x32xf32, #tpu.memory_space<hbm>>) target_semaphore(%arg13 : memref<!tpu.dma_semaphore, #tpu.memory_space<semaphore_mem>>)
    %dma_wait3A_162 = arith.constant 2 : i32
    %dma_wait3A_163 = arith.constant 0 : i32
    %dma_wait3A_164 = arith.constant 0 : i32
    %dma_wait3A_165 = tpu.memref_slice %arg6[%dma_wait3A_162, %dma_wait3A_163, %dma_wait3A_164] : memref<4x512x32xf32, #tpu.memory_space<vmem>> -> memref<1x512x32xf32, #tpu.memory_space<vmem>>
    %dma_wait3A_166 = tpu.memref_squeeze %dma_wait3A_165 : memref<1x512x32xf32, #tpu.memory_space<vmem>> -> memref<512x32xf32, #tpu.memory_space<vmem>>
    %dma_wait3A_167 = arith.constant 0 : i32
    %dma_wait3A_168 = tpu.memref_slice %arg4[%add3A_148, %dma_wait3A_167] : memref<819200x32xf32, #tpu.memory_space<hbm>> -> memref<512x32xf32, #tpu.memory_space<hbm>>
    %dma_wait3A_169 = arith.constant 0 : i32
    %dma_wait3A_170 = tpu.memref_slice %arg4[%add3A_148, %dma_wait3A_169] : memref<819200x32xf32, #tpu.memory_space<hbm>> -> memref<512x32xf32, #tpu.memory_space<hbm>>
    %dma_wait3A_171 = arith.constant 0 : i32
    %dma_wait3A_172 = arith.constant 0 : i32
    %dma_wait3A_173 = tpu.memref_slice %arg6[%dma_wait3A_162, %dma_wait3A_171, %dma_wait3A_172] : memref<4x512x32xf32, #tpu.memory_space<vmem>> -> memref<1x512x32xf32, #tpu.memory_space<vmem>>
    %dma_wait3A_174 = tpu.memref_squeeze %dma_wait3A_173 : memref<1x512x32xf32, #tpu.memory_space<vmem>> -> memref<512x32xf32, #tpu.memory_space<vmem>>
    tpu.wait_dma2 semaphore(%arg13 : memref<!tpu.dma_semaphore, #tpu.memory_space<semaphore_mem>>) src(%dma_wait3A_174 : memref<512x32xf32, #tpu.memory_space<vmem>>) dst(%dma_wait3A_170 : memref<512x32xf32, #tpu.memory_space<hbm>>)
    %dma_start3A_175 = arith.constant 2 : i32
    %dma_start3A_176 = arith.constant 0 : i32
    %dma_start3A_177 = arith.constant 0 : i32
    %dma_start3A_178 = tpu.memref_slice %arg6[%dma_start3A_175, %dma_start3A_176, %dma_start3A_177] : memref<4x512x32xf32, #tpu.memory_space<vmem>> -> memref<1x512x32xf32, #tpu.memory_space<vmem>>
    %dma_start3A_179 = tpu.memref_squeeze %dma_start3A_178 : memref<1x512x32xf32, #tpu.memory_space<vmem>> -> memref<512x32xf32, #tpu.memory_space<vmem>>
    %dma_start3A_180 = arith.constant 3072 : i32
    %dma_start3A_181 = tpu.memref_slice %arg5[%dma_start3A_180] : memref<25600xi32, #tpu.memory_space<vmem>> -> memref<512xi32, #tpu.memory_space<vmem>>
    %dma_start3A_182 = arith.constant 0 : i32
    %dma_start3A_183 = arith.constant 0 : i32
    %dma_start3A_184 = tpu.memref_slice %arg3[%dma_start3A_182, %dma_start3A_183] : memref<1000000x32xf32, #tpu.memory_space<hbm>> -> memref<1000000x32xf32, #tpu.memory_space<hbm>>
    tpu.enqueue_indirect_dma source(%dma_start3A_184 : memref<1000000x32xf32, #tpu.memory_space<hbm>>) target(%dma_start3A_179 : memref<512x32xf32, #tpu.memory_space<vmem>>) offsets(%dma_start3A_181 : memref<512xi32, #tpu.memory_space<vmem>>) semaphore(%arg9 : memref<!tpu.dma_semaphore, #tpu.memory_space<semaphore_mem>>)
    %dma_wait3A_185 = arith.constant 3 : i32
    %dma_wait3A_186 = arith.constant 0 : i32
    %dma_wait3A_187 = arith.constant 0 : i32
    %dma_wait3A_188 = tpu.memref_slice %arg6[%dma_wait3A_185, %dma_wait3A_186, %dma_wait3A_187] : memref<4x512x32xf32, #tpu.memory_space<vmem>> -> memref<1x512x32xf32, #tpu.memory_space<vmem>>
    %dma_wait3A_189 = tpu.memref_squeeze %dma_wait3A_188 : memref<1x512x32xf32, #tpu.memory_space<vmem>> -> memref<512x32xf32, #tpu.memory_space<vmem>>
    %dma_wait3A_190 = arith.constant 1536 : i32
    %dma_wait3A_191 = tpu.memref_slice %arg5[%dma_wait3A_190] : memref<25600xi32, #tpu.memory_space<vmem>> -> memref<512xi32, #tpu.memory_space<vmem>>
    %dma_wait3A_192 = arith.constant 0 : i32
    %dma_wait3A_193 = arith.constant 0 : i32
    %dma_wait3A_194 = tpu.memref_slice %arg3[%dma_wait3A_192, %dma_wait3A_193] : memref<1000000x32xf32, #tpu.memory_space<hbm>> -> memref<1000000x32xf32, #tpu.memory_space<hbm>>
    tpu.wait_indirect_dma semaphore(%arg10 : memref<!tpu.dma_semaphore, #tpu.memory_space<semaphore_mem>>) src(%dma_wait3A_194 : memref<1000000x32xf32, #tpu.memory_space<hbm>>) dst(%dma_wait3A_189 : memref<512x32xf32, #tpu.memory_space<vmem>>)
    %add3A_195 = arith.constant 1536 : i32
    %add3A_196 = arith.addi %mul3A_2, %add3A_195 : i32
    %dma_start3A_197 = arith.constant 3 : i32
    %dma_start3A_198 = arith.constant 0 : i32
    %dma_start3A_199 = arith.constant 0 : i32
    %dma_start3A_200 = tpu.memref_slice %arg6[%dma_start3A_197, %dma_start3A_198, %dma_start3A_199] : memref<4x512x32xf32, #tpu.memory_space<vmem>> -> memref<1x512x32xf32, #tpu.memory_space<vmem>>
    %dma_start3A_201 = tpu.memref_squeeze %dma_start3A_200 : memref<1x512x32xf32, #tpu.memory_space<vmem>> -> memref<512x32xf32, #tpu.memory_space<vmem>>
    %dma_start3A_202 = arith.constant 0 : i32
    %dma_start3A_203 = tpu.memref_slice %arg4[%add3A_196, %dma_start3A_202] : memref<819200x32xf32, #tpu.memory_space<hbm>> -> memref<512x32xf32, #tpu.memory_space<hbm>>
    %dma_start3A_204 = arith.constant 0 : i32
    %dma_start3A_205 = tpu.memref_slice %arg4[%add3A_196, %dma_start3A_204] : memref<819200x32xf32, #tpu.memory_space<hbm>> -> memref<512x32xf32, #tpu.memory_space<hbm>>
    %dma_start3A_206 = arith.constant 0 : i32
    %dma_start3A_207 = arith.constant 0 : i32
    %dma_start3A_208 = tpu.memref_slice %arg6[%dma_start3A_197, %dma_start3A_206, %dma_start3A_207] : memref<4x512x32xf32, #tpu.memory_space<vmem>> -> memref<1x512x32xf32, #tpu.memory_space<vmem>>
    %dma_start3A_209 = tpu.memref_squeeze %dma_start3A_208 : memref<1x512x32xf32, #tpu.memory_space<vmem>> -> memref<512x32xf32, #tpu.memory_space<vmem>>
    tpu.enqueue_dma source(%dma_start3A_209 : memref<512x32xf32, #tpu.memory_space<vmem>>) target(%dma_start3A_205 : memref<512x32xf32, #tpu.memory_space<hbm>>) target_semaphore(%arg14 : memref<!tpu.dma_semaphore, #tpu.memory_space<semaphore_mem>>)
    %dma_wait3A_210 = arith.constant 3 : i32
    %dma_wait3A_211 = arith.constant 0 : i32
    %dma_wait3A_212 = arith.constant 0 : i32
    %dma_wait3A_213 = tpu.memref_slice %arg6[%dma_wait3A_210, %dma_wait3A_211, %dma_wait3A_212] : memref<4x512x32xf32, #tpu.memory_space<vmem>> -> memref<1x512x32xf32, #tpu.memory_space<vmem>>
    %dma_wait3A_214 = tpu.memref_squeeze %dma_wait3A_213 : memref<1x512x32xf32, #tpu.memory_space<vmem>> -> memref<512x32xf32, #tpu.memory_space<vmem>>
    %dma_wait3A_215 = arith.constant 0 : i32
    %dma_wait3A_216 = tpu.memref_slice %arg4[%add3A_196, %dma_wait3A_215] : memref<819200x32xf32, #tpu.memory_space<hbm>> -> memref<512x32xf32, #tpu.memory_space<hbm>>
    %dma_wait3A_217 = arith.constant 0 : i32
    %dma_wait3A_218 = tpu.memref_slice %arg4[%add3A_196, %dma_wait3A_217] : memref<819200x32xf32, #tpu.memory_space<hbm>> -> memref<512x32xf32, #tpu.memory_space<hbm>>
    %dma_wait3A_219 = arith.constant 0 : i32
    %dma_wait3A_220 = arith.constant 0 : i32
    %dma_wait3A_221 = tpu.memref_slice %arg6[%dma_wait3A_210, %dma_wait3A_219, %dma_wait3A_220] : memref<4x512x32xf32, #tpu.memory_space<vmem>> -> memref<1x512x32xf32, #tpu.memory_space<vmem>>
    %dma_wait3A_222 = tpu.memref_squeeze %dma_wait3A_221 : memref<1x512x32xf32, #tpu.memory_space<vmem>> -> memref<512x32xf32, #tpu.memory_space<vmem>>
    tpu.wait_dma2 semaphore(%arg14 : memref<!tpu.dma_semaphore, #tpu.memory_space<semaphore_mem>>) src(%dma_wait3A_222 : memref<512x32xf32, #tpu.memory_space<vmem>>) dst(%dma_wait3A_218 : memref<512x32xf32, #tpu.memory_space<hbm>>)
    %dma_start3A_223 = arith.constant 3 : i32
    %dma_start3A_224 = arith.constant 0 : i32
    %dma_start3A_225 = arith.constant 0 : i32
    %dma_start3A_226 = tpu.memref_slice %arg6[%dma_start3A_223, %dma_start3A_224, %dma_start3A_225] : memref<4x512x32xf32, #tpu.memory_space<vmem>> -> memref<1x512x32xf32, #tpu.memory_space<vmem>>
    %dma_start3A_227 = tpu.memref_squeeze %dma_start3A_226 : memref<1x512x32xf32, #tpu.memory_space<vmem>> -> memref<512x32xf32, #tpu.memory_space<vmem>>
    %dma_start3A_228 = arith.constant 3584 : i32
    %dma_start3A_229 = tpu.memref_slice %arg5[%dma_start3A_228] : memref<25600xi32, #tpu.memory_space<vmem>> -> memref<512xi32, #tpu.memory_space<vmem>>
    %dma_start3A_230 = arith.constant 0 : i32
    %dma_start3A_231 = arith.constant 0 : i32
    %dma_start3A_232 = tpu.memref_slice %arg3[%dma_start3A_230, %dma_start3A_231] : memref<1000000x32xf32, #tpu.memory_space<hbm>> -> memref<1000000x32xf32, #tpu.memory_space<hbm>>
    tpu.enqueue_indirect_dma source(%dma_start3A_232 : memref<1000000x32xf32, #tpu.memory_space<hbm>>) target(%dma_start3A_227 : memref<512x32xf32, #tpu.memory_space<vmem>>) offsets(%dma_start3A_229 : memref<512xi32, #tpu.memory_space<vmem>>) semaphore(%arg10 : memref<!tpu.dma_semaphore, #tpu.memory_space<semaphore_mem>>)
    %dma_wait3A_233 = arith.constant 0 : i32
    %dma_wait3A_234 = arith.constant 0 : i32
    %dma_wait3A_235 = arith.constant 0 : i32
    %dma_wait3A_236 = tpu.memref_slice %arg6[%dma_wait3A_233, %dma_wait3A_234, %dma_wait3A_235] : memref<4x512x32xf32, #tpu.memory_space<vmem>> -> memref<1x512x32xf32, #tpu.memory_space<vmem>>
    %dma_wait3A_237 = tpu.memref_squeeze %dma_wait3A_236 : memref<1x512x32xf32, #tpu.memory_space<vmem>> -> memref<512x32xf32, #tpu.memory_space<vmem>>
    %dma_wait3A_238 = arith.constant 2048 : i32
    %dma_wait3A_239 = tpu.memref_slice %arg5[%dma_wait3A_238] : memref<25600xi32, #tpu.memory_space<vmem>> -> memref<512xi32, #tpu.memory_space<vmem>>
    %dma_wait3A_240 = arith.constant 0 : i32
    %dma_wait3A_241 = arith.constant 0 : i32
    %dma_wait3A_242 = tpu.memref_slice %arg3[%dma_wait3A_240, %dma_wait3A_241] : memref<1000000x32xf32, #tpu.memory_space<hbm>> -> memref<1000000x32xf32, #tpu.memory_space<hbm>>
    tpu.wait_indirect_dma semaphore(%arg7 : memref<!tpu.dma_semaphore, #tpu.memory_space<semaphore_mem>>) src(%dma_wait3A_242 : memref<1000000x32xf32, #tpu.memory_space<hbm>>) dst(%dma_wait3A_237 : memref<512x32xf32, #tpu.memory_space<vmem>>)
    %add3A_243 = arith.constant 2048 : i32
    %add3A_244 = arith.addi %mul3A_2, %add3A_243 : i32
    %dma_start3A_245 = arith.constant 0 : i32
    %dma_start3A_246 = arith.constant 0 : i32
    %dma_start3A_247 = arith.constant 0 : i32
    %dma_start3A_248 = tpu.memref_slice %arg6[%dma_start3A_245, %dma_start3A_246, %dma_start3A_247] : memref<4x512x32xf32, #tpu.memory_space<vmem>> -> memref<1x512x32xf32, #tpu.memory_space<vmem>>
    %dma_start3A_249 = tpu.memref_squeeze %dma_start3A_248 : memref<1x512x32xf32, #tpu.memory_space<vmem>> -> memref<512x32xf32, #tpu.memory_space<vmem>>
    %dma_start3A_250 = arith.constant 0 : i32
    %dma_start3A_251 = tpu.memref_slice %arg4[%add3A_244, %dma_start3A_250] : memref<819200x32xf32, #tpu.memory_space<hbm>> -> memref<512x32xf32, #tpu.memory_space<hbm>>
    %dma_start3A_252 = arith.constant 0 : i32
    %dma_start3A_253 = tpu.memref_slice %arg4[%add3A_244, %dma_start3A_252] : memref<819200x32xf32, #tpu.memory_space<hbm>> -> memref<512x32xf32, #tpu.memory_space<hbm>>
    %dma_start3A_254 = arith.constant 0 : i32
    %dma_start3A_255 = arith.constant 0 : i32
    %dma_start3A_256 = tpu.memref_slice %arg6[%dma_start3A_245, %dma_start3A_254, %dma_start3A_255] : memref<4x512x32xf32, #tpu.memory_space<vmem>> -> memref<1x512x32xf32, #tpu.memory_space<vmem>>
    %dma_start3A_257 = tpu.memref_squeeze %dma_start3A_256 : memref<1x512x32xf32, #tpu.memory_space<vmem>> -> memref<512x32xf32, #tpu.memory_space<vmem>>
    tpu.enqueue_dma source(%dma_start3A_257 : memref<512x32xf32, #tpu.memory_space<vmem>>) target(%dma_start3A_253 : memref<512x32xf32, #tpu.memory_space<hbm>>) target_semaphore(%arg11 : memref<!tpu.dma_semaphore, #tpu.memory_space<semaphore_mem>>)
    %dma_wait3A_258 = arith.constant 0 : i32
    %dma_wait3A_259 = arith.constant 0 : i32
    %dma_wait3A_260 = arith.constant 0 : i32
    %dma_wait3A_261 = tpu.memref_slice %arg6[%dma_wait3A_258, %dma_wait3A_259, %dma_wait3A_260] : memref<4x512x32xf32, #tpu.memory_space<vmem>> -> memref<1x512x32xf32, #tpu.memory_space<vmem>>
    %dma_wait3A_262 = tpu.memref_squeeze %dma_wait3A_261 : memref<1x512x32xf32, #tpu.memory_space<vmem>> -> memref<512x32xf32, #tpu.memory_space<vmem>>
    %dma_wait3A_263 = arith.constant 0 : i32
    %dma_wait3A_264 = tpu.memref_slice %arg4[%add3A_244, %dma_wait3A_263] : memref<819200x32xf32, #tpu.memory_space<hbm>> -> memref<512x32xf32, #tpu.memory_space<hbm>>
    %dma_wait3A_265 = arith.constant 0 : i32
    %dma_wait3A_266 = tpu.memref_slice %arg4[%add3A_244, %dma_wait3A_265] : memref<819200x32xf32, #tpu.memory_space<hbm>> -> memref<512x32xf32, #tpu.memory_space<hbm>>
    %dma_wait3A_267 = arith.constant 0 : i32
    %dma_wait3A_268 = arith.constant 0 : i32
    %dma_wait3A_269 = tpu.memref_slice %arg6[%dma_wait3A_258, %dma_wait3A_267, %dma_wait3A_268] : memref<4x512x32xf32, #tpu.memory_space<vmem>> -> memref<1x512x32xf32, #tpu.memory_space<vmem>>
    %dma_wait3A_270 = tpu.memref_squeeze %dma_wait3A_269 : memref<1x512x32xf32, #tpu.memory_space<vmem>> -> memref<512x32xf32, #tpu.memory_space<vmem>>
    tpu.wait_dma2 semaphore(%arg11 : memref<!tpu.dma_semaphore, #tpu.memory_space<semaphore_mem>>) src(%dma_wait3A_270 : memref<512x32xf32, #tpu.memory_space<vmem>>) dst(%dma_wait3A_266 : memref<512x32xf32, #tpu.memory_space<hbm>>)
    %dma_start3A_271 = arith.constant 0 : i32
    %dma_start3A_272 = arith.constant 0 : i32
    %dma_start3A_273 = arith.constant 0 : i32
    %dma_start3A_274 = tpu.memref_slice %arg6[%dma_start3A_271, %dma_start3A_272, %dma_start3A_273] : memref<4x512x32xf32, #tpu.memory_space<vmem>> -> memref<1x512x32xf32, #tpu.memory_space<vmem>>
    %dma_start3A_275 = tpu.memref_squeeze %dma_start3A_274 : memref<1x512x32xf32, #tpu.memory_space<vmem>> -> memref<512x32xf32, #tpu.memory_space<vmem>>
    %dma_start3A_276 = arith.constant 4096 : i32
    %dma_start3A_277 = tpu.memref_slice %arg5[%dma_start3A_276] : memref<25600xi32, #tpu.memory_space<vmem>> -> memref<512xi32, #tpu.memory_space<vmem>>
    %dma_start3A_278 = arith.constant 0 : i32
    %dma_start3A_279 = arith.constant 0 : i32
    %dma_start3A_280 = tpu.memref_slice %arg3[%dma_start3A_278, %dma_start3A_279] : memref<1000000x32xf32, #tpu.memory_space<hbm>> -> memref<1000000x32xf32, #tpu.memory_space<hbm>>
    tpu.enqueue_indirect_dma source(%dma_start3A_280 : memref<1000000x32xf32, #tpu.memory_space<hbm>>) target(%dma_start3A_275 : memref<512x32xf32, #tpu.memory_space<vmem>>) offsets(%dma_start3A_277 : memref<512xi32, #tpu.memory_space<vmem>>) semaphore(%arg7 : memref<!tpu.dma_semaphore, #tpu.memory_space<semaphore_mem>>)
    %dma_wait3A_281 = arith.constant 1 : i32
    %dma_wait3A_282 = arith.constant 0 : i32
    %dma_wait3A_283 = arith.constant 0 : i32
    %dma_wait3A_284 = tpu.memref_slice %arg6[%dma_wait3A_281, %dma_wait3A_282, %dma_wait3A_283] : memref<4x512x32xf32, #tpu.memory_space<vmem>> -> memref<1x512x32xf32, #tpu.memory_space<vmem>>
    %dma_wait3A_285 = tpu.memref_squeeze %dma_wait3A_284 : memref<1x512x32xf32, #tpu.memory_space<vmem>> -> memref<512x32xf32, #tpu.memory_space<vmem>>
    %dma_wait3A_286 = arith.constant 2560 : i32
    %dma_wait3A_287 = tpu.memref_slice %arg5[%dma_wait3A_286] : memref<25600xi32, #tpu.memory_space<vmem>> -> memref<512xi32, #tpu.memory_space<vmem>>
    %dma_wait3A_288 = arith.constant 0 : i32
    %dma_wait3A_289 = arith.constant 0 : i32
    %dma_wait3A_290 = tpu.memref_slice %arg3[%dma_wait3A_288, %dma_wait3A_289] : memref<1000000x32xf32, #tpu.memory_space<hbm>> -> memref<1000000x32xf32, #tpu.memory_space<hbm>>
    tpu.wait_indirect_dma semaphore(%arg8 : memref<!tpu.dma_semaphore, #tpu.memory_space<semaphore_mem>>) src(%dma_wait3A_290 : memref<1000000x32xf32, #tpu.memory_space<hbm>>) dst(%dma_wait3A_285 : memref<512x32xf32, #tpu.memory_space<vmem>>)
    %add3A_291 = arith.constant 2560 : i32
    %add3A_292 = arith.addi %mul3A_2, %add3A_291 : i32
    %dma_start3A_293 = arith.constant 1 : i32
    %dma_start3A_294 = arith.constant 0 : i32
    %dma_start3A_295 = arith.constant 0 : i32
    %dma_start3A_296 = tpu.memref_slice %arg6[%dma_start3A_293, %dma_start3A_294, %dma_start3A_295] : memref<4x512x32xf32, #tpu.memory_space<vmem>> -> memref<1x512x32xf32, #tpu.memory_space<vmem>>
    %dma_start3A_297 = tpu.memref_squeeze %dma_start3A_296 : memref<1x512x32xf32, #tpu.memory_space<vmem>> -> memref<512x32xf32, #tpu.memory_space<vmem>>
    %dma_start3A_298 = arith.constant 0 : i32
    %dma_start3A_299 = tpu.memref_slice %arg4[%add3A_292, %dma_start3A_298] : memref<819200x32xf32, #tpu.memory_space<hbm>> -> memref<512x32xf32, #tpu.memory_space<hbm>>
    %dma_start3A_300 = arith.constant 0 : i32
    %dma_start3A_301 = tpu.memref_slice %arg4[%add3A_292, %dma_start3A_300] : memref<819200x32xf32, #tpu.memory_space<hbm>> -> memref<512x32xf32, #tpu.memory_space<hbm>>
    %dma_start3A_302 = arith.constant 0 : i32
    %dma_start3A_303 = arith.constant 0 : i32
    %dma_start3A_304 = tpu.memref_slice %arg6[%dma_start3A_293, %dma_start3A_302, %dma_start3A_303] : memref<4x512x32xf32, #tpu.memory_space<vmem>> -> memref<1x512x32xf32, #tpu.memory_space<vmem>>
    %dma_start3A_305 = tpu.memref_squeeze %dma_start3A_304 : memref<1x512x32xf32, #tpu.memory_space<vmem>> -> memref<512x32xf32, #tpu.memory_space<vmem>>
    tpu.enqueue_dma source(%dma_start3A_305 : memref<512x32xf32, #tpu.memory_space<vmem>>) target(%dma_start3A_301 : memref<512x32xf32, #tpu.memory_space<hbm>>) target_semaphore(%arg12 : memref<!tpu.dma_semaphore, #tpu.memory_space<semaphore_mem>>)
    %dma_wait3A_306 = arith.constant 1 : i32
    %dma_wait3A_307 = arith.constant 0 : i32
    %dma_wait3A_308 = arith.constant 0 : i32
    %dma_wait3A_309 = tpu.memref_slice %arg6[%dma_wait3A_306, %dma_wait3A_307, %dma_wait3A_308] : memref<4x512x32xf32, #tpu.memory_space<vmem>> -> memref<1x512x32xf32, #tpu.memory_space<vmem>>
    %dma_wait3A_310 = tpu.memref_squeeze %dma_wait3A_309 : memref<1x512x32xf32, #tpu.memory_space<vmem>> -> memref<512x32xf32, #tpu.memory_space<vmem>>
    %dma_wait3A_311 = arith.constant 0 : i32
    %dma_wait3A_312 = tpu.memref_slice %arg4[%add3A_292, %dma_wait3A_311] : memref<819200x32xf32, #tpu.memory_space<hbm>> -> memref<512x32xf32, #tpu.memory_space<hbm>>
    %dma_wait3A_313 = arith.constant 0 : i32
    %dma_wait3A_314 = tpu.memref_slice %arg4[%add3A_292, %dma_wait3A_313] : memref<819200x32xf32, #tpu.memory_space<hbm>> -> memref<512x32xf32, #tpu.memory_space<hbm>>
    %dma_wait3A_315 = arith.constant 0 : i32
    %dma_wait3A_316 = arith.constant 0 : i32
    %dma_wait3A_317 = tpu.memref_slice %arg6[%dma_wait3A_306, %dma_wait3A_315, %dma_wait3A_316] : memref<4x512x32xf32, #tpu.memory_space<vmem>> -> memref<1x512x32xf32, #tpu.memory_space<vmem>>
    %dma_wait3A_318 = tpu.memref_squeeze %dma_wait3A_317 : memref<1x512x32xf32, #tpu.memory_space<vmem>> -> memref<512x32xf32, #tpu.memory_space<vmem>>
    tpu.wait_dma2 semaphore(%arg12 : memref<!tpu.dma_semaphore, #tpu.memory_space<semaphore_mem>>) src(%dma_wait3A_318 : memref<512x32xf32, #tpu.memory_space<vmem>>) dst(%dma_wait3A_314 : memref<512x32xf32, #tpu.memory_space<hbm>>)
    %dma_start3A_319 = arith.constant 1 : i32
    %dma_start3A_320 = arith.constant 0 : i32
    %dma_start3A_321 = arith.constant 0 : i32
    %dma_start3A_322 = tpu.memref_slice %arg6[%dma_start3A_319, %dma_start3A_320, %dma_start3A_321] : memref<4x512x32xf32, #tpu.memory_space<vmem>> -> memref<1x512x32xf32, #tpu.memory_space<vmem>>
    %dma_start3A_323 = tpu.memref_squeeze %dma_start3A_322 : memref<1x512x32xf32, #tpu.memory_space<vmem>> -> memref<512x32xf32, #tpu.memory_space<vmem>>
    %dma_start3A_324 = arith.constant 4608 : i32
    %dma_start3A_325 = tpu.memref_slice %arg5[%dma_start3A_324] : memref<25600xi32, #tpu.memory_space<vmem>> -> memref<512xi32, #tpu.memory_space<vmem>>
    %dma_start3A_326 = arith.constant 0 : i32
    %dma_start3A_327 = arith.constant 0 : i32
    %dma_start3A_328 = tpu.memref_slice %arg3[%dma_start3A_326, %dma_start3A_327] : memref<1000000x32xf32, #tpu.memory_space<hbm>> -> memref<1000000x32xf32, #tpu.memory_space<hbm>>
    tpu.enqueue_indirect_dma source(%dma_start3A_328 : memref<1000000x32xf32, #tpu.memory_space<hbm>>) target(%dma_start3A_323 : memref<512x32xf32, #tpu.memory_space<vmem>>) offsets(%dma_start3A_325 : memref<512xi32, #tpu.memory_space<vmem>>) semaphore(%arg8 : memref<!tpu.dma_semaphore, #tpu.memory_space<semaphore_mem>>)
    %dma_wait3A_329 = arith.constant 2 : i32
    %dma_wait3A_330 = arith.constant 0 : i32
    %dma_wait3A_331 = arith.constant 0 : i32
    %dma_wait3A_332 = tpu.memref_slice %arg6[%dma_wait3A_329, %dma_wait3A_330, %dma_wait3A_331] : memref<4x512x32xf32, #tpu.memory_space<vmem>> -> memref<1x512x32xf32, #tpu.memory_space<vmem>>
    %dma_wait3A_333 = tpu.memref_squeeze %dma_wait3A_332 : memref<1x512x32xf32, #tpu.memory_space<vmem>> -> memref<512x32xf32, #tpu.memory_space<vmem>>
    %dma_wait3A_334 = arith.constant 3072 : i32
    %dma_wait3A_335 = tpu.memref_slice %arg5[%dma_wait3A_334] : memref<25600xi32, #tpu.memory_space<vmem>> -> memref<512xi32, #tpu.memory_space<vmem>>
    %dma_wait3A_336 = arith.constant 0 : i32
    %dma_wait3A_337 = arith.constant 0 : i32
    %dma_wait3A_338 = tpu.memref_slice %arg3[%dma_wait3A_336, %dma_wait3A_337] : memref<1000000x32xf32, #tpu.memory_space<hbm>> -> memref<1000000x32xf32, #tpu.memory_space<hbm>>
    tpu.wait_indirect_dma semaphore(%arg9 : memref<!tpu.dma_semaphore, #tpu.memory_space<semaphore_mem>>) src(%dma_wait3A_338 : memref<1000000x32xf32, #tpu.memory_space<hbm>>) dst(%dma_wait3A_333 : memref<512x32xf32, #tpu.memory_space<vmem>>)
    %add3A_339 = arith.constant 3072 : i32
    %add3A_340 = arith.addi %mul3A_2, %add3A_339 : i32
    %dma_start3A_341 = arith.constant 2 : i32
    %dma_start3A_342 = arith.constant 0 : i32
    %dma_start3A_343 = arith.constant 0 : i32
    %dma_start3A_344 = tpu.memref_slice %arg6[%dma_start3A_341, %dma_start3A_342, %dma_start3A_343] : memref<4x512x32xf32, #tpu.memory_space<vmem>> -> memref<1x512x32xf32, #tpu.memory_space<vmem>>
    %dma_start3A_345 = tpu.memref_squeeze %dma_start3A_344 : memref<1x512x32xf32, #tpu.memory_space<vmem>> -> memref<512x32xf32, #tpu.memory_space<vmem>>
    %dma_start3A_346 = arith.constant 0 : i32
    %dma_start3A_347 = tpu.memref_slice %arg4[%add3A_340, %dma_start3A_346] : memref<819200x32xf32, #tpu.memory_space<hbm>> -> memref<512x32xf32, #tpu.memory_space<hbm>>
    %dma_start3A_348 = arith.constant 0 : i32
    %dma_start3A_349 = tpu.memref_slice %arg4[%add3A_340, %dma_start3A_348] : memref<819200x32xf32, #tpu.memory_space<hbm>> -> memref<512x32xf32, #tpu.memory_space<hbm>>
    %dma_start3A_350 = arith.constant 0 : i32
    %dma_start3A_351 = arith.constant 0 : i32
    %dma_start3A_352 = tpu.memref_slice %arg6[%dma_start3A_341, %dma_start3A_350, %dma_start3A_351] : memref<4x512x32xf32, #tpu.memory_space<vmem>> -> memref<1x512x32xf32, #tpu.memory_space<vmem>>
    %dma_start3A_353 = tpu.memref_squeeze %dma_start3A_352 : memref<1x512x32xf32, #tpu.memory_space<vmem>> -> memref<512x32xf32, #tpu.memory_space<vmem>>
    tpu.enqueue_dma source(%dma_start3A_353 : memref<512x32xf32, #tpu.memory_space<vmem>>) target(%dma_start3A_349 : memref<512x32xf32, #tpu.memory_space<hbm>>) target_semaphore(%arg13 : memref<!tpu.dma_semaphore, #tpu.memory_space<semaphore_mem>>)
    %dma_wait3A_354 = arith.constant 2 : i32
    %dma_wait3A_355 = arith.constant 0 : i32
    %dma_wait3A_356 = arith.constant 0 : i32
    %dma_wait3A_357 = tpu.memref_slice %arg6[%dma_wait3A_354, %dma_wait3A_355, %dma_wait3A_356] : memref<4x512x32xf32, #tpu.memory_space<vmem>> -> memref<1x512x32xf32, #tpu.memory_space<vmem>>
    %dma_wait3A_358 = tpu.memref_squeeze %dma_wait3A_357 : memref<1x512x32xf32, #tpu.memory_space<vmem>> -> memref<512x32xf32, #tpu.memory_space<vmem>>
    %dma_wait3A_359 = arith.constant 0 : i32
    %dma_wait3A_360 = tpu.memref_slice %arg4[%add3A_340, %dma_wait3A_359] : memref<819200x32xf32, #tpu.memory_space<hbm>> -> memref<512x32xf32, #tpu.memory_space<hbm>>
    %dma_wait3A_361 = arith.constant 0 : i32
    %dma_wait3A_362 = tpu.memref_slice %arg4[%add3A_340, %dma_wait3A_361] : memref<819200x32xf32, #tpu.memory_space<hbm>> -> memref<512x32xf32, #tpu.memory_space<hbm>>
    %dma_wait3A_363 = arith.constant 0 : i32
    %dma_wait3A_364 = arith.constant 0 : i32
    %dma_wait3A_365 = tpu.memref_slice %arg6[%dma_wait3A_354, %dma_wait3A_363, %dma_wait3A_364] : memref<4x512x32xf32, #tpu.memory_space<vmem>> -> memref<1x512x32xf32, #tpu.memory_space<vmem>>
    %dma_wait3A_366 = tpu.memref_squeeze %dma_wait3A_365 : memref<1x512x32xf32, #tpu.memory_space<vmem>> -> memref<512x32xf32, #tpu.memory_space<vmem>>
    tpu.wait_dma2 semaphore(%arg13 : memref<!tpu.dma_semaphore, #tpu.memory_space<semaphore_mem>>) src(%dma_wait3A_366 : memref<512x32xf32, #tpu.memory_space<vmem>>) dst(%dma_wait3A_362 : memref<512x32xf32, #tpu.memory_space<hbm>>)
    %dma_start3A_367 = arith.constant 2 : i32
    %dma_start3A_368 = arith.constant 0 : i32
    %dma_start3A_369 = arith.constant 0 : i32
    %dma_start3A_370 = tpu.memref_slice %arg6[%dma_start3A_367, %dma_start3A_368, %dma_start3A_369] : memref<4x512x32xf32, #tpu.memory_space<vmem>> -> memref<1x512x32xf32, #tpu.memory_space<vmem>>
    %dma_start3A_371 = tpu.memref_squeeze %dma_start3A_370 : memref<1x512x32xf32, #tpu.memory_space<vmem>> -> memref<512x32xf32, #tpu.memory_space<vmem>>
    %dma_start3A_372 = arith.constant 5120 : i32
    %dma_start3A_373 = tpu.memref_slice %arg5[%dma_start3A_372] : memref<25600xi32, #tpu.memory_space<vmem>> -> memref<512xi32, #tpu.memory_space<vmem>>
    %dma_start3A_374 = arith.constant 0 : i32
    %dma_start3A_375 = arith.constant 0 : i32
    %dma_start3A_376 = tpu.memref_slice %arg3[%dma_start3A_374, %dma_start3A_375] : memref<1000000x32xf32, #tpu.memory_space<hbm>> -> memref<1000000x32xf32, #tpu.memory_space<hbm>>
    tpu.enqueue_indirect_dma source(%dma_start3A_376 : memref<1000000x32xf32, #tpu.memory_space<hbm>>) target(%dma_start3A_371 : memref<512x32xf32, #tpu.memory_space<vmem>>) offsets(%dma_start3A_373 : memref<512xi32, #tpu.memory_space<vmem>>) semaphore(%arg9 : memref<!tpu.dma_semaphore, #tpu.memory_space<semaphore_mem>>)
    %dma_wait3A_377 = arith.constant 3 : i32
    %dma_wait3A_378 = arith.constant 0 : i32
    %dma_wait3A_379 = arith.constant 0 : i32
    %dma_wait3A_380 = tpu.memref_slice %arg6[%dma_wait3A_377, %dma_wait3A_378, %dma_wait3A_379] : memref<4x512x32xf32, #tpu.memory_space<vmem>> -> memref<1x512x32xf32, #tpu.memory_space<vmem>>
    %dma_wait3A_381 = tpu.memref_squeeze %dma_wait3A_380 : memref<1x512x32xf32, #tpu.memory_space<vmem>> -> memref<512x32xf32, #tpu.memory_space<vmem>>
    %dma_wait3A_382 = arith.constant 3584 : i32
    %dma_wait3A_383 = tpu.memref_slice %arg5[%dma_wait3A_382] : memref<25600xi32, #tpu.memory_space<vmem>> -> memref<512xi32, #tpu.memory_space<vmem>>
    %dma_wait3A_384 = arith.constant 0 : i32
    %dma_wait3A_385 = arith.constant 0 : i32
    %dma_wait3A_386 = tpu.memref_slice %arg3[%dma_wait3A_384, %dma_wait3A_385] : memref<1000000x32xf32, #tpu.memory_space<hbm>> -> memref<1000000x32xf32, #tpu.memory_space<hbm>>
    tpu.wait_indirect_dma semaphore(%arg10 : memref<!tpu.dma_semaphore, #tpu.memory_space<semaphore_mem>>) src(%dma_wait3A_386 : memref<1000000x32xf32, #tpu.memory_space<hbm>>) dst(%dma_wait3A_381 : memref<512x32xf32, #tpu.memory_space<vmem>>)
    %add3A_387 = arith.constant 3584 : i32
    %add3A_388 = arith.addi %mul3A_2, %add3A_387 : i32
    %dma_start3A_389 = arith.constant 3 : i32
    %dma_start3A_390 = arith.constant 0 : i32
    %dma_start3A_391 = arith.constant 0 : i32
    %dma_start3A_392 = tpu.memref_slice %arg6[%dma_start3A_389, %dma_start3A_390, %dma_start3A_391] : memref<4x512x32xf32, #tpu.memory_space<vmem>> -> memref<1x512x32xf32, #tpu.memory_space<vmem>>
    %dma_start3A_393 = tpu.memref_squeeze %dma_start3A_392 : memref<1x512x32xf32, #tpu.memory_space<vmem>> -> memref<512x32xf32, #tpu.memory_space<vmem>>
    %dma_start3A_394 = arith.constant 0 : i32
    %dma_start3A_395 = tpu.memref_slice %arg4[%add3A_388, %dma_start3A_394] : memref<819200x32xf32, #tpu.memory_space<hbm>> -> memref<512x32xf32, #tpu.memory_space<hbm>>
    %dma_start3A_396 = arith.constant 0 : i32
    %dma_start3A_397 = tpu.memref_slice %arg4[%add3A_388, %dma_start3A_396] : memref<819200x32xf32, #tpu.memory_space<hbm>> -> memref<512x32xf32, #tpu.memory_space<hbm>>
    %dma_start3A_398 = arith.constant 0 : i32
    %dma_start3A_399 = arith.constant 0 : i32
    %dma_start3A_400 = tpu.memref_slice %arg6[%dma_start3A_389, %dma_start3A_398, %dma_start3A_399] : memref<4x512x32xf32, #tpu.memory_space<vmem>> -> memref<1x512x32xf32, #tpu.memory_space<vmem>>
    %dma_start3A_401 = tpu.memref_squeeze %dma_start3A_400 : memref<1x512x32xf32, #tpu.memory_space<vmem>> -> memref<512x32xf32, #tpu.memory_space<vmem>>
    tpu.enqueue_dma source(%dma_start3A_401 : memref<512x32xf32, #tpu.memory_space<vmem>>) target(%dma_start3A_397 : memref<512x32xf32, #tpu.memory_space<hbm>>) target_semaphore(%arg14 : memref<!tpu.dma_semaphore, #tpu.memory_space<semaphore_mem>>)
    %dma_wait3A_402 = arith.constant 3 : i32
    %dma_wait3A_403 = arith.constant 0 : i32
    %dma_wait3A_404 = arith.constant 0 : i32
    %dma_wait3A_405 = tpu.memref_slice %arg6[%dma_wait3A_402, %dma_wait3A_403, %dma_wait3A_404] : memref<4x512x32xf32, #tpu.memory_space<vmem>> -> memref<1x512x32xf32, #tpu.memory_space<vmem>>
    %dma_wait3A_406 = tpu.memref_squeeze %dma_wait3A_405 : memref<1x512x32xf32, #tpu.memory_space<vmem>> -> memref<512x32xf32, #tpu.memory_space<vmem>>
    %dma_wait3A_407 = arith.constant 0 : i32
    %dma_wait3A_408 = tpu.memref_slice %arg4[%add3A_388, %dma_wait3A_407] : memref<819200x32xf32, #tpu.memory_space<hbm>> -> memref<512x32xf32, #tpu.memory_space<hbm>>
    %dma_wait3A_409 = arith.constant 0 : i32
    %dma_wait3A_410 = tpu.memref_slice %arg4[%add3A_388, %dma_wait3A_409] : memref<819200x32xf32, #tpu.memory_space<hbm>> -> memref<512x32xf32, #tpu.memory_space<hbm>>
    %dma_wait3A_411 = arith.constant 0 : i32
    %dma_wait3A_412 = arith.constant 0 : i32
    %dma_wait3A_413 = tpu.memref_slice %arg6[%dma_wait3A_402, %dma_wait3A_411, %dma_wait3A_412] : memref<4x512x32xf32, #tpu.memory_space<vmem>> -> memref<1x512x32xf32, #tpu.memory_space<vmem>>
    %dma_wait3A_414 = tpu.memref_squeeze %dma_wait3A_413 : memref<1x512x32xf32, #tpu.memory_space<vmem>> -> memref<512x32xf32, #tpu.memory_space<vmem>>
    tpu.wait_dma2 semaphore(%arg14 : memref<!tpu.dma_semaphore, #tpu.memory_space<semaphore_mem>>) src(%dma_wait3A_414 : memref<512x32xf32, #tpu.memory_space<vmem>>) dst(%dma_wait3A_410 : memref<512x32xf32, #tpu.memory_space<hbm>>)
    %dma_start3A_415 = arith.constant 3 : i32
    %dma_start3A_416 = arith.constant 0 : i32
    %dma_start3A_417 = arith.constant 0 : i32
    %dma_start3A_418 = tpu.memref_slice %arg6[%dma_start3A_415, %dma_start3A_416, %dma_start3A_417] : memref<4x512x32xf32, #tpu.memory_space<vmem>> -> memref<1x512x32xf32, #tpu.memory_space<vmem>>
    %dma_start3A_419 = tpu.memref_squeeze %dma_start3A_418 : memref<1x512x32xf32, #tpu.memory_space<vmem>> -> memref<512x32xf32, #tpu.memory_space<vmem>>
    %dma_start3A_420 = arith.constant 5632 : i32
    %dma_start3A_421 = tpu.memref_slice %arg5[%dma_start3A_420] : memref<25600xi32, #tpu.memory_space<vmem>> -> memref<512xi32, #tpu.memory_space<vmem>>
    %dma_start3A_422 = arith.constant 0 : i32
    %dma_start3A_423 = arith.constant 0 : i32
    %dma_start3A_424 = tpu.memref_slice %arg3[%dma_start3A_422, %dma_start3A_423] : memref<1000000x32xf32, #tpu.memory_space<hbm>> -> memref<1000000x32xf32, #tpu.memory_space<hbm>>
    tpu.enqueue_indirect_dma source(%dma_start3A_424 : memref<1000000x32xf32, #tpu.memory_space<hbm>>) target(%dma_start3A_419 : memref<512x32xf32, #tpu.memory_space<vmem>>) offsets(%dma_start3A_421 : memref<512xi32, #tpu.memory_space<vmem>>) semaphore(%arg10 : memref<!tpu.dma_semaphore, #tpu.memory_space<semaphore_mem>>)
    %dma_wait3A_425 = arith.constant 0 : i32
    %dma_wait3A_426 = arith.constant 0 : i32
    %dma_wait3A_427 = arith.constant 0 : i32
    %dma_wait3A_428 = tpu.memref_slice %arg6[%dma_wait3A_425, %dma_wait3A_426, %dma_wait3A_427] : memref<4x512x32xf32, #tpu.memory_space<vmem>> -> memref<1x512x32xf32, #tpu.memory_space<vmem>>
    %dma_wait3A_429 = tpu.memref_squeeze %dma_wait3A_428 : memref<1x512x32xf32, #tpu.memory_space<vmem>> -> memref<512x32xf32, #tpu.memory_space<vmem>>
    %dma_wait3A_430 = arith.constant 4096 : i32
    %dma_wait3A_431 = tpu.memref_slice %arg5[%dma_wait3A_430] : memref<25600xi32, #tpu.memory_space<vmem>> -> memref<512xi32, #tpu.memory_space<vmem>>
    %dma_wait3A_432 = arith.constant 0 : i32
    %dma_wait3A_433 = arith.constant 0 : i32
    %dma_wait3A_434 = tpu.memref_slice %arg3[%dma_wait3A_432, %dma_wait3A_433] : memref<1000000x32xf32, #tpu.memory_space<hbm>> -> memref<1000000x32xf32, #tpu.memory_space<hbm>>
    tpu.wait_indirect_dma semaphore(%arg7 : memref<!tpu.dma_semaphore, #tpu.memory_space<semaphore_mem>>) src(%dma_wait3A_434 : memref<1000000x32xf32, #tpu.memory_space<hbm>>) dst(%dma_wait3A_429 : memref<512x32xf32, #tpu.memory_space<vmem>>)
    %add3A_435 = arith.constant 4096 : i32
    %add3A_436 = arith.addi %mul3A_2, %add3A_435 : i32
    %dma_start3A_437 = arith.constant 0 : i32
    %dma_start3A_438 = arith.constant 0 : i32
    %dma_start3A_439 = arith.constant 0 : i32
    %dma_start3A_440 = tpu.memref_slice %arg6[%dma_start3A_437, %dma_start3A_438, %dma_start3A_439] : memref<4x512x32xf32, #tpu.memory_space<vmem>> -> memref<1x512x32xf32, #tpu.memory_space<vmem>>
    %dma_start3A_441 = tpu.memref_squeeze %dma_start3A_440 : memref<1x512x32xf32, #tpu.memory_space<vmem>> -> memref<512x32xf32, #tpu.memory_space<vmem>>
    %dma_start3A_442 = arith.constant 0 : i32
    %dma_start3A_443 = tpu.memref_slice %arg4[%add3A_436, %dma_start3A_442] : memref<819200x32xf32, #tpu.memory_space<hbm>> -> memref<512x32xf32, #tpu.memory_space<hbm>>
    %dma_start3A_444 = arith.constant 0 : i32
    %dma_start3A_445 = tpu.memref_slice %arg4[%add3A_436, %dma_start3A_444] : memref<819200x32xf32, #tpu.memory_space<hbm>> -> memref<512x32xf32, #tpu.memory_space<hbm>>
    %dma_start3A_446 = arith.constant 0 : i32
    %dma_start3A_447 = arith.constant 0 : i32
    %dma_start3A_448 = tpu.memref_slice %arg6[%dma_start3A_437, %dma_start3A_446, %dma_start3A_447] : memref<4x512x32xf32, #tpu.memory_space<vmem>> -> memref<1x512x32xf32, #tpu.memory_space<vmem>>
    %dma_start3A_449 = tpu.memref_squeeze %dma_start3A_448 : memref<1x512x32xf32, #tpu.memory_space<vmem>> -> memref<512x32xf32, #tpu.memory_space<vmem>>
    tpu.enqueue_dma source(%dma_start3A_449 : memref<512x32xf32, #tpu.memory_space<vmem>>) target(%dma_start3A_445 : memref<512x32xf32, #tpu.memory_space<hbm>>) target_semaphore(%arg11 : memref<!tpu.dma_semaphore, #tpu.memory_space<semaphore_mem>>)
    %dma_wait3A_450 = arith.constant 0 : i32
    %dma_wait3A_451 = arith.constant 0 : i32
    %dma_wait3A_452 = arith.constant 0 : i32
    %dma_wait3A_453 = tpu.memref_slice %arg6[%dma_wait3A_450, %dma_wait3A_451, %dma_wait3A_452] : memref<4x512x32xf32, #tpu.memory_space<vmem>> -> memref<1x512x32xf32, #tpu.memory_space<vmem>>
    %dma_wait3A_454 = tpu.memref_squeeze %dma_wait3A_453 : memref<1x512x32xf32, #tpu.memory_space<vmem>> -> memref<512x32xf32, #tpu.memory_space<vmem>>
    %dma_wait3A_455 = arith.constant 0 : i32
    %dma_wait3A_456 = tpu.memref_slice %arg4[%add3A_436, %dma_wait3A_455] : memref<819200x32xf32, #tpu.memory_space<hbm>> -> memref<512x32xf32, #tpu.memory_space<hbm>>
    %dma_wait3A_457 = arith.constant 0 : i32
    %dma_wait3A_458 = tpu.memref_slice %arg4[%add3A_436, %dma_wait3A_457] : memref<819200x32xf32, #tpu.memory_space<hbm>> -> memref<512x32xf32, #tpu.memory_space<hbm>>
    %dma_wait3A_459 = arith.constant 0 : i32
    %dma_wait3A_460 = arith.constant 0 : i32
    %dma_wait3A_461 = tpu.memref_slice %arg6[%dma_wait3A_450, %dma_wait3A_459, %dma_wait3A_460] : memref<4x512x32xf32, #tpu.memory_space<vmem>> -> memref<1x512x32xf32, #tpu.memory_space<vmem>>
    %dma_wait3A_462 = tpu.memref_squeeze %dma_wait3A_461 : memref<1x512x32xf32, #tpu.memory_space<vmem>> -> memref<512x32xf32, #tpu.memory_space<vmem>>
    tpu.wait_dma2 semaphore(%arg11 : memref<!tpu.dma_semaphore, #tpu.memory_space<semaphore_mem>>) src(%dma_wait3A_462 : memref<512x32xf32, #tpu.memory_space<vmem>>) dst(%dma_wait3A_458 : memref<512x32xf32, #tpu.memory_space<hbm>>)
    %dma_start3A_463 = arith.constant 0 : i32
    %dma_start3A_464 = arith.constant 0 : i32
    %dma_start3A_465 = arith.constant 0 : i32
    %dma_start3A_466 = tpu.memref_slice %arg6[%dma_start3A_463, %dma_start3A_464, %dma_start3A_465] : memref<4x512x32xf32, #tpu.memory_space<vmem>> -> memref<1x512x32xf32, #tpu.memory_space<vmem>>
    %dma_start3A_467 = tpu.memref_squeeze %dma_start3A_466 : memref<1x512x32xf32, #tpu.memory_space<vmem>> -> memref<512x32xf32, #tpu.memory_space<vmem>>
    %dma_start3A_468 = arith.constant 6144 : i32
    %dma_start3A_469 = tpu.memref_slice %arg5[%dma_start3A_468] : memref<25600xi32, #tpu.memory_space<vmem>> -> memref<512xi32, #tpu.memory_space<vmem>>
    %dma_start3A_470 = arith.constant 0 : i32
    %dma_start3A_471 = arith.constant 0 : i32
    %dma_start3A_472 = tpu.memref_slice %arg3[%dma_start3A_470, %dma_start3A_471] : memref<1000000x32xf32, #tpu.memory_space<hbm>> -> memref<1000000x32xf32, #tpu.memory_space<hbm>>
    tpu.enqueue_indirect_dma source(%dma_start3A_472 : memref<1000000x32xf32, #tpu.memory_space<hbm>>) target(%dma_start3A_467 : memref<512x32xf32, #tpu.memory_space<vmem>>) offsets(%dma_start3A_469 : memref<512xi32, #tpu.memory_space<vmem>>) semaphore(%arg7 : memref<!tpu.dma_semaphore, #tpu.memory_space<semaphore_mem>>)
    %dma_wait3A_473 = arith.constant 1 : i32
    %dma_wait3A_474 = arith.constant 0 : i32
    %dma_wait3A_475 = arith.constant 0 : i32
    %dma_wait3A_476 = tpu.memref_slice %arg6[%dma_wait3A_473, %dma_wait3A_474, %dma_wait3A_475] : memref<4x512x32xf32, #tpu.memory_space<vmem>> -> memref<1x512x32xf32, #tpu.memory_space<vmem>>
    %dma_wait3A_477 = tpu.memref_squeeze %dma_wait3A_476 : memref<1x512x32xf32, #tpu.memory_space<vmem>> -> memref<512x32xf32, #tpu.memory_space<vmem>>
    %dma_wait3A_478 = arith.constant 4608 : i32
    %dma_wait3A_479 = tpu.memref_slice %arg5[%dma_wait3A_478] : memref<25600xi32, #tpu.memory_space<vmem>> -> memref<512xi32, #tpu.memory_space<vmem>>
    %dma_wait3A_480 = arith.constant 0 : i32
    %dma_wait3A_481 = arith.constant 0 : i32
    %dma_wait3A_482 = tpu.memref_slice %arg3[%dma_wait3A_480, %dma_wait3A_481] : memref<1000000x32xf32, #tpu.memory_space<hbm>> -> memref<1000000x32xf32, #tpu.memory_space<hbm>>
    tpu.wait_indirect_dma semaphore(%arg8 : memref<!tpu.dma_semaphore, #tpu.memory_space<semaphore_mem>>) src(%dma_wait3A_482 : memref<1000000x32xf32, #tpu.memory_space<hbm>>) dst(%dma_wait3A_477 : memref<512x32xf32, #tpu.memory_space<vmem>>)
    %add3A_483 = arith.constant 4608 : i32
    %add3A_484 = arith.addi %mul3A_2, %add3A_483 : i32
    %dma_start3A_485 = arith.constant 1 : i32
    %dma_start3A_486 = arith.constant 0 : i32
    %dma_start3A_487 = arith.constant 0 : i32
    %dma_start3A_488 = tpu.memref_slice %arg6[%dma_start3A_485, %dma_start3A_486, %dma_start3A_487] : memref<4x512x32xf32, #tpu.memory_space<vmem>> -> memref<1x512x32xf32, #tpu.memory_space<vmem>>
    %dma_start3A_489 = tpu.memref_squeeze %dma_start3A_488 : memref<1x512x32xf32, #tpu.memory_space<vmem>> -> memref<512x32xf32, #tpu.memory_space<vmem>>
    %dma_start3A_490 = arith.constant 0 : i32
    %dma_start3A_491 = tpu.memref_slice %arg4[%add3A_484, %dma_start3A_490] : memref<819200x32xf32, #tpu.memory_space<hbm>> -> memref<512x32xf32, #tpu.memory_space<hbm>>
    %dma_start3A_492 = arith.constant 0 : i32
    %dma_start3A_493 = tpu.memref_slice %arg4[%add3A_484, %dma_start3A_492] : memref<819200x32xf32, #tpu.memory_space<hbm>> -> memref<512x32xf32, #tpu.memory_space<hbm>>
    %dma_start3A_494 = arith.constant 0 : i32
    %dma_start3A_495 = arith.constant 0 : i32
    %dma_start3A_496 = tpu.memref_slice %arg6[%dma_start3A_485, %dma_start3A_494, %dma_start3A_495] : memref<4x512x32xf32, #tpu.memory_space<vmem>> -> memref<1x512x32xf32, #tpu.memory_space<vmem>>
    %dma_start3A_497 = tpu.memref_squeeze %dma_start3A_496 : memref<1x512x32xf32, #tpu.memory_space<vmem>> -> memref<512x32xf32, #tpu.memory_space<vmem>>
    tpu.enqueue_dma source(%dma_start3A_497 : memref<512x32xf32, #tpu.memory_space<vmem>>) target(%dma_start3A_493 : memref<512x32xf32, #tpu.memory_space<hbm>>) target_semaphore(%arg12 : memref<!tpu.dma_semaphore, #tpu.memory_space<semaphore_mem>>)
    %dma_wait3A_498 = arith.constant 1 : i32
    %dma_wait3A_499 = arith.constant 0 : i32
    %dma_wait3A_500 = arith.constant 0 : i32
    %dma_wait3A_501 = tpu.memref_slice %arg6[%dma_wait3A_498, %dma_wait3A_499, %dma_wait3A_500] : memref<4x512x32xf32, #tpu.memory_space<vmem>> -> memref<1x512x32xf32, #tpu.memory_space<vmem>>
    %dma_wait3A_502 = tpu.memref_squeeze %dma_wait3A_501 : memref<1x512x32xf32, #tpu.memory_space<vmem>> -> memref<512x32xf32, #tpu.memory_space<vmem>>
    %dma_wait3A_503 = arith.constant 0 : i32
    %dma_wait3A_504 = tpu.memref_slice %arg4[%add3A_484, %dma_wait3A_503] : memref<819200x32xf32, #tpu.memory_space<hbm>> -> memref<512x32xf32, #tpu.memory_space<hbm>>
    %dma_wait3A_505 = arith.constant 0 : i32
    %dma_wait3A_506 = tpu.memref_slice %arg4[%add3A_484, %dma_wait3A_505] : memref<819200x32xf32, #tpu.memory_space<hbm>> -> memref<512x32xf32, #tpu.memory_space<hbm>>
    %dma_wait3A_507 = arith.constant 0 : i32
    %dma_wait3A_508 = arith.constant 0 : i32
    %dma_wait3A_509 = tpu.memref_slice %arg6[%dma_wait3A_498, %dma_wait3A_507, %dma_wait3A_508] : memref<4x512x32xf32, #tpu.memory_space<vmem>> -> memref<1x512x32xf32, #tpu.memory_space<vmem>>
    %dma_wait3A_510 = tpu.memref_squeeze %dma_wait3A_509 : memref<1x512x32xf32, #tpu.memory_space<vmem>> -> memref<512x32xf32, #tpu.memory_space<vmem>>
    tpu.wait_dma2 semaphore(%arg12 : memref<!tpu.dma_semaphore, #tpu.memory_space<semaphore_mem>>) src(%dma_wait3A_510 : memref<512x32xf32, #tpu.memory_space<vmem>>) dst(%dma_wait3A_506 : memref<512x32xf32, #tpu.memory_space<hbm>>)
    %dma_start3A_511 = arith.constant 1 : i32
    %dma_start3A_512 = arith.constant 0 : i32
    %dma_start3A_513 = arith.constant 0 : i32
    %dma_start3A_514 = tpu.memref_slice %arg6[%dma_start3A_511, %dma_start3A_512, %dma_start3A_513] : memref<4x512x32xf32, #tpu.memory_space<vmem>> -> memref<1x512x32xf32, #tpu.memory_space<vmem>>
    %dma_start3A_515 = tpu.memref_squeeze %dma_start3A_514 : memref<1x512x32xf32, #tpu.memory_space<vmem>> -> memref<512x32xf32, #tpu.memory_space<vmem>>
    %dma_start3A_516 = arith.constant 6656 : i32
    %dma_start3A_517 = tpu.memref_slice %arg5[%dma_start3A_516] : memref<25600xi32, #tpu.memory_space<vmem>> -> memref<512xi32, #tpu.memory_space<vmem>>
    %dma_start3A_518 = arith.constant 0 : i32
    %dma_start3A_519 = arith.constant 0 : i32
    %dma_start3A_520 = tpu.memref_slice %arg3[%dma_start3A_518, %dma_start3A_519] : memref<1000000x32xf32, #tpu.memory_space<hbm>> -> memref<1000000x32xf32, #tpu.memory_space<hbm>>
    tpu.enqueue_indirect_dma source(%dma_start3A_520 : memref<1000000x32xf32, #tpu.memory_space<hbm>>) target(%dma_start3A_515 : memref<512x32xf32, #tpu.memory_space<vmem>>) offsets(%dma_start3A_517 : memref<512xi32, #tpu.memory_space<vmem>>) semaphore(%arg8 : memref<!tpu.dma_semaphore, #tpu.memory_space<semaphore_mem>>)
    %dma_wait3A_521 = arith.constant 2 : i32
    %dma_wait3A_522 = arith.constant 0 : i32
    %dma_wait3A_523 = arith.constant 0 : i32
    %dma_wait3A_524 = tpu.memref_slice %arg6[%dma_wait3A_521, %dma_wait3A_522, %dma_wait3A_523] : memref<4x512x32xf32, #tpu.memory_space<vmem>> -> memref<1x512x32xf32, #tpu.memory_space<vmem>>
    %dma_wait3A_525 = tpu.memref_squeeze %dma_wait3A_524 : memref<1x512x32xf32, #tpu.memory_space<vmem>> -> memref<512x32xf32, #tpu.memory_space<vmem>>
    %dma_wait3A_526 = arith.constant 5120 : i32
    %dma_wait3A_527 = tpu.memref_slice %arg5[%dma_wait3A_526] : memref<25600xi32, #tpu.memory_space<vmem>> -> memref<512xi32, #tpu.memory_space<vmem>>
    %dma_wait3A_528 = arith.constant 0 : i32
    %dma_wait3A_529 = arith.constant 0 : i32
    %dma_wait3A_530 = tpu.memref_slice %arg3[%dma_wait3A_528, %dma_wait3A_529] : memref<1000000x32xf32, #tpu.memory_space<hbm>> -> memref<1000000x32xf32, #tpu.memory_space<hbm>>
    tpu.wait_indirect_dma semaphore(%arg9 : memref<!tpu.dma_semaphore, #tpu.memory_space<semaphore_mem>>) src(%dma_wait3A_530 : memref<1000000x32xf32, #tpu.memory_space<hbm>>) dst(%dma_wait3A_525 : memref<512x32xf32, #tpu.memory_space<vmem>>)
    %add3A_531 = arith.constant 5120 : i32
    %add3A_532 = arith.addi %mul3A_2, %add3A_531 : i32
    %dma_start3A_533 = arith.constant 2 : i32
    %dma_start3A_534 = arith.constant 0 : i32
    %dma_start3A_535 = arith.constant 0 : i32
    %dma_start3A_536 = tpu.memref_slice %arg6[%dma_start3A_533, %dma_start3A_534, %dma_start3A_535] : memref<4x512x32xf32, #tpu.memory_space<vmem>> -> memref<1x512x32xf32, #tpu.memory_space<vmem>>
    %dma_start3A_537 = tpu.memref_squeeze %dma_start3A_536 : memref<1x512x32xf32, #tpu.memory_space<vmem>> -> memref<512x32xf32, #tpu.memory_space<vmem>>
    %dma_start3A_538 = arith.constant 0 : i32
    %dma_start3A_539 = tpu.memref_slice %arg4[%add3A_532, %dma_start3A_538] : memref<819200x32xf32, #tpu.memory_space<hbm>> -> memref<512x32xf32, #tpu.memory_space<hbm>>
    %dma_start3A_540 = arith.constant 0 : i32
    %dma_start3A_541 = tpu.memref_slice %arg4[%add3A_532, %dma_start3A_540] : memref<819200x32xf32, #tpu.memory_space<hbm>> -> memref<512x32xf32, #tpu.memory_space<hbm>>
    %dma_start3A_542 = arith.constant 0 : i32
    %dma_start3A_543 = arith.constant 0 : i32
    %dma_start3A_544 = tpu.memref_slice %arg6[%dma_start3A_533, %dma_start3A_542, %dma_start3A_543] : memref<4x512x32xf32, #tpu.memory_space<vmem>> -> memref<1x512x32xf32, #tpu.memory_space<vmem>>
    %dma_start3A_545 = tpu.memref_squeeze %dma_start3A_544 : memref<1x512x32xf32, #tpu.memory_space<vmem>> -> memref<512x32xf32, #tpu.memory_space<vmem>>
    tpu.enqueue_dma source(%dma_start3A_545 : memref<512x32xf32, #tpu.memory_space<vmem>>) target(%dma_start3A_541 : memref<512x32xf32, #tpu.memory_space<hbm>>) target_semaphore(%arg13 : memref<!tpu.dma_semaphore, #tpu.memory_space<semaphore_mem>>)
    %dma_wait3A_546 = arith.constant 2 : i32
    %dma_wait3A_547 = arith.constant 0 : i32
    %dma_wait3A_548 = arith.constant 0 : i32
    %dma_wait3A_549 = tpu.memref_slice %arg6[%dma_wait3A_546, %dma_wait3A_547, %dma_wait3A_548] : memref<4x512x32xf32, #tpu.memory_space<vmem>> -> memref<1x512x32xf32, #tpu.memory_space<vmem>>
    %dma_wait3A_550 = tpu.memref_squeeze %dma_wait3A_549 : memref<1x512x32xf32, #tpu.memory_space<vmem>> -> memref<512x32xf32, #tpu.memory_space<vmem>>
    %dma_wait3A_551 = arith.constant 0 : i32
    %dma_wait3A_552 = tpu.memref_slice %arg4[%add3A_532, %dma_wait3A_551] : memref<819200x32xf32, #tpu.memory_space<hbm>> -> memref<512x32xf32, #tpu.memory_space<hbm>>
    %dma_wait3A_553 = arith.constant 0 : i32
    %dma_wait3A_554 = tpu.memref_slice %arg4[%add3A_532, %dma_wait3A_553] : memref<819200x32xf32, #tpu.memory_space<hbm>> -> memref<512x32xf32, #tpu.memory_space<hbm>>
    %dma_wait3A_555 = arith.constant 0 : i32
    %dma_wait3A_556 = arith.constant 0 : i32
    %dma_wait3A_557 = tpu.memref_slice %arg6[%dma_wait3A_546, %dma_wait3A_555, %dma_wait3A_556] : memref<4x512x32xf32, #tpu.memory_space<vmem>> -> memref<1x512x32xf32, #tpu.memory_space<vmem>>
    %dma_wait3A_558 = tpu.memref_squeeze %dma_wait3A_557 : memref<1x512x32xf32, #tpu.memory_space<vmem>> -> memref<512x32xf32, #tpu.memory_space<vmem>>
    tpu.wait_dma2 semaphore(%arg13 : memref<!tpu.dma_semaphore, #tpu.memory_space<semaphore_mem>>) src(%dma_wait3A_558 : memref<512x32xf32, #tpu.memory_space<vmem>>) dst(%dma_wait3A_554 : memref<512x32xf32, #tpu.memory_space<hbm>>)
    %dma_start3A_559 = arith.constant 2 : i32
    %dma_start3A_560 = arith.constant 0 : i32
    %dma_start3A_561 = arith.constant 0 : i32
    %dma_start3A_562 = tpu.memref_slice %arg6[%dma_start3A_559, %dma_start3A_560, %dma_start3A_561] : memref<4x512x32xf32, #tpu.memory_space<vmem>> -> memref<1x512x32xf32, #tpu.memory_space<vmem>>
    %dma_start3A_563 = tpu.memref_squeeze %dma_start3A_562 : memref<1x512x32xf32, #tpu.memory_space<vmem>> -> memref<512x32xf32, #tpu.memory_space<vmem>>
    %dma_start3A_564 = arith.constant 7168 : i32
    %dma_start3A_565 = tpu.memref_slice %arg5[%dma_start3A_564] : memref<25600xi32, #tpu.memory_space<vmem>> -> memref<512xi32, #tpu.memory_space<vmem>>
    %dma_start3A_566 = arith.constant 0 : i32
    %dma_start3A_567 = arith.constant 0 : i32
    %dma_start3A_568 = tpu.memref_slice %arg3[%dma_start3A_566, %dma_start3A_567] : memref<1000000x32xf32, #tpu.memory_space<hbm>> -> memref<1000000x32xf32, #tpu.memory_space<hbm>>
    tpu.enqueue_indirect_dma source(%dma_start3A_568 : memref<1000000x32xf32, #tpu.memory_space<hbm>>) target(%dma_start3A_563 : memref<512x32xf32, #tpu.memory_space<vmem>>) offsets(%dma_start3A_565 : memref<512xi32, #tpu.memory_space<vmem>>) semaphore(%arg9 : memref<!tpu.dma_semaphore, #tpu.memory_space<semaphore_mem>>)
    %dma_wait3A_569 = arith.constant 3 : i32
    %dma_wait3A_570 = arith.constant 0 : i32
    %dma_wait3A_571 = arith.constant 0 : i32
    %dma_wait3A_572 = tpu.memref_slice %arg6[%dma_wait3A_569, %dma_wait3A_570, %dma_wait3A_571] : memref<4x512x32xf32, #tpu.memory_space<vmem>> -> memref<1x512x32xf32, #tpu.memory_space<vmem>>
    %dma_wait3A_573 = tpu.memref_squeeze %dma_wait3A_572 : memref<1x512x32xf32, #tpu.memory_space<vmem>> -> memref<512x32xf32, #tpu.memory_space<vmem>>
    %dma_wait3A_574 = arith.constant 5632 : i32
    %dma_wait3A_575 = tpu.memref_slice %arg5[%dma_wait3A_574] : memref<25600xi32, #tpu.memory_space<vmem>> -> memref<512xi32, #tpu.memory_space<vmem>>
    %dma_wait3A_576 = arith.constant 0 : i32
    %dma_wait3A_577 = arith.constant 0 : i32
    %dma_wait3A_578 = tpu.memref_slice %arg3[%dma_wait3A_576, %dma_wait3A_577] : memref<1000000x32xf32, #tpu.memory_space<hbm>> -> memref<1000000x32xf32, #tpu.memory_space<hbm>>
    tpu.wait_indirect_dma semaphore(%arg10 : memref<!tpu.dma_semaphore, #tpu.memory_space<semaphore_mem>>) src(%dma_wait3A_578 : memref<1000000x32xf32, #tpu.memory_space<hbm>>) dst(%dma_wait3A_573 : memref<512x32xf32, #tpu.memory_space<vmem>>)
    %add3A_579 = arith.constant 5632 : i32
    %add3A_580 = arith.addi %mul3A_2, %add3A_579 : i32
    %dma_start3A_581 = arith.constant 3 : i32
    %dma_start3A_582 = arith.constant 0 : i32
    %dma_start3A_583 = arith.constant 0 : i32
    %dma_start3A_584 = tpu.memref_slice %arg6[%dma_start3A_581, %dma_start3A_582, %dma_start3A_583] : memref<4x512x32xf32, #tpu.memory_space<vmem>> -> memref<1x512x32xf32, #tpu.memory_space<vmem>>
    %dma_start3A_585 = tpu.memref_squeeze %dma_start3A_584 : memref<1x512x32xf32, #tpu.memory_space<vmem>> -> memref<512x32xf32, #tpu.memory_space<vmem>>
    %dma_start3A_586 = arith.constant 0 : i32
    %dma_start3A_587 = tpu.memref_slice %arg4[%add3A_580, %dma_start3A_586] : memref<819200x32xf32, #tpu.memory_space<hbm>> -> memref<512x32xf32, #tpu.memory_space<hbm>>
    %dma_start3A_588 = arith.constant 0 : i32
    %dma_start3A_589 = tpu.memref_slice %arg4[%add3A_580, %dma_start3A_588] : memref<819200x32xf32, #tpu.memory_space<hbm>> -> memref<512x32xf32, #tpu.memory_space<hbm>>
    %dma_start3A_590 = arith.constant 0 : i32
    %dma_start3A_591 = arith.constant 0 : i32
    %dma_start3A_592 = tpu.memref_slice %arg6[%dma_start3A_581, %dma_start3A_590, %dma_start3A_591] : memref<4x512x32xf32, #tpu.memory_space<vmem>> -> memref<1x512x32xf32, #tpu.memory_space<vmem>>
    %dma_start3A_593 = tpu.memref_squeeze %dma_start3A_592 : memref<1x512x32xf32, #tpu.memory_space<vmem>> -> memref<512x32xf32, #tpu.memory_space<vmem>>
    tpu.enqueue_dma source(%dma_start3A_593 : memref<512x32xf32, #tpu.memory_space<vmem>>) target(%dma_start3A_589 : memref<512x32xf32, #tpu.memory_space<hbm>>) target_semaphore(%arg14 : memref<!tpu.dma_semaphore, #tpu.memory_space<semaphore_mem>>)
    %dma_wait3A_594 = arith.constant 3 : i32
    %dma_wait3A_595 = arith.constant 0 : i32
    %dma_wait3A_596 = arith.constant 0 : i32
    %dma_wait3A_597 = tpu.memref_slice %arg6[%dma_wait3A_594, %dma_wait3A_595, %dma_wait3A_596] : memref<4x512x32xf32, #tpu.memory_space<vmem>> -> memref<1x512x32xf32, #tpu.memory_space<vmem>>
    %dma_wait3A_598 = tpu.memref_squeeze %dma_wait3A_597 : memref<1x512x32xf32, #tpu.memory_space<vmem>> -> memref<512x32xf32, #tpu.memory_space<vmem>>
    %dma_wait3A_599 = arith.constant 0 : i32
    %dma_wait3A_600 = tpu.memref_slice %arg4[%add3A_580, %dma_wait3A_599] : memref<819200x32xf32, #tpu.memory_space<hbm>> -> memref<512x32xf32, #tpu.memory_space<hbm>>
    %dma_wait3A_601 = arith.constant 0 : i32
    %dma_wait3A_602 = tpu.memref_slice %arg4[%add3A_580, %dma_wait3A_601] : memref<819200x32xf32, #tpu.memory_space<hbm>> -> memref<512x32xf32, #tpu.memory_space<hbm>>
    %dma_wait3A_603 = arith.constant 0 : i32
    %dma_wait3A_604 = arith.constant 0 : i32
    %dma_wait3A_605 = tpu.memref_slice %arg6[%dma_wait3A_594, %dma_wait3A_603, %dma_wait3A_604] : memref<4x512x32xf32, #tpu.memory_space<vmem>> -> memref<1x512x32xf32, #tpu.memory_space<vmem>>
    %dma_wait3A_606 = tpu.memref_squeeze %dma_wait3A_605 : memref<1x512x32xf32, #tpu.memory_space<vmem>> -> memref<512x32xf32, #tpu.memory_space<vmem>>
    tpu.wait_dma2 semaphore(%arg14 : memref<!tpu.dma_semaphore, #tpu.memory_space<semaphore_mem>>) src(%dma_wait3A_606 : memref<512x32xf32, #tpu.memory_space<vmem>>) dst(%dma_wait3A_602 : memref<512x32xf32, #tpu.memory_space<hbm>>)
    %dma_start3A_607 = arith.constant 3 : i32
    %dma_start3A_608 = arith.constant 0 : i32
    %dma_start3A_609 = arith.constant 0 : i32
    %dma_start3A_610 = tpu.memref_slice %arg6[%dma_start3A_607, %dma_start3A_608, %dma_start3A_609] : memref<4x512x32xf32, #tpu.memory_space<vmem>> -> memref<1x512x32xf32, #tpu.memory_space<vmem>>
    %dma_start3A_611 = tpu.memref_squeeze %dma_start3A_610 : memref<1x512x32xf32, #tpu.memory_space<vmem>> -> memref<512x32xf32, #tpu.memory_space<vmem>>
    %dma_start3A_612 = arith.constant 7680 : i32
    %dma_start3A_613 = tpu.memref_slice %arg5[%dma_start3A_612] : memref<25600xi32, #tpu.memory_space<vmem>> -> memref<512xi32, #tpu.memory_space<vmem>>
    %dma_start3A_614 = arith.constant 0 : i32
    %dma_start3A_615 = arith.constant 0 : i32
    %dma_start3A_616 = tpu.memref_slice %arg3[%dma_start3A_614, %dma_start3A_615] : memref<1000000x32xf32, #tpu.memory_space<hbm>> -> memref<1000000x32xf32, #tpu.memory_space<hbm>>
    tpu.enqueue_indirect_dma source(%dma_start3A_616 : memref<1000000x32xf32, #tpu.memory_space<hbm>>) target(%dma_start3A_611 : memref<512x32xf32, #tpu.memory_space<vmem>>) offsets(%dma_start3A_613 : memref<512xi32, #tpu.memory_space<vmem>>) semaphore(%arg10 : memref<!tpu.dma_semaphore, #tpu.memory_space<semaphore_mem>>)
    %dma_wait3A_617 = arith.constant 0 : i32
    %dma_wait3A_618 = arith.constant 0 : i32
    %dma_wait3A_619 = arith.constant 0 : i32
    %dma_wait3A_620 = tpu.memref_slice %arg6[%dma_wait3A_617, %dma_wait3A_618, %dma_wait3A_619] : memref<4x512x32xf32, #tpu.memory_space<vmem>> -> memref<1x512x32xf32, #tpu.memory_space<vmem>>
    %dma_wait3A_621 = tpu.memref_squeeze %dma_wait3A_620 : memref<1x512x32xf32, #tpu.memory_space<vmem>> -> memref<512x32xf32, #tpu.memory_space<vmem>>
    %dma_wait3A_622 = arith.constant 6144 : i32
    %dma_wait3A_623 = tpu.memref_slice %arg5[%dma_wait3A_622] : memref<25600xi32, #tpu.memory_space<vmem>> -> memref<512xi32, #tpu.memory_space<vmem>>
    %dma_wait3A_624 = arith.constant 0 : i32
    %dma_wait3A_625 = arith.constant 0 : i32
    %dma_wait3A_626 = tpu.memref_slice %arg3[%dma_wait3A_624, %dma_wait3A_625] : memref<1000000x32xf32, #tpu.memory_space<hbm>> -> memref<1000000x32xf32, #tpu.memory_space<hbm>>
    tpu.wait_indirect_dma semaphore(%arg7 : memref<!tpu.dma_semaphore, #tpu.memory_space<semaphore_mem>>) src(%dma_wait3A_626 : memref<1000000x32xf32, #tpu.memory_space<hbm>>) dst(%dma_wait3A_621 : memref<512x32xf32, #tpu.memory_space<vmem>>)
    %add3A_627 = arith.constant 6144 : i32
    %add3A_628 = arith.addi %mul3A_2, %add3A_627 : i32
    %dma_start3A_629 = arith.constant 0 : i32
    %dma_start3A_630 = arith.constant 0 : i32
    %dma_start3A_631 = arith.constant 0 : i32
    %dma_start3A_632 = tpu.memref_slice %arg6[%dma_start3A_629, %dma_start3A_630, %dma_start3A_631] : memref<4x512x32xf32, #tpu.memory_space<vmem>> -> memref<1x512x32xf32, #tpu.memory_space<vmem>>
    %dma_start3A_633 = tpu.memref_squeeze %dma_start3A_632 : memref<1x512x32xf32, #tpu.memory_space<vmem>> -> memref<512x32xf32, #tpu.memory_space<vmem>>
    %dma_start3A_634 = arith.constant 0 : i32
    %dma_start3A_635 = tpu.memref_slice %arg4[%add3A_628, %dma_start3A_634] : memref<819200x32xf32, #tpu.memory_space<hbm>> -> memref<512x32xf32, #tpu.memory_space<hbm>>
    %dma_start3A_636 = arith.constant 0 : i32
    %dma_start3A_637 = tpu.memref_slice %arg4[%add3A_628, %dma_start3A_636] : memref<819200x32xf32, #tpu.memory_space<hbm>> -> memref<512x32xf32, #tpu.memory_space<hbm>>
    %dma_start3A_638 = arith.constant 0 : i32
    %dma_start3A_639 = arith.constant 0 : i32
    %dma_start3A_640 = tpu.memref_slice %arg6[%dma_start3A_629, %dma_start3A_638, %dma_start3A_639] : memref<4x512x32xf32, #tpu.memory_space<vmem>> -> memref<1x512x32xf32, #tpu.memory_space<vmem>>
    %dma_start3A_641 = tpu.memref_squeeze %dma_start3A_640 : memref<1x512x32xf32, #tpu.memory_space<vmem>> -> memref<512x32xf32, #tpu.memory_space<vmem>>
    tpu.enqueue_dma source(%dma_start3A_641 : memref<512x32xf32, #tpu.memory_space<vmem>>) target(%dma_start3A_637 : memref<512x32xf32, #tpu.memory_space<hbm>>) target_semaphore(%arg11 : memref<!tpu.dma_semaphore, #tpu.memory_space<semaphore_mem>>)
    %dma_wait3A_642 = arith.constant 0 : i32
    %dma_wait3A_643 = arith.constant 0 : i32
    %dma_wait3A_644 = arith.constant 0 : i32
    %dma_wait3A_645 = tpu.memref_slice %arg6[%dma_wait3A_642, %dma_wait3A_643, %dma_wait3A_644] : memref<4x512x32xf32, #tpu.memory_space<vmem>> -> memref<1x512x32xf32, #tpu.memory_space<vmem>>
    %dma_wait3A_646 = tpu.memref_squeeze %dma_wait3A_645 : memref<1x512x32xf32, #tpu.memory_space<vmem>> -> memref<512x32xf32, #tpu.memory_space<vmem>>
    %dma_wait3A_647 = arith.constant 0 : i32
    %dma_wait3A_648 = tpu.memref_slice %arg4[%add3A_628, %dma_wait3A_647] : memref<819200x32xf32, #tpu.memory_space<hbm>> -> memref<512x32xf32, #tpu.memory_space<hbm>>
    %dma_wait3A_649 = arith.constant 0 : i32
    %dma_wait3A_650 = tpu.memref_slice %arg4[%add3A_628, %dma_wait3A_649] : memref<819200x32xf32, #tpu.memory_space<hbm>> -> memref<512x32xf32, #tpu.memory_space<hbm>>
    %dma_wait3A_651 = arith.constant 0 : i32
    %dma_wait3A_652 = arith.constant 0 : i32
    %dma_wait3A_653 = tpu.memref_slice %arg6[%dma_wait3A_642, %dma_wait3A_651, %dma_wait3A_652] : memref<4x512x32xf32, #tpu.memory_space<vmem>> -> memref<1x512x32xf32, #tpu.memory_space<vmem>>
    %dma_wait3A_654 = tpu.memref_squeeze %dma_wait3A_653 : memref<1x512x32xf32, #tpu.memory_space<vmem>> -> memref<512x32xf32, #tpu.memory_space<vmem>>
    tpu.wait_dma2 semaphore(%arg11 : memref<!tpu.dma_semaphore, #tpu.memory_space<semaphore_mem>>) src(%dma_wait3A_654 : memref<512x32xf32, #tpu.memory_space<vmem>>) dst(%dma_wait3A_650 : memref<512x32xf32, #tpu.memory_space<hbm>>)
    %dma_start3A_655 = arith.constant 0 : i32
    %dma_start3A_656 = arith.constant 0 : i32
    %dma_start3A_657 = arith.constant 0 : i32
    %dma_start3A_658 = tpu.memref_slice %arg6[%dma_start3A_655, %dma_start3A_656, %dma_start3A_657] : memref<4x512x32xf32, #tpu.memory_space<vmem>> -> memref<1x512x32xf32, #tpu.memory_space<vmem>>
    %dma_start3A_659 = tpu.memref_squeeze %dma_start3A_658 : memref<1x512x32xf32, #tpu.memory_space<vmem>> -> memref<512x32xf32, #tpu.memory_space<vmem>>
    %dma_start3A_660 = arith.constant 8192 : i32
    %dma_start3A_661 = tpu.memref_slice %arg5[%dma_start3A_660] : memref<25600xi32, #tpu.memory_space<vmem>> -> memref<512xi32, #tpu.memory_space<vmem>>
    %dma_start3A_662 = arith.constant 0 : i32
    %dma_start3A_663 = arith.constant 0 : i32
    %dma_start3A_664 = tpu.memref_slice %arg3[%dma_start3A_662, %dma_start3A_663] : memref<1000000x32xf32, #tpu.memory_space<hbm>> -> memref<1000000x32xf32, #tpu.memory_space<hbm>>
    tpu.enqueue_indirect_dma source(%dma_start3A_664 : memref<1000000x32xf32, #tpu.memory_space<hbm>>) target(%dma_start3A_659 : memref<512x32xf32, #tpu.memory_space<vmem>>) offsets(%dma_start3A_661 : memref<512xi32, #tpu.memory_space<vmem>>) semaphore(%arg7 : memref<!tpu.dma_semaphore, #tpu.memory_space<semaphore_mem>>)
    %dma_wait3A_665 = arith.constant 1 : i32
    %dma_wait3A_666 = arith.constant 0 : i32
    %dma_wait3A_667 = arith.constant 0 : i32
    %dma_wait3A_668 = tpu.memref_slice %arg6[%dma_wait3A_665, %dma_wait3A_666, %dma_wait3A_667] : memref<4x512x32xf32, #tpu.memory_space<vmem>> -> memref<1x512x32xf32, #tpu.memory_space<vmem>>
    %dma_wait3A_669 = tpu.memref_squeeze %dma_wait3A_668 : memref<1x512x32xf32, #tpu.memory_space<vmem>> -> memref<512x32xf32, #tpu.memory_space<vmem>>
    %dma_wait3A_670 = arith.constant 6656 : i32
    %dma_wait3A_671 = tpu.memref_slice %arg5[%dma_wait3A_670] : memref<25600xi32, #tpu.memory_space<vmem>> -> memref<512xi32, #tpu.memory_space<vmem>>
    %dma_wait3A_672 = arith.constant 0 : i32
    %dma_wait3A_673 = arith.constant 0 : i32
    %dma_wait3A_674 = tpu.memref_slice %arg3[%dma_wait3A_672, %dma_wait3A_673] : memref<1000000x32xf32, #tpu.memory_space<hbm>> -> memref<1000000x32xf32, #tpu.memory_space<hbm>>
    tpu.wait_indirect_dma semaphore(%arg8 : memref<!tpu.dma_semaphore, #tpu.memory_space<semaphore_mem>>) src(%dma_wait3A_674 : memref<1000000x32xf32, #tpu.memory_space<hbm>>) dst(%dma_wait3A_669 : memref<512x32xf32, #tpu.memory_space<vmem>>)
    %add3A_675 = arith.constant 6656 : i32
    %add3A_676 = arith.addi %mul3A_2, %add3A_675 : i32
    %dma_start3A_677 = arith.constant 1 : i32
    %dma_start3A_678 = arith.constant 0 : i32
    %dma_start3A_679 = arith.constant 0 : i32
    %dma_start3A_680 = tpu.memref_slice %arg6[%dma_start3A_677, %dma_start3A_678, %dma_start3A_679] : memref<4x512x32xf32, #tpu.memory_space<vmem>> -> memref<1x512x32xf32, #tpu.memory_space<vmem>>
    %dma_start3A_681 = tpu.memref_squeeze %dma_start3A_680 : memref<1x512x32xf32, #tpu.memory_space<vmem>> -> memref<512x32xf32, #tpu.memory_space<vmem>>
    %dma_start3A_682 = arith.constant 0 : i32
    %dma_start3A_683 = tpu.memref_slice %arg4[%add3A_676, %dma_start3A_682] : memref<819200x32xf32, #tpu.memory_space<hbm>> -> memref<512x32xf32, #tpu.memory_space<hbm>>
    %dma_start3A_684 = arith.constant 0 : i32
    %dma_start3A_685 = tpu.memref_slice %arg4[%add3A_676, %dma_start3A_684] : memref<819200x32xf32, #tpu.memory_space<hbm>> -> memref<512x32xf32, #tpu.memory_space<hbm>>
    %dma_start3A_686 = arith.constant 0 : i32
    %dma_start3A_687 = arith.constant 0 : i32
    %dma_start3A_688 = tpu.memref_slice %arg6[%dma_start3A_677, %dma_start3A_686, %dma_start3A_687] : memref<4x512x32xf32, #tpu.memory_space<vmem>> -> memref<1x512x32xf32, #tpu.memory_space<vmem>>
    %dma_start3A_689 = tpu.memref_squeeze %dma_start3A_688 : memref<1x512x32xf32, #tpu.memory_space<vmem>> -> memref<512x32xf32, #tpu.memory_space<vmem>>
    tpu.enqueue_dma source(%dma_start3A_689 : memref<512x32xf32, #tpu.memory_space<vmem>>) target(%dma_start3A_685 : memref<512x32xf32, #tpu.memory_space<hbm>>) target_semaphore(%arg12 : memref<!tpu.dma_semaphore, #tpu.memory_space<semaphore_mem>>)
    %dma_wait3A_690 = arith.constant 1 : i32
    %dma_wait3A_691 = arith.constant 0 : i32
    %dma_wait3A_692 = arith.constant 0 : i32
    %dma_wait3A_693 = tpu.memref_slice %arg6[%dma_wait3A_690, %dma_wait3A_691, %dma_wait3A_692] : memref<4x512x32xf32, #tpu.memory_space<vmem>> -> memref<1x512x32xf32, #tpu.memory_space<vmem>>
    %dma_wait3A_694 = tpu.memref_squeeze %dma_wait3A_693 : memref<1x512x32xf32, #tpu.memory_space<vmem>> -> memref<512x32xf32, #tpu.memory_space<vmem>>
    %dma_wait3A_695 = arith.constant 0 : i32
    %dma_wait3A_696 = tpu.memref_slice %arg4[%add3A_676, %dma_wait3A_695] : memref<819200x32xf32, #tpu.memory_space<hbm>> -> memref<512x32xf32, #tpu.memory_space<hbm>>
    %dma_wait3A_697 = arith.constant 0 : i32
    %dma_wait3A_698 = tpu.memref_slice %arg4[%add3A_676, %dma_wait3A_697] : memref<819200x32xf32, #tpu.memory_space<hbm>> -> memref<512x32xf32, #tpu.memory_space<hbm>>
    %dma_wait3A_699 = arith.constant 0 : i32
    %dma_wait3A_700 = arith.constant 0 : i32
    %dma_wait3A_701 = tpu.memref_slice %arg6[%dma_wait3A_690, %dma_wait3A_699, %dma_wait3A_700] : memref<4x512x32xf32, #tpu.memory_space<vmem>> -> memref<1x512x32xf32, #tpu.memory_space<vmem>>
    %dma_wait3A_702 = tpu.memref_squeeze %dma_wait3A_701 : memref<1x512x32xf32, #tpu.memory_space<vmem>> -> memref<512x32xf32, #tpu.memory_space<vmem>>
    tpu.wait_dma2 semaphore(%arg12 : memref<!tpu.dma_semaphore, #tpu.memory_space<semaphore_mem>>) src(%dma_wait3A_702 : memref<512x32xf32, #tpu.memory_space<vmem>>) dst(%dma_wait3A_698 : memref<512x32xf32, #tpu.memory_space<hbm>>)
    %dma_start3A_703 = arith.constant 1 : i32
    %dma_start3A_704 = arith.constant 0 : i32
    %dma_start3A_705 = arith.constant 0 : i32
    %dma_start3A_706 = tpu.memref_slice %arg6[%dma_start3A_703, %dma_start3A_704, %dma_start3A_705] : memref<4x512x32xf32, #tpu.memory_space<vmem>> -> memref<1x512x32xf32, #tpu.memory_space<vmem>>
    %dma_start3A_707 = tpu.memref_squeeze %dma_start3A_706 : memref<1x512x32xf32, #tpu.memory_space<vmem>> -> memref<512x32xf32, #tpu.memory_space<vmem>>
    %dma_start3A_708 = arith.constant 8704 : i32
    %dma_start3A_709 = tpu.memref_slice %arg5[%dma_start3A_708] : memref<25600xi32, #tpu.memory_space<vmem>> -> memref<512xi32, #tpu.memory_space<vmem>>
    %dma_start3A_710 = arith.constant 0 : i32
    %dma_start3A_711 = arith.constant 0 : i32
    %dma_start3A_712 = tpu.memref_slice %arg3[%dma_start3A_710, %dma_start3A_711] : memref<1000000x32xf32, #tpu.memory_space<hbm>> -> memref<1000000x32xf32, #tpu.memory_space<hbm>>
    tpu.enqueue_indirect_dma source(%dma_start3A_712 : memref<1000000x32xf32, #tpu.memory_space<hbm>>) target(%dma_start3A_707 : memref<512x32xf32, #tpu.memory_space<vmem>>) offsets(%dma_start3A_709 : memref<512xi32, #tpu.memory_space<vmem>>) semaphore(%arg8 : memref<!tpu.dma_semaphore, #tpu.memory_space<semaphore_mem>>)
    %dma_wait3A_713 = arith.constant 2 : i32
    %dma_wait3A_714 = arith.constant 0 : i32
    %dma_wait3A_715 = arith.constant 0 : i32
    %dma_wait3A_716 = tpu.memref_slice %arg6[%dma_wait3A_713, %dma_wait3A_714, %dma_wait3A_715] : memref<4x512x32xf32, #tpu.memory_space<vmem>> -> memref<1x512x32xf32, #tpu.memory_space<vmem>>
    %dma_wait3A_717 = tpu.memref_squeeze %dma_wait3A_716 : memref<1x512x32xf32, #tpu.memory_space<vmem>> -> memref<512x32xf32, #tpu.memory_space<vmem>>
    %dma_wait3A_718 = arith.constant 7168 : i32
    %dma_wait3A_719 = tpu.memref_slice %arg5[%dma_wait3A_718] : memref<25600xi32, #tpu.memory_space<vmem>> -> memref<512xi32, #tpu.memory_space<vmem>>
    %dma_wait3A_720 = arith.constant 0 : i32
    %dma_wait3A_721 = arith.constant 0 : i32
    %dma_wait3A_722 = tpu.memref_slice %arg3[%dma_wait3A_720, %dma_wait3A_721] : memref<1000000x32xf32, #tpu.memory_space<hbm>> -> memref<1000000x32xf32, #tpu.memory_space<hbm>>
    tpu.wait_indirect_dma semaphore(%arg9 : memref<!tpu.dma_semaphore, #tpu.memory_space<semaphore_mem>>) src(%dma_wait3A_722 : memref<1000000x32xf32, #tpu.memory_space<hbm>>) dst(%dma_wait3A_717 : memref<512x32xf32, #tpu.memory_space<vmem>>)
    %add3A_723 = arith.constant 7168 : i32
    %add3A_724 = arith.addi %mul3A_2, %add3A_723 : i32
    %dma_start3A_725 = arith.constant 2 : i32
    %dma_start3A_726 = arith.constant 0 : i32
    %dma_start3A_727 = arith.constant 0 : i32
    %dma_start3A_728 = tpu.memref_slice %arg6[%dma_start3A_725, %dma_start3A_726, %dma_start3A_727] : memref<4x512x32xf32, #tpu.memory_space<vmem>> -> memref<1x512x32xf32, #tpu.memory_space<vmem>>
    %dma_start3A_729 = tpu.memref_squeeze %dma_start3A_728 : memref<1x512x32xf32, #tpu.memory_space<vmem>> -> memref<512x32xf32, #tpu.memory_space<vmem>>
    %dma_start3A_730 = arith.constant 0 : i32
    %dma_start3A_731 = tpu.memref_slice %arg4[%add3A_724, %dma_start3A_730] : memref<819200x32xf32, #tpu.memory_space<hbm>> -> memref<512x32xf32, #tpu.memory_space<hbm>>
    %dma_start3A_732 = arith.constant 0 : i32
    %dma_start3A_733 = tpu.memref_slice %arg4[%add3A_724, %dma_start3A_732] : memref<819200x32xf32, #tpu.memory_space<hbm>> -> memref<512x32xf32, #tpu.memory_space<hbm>>
    %dma_start3A_734 = arith.constant 0 : i32
    %dma_start3A_735 = arith.constant 0 : i32
    %dma_start3A_736 = tpu.memref_slice %arg6[%dma_start3A_725, %dma_start3A_734, %dma_start3A_735] : memref<4x512x32xf32, #tpu.memory_space<vmem>> -> memref<1x512x32xf32, #tpu.memory_space<vmem>>
    %dma_start3A_737 = tpu.memref_squeeze %dma_start3A_736 : memref<1x512x32xf32, #tpu.memory_space<vmem>> -> memref<512x32xf32, #tpu.memory_space<vmem>>
    tpu.enqueue_dma source(%dma_start3A_737 : memref<512x32xf32, #tpu.memory_space<vmem>>) target(%dma_start3A_733 : memref<512x32xf32, #tpu.memory_space<hbm>>) target_semaphore(%arg13 : memref<!tpu.dma_semaphore, #tpu.memory_space<semaphore_mem>>)
    %dma_wait3A_738 = arith.constant 2 : i32
    %dma_wait3A_739 = arith.constant 0 : i32
    %dma_wait3A_740 = arith.constant 0 : i32
    %dma_wait3A_741 = tpu.memref_slice %arg6[%dma_wait3A_738, %dma_wait3A_739, %dma_wait3A_740] : memref<4x512x32xf32, #tpu.memory_space<vmem>> -> memref<1x512x32xf32, #tpu.memory_space<vmem>>
    %dma_wait3A_742 = tpu.memref_squeeze %dma_wait3A_741 : memref<1x512x32xf32, #tpu.memory_space<vmem>> -> memref<512x32xf32, #tpu.memory_space<vmem>>
    %dma_wait3A_743 = arith.constant 0 : i32
    %dma_wait3A_744 = tpu.memref_slice %arg4[%add3A_724, %dma_wait3A_743] : memref<819200x32xf32, #tpu.memory_space<hbm>> -> memref<512x32xf32, #tpu.memory_space<hbm>>
    %dma_wait3A_745 = arith.constant 0 : i32
    %dma_wait3A_746 = tpu.memref_slice %arg4[%add3A_724, %dma_wait3A_745] : memref<819200x32xf32, #tpu.memory_space<hbm>> -> memref<512x32xf32, #tpu.memory_space<hbm>>
    %dma_wait3A_747 = arith.constant 0 : i32
    %dma_wait3A_748 = arith.constant 0 : i32
    %dma_wait3A_749 = tpu.memref_slice %arg6[%dma_wait3A_738, %dma_wait3A_747, %dma_wait3A_748] : memref<4x512x32xf32, #tpu.memory_space<vmem>> -> memref<1x512x32xf32, #tpu.memory_space<vmem>>
    %dma_wait3A_750 = tpu.memref_squeeze %dma_wait3A_749 : memref<1x512x32xf32, #tpu.memory_space<vmem>> -> memref<512x32xf32, #tpu.memory_space<vmem>>
    tpu.wait_dma2 semaphore(%arg13 : memref<!tpu.dma_semaphore, #tpu.memory_space<semaphore_mem>>) src(%dma_wait3A_750 : memref<512x32xf32, #tpu.memory_space<vmem>>) dst(%dma_wait3A_746 : memref<512x32xf32, #tpu.memory_space<hbm>>)
    %dma_start3A_751 = arith.constant 2 : i32
    %dma_start3A_752 = arith.constant 0 : i32
    %dma_start3A_753 = arith.constant 0 : i32
    %dma_start3A_754 = tpu.memref_slice %arg6[%dma_start3A_751, %dma_start3A_752, %dma_start3A_753] : memref<4x512x32xf32, #tpu.memory_space<vmem>> -> memref<1x512x32xf32, #tpu.memory_space<vmem>>
    %dma_start3A_755 = tpu.memref_squeeze %dma_start3A_754 : memref<1x512x32xf32, #tpu.memory_space<vmem>> -> memref<512x32xf32, #tpu.memory_space<vmem>>
    %dma_start3A_756 = arith.constant 9216 : i32
    %dma_start3A_757 = tpu.memref_slice %arg5[%dma_start3A_756] : memref<25600xi32, #tpu.memory_space<vmem>> -> memref<512xi32, #tpu.memory_space<vmem>>
    %dma_start3A_758 = arith.constant 0 : i32
    %dma_start3A_759 = arith.constant 0 : i32
    %dma_start3A_760 = tpu.memref_slice %arg3[%dma_start3A_758, %dma_start3A_759] : memref<1000000x32xf32, #tpu.memory_space<hbm>> -> memref<1000000x32xf32, #tpu.memory_space<hbm>>
    tpu.enqueue_indirect_dma source(%dma_start3A_760 : memref<1000000x32xf32, #tpu.memory_space<hbm>>) target(%dma_start3A_755 : memref<512x32xf32, #tpu.memory_space<vmem>>) offsets(%dma_start3A_757 : memref<512xi32, #tpu.memory_space<vmem>>) semaphore(%arg9 : memref<!tpu.dma_semaphore, #tpu.memory_space<semaphore_mem>>)
    %dma_wait3A_761 = arith.constant 3 : i32
    %dma_wait3A_762 = arith.constant 0 : i32
    %dma_wait3A_763 = arith.constant 0 : i32
    %dma_wait3A_764 = tpu.memref_slice %arg6[%dma_wait3A_761, %dma_wait3A_762, %dma_wait3A_763] : memref<4x512x32xf32, #tpu.memory_space<vmem>> -> memref<1x512x32xf32, #tpu.memory_space<vmem>>
    %dma_wait3A_765 = tpu.memref_squeeze %dma_wait3A_764 : memref<1x512x32xf32, #tpu.memory_space<vmem>> -> memref<512x32xf32, #tpu.memory_space<vmem>>
    %dma_wait3A_766 = arith.constant 7680 : i32
    %dma_wait3A_767 = tpu.memref_slice %arg5[%dma_wait3A_766] : memref<25600xi32, #tpu.memory_space<vmem>> -> memref<512xi32, #tpu.memory_space<vmem>>
    %dma_wait3A_768 = arith.constant 0 : i32
    %dma_wait3A_769 = arith.constant 0 : i32
    %dma_wait3A_770 = tpu.memref_slice %arg3[%dma_wait3A_768, %dma_wait3A_769] : memref<1000000x32xf32, #tpu.memory_space<hbm>> -> memref<1000000x32xf32, #tpu.memory_space<hbm>>
    tpu.wait_indirect_dma semaphore(%arg10 : memref<!tpu.dma_semaphore, #tpu.memory_space<semaphore_mem>>) src(%dma_wait3A_770 : memref<1000000x32xf32, #tpu.memory_space<hbm>>) dst(%dma_wait3A_765 : memref<512x32xf32, #tpu.memory_space<vmem>>)
    %add3A_771 = arith.constant 7680 : i32
    %add3A_772 = arith.addi %mul3A_2, %add3A_771 : i32
    %dma_start3A_773 = arith.constant 3 : i32
    %dma_start3A_774 = arith.constant 0 : i32
    %dma_start3A_775 = arith.constant 0 : i32
    %dma_start3A_776 = tpu.memref_slice %arg6[%dma_start3A_773, %dma_start3A_774, %dma_start3A_775] : memref<4x512x32xf32, #tpu.memory_space<vmem>> -> memref<1x512x32xf32, #tpu.memory_space<vmem>>
    %dma_start3A_777 = tpu.memref_squeeze %dma_start3A_776 : memref<1x512x32xf32, #tpu.memory_space<vmem>> -> memref<512x32xf32, #tpu.memory_space<vmem>>
    %dma_start3A_778 = arith.constant 0 : i32
    %dma_start3A_779 = tpu.memref_slice %arg4[%add3A_772, %dma_start3A_778] : memref<819200x32xf32, #tpu.memory_space<hbm>> -> memref<512x32xf32, #tpu.memory_space<hbm>>
    %dma_start3A_780 = arith.constant 0 : i32
    %dma_start3A_781 = tpu.memref_slice %arg4[%add3A_772, %dma_start3A_780] : memref<819200x32xf32, #tpu.memory_space<hbm>> -> memref<512x32xf32, #tpu.memory_space<hbm>>
    %dma_start3A_782 = arith.constant 0 : i32
    %dma_start3A_783 = arith.constant 0 : i32
    %dma_start3A_784 = tpu.memref_slice %arg6[%dma_start3A_773, %dma_start3A_782, %dma_start3A_783] : memref<4x512x32xf32, #tpu.memory_space<vmem>> -> memref<1x512x32xf32, #tpu.memory_space<vmem>>
    %dma_start3A_785 = tpu.memref_squeeze %dma_start3A_784 : memref<1x512x32xf32, #tpu.memory_space<vmem>> -> memref<512x32xf32, #tpu.memory_space<vmem>>
    tpu.enqueue_dma source(%dma_start3A_785 : memref<512x32xf32, #tpu.memory_space<vmem>>) target(%dma_start3A_781 : memref<512x32xf32, #tpu.memory_space<hbm>>) target_semaphore(%arg14 : memref<!tpu.dma_semaphore, #tpu.memory_space<semaphore_mem>>)
    %dma_wait3A_786 = arith.constant 3 : i32
    %dma_wait3A_787 = arith.constant 0 : i32
    %dma_wait3A_788 = arith.constant 0 : i32
    %dma_wait3A_789 = tpu.memref_slice %arg6[%dma_wait3A_786, %dma_wait3A_787, %dma_wait3A_788] : memref<4x512x32xf32, #tpu.memory_space<vmem>> -> memref<1x512x32xf32, #tpu.memory_space<vmem>>
    %dma_wait3A_790 = tpu.memref_squeeze %dma_wait3A_789 : memref<1x512x32xf32, #tpu.memory_space<vmem>> -> memref<512x32xf32, #tpu.memory_space<vmem>>
    %dma_wait3A_791 = arith.constant 0 : i32
    %dma_wait3A_792 = tpu.memref_slice %arg4[%add3A_772, %dma_wait3A_791] : memref<819200x32xf32, #tpu.memory_space<hbm>> -> memref<512x32xf32, #tpu.memory_space<hbm>>
    %dma_wait3A_793 = arith.constant 0 : i32
    %dma_wait3A_794 = tpu.memref_slice %arg4[%add3A_772, %dma_wait3A_793] : memref<819200x32xf32, #tpu.memory_space<hbm>> -> memref<512x32xf32, #tpu.memory_space<hbm>>
    %dma_wait3A_795 = arith.constant 0 : i32
    %dma_wait3A_796 = arith.constant 0 : i32
    %dma_wait3A_797 = tpu.memref_slice %arg6[%dma_wait3A_786, %dma_wait3A_795, %dma_wait3A_796] : memref<4x512x32xf32, #tpu.memory_space<vmem>> -> memref<1x512x32xf32, #tpu.memory_space<vmem>>
    %dma_wait3A_798 = tpu.memref_squeeze %dma_wait3A_797 : memref<1x512x32xf32, #tpu.memory_space<vmem>> -> memref<512x32xf32, #tpu.memory_space<vmem>>
    tpu.wait_dma2 semaphore(%arg14 : memref<!tpu.dma_semaphore, #tpu.memory_space<semaphore_mem>>) src(%dma_wait3A_798 : memref<512x32xf32, #tpu.memory_space<vmem>>) dst(%dma_wait3A_794 : memref<512x32xf32, #tpu.memory_space<hbm>>)
    %dma_start3A_799 = arith.constant 3 : i32
    %dma_start3A_800 = arith.constant 0 : i32
    %dma_start3A_801 = arith.constant 0 : i32
    %dma_start3A_802 = tpu.memref_slice %arg6[%dma_start3A_799, %dma_start3A_800, %dma_start3A_801] : memref<4x512x32xf32, #tpu.memory_space<vmem>> -> memref<1x512x32xf32, #tpu.memory_space<vmem>>
    %dma_start3A_803 = tpu.memref_squeeze %dma_start3A_802 : memref<1x512x32xf32, #tpu.memory_space<vmem>> -> memref<512x32xf32, #tpu.memory_space<vmem>>
    %dma_start3A_804 = arith.constant 9728 : i32
    %dma_start3A_805 = tpu.memref_slice %arg5[%dma_start3A_804] : memref<25600xi32, #tpu.memory_space<vmem>> -> memref<512xi32, #tpu.memory_space<vmem>>
    %dma_start3A_806 = arith.constant 0 : i32
    %dma_start3A_807 = arith.constant 0 : i32
    %dma_start3A_808 = tpu.memref_slice %arg3[%dma_start3A_806, %dma_start3A_807] : memref<1000000x32xf32, #tpu.memory_space<hbm>> -> memref<1000000x32xf32, #tpu.memory_space<hbm>>
    tpu.enqueue_indirect_dma source(%dma_start3A_808 : memref<1000000x32xf32, #tpu.memory_space<hbm>>) target(%dma_start3A_803 : memref<512x32xf32, #tpu.memory_space<vmem>>) offsets(%dma_start3A_805 : memref<512xi32, #tpu.memory_space<vmem>>) semaphore(%arg10 : memref<!tpu.dma_semaphore, #tpu.memory_space<semaphore_mem>>)
    %dma_wait3A_809 = arith.constant 0 : i32
    %dma_wait3A_810 = arith.constant 0 : i32
    %dma_wait3A_811 = arith.constant 0 : i32
    %dma_wait3A_812 = tpu.memref_slice %arg6[%dma_wait3A_809, %dma_wait3A_810, %dma_wait3A_811] : memref<4x512x32xf32, #tpu.memory_space<vmem>> -> memref<1x512x32xf32, #tpu.memory_space<vmem>>
    %dma_wait3A_813 = tpu.memref_squeeze %dma_wait3A_812 : memref<1x512x32xf32, #tpu.memory_space<vmem>> -> memref<512x32xf32, #tpu.memory_space<vmem>>
    %dma_wait3A_814 = arith.constant 8192 : i32
    %dma_wait3A_815 = tpu.memref_slice %arg5[%dma_wait3A_814] : memref<25600xi32, #tpu.memory_space<vmem>> -> memref<512xi32, #tpu.memory_space<vmem>>
    %dma_wait3A_816 = arith.constant 0 : i32
    %dma_wait3A_817 = arith.constant 0 : i32
    %dma_wait3A_818 = tpu.memref_slice %arg3[%dma_wait3A_816, %dma_wait3A_817] : memref<1000000x32xf32, #tpu.memory_space<hbm>> -> memref<1000000x32xf32, #tpu.memory_space<hbm>>
    tpu.wait_indirect_dma semaphore(%arg7 : memref<!tpu.dma_semaphore, #tpu.memory_space<semaphore_mem>>) src(%dma_wait3A_818 : memref<1000000x32xf32, #tpu.memory_space<hbm>>) dst(%dma_wait3A_813 : memref<512x32xf32, #tpu.memory_space<vmem>>)
    %add3A_819 = arith.constant 8192 : i32
    %add3A_820 = arith.addi %mul3A_2, %add3A_819 : i32
    %dma_start3A_821 = arith.constant 0 : i32
    %dma_start3A_822 = arith.constant 0 : i32
    %dma_start3A_823 = arith.constant 0 : i32
    %dma_start3A_824 = tpu.memref_slice %arg6[%dma_start3A_821, %dma_start3A_822, %dma_start3A_823] : memref<4x512x32xf32, #tpu.memory_space<vmem>> -> memref<1x512x32xf32, #tpu.memory_space<vmem>>
    %dma_start3A_825 = tpu.memref_squeeze %dma_start3A_824 : memref<1x512x32xf32, #tpu.memory_space<vmem>> -> memref<512x32xf32, #tpu.memory_space<vmem>>
    %dma_start3A_826 = arith.constant 0 : i32
    %dma_start3A_827 = tpu.memref_slice %arg4[%add3A_820, %dma_start3A_826] : memref<819200x32xf32, #tpu.memory_space<hbm>> -> memref<512x32xf32, #tpu.memory_space<hbm>>
    %dma_start3A_828 = arith.constant 0 : i32
    %dma_start3A_829 = tpu.memref_slice %arg4[%add3A_820, %dma_start3A_828] : memref<819200x32xf32, #tpu.memory_space<hbm>> -> memref<512x32xf32, #tpu.memory_space<hbm>>
    %dma_start3A_830 = arith.constant 0 : i32
    %dma_start3A_831 = arith.constant 0 : i32
    %dma_start3A_832 = tpu.memref_slice %arg6[%dma_start3A_821, %dma_start3A_830, %dma_start3A_831] : memref<4x512x32xf32, #tpu.memory_space<vmem>> -> memref<1x512x32xf32, #tpu.memory_space<vmem>>
    %dma_start3A_833 = tpu.memref_squeeze %dma_start3A_832 : memref<1x512x32xf32, #tpu.memory_space<vmem>> -> memref<512x32xf32, #tpu.memory_space<vmem>>
    tpu.enqueue_dma source(%dma_start3A_833 : memref<512x32xf32, #tpu.memory_space<vmem>>) target(%dma_start3A_829 : memref<512x32xf32, #tpu.memory_space<hbm>>) target_semaphore(%arg11 : memref<!tpu.dma_semaphore, #tpu.memory_space<semaphore_mem>>)
    %dma_wait3A_834 = arith.constant 0 : i32
    %dma_wait3A_835 = arith.constant 0 : i32
    %dma_wait3A_836 = arith.constant 0 : i32
    %dma_wait3A_837 = tpu.memref_slice %arg6[%dma_wait3A_834, %dma_wait3A_835, %dma_wait3A_836] : memref<4x512x32xf32, #tpu.memory_space<vmem>> -> memref<1x512x32xf32, #tpu.memory_space<vmem>>
    %dma_wait3A_838 = tpu.memref_squeeze %dma_wait3A_837 : memref<1x512x32xf32, #tpu.memory_space<vmem>> -> memref<512x32xf32, #tpu.memory_space<vmem>>
    %dma_wait3A_839 = arith.constant 0 : i32
    %dma_wait3A_840 = tpu.memref_slice %arg4[%add3A_820, %dma_wait3A_839] : memref<819200x32xf32, #tpu.memory_space<hbm>> -> memref<512x32xf32, #tpu.memory_space<hbm>>
    %dma_wait3A_841 = arith.constant 0 : i32
    %dma_wait3A_842 = tpu.memref_slice %arg4[%add3A_820, %dma_wait3A_841] : memref<819200x32xf32, #tpu.memory_space<hbm>> -> memref<512x32xf32, #tpu.memory_space<hbm>>
    %dma_wait3A_843 = arith.constant 0 : i32
    %dma_wait3A_844 = arith.constant 0 : i32
    %dma_wait3A_845 = tpu.memref_slice %arg6[%dma_wait3A_834, %dma_wait3A_843, %dma_wait3A_844] : memref<4x512x32xf32, #tpu.memory_space<vmem>> -> memref<1x512x32xf32, #tpu.memory_space<vmem>>
    %dma_wait3A_846 = tpu.memref_squeeze %dma_wait3A_845 : memref<1x512x32xf32, #tpu.memory_space<vmem>> -> memref<512x32xf32, #tpu.memory_space<vmem>>
    tpu.wait_dma2 semaphore(%arg11 : memref<!tpu.dma_semaphore, #tpu.memory_space<semaphore_mem>>) src(%dma_wait3A_846 : memref<512x32xf32, #tpu.memory_space<vmem>>) dst(%dma_wait3A_842 : memref<512x32xf32, #tpu.memory_space<hbm>>)
    %dma_start3A_847 = arith.constant 0 : i32
    %dma_start3A_848 = arith.constant 0 : i32
    %dma_start3A_849 = arith.constant 0 : i32
    %dma_start3A_850 = tpu.memref_slice %arg6[%dma_start3A_847, %dma_start3A_848, %dma_start3A_849] : memref<4x512x32xf32, #tpu.memory_space<vmem>> -> memref<1x512x32xf32, #tpu.memory_space<vmem>>
    %dma_start3A_851 = tpu.memref_squeeze %dma_start3A_850 : memref<1x512x32xf32, #tpu.memory_space<vmem>> -> memref<512x32xf32, #tpu.memory_space<vmem>>
    %dma_start3A_852 = arith.constant 10240 : i32
    %dma_start3A_853 = tpu.memref_slice %arg5[%dma_start3A_852] : memref<25600xi32, #tpu.memory_space<vmem>> -> memref<512xi32, #tpu.memory_space<vmem>>
    %dma_start3A_854 = arith.constant 0 : i32
    %dma_start3A_855 = arith.constant 0 : i32
    %dma_start3A_856 = tpu.memref_slice %arg3[%dma_start3A_854, %dma_start3A_855] : memref<1000000x32xf32, #tpu.memory_space<hbm>> -> memref<1000000x32xf32, #tpu.memory_space<hbm>>
    tpu.enqueue_indirect_dma source(%dma_start3A_856 : memref<1000000x32xf32, #tpu.memory_space<hbm>>) target(%dma_start3A_851 : memref<512x32xf32, #tpu.memory_space<vmem>>) offsets(%dma_start3A_853 : memref<512xi32, #tpu.memory_space<vmem>>) semaphore(%arg7 : memref<!tpu.dma_semaphore, #tpu.memory_space<semaphore_mem>>)
    %dma_wait3A_857 = arith.constant 1 : i32
    %dma_wait3A_858 = arith.constant 0 : i32
    %dma_wait3A_859 = arith.constant 0 : i32
    %dma_wait3A_860 = tpu.memref_slice %arg6[%dma_wait3A_857, %dma_wait3A_858, %dma_wait3A_859] : memref<4x512x32xf32, #tpu.memory_space<vmem>> -> memref<1x512x32xf32, #tpu.memory_space<vmem>>
    %dma_wait3A_861 = tpu.memref_squeeze %dma_wait3A_860 : memref<1x512x32xf32, #tpu.memory_space<vmem>> -> memref<512x32xf32, #tpu.memory_space<vmem>>
    %dma_wait3A_862 = arith.constant 8704 : i32
    %dma_wait3A_863 = tpu.memref_slice %arg5[%dma_wait3A_862] : memref<25600xi32, #tpu.memory_space<vmem>> -> memref<512xi32, #tpu.memory_space<vmem>>
    %dma_wait3A_864 = arith.constant 0 : i32
    %dma_wait3A_865 = arith.constant 0 : i32
    %dma_wait3A_866 = tpu.memref_slice %arg3[%dma_wait3A_864, %dma_wait3A_865] : memref<1000000x32xf32, #tpu.memory_space<hbm>> -> memref<1000000x32xf32, #tpu.memory_space<hbm>>
    tpu.wait_indirect_dma semaphore(%arg8 : memref<!tpu.dma_semaphore, #tpu.memory_space<semaphore_mem>>) src(%dma_wait3A_866 : memref<1000000x32xf32, #tpu.memory_space<hbm>>) dst(%dma_wait3A_861 : memref<512x32xf32, #tpu.memory_space<vmem>>)
    %add3A_867 = arith.constant 8704 : i32
    %add3A_868 = arith.addi %mul3A_2, %add3A_867 : i32
    %dma_start3A_869 = arith.constant 1 : i32
    %dma_start3A_870 = arith.constant 0 : i32
    %dma_start3A_871 = arith.constant 0 : i32
    %dma_start3A_872 = tpu.memref_slice %arg6[%dma_start3A_869, %dma_start3A_870, %dma_start3A_871] : memref<4x512x32xf32, #tpu.memory_space<vmem>> -> memref<1x512x32xf32, #tpu.memory_space<vmem>>
    %dma_start3A_873 = tpu.memref_squeeze %dma_start3A_872 : memref<1x512x32xf32, #tpu.memory_space<vmem>> -> memref<512x32xf32, #tpu.memory_space<vmem>>
    %dma_start3A_874 = arith.constant 0 : i32
    %dma_start3A_875 = tpu.memref_slice %arg4[%add3A_868, %dma_start3A_874] : memref<819200x32xf32, #tpu.memory_space<hbm>> -> memref<512x32xf32, #tpu.memory_space<hbm>>
    %dma_start3A_876 = arith.constant 0 : i32
    %dma_start3A_877 = tpu.memref_slice %arg4[%add3A_868, %dma_start3A_876] : memref<819200x32xf32, #tpu.memory_space<hbm>> -> memref<512x32xf32, #tpu.memory_space<hbm>>
    %dma_start3A_878 = arith.constant 0 : i32
    %dma_start3A_879 = arith.constant 0 : i32
    %dma_start3A_880 = tpu.memref_slice %arg6[%dma_start3A_869, %dma_start3A_878, %dma_start3A_879] : memref<4x512x32xf32, #tpu.memory_space<vmem>> -> memref<1x512x32xf32, #tpu.memory_space<vmem>>
    %dma_start3A_881 = tpu.memref_squeeze %dma_start3A_880 : memref<1x512x32xf32, #tpu.memory_space<vmem>> -> memref<512x32xf32, #tpu.memory_space<vmem>>
    tpu.enqueue_dma source(%dma_start3A_881 : memref<512x32xf32, #tpu.memory_space<vmem>>) target(%dma_start3A_877 : memref<512x32xf32, #tpu.memory_space<hbm>>) target_semaphore(%arg12 : memref<!tpu.dma_semaphore, #tpu.memory_space<semaphore_mem>>)
    %dma_wait3A_882 = arith.constant 1 : i32
    %dma_wait3A_883 = arith.constant 0 : i32
    %dma_wait3A_884 = arith.constant 0 : i32
    %dma_wait3A_885 = tpu.memref_slice %arg6[%dma_wait3A_882, %dma_wait3A_883, %dma_wait3A_884] : memref<4x512x32xf32, #tpu.memory_space<vmem>> -> memref<1x512x32xf32, #tpu.memory_space<vmem>>
    %dma_wait3A_886 = tpu.memref_squeeze %dma_wait3A_885 : memref<1x512x32xf32, #tpu.memory_space<vmem>> -> memref<512x32xf32, #tpu.memory_space<vmem>>
    %dma_wait3A_887 = arith.constant 0 : i32
    %dma_wait3A_888 = tpu.memref_slice %arg4[%add3A_868, %dma_wait3A_887] : memref<819200x32xf32, #tpu.memory_space<hbm>> -> memref<512x32xf32, #tpu.memory_space<hbm>>
    %dma_wait3A_889 = arith.constant 0 : i32
    %dma_wait3A_890 = tpu.memref_slice %arg4[%add3A_868, %dma_wait3A_889] : memref<819200x32xf32, #tpu.memory_space<hbm>> -> memref<512x32xf32, #tpu.memory_space<hbm>>
    %dma_wait3A_891 = arith.constant 0 : i32
    %dma_wait3A_892 = arith.constant 0 : i32
    %dma_wait3A_893 = tpu.memref_slice %arg6[%dma_wait3A_882, %dma_wait3A_891, %dma_wait3A_892] : memref<4x512x32xf32, #tpu.memory_space<vmem>> -> memref<1x512x32xf32, #tpu.memory_space<vmem>>
    %dma_wait3A_894 = tpu.memref_squeeze %dma_wait3A_893 : memref<1x512x32xf32, #tpu.memory_space<vmem>> -> memref<512x32xf32, #tpu.memory_space<vmem>>
    tpu.wait_dma2 semaphore(%arg12 : memref<!tpu.dma_semaphore, #tpu.memory_space<semaphore_mem>>) src(%dma_wait3A_894 : memref<512x32xf32, #tpu.memory_space<vmem>>) dst(%dma_wait3A_890 : memref<512x32xf32, #tpu.memory_space<hbm>>)
    %dma_start3A_895 = arith.constant 1 : i32
    %dma_start3A_896 = arith.constant 0 : i32
    %dma_start3A_897 = arith.constant 0 : i32
    %dma_start3A_898 = tpu.memref_slice %arg6[%dma_start3A_895, %dma_start3A_896, %dma_start3A_897] : memref<4x512x32xf32, #tpu.memory_space<vmem>> -> memref<1x512x32xf32, #tpu.memory_space<vmem>>
    %dma_start3A_899 = tpu.memref_squeeze %dma_start3A_898 : memref<1x512x32xf32, #tpu.memory_space<vmem>> -> memref<512x32xf32, #tpu.memory_space<vmem>>
    %dma_start3A_900 = arith.constant 10752 : i32
    %dma_start3A_901 = tpu.memref_slice %arg5[%dma_start3A_900] : memref<25600xi32, #tpu.memory_space<vmem>> -> memref<512xi32, #tpu.memory_space<vmem>>
    %dma_start3A_902 = arith.constant 0 : i32
    %dma_start3A_903 = arith.constant 0 : i32
    %dma_start3A_904 = tpu.memref_slice %arg3[%dma_start3A_902, %dma_start3A_903] : memref<1000000x32xf32, #tpu.memory_space<hbm>> -> memref<1000000x32xf32, #tpu.memory_space<hbm>>
    tpu.enqueue_indirect_dma source(%dma_start3A_904 : memref<1000000x32xf32, #tpu.memory_space<hbm>>) target(%dma_start3A_899 : memref<512x32xf32, #tpu.memory_space<vmem>>) offsets(%dma_start3A_901 : memref<512xi32, #tpu.memory_space<vmem>>) semaphore(%arg8 : memref<!tpu.dma_semaphore, #tpu.memory_space<semaphore_mem>>)
    %dma_wait3A_905 = arith.constant 2 : i32
    %dma_wait3A_906 = arith.constant 0 : i32
    %dma_wait3A_907 = arith.constant 0 : i32
    %dma_wait3A_908 = tpu.memref_slice %arg6[%dma_wait3A_905, %dma_wait3A_906, %dma_wait3A_907] : memref<4x512x32xf32, #tpu.memory_space<vmem>> -> memref<1x512x32xf32, #tpu.memory_space<vmem>>
    %dma_wait3A_909 = tpu.memref_squeeze %dma_wait3A_908 : memref<1x512x32xf32, #tpu.memory_space<vmem>> -> memref<512x32xf32, #tpu.memory_space<vmem>>
    %dma_wait3A_910 = arith.constant 9216 : i32
    %dma_wait3A_911 = tpu.memref_slice %arg5[%dma_wait3A_910] : memref<25600xi32, #tpu.memory_space<vmem>> -> memref<512xi32, #tpu.memory_space<vmem>>
    %dma_wait3A_912 = arith.constant 0 : i32
    %dma_wait3A_913 = arith.constant 0 : i32
    %dma_wait3A_914 = tpu.memref_slice %arg3[%dma_wait3A_912, %dma_wait3A_913] : memref<1000000x32xf32, #tpu.memory_space<hbm>> -> memref<1000000x32xf32, #tpu.memory_space<hbm>>
    tpu.wait_indirect_dma semaphore(%arg9 : memref<!tpu.dma_semaphore, #tpu.memory_space<semaphore_mem>>) src(%dma_wait3A_914 : memref<1000000x32xf32, #tpu.memory_space<hbm>>) dst(%dma_wait3A_909 : memref<512x32xf32, #tpu.memory_space<vmem>>)
    %add3A_915 = arith.constant 9216 : i32
    %add3A_916 = arith.addi %mul3A_2, %add3A_915 : i32
    %dma_start3A_917 = arith.constant 2 : i32
    %dma_start3A_918 = arith.constant 0 : i32
    %dma_start3A_919 = arith.constant 0 : i32
    %dma_start3A_920 = tpu.memref_slice %arg6[%dma_start3A_917, %dma_start3A_918, %dma_start3A_919] : memref<4x512x32xf32, #tpu.memory_space<vmem>> -> memref<1x512x32xf32, #tpu.memory_space<vmem>>
    %dma_start3A_921 = tpu.memref_squeeze %dma_start3A_920 : memref<1x512x32xf32, #tpu.memory_space<vmem>> -> memref<512x32xf32, #tpu.memory_space<vmem>>
    %dma_start3A_922 = arith.constant 0 : i32
    %dma_start3A_923 = tpu.memref_slice %arg4[%add3A_916, %dma_start3A_922] : memref<819200x32xf32, #tpu.memory_space<hbm>> -> memref<512x32xf32, #tpu.memory_space<hbm>>
    %dma_start3A_924 = arith.constant 0 : i32
    %dma_start3A_925 = tpu.memref_slice %arg4[%add3A_916, %dma_start3A_924] : memref<819200x32xf32, #tpu.memory_space<hbm>> -> memref<512x32xf32, #tpu.memory_space<hbm>>
    %dma_start3A_926 = arith.constant 0 : i32
    %dma_start3A_927 = arith.constant 0 : i32
    %dma_start3A_928 = tpu.memref_slice %arg6[%dma_start3A_917, %dma_start3A_926, %dma_start3A_927] : memref<4x512x32xf32, #tpu.memory_space<vmem>> -> memref<1x512x32xf32, #tpu.memory_space<vmem>>
    %dma_start3A_929 = tpu.memref_squeeze %dma_start3A_928 : memref<1x512x32xf32, #tpu.memory_space<vmem>> -> memref<512x32xf32, #tpu.memory_space<vmem>>
    tpu.enqueue_dma source(%dma_start3A_929 : memref<512x32xf32, #tpu.memory_space<vmem>>) target(%dma_start3A_925 : memref<512x32xf32, #tpu.memory_space<hbm>>) target_semaphore(%arg13 : memref<!tpu.dma_semaphore, #tpu.memory_space<semaphore_mem>>)
    %dma_wait3A_930 = arith.constant 2 : i32
    %dma_wait3A_931 = arith.constant 0 : i32
    %dma_wait3A_932 = arith.constant 0 : i32
    %dma_wait3A_933 = tpu.memref_slice %arg6[%dma_wait3A_930, %dma_wait3A_931, %dma_wait3A_932] : memref<4x512x32xf32, #tpu.memory_space<vmem>> -> memref<1x512x32xf32, #tpu.memory_space<vmem>>
    %dma_wait3A_934 = tpu.memref_squeeze %dma_wait3A_933 : memref<1x512x32xf32, #tpu.memory_space<vmem>> -> memref<512x32xf32, #tpu.memory_space<vmem>>
    %dma_wait3A_935 = arith.constant 0 : i32
    %dma_wait3A_936 = tpu.memref_slice %arg4[%add3A_916, %dma_wait3A_935] : memref<819200x32xf32, #tpu.memory_space<hbm>> -> memref<512x32xf32, #tpu.memory_space<hbm>>
    %dma_wait3A_937 = arith.constant 0 : i32
    %dma_wait3A_938 = tpu.memref_slice %arg4[%add3A_916, %dma_wait3A_937] : memref<819200x32xf32, #tpu.memory_space<hbm>> -> memref<512x32xf32, #tpu.memory_space<hbm>>
    %dma_wait3A_939 = arith.constant 0 : i32
    %dma_wait3A_940 = arith.constant 0 : i32
    %dma_wait3A_941 = tpu.memref_slice %arg6[%dma_wait3A_930, %dma_wait3A_939, %dma_wait3A_940] : memref<4x512x32xf32, #tpu.memory_space<vmem>> -> memref<1x512x32xf32, #tpu.memory_space<vmem>>
    %dma_wait3A_942 = tpu.memref_squeeze %dma_wait3A_941 : memref<1x512x32xf32, #tpu.memory_space<vmem>> -> memref<512x32xf32, #tpu.memory_space<vmem>>
    tpu.wait_dma2 semaphore(%arg13 : memref<!tpu.dma_semaphore, #tpu.memory_space<semaphore_mem>>) src(%dma_wait3A_942 : memref<512x32xf32, #tpu.memory_space<vmem>>) dst(%dma_wait3A_938 : memref<512x32xf32, #tpu.memory_space<hbm>>)
    %dma_start3A_943 = arith.constant 2 : i32
    %dma_start3A_944 = arith.constant 0 : i32
    %dma_start3A_945 = arith.constant 0 : i32
    %dma_start3A_946 = tpu.memref_slice %arg6[%dma_start3A_943, %dma_start3A_944, %dma_start3A_945] : memref<4x512x32xf32, #tpu.memory_space<vmem>> -> memref<1x512x32xf32, #tpu.memory_space<vmem>>
    %dma_start3A_947 = tpu.memref_squeeze %dma_start3A_946 : memref<1x512x32xf32, #tpu.memory_space<vmem>> -> memref<512x32xf32, #tpu.memory_space<vmem>>
    %dma_start3A_948 = arith.constant 11264 : i32
    %dma_start3A_949 = tpu.memref_slice %arg5[%dma_start3A_948] : memref<25600xi32, #tpu.memory_space<vmem>> -> memref<512xi32, #tpu.memory_space<vmem>>
    %dma_start3A_950 = arith.constant 0 : i32
    %dma_start3A_951 = arith.constant 0 : i32
    %dma_start3A_952 = tpu.memref_slice %arg3[%dma_start3A_950, %dma_start3A_951] : memref<1000000x32xf32, #tpu.memory_space<hbm>> -> memref<1000000x32xf32, #tpu.memory_space<hbm>>
    tpu.enqueue_indirect_dma source(%dma_start3A_952 : memref<1000000x32xf32, #tpu.memory_space<hbm>>) target(%dma_start3A_947 : memref<512x32xf32, #tpu.memory_space<vmem>>) offsets(%dma_start3A_949 : memref<512xi32, #tpu.memory_space<vmem>>) semaphore(%arg9 : memref<!tpu.dma_semaphore, #tpu.memory_space<semaphore_mem>>)
    %dma_wait3A_953 = arith.constant 3 : i32
    %dma_wait3A_954 = arith.constant 0 : i32
    %dma_wait3A_955 = arith.constant 0 : i32
    %dma_wait3A_956 = tpu.memref_slice %arg6[%dma_wait3A_953, %dma_wait3A_954, %dma_wait3A_955] : memref<4x512x32xf32, #tpu.memory_space<vmem>> -> memref<1x512x32xf32, #tpu.memory_space<vmem>>
    %dma_wait3A_957 = tpu.memref_squeeze %dma_wait3A_956 : memref<1x512x32xf32, #tpu.memory_space<vmem>> -> memref<512x32xf32, #tpu.memory_space<vmem>>
    %dma_wait3A_958 = arith.constant 9728 : i32
    %dma_wait3A_959 = tpu.memref_slice %arg5[%dma_wait3A_958] : memref<25600xi32, #tpu.memory_space<vmem>> -> memref<512xi32, #tpu.memory_space<vmem>>
    %dma_wait3A_960 = arith.constant 0 : i32
    %dma_wait3A_961 = arith.constant 0 : i32
    %dma_wait3A_962 = tpu.memref_slice %arg3[%dma_wait3A_960, %dma_wait3A_961] : memref<1000000x32xf32, #tpu.memory_space<hbm>> -> memref<1000000x32xf32, #tpu.memory_space<hbm>>
    tpu.wait_indirect_dma semaphore(%arg10 : memref<!tpu.dma_semaphore, #tpu.memory_space<semaphore_mem>>) src(%dma_wait3A_962 : memref<1000000x32xf32, #tpu.memory_space<hbm>>) dst(%dma_wait3A_957 : memref<512x32xf32, #tpu.memory_space<vmem>>)
    %add3A_963 = arith.constant 9728 : i32
    %add3A_964 = arith.addi %mul3A_2, %add3A_963 : i32
    %dma_start3A_965 = arith.constant 3 : i32
    %dma_start3A_966 = arith.constant 0 : i32
    %dma_start3A_967 = arith.constant 0 : i32
    %dma_start3A_968 = tpu.memref_slice %arg6[%dma_start3A_965, %dma_start3A_966, %dma_start3A_967] : memref<4x512x32xf32, #tpu.memory_space<vmem>> -> memref<1x512x32xf32, #tpu.memory_space<vmem>>
    %dma_start3A_969 = tpu.memref_squeeze %dma_start3A_968 : memref<1x512x32xf32, #tpu.memory_space<vmem>> -> memref<512x32xf32, #tpu.memory_space<vmem>>
    %dma_start3A_970 = arith.constant 0 : i32
    %dma_start3A_971 = tpu.memref_slice %arg4[%add3A_964, %dma_start3A_970] : memref<819200x32xf32, #tpu.memory_space<hbm>> -> memref<512x32xf32, #tpu.memory_space<hbm>>
    %dma_start3A_972 = arith.constant 0 : i32
    %dma_start3A_973 = tpu.memref_slice %arg4[%add3A_964, %dma_start3A_972] : memref<819200x32xf32, #tpu.memory_space<hbm>> -> memref<512x32xf32, #tpu.memory_space<hbm>>
    %dma_start3A_974 = arith.constant 0 : i32
    %dma_start3A_975 = arith.constant 0 : i32
    %dma_start3A_976 = tpu.memref_slice %arg6[%dma_start3A_965, %dma_start3A_974, %dma_start3A_975] : memref<4x512x32xf32, #tpu.memory_space<vmem>> -> memref<1x512x32xf32, #tpu.memory_space<vmem>>
    %dma_start3A_977 = tpu.memref_squeeze %dma_start3A_976 : memref<1x512x32xf32, #tpu.memory_space<vmem>> -> memref<512x32xf32, #tpu.memory_space<vmem>>
    tpu.enqueue_dma source(%dma_start3A_977 : memref<512x32xf32, #tpu.memory_space<vmem>>) target(%dma_start3A_973 : memref<512x32xf32, #tpu.memory_space<hbm>>) target_semaphore(%arg14 : memref<!tpu.dma_semaphore, #tpu.memory_space<semaphore_mem>>)
    %dma_wait3A_978 = arith.constant 3 : i32
    %dma_wait3A_979 = arith.constant 0 : i32
    %dma_wait3A_980 = arith.constant 0 : i32
    %dma_wait3A_981 = tpu.memref_slice %arg6[%dma_wait3A_978, %dma_wait3A_979, %dma_wait3A_980] : memref<4x512x32xf32, #tpu.memory_space<vmem>> -> memref<1x512x32xf32, #tpu.memory_space<vmem>>
    %dma_wait3A_982 = tpu.memref_squeeze %dma_wait3A_981 : memref<1x512x32xf32, #tpu.memory_space<vmem>> -> memref<512x32xf32, #tpu.memory_space<vmem>>
    %dma_wait3A_983 = arith.constant 0 : i32
    %dma_wait3A_984 = tpu.memref_slice %arg4[%add3A_964, %dma_wait3A_983] : memref<819200x32xf32, #tpu.memory_space<hbm>> -> memref<512x32xf32, #tpu.memory_space<hbm>>
    %dma_wait3A_985 = arith.constant 0 : i32
    %dma_wait3A_986 = tpu.memref_slice %arg4[%add3A_964, %dma_wait3A_985] : memref<819200x32xf32, #tpu.memory_space<hbm>> -> memref<512x32xf32, #tpu.memory_space<hbm>>
    %dma_wait3A_987 = arith.constant 0 : i32
    %dma_wait3A_988 = arith.constant 0 : i32
    %dma_wait3A_989 = tpu.memref_slice %arg6[%dma_wait3A_978, %dma_wait3A_987, %dma_wait3A_988] : memref<4x512x32xf32, #tpu.memory_space<vmem>> -> memref<1x512x32xf32, #tpu.memory_space<vmem>>
    %dma_wait3A_990 = tpu.memref_squeeze %dma_wait3A_989 : memref<1x512x32xf32, #tpu.memory_space<vmem>> -> memref<512x32xf32, #tpu.memory_space<vmem>>
    tpu.wait_dma2 semaphore(%arg14 : memref<!tpu.dma_semaphore, #tpu.memory_space<semaphore_mem>>) src(%dma_wait3A_990 : memref<512x32xf32, #tpu.memory_space<vmem>>) dst(%dma_wait3A_986 : memref<512x32xf32, #tpu.memory_space<hbm>>)
    %dma_start3A_991 = arith.constant 3 : i32
    %dma_start3A_992 = arith.constant 0 : i32
    %dma_start3A_993 = arith.constant 0 : i32
    %dma_start3A_994 = tpu.memref_slice %arg6[%dma_start3A_991, %dma_start3A_992, %dma_start3A_993] : memref<4x512x32xf32, #tpu.memory_space<vmem>> -> memref<1x512x32xf32, #tpu.memory_space<vmem>>
    %dma_start3A_995 = tpu.memref_squeeze %dma_start3A_994 : memref<1x512x32xf32, #tpu.memory_space<vmem>> -> memref<512x32xf32, #tpu.memory_space<vmem>>
    %dma_start3A_996 = arith.constant 11776 : i32
    %dma_start3A_997 = tpu.memref_slice %arg5[%dma_start3A_996] : memref<25600xi32, #tpu.memory_space<vmem>> -> memref<512xi32, #tpu.memory_space<vmem>>
    %dma_start3A_998 = arith.constant 0 : i32
    %dma_start3A_999 = arith.constant 0 : i32
    %dma_start3A_1000 = tpu.memref_slice %arg3[%dma_start3A_998, %dma_start3A_999] : memref<1000000x32xf32, #tpu.memory_space<hbm>> -> memref<1000000x32xf32, #tpu.memory_space<hbm>>
    tpu.enqueue_indirect_dma source(%dma_start3A_1000 : memref<1000000x32xf32, #tpu.memory_space<hbm>>) target(%dma_start3A_995 : memref<512x32xf32, #tpu.memory_space<vmem>>) offsets(%dma_start3A_997 : memref<512xi32, #tpu.memory_space<vmem>>) semaphore(%arg10 : memref<!tpu.dma_semaphore, #tpu.memory_space<semaphore_mem>>)
    %dma_wait3A_1001 = arith.constant 0 : i32
    %dma_wait3A_1002 = arith.constant 0 : i32
    %dma_wait3A_1003 = arith.constant 0 : i32
    %dma_wait3A_1004 = tpu.memref_slice %arg6[%dma_wait3A_1001, %dma_wait3A_1002, %dma_wait3A_1003] : memref<4x512x32xf32, #tpu.memory_space<vmem>> -> memref<1x512x32xf32, #tpu.memory_space<vmem>>
    %dma_wait3A_1005 = tpu.memref_squeeze %dma_wait3A_1004 : memref<1x512x32xf32, #tpu.memory_space<vmem>> -> memref<512x32xf32, #tpu.memory_space<vmem>>
    %dma_wait3A_1006 = arith.constant 10240 : i32
    %dma_wait3A_1007 = tpu.memref_slice %arg5[%dma_wait3A_1006] : memref<25600xi32, #tpu.memory_space<vmem>> -> memref<512xi32, #tpu.memory_space<vmem>>
    %dma_wait3A_1008 = arith.constant 0 : i32
    %dma_wait3A_1009 = arith.constant 0 : i32
    %dma_wait3A_1010 = tpu.memref_slice %arg3[%dma_wait3A_1008, %dma_wait3A_1009] : memref<1000000x32xf32, #tpu.memory_space<hbm>> -> memref<1000000x32xf32, #tpu.memory_space<hbm>>
    tpu.wait_indirect_dma semaphore(%arg7 : memref<!tpu.dma_semaphore, #tpu.memory_space<semaphore_mem>>) src(%dma_wait3A_1010 : memref<1000000x32xf32, #tpu.memory_space<hbm>>) dst(%dma_wait3A_1005 : memref<512x32xf32, #tpu.memory_space<vmem>>)
    %add3A_1011 = arith.constant 10240 : i32
    %add3A_1012 = arith.addi %mul3A_2, %add3A_1011 : i32
    %dma_start3A_1013 = arith.constant 0 : i32
    %dma_start3A_1014 = arith.constant 0 : i32
    %dma_start3A_1015 = arith.constant 0 : i32
    %dma_start3A_1016 = tpu.memref_slice %arg6[%dma_start3A_1013, %dma_start3A_1014, %dma_start3A_1015] : memref<4x512x32xf32, #tpu.memory_space<vmem>> -> memref<1x512x32xf32, #tpu.memory_space<vmem>>
    %dma_start3A_1017 = tpu.memref_squeeze %dma_start3A_1016 : memref<1x512x32xf32, #tpu.memory_space<vmem>> -> memref<512x32xf32, #tpu.memory_space<vmem>>
    %dma_start3A_1018 = arith.constant 0 : i32
    %dma_start3A_1019 = tpu.memref_slice %arg4[%add3A_1012, %dma_start3A_1018] : memref<819200x32xf32, #tpu.memory_space<hbm>> -> memref<512x32xf32, #tpu.memory_space<hbm>>
    %dma_start3A_1020 = arith.constant 0 : i32
    %dma_start3A_1021 = tpu.memref_slice %arg4[%add3A_1012, %dma_start3A_1020] : memref<819200x32xf32, #tpu.memory_space<hbm>> -> memref<512x32xf32, #tpu.memory_space<hbm>>
    %dma_start3A_1022 = arith.constant 0 : i32
    %dma_start3A_1023 = arith.constant 0 : i32
    %dma_start3A_1024 = tpu.memref_slice %arg6[%dma_start3A_1013, %dma_start3A_1022, %dma_start3A_1023] : memref<4x512x32xf32, #tpu.memory_space<vmem>> -> memref<1x512x32xf32, #tpu.memory_space<vmem>>
    %dma_start3A_1025 = tpu.memref_squeeze %dma_start3A_1024 : memref<1x512x32xf32, #tpu.memory_space<vmem>> -> memref<512x32xf32, #tpu.memory_space<vmem>>
    tpu.enqueue_dma source(%dma_start3A_1025 : memref<512x32xf32, #tpu.memory_space<vmem>>) target(%dma_start3A_1021 : memref<512x32xf32, #tpu.memory_space<hbm>>) target_semaphore(%arg11 : memref<!tpu.dma_semaphore, #tpu.memory_space<semaphore_mem>>)
    %dma_wait3A_1026 = arith.constant 0 : i32
    %dma_wait3A_1027 = arith.constant 0 : i32
    %dma_wait3A_1028 = arith.constant 0 : i32
    %dma_wait3A_1029 = tpu.memref_slice %arg6[%dma_wait3A_1026, %dma_wait3A_1027, %dma_wait3A_1028] : memref<4x512x32xf32, #tpu.memory_space<vmem>> -> memref<1x512x32xf32, #tpu.memory_space<vmem>>
    %dma_wait3A_1030 = tpu.memref_squeeze %dma_wait3A_1029 : memref<1x512x32xf32, #tpu.memory_space<vmem>> -> memref<512x32xf32, #tpu.memory_space<vmem>>
    %dma_wait3A_1031 = arith.constant 0 : i32
    %dma_wait3A_1032 = tpu.memref_slice %arg4[%add3A_1012, %dma_wait3A_1031] : memref<819200x32xf32, #tpu.memory_space<hbm>> -> memref<512x32xf32, #tpu.memory_space<hbm>>
    %dma_wait3A_1033 = arith.constant 0 : i32
    %dma_wait3A_1034 = tpu.memref_slice %arg4[%add3A_1012, %dma_wait3A_1033] : memref<819200x32xf32, #tpu.memory_space<hbm>> -> memref<512x32xf32, #tpu.memory_space<hbm>>
    %dma_wait3A_1035 = arith.constant 0 : i32
    %dma_wait3A_1036 = arith.constant 0 : i32
    %dma_wait3A_1037 = tpu.memref_slice %arg6[%dma_wait3A_1026, %dma_wait3A_1035, %dma_wait3A_1036] : memref<4x512x32xf32, #tpu.memory_space<vmem>> -> memref<1x512x32xf32, #tpu.memory_space<vmem>>
    %dma_wait3A_1038 = tpu.memref_squeeze %dma_wait3A_1037 : memref<1x512x32xf32, #tpu.memory_space<vmem>> -> memref<512x32xf32, #tpu.memory_space<vmem>>
    tpu.wait_dma2 semaphore(%arg11 : memref<!tpu.dma_semaphore, #tpu.memory_space<semaphore_mem>>) src(%dma_wait3A_1038 : memref<512x32xf32, #tpu.memory_space<vmem>>) dst(%dma_wait3A_1034 : memref<512x32xf32, #tpu.memory_space<hbm>>)
    %dma_start3A_1039 = arith.constant 0 : i32
    %dma_start3A_1040 = arith.constant 0 : i32
    %dma_start3A_1041 = arith.constant 0 : i32
    %dma_start3A_1042 = tpu.memref_slice %arg6[%dma_start3A_1039, %dma_start3A_1040, %dma_start3A_1041] : memref<4x512x32xf32, #tpu.memory_space<vmem>> -> memref<1x512x32xf32, #tpu.memory_space<vmem>>
    %dma_start3A_1043 = tpu.memref_squeeze %dma_start3A_1042 : memref<1x512x32xf32, #tpu.memory_space<vmem>> -> memref<512x32xf32, #tpu.memory_space<vmem>>
    %dma_start3A_1044 = arith.constant 12288 : i32
    %dma_start3A_1045 = tpu.memref_slice %arg5[%dma_start3A_1044] : memref<25600xi32, #tpu.memory_space<vmem>> -> memref<512xi32, #tpu.memory_space<vmem>>
    %dma_start3A_1046 = arith.constant 0 : i32
    %dma_start3A_1047 = arith.constant 0 : i32
    %dma_start3A_1048 = tpu.memref_slice %arg3[%dma_start3A_1046, %dma_start3A_1047] : memref<1000000x32xf32, #tpu.memory_space<hbm>> -> memref<1000000x32xf32, #tpu.memory_space<hbm>>
    tpu.enqueue_indirect_dma source(%dma_start3A_1048 : memref<1000000x32xf32, #tpu.memory_space<hbm>>) target(%dma_start3A_1043 : memref<512x32xf32, #tpu.memory_space<vmem>>) offsets(%dma_start3A_1045 : memref<512xi32, #tpu.memory_space<vmem>>) semaphore(%arg7 : memref<!tpu.dma_semaphore, #tpu.memory_space<semaphore_mem>>)
    %dma_wait3A_1049 = arith.constant 1 : i32
    %dma_wait3A_1050 = arith.constant 0 : i32
    %dma_wait3A_1051 = arith.constant 0 : i32
    %dma_wait3A_1052 = tpu.memref_slice %arg6[%dma_wait3A_1049, %dma_wait3A_1050, %dma_wait3A_1051] : memref<4x512x32xf32, #tpu.memory_space<vmem>> -> memref<1x512x32xf32, #tpu.memory_space<vmem>>
    %dma_wait3A_1053 = tpu.memref_squeeze %dma_wait3A_1052 : memref<1x512x32xf32, #tpu.memory_space<vmem>> -> memref<512x32xf32, #tpu.memory_space<vmem>>
    %dma_wait3A_1054 = arith.constant 10752 : i32
    %dma_wait3A_1055 = tpu.memref_slice %arg5[%dma_wait3A_1054] : memref<25600xi32, #tpu.memory_space<vmem>> -> memref<512xi32, #tpu.memory_space<vmem>>
    %dma_wait3A_1056 = arith.constant 0 : i32
    %dma_wait3A_1057 = arith.constant 0 : i32
    %dma_wait3A_1058 = tpu.memref_slice %arg3[%dma_wait3A_1056, %dma_wait3A_1057] : memref<1000000x32xf32, #tpu.memory_space<hbm>> -> memref<1000000x32xf32, #tpu.memory_space<hbm>>
    tpu.wait_indirect_dma semaphore(%arg8 : memref<!tpu.dma_semaphore, #tpu.memory_space<semaphore_mem>>) src(%dma_wait3A_1058 : memref<1000000x32xf32, #tpu.memory_space<hbm>>) dst(%dma_wait3A_1053 : memref<512x32xf32, #tpu.memory_space<vmem>>)
    %add3A_1059 = arith.constant 10752 : i32
    %add3A_1060 = arith.addi %mul3A_2, %add3A_1059 : i32
    %dma_start3A_1061 = arith.constant 1 : i32
    %dma_start3A_1062 = arith.constant 0 : i32
    %dma_start3A_1063 = arith.constant 0 : i32
    %dma_start3A_1064 = tpu.memref_slice %arg6[%dma_start3A_1061, %dma_start3A_1062, %dma_start3A_1063] : memref<4x512x32xf32, #tpu.memory_space<vmem>> -> memref<1x512x32xf32, #tpu.memory_space<vmem>>
    %dma_start3A_1065 = tpu.memref_squeeze %dma_start3A_1064 : memref<1x512x32xf32, #tpu.memory_space<vmem>> -> memref<512x32xf32, #tpu.memory_space<vmem>>
    %dma_start3A_1066 = arith.constant 0 : i32
    %dma_start3A_1067 = tpu.memref_slice %arg4[%add3A_1060, %dma_start3A_1066] : memref<819200x32xf32, #tpu.memory_space<hbm>> -> memref<512x32xf32, #tpu.memory_space<hbm>>
    %dma_start3A_1068 = arith.constant 0 : i32
    %dma_start3A_1069 = tpu.memref_slice %arg4[%add3A_1060, %dma_start3A_1068] : memref<819200x32xf32, #tpu.memory_space<hbm>> -> memref<512x32xf32, #tpu.memory_space<hbm>>
    %dma_start3A_1070 = arith.constant 0 : i32
    %dma_start3A_1071 = arith.constant 0 : i32
    %dma_start3A_1072 = tpu.memref_slice %arg6[%dma_start3A_1061, %dma_start3A_1070, %dma_start3A_1071] : memref<4x512x32xf32, #tpu.memory_space<vmem>> -> memref<1x512x32xf32, #tpu.memory_space<vmem>>
    %dma_start3A_1073 = tpu.memref_squeeze %dma_start3A_1072 : memref<1x512x32xf32, #tpu.memory_space<vmem>> -> memref<512x32xf32, #tpu.memory_space<vmem>>
    tpu.enqueue_dma source(%dma_start3A_1073 : memref<512x32xf32, #tpu.memory_space<vmem>>) target(%dma_start3A_1069 : memref<512x32xf32, #tpu.memory_space<hbm>>) target_semaphore(%arg12 : memref<!tpu.dma_semaphore, #tpu.memory_space<semaphore_mem>>)
    %dma_wait3A_1074 = arith.constant 1 : i32
    %dma_wait3A_1075 = arith.constant 0 : i32
    %dma_wait3A_1076 = arith.constant 0 : i32
    %dma_wait3A_1077 = tpu.memref_slice %arg6[%dma_wait3A_1074, %dma_wait3A_1075, %dma_wait3A_1076] : memref<4x512x32xf32, #tpu.memory_space<vmem>> -> memref<1x512x32xf32, #tpu.memory_space<vmem>>
    %dma_wait3A_1078 = tpu.memref_squeeze %dma_wait3A_1077 : memref<1x512x32xf32, #tpu.memory_space<vmem>> -> memref<512x32xf32, #tpu.memory_space<vmem>>
    %dma_wait3A_1079 = arith.constant 0 : i32
    %dma_wait3A_1080 = tpu.memref_slice %arg4[%add3A_1060, %dma_wait3A_1079] : memref<819200x32xf32, #tpu.memory_space<hbm>> -> memref<512x32xf32, #tpu.memory_space<hbm>>
    %dma_wait3A_1081 = arith.constant 0 : i32
    %dma_wait3A_1082 = tpu.memref_slice %arg4[%add3A_1060, %dma_wait3A_1081] : memref<819200x32xf32, #tpu.memory_space<hbm>> -> memref<512x32xf32, #tpu.memory_space<hbm>>
    %dma_wait3A_1083 = arith.constant 0 : i32
    %dma_wait3A_1084 = arith.constant 0 : i32
    %dma_wait3A_1085 = tpu.memref_slice %arg6[%dma_wait3A_1074, %dma_wait3A_1083, %dma_wait3A_1084] : memref<4x512x32xf32, #tpu.memory_space<vmem>> -> memref<1x512x32xf32, #tpu.memory_space<vmem>>
    %dma_wait3A_1086 = tpu.memref_squeeze %dma_wait3A_1085 : memref<1x512x32xf32, #tpu.memory_space<vmem>> -> memref<512x32xf32, #tpu.memory_space<vmem>>
    tpu.wait_dma2 semaphore(%arg12 : memref<!tpu.dma_semaphore, #tpu.memory_space<semaphore_mem>>) src(%dma_wait3A_1086 : memref<512x32xf32, #tpu.memory_space<vmem>>) dst(%dma_wait3A_1082 : memref<512x32xf32, #tpu.memory_space<hbm>>)
    %dma_start3A_1087 = arith.constant 1 : i32
    %dma_start3A_1088 = arith.constant 0 : i32
    %dma_start3A_1089 = arith.constant 0 : i32
    %dma_start3A_1090 = tpu.memref_slice %arg6[%dma_start3A_1087, %dma_start3A_1088, %dma_start3A_1089] : memref<4x512x32xf32, #tpu.memory_space<vmem>> -> memref<1x512x32xf32, #tpu.memory_space<vmem>>
    %dma_start3A_1091 = tpu.memref_squeeze %dma_start3A_1090 : memref<1x512x32xf32, #tpu.memory_space<vmem>> -> memref<512x32xf32, #tpu.memory_space<vmem>>
    %dma_start3A_1092 = arith.constant 12800 : i32
    %dma_start3A_1093 = tpu.memref_slice %arg5[%dma_start3A_1092] : memref<25600xi32, #tpu.memory_space<vmem>> -> memref<512xi32, #tpu.memory_space<vmem>>
    %dma_start3A_1094 = arith.constant 0 : i32
    %dma_start3A_1095 = arith.constant 0 : i32
    %dma_start3A_1096 = tpu.memref_slice %arg3[%dma_start3A_1094, %dma_start3A_1095] : memref<1000000x32xf32, #tpu.memory_space<hbm>> -> memref<1000000x32xf32, #tpu.memory_space<hbm>>
    tpu.enqueue_indirect_dma source(%dma_start3A_1096 : memref<1000000x32xf32, #tpu.memory_space<hbm>>) target(%dma_start3A_1091 : memref<512x32xf32, #tpu.memory_space<vmem>>) offsets(%dma_start3A_1093 : memref<512xi32, #tpu.memory_space<vmem>>) semaphore(%arg8 : memref<!tpu.dma_semaphore, #tpu.memory_space<semaphore_mem>>)
    %dma_wait3A_1097 = arith.constant 2 : i32
    %dma_wait3A_1098 = arith.constant 0 : i32
    %dma_wait3A_1099 = arith.constant 0 : i32
    %dma_wait3A_1100 = tpu.memref_slice %arg6[%dma_wait3A_1097, %dma_wait3A_1098, %dma_wait3A_1099] : memref<4x512x32xf32, #tpu.memory_space<vmem>> -> memref<1x512x32xf32, #tpu.memory_space<vmem>>
    %dma_wait3A_1101 = tpu.memref_squeeze %dma_wait3A_1100 : memref<1x512x32xf32, #tpu.memory_space<vmem>> -> memref<512x32xf32, #tpu.memory_space<vmem>>
    %dma_wait3A_1102 = arith.constant 11264 : i32
    %dma_wait3A_1103 = tpu.memref_slice %arg5[%dma_wait3A_1102] : memref<25600xi32, #tpu.memory_space<vmem>> -> memref<512xi32, #tpu.memory_space<vmem>>
    %dma_wait3A_1104 = arith.constant 0 : i32
    %dma_wait3A_1105 = arith.constant 0 : i32
    %dma_wait3A_1106 = tpu.memref_slice %arg3[%dma_wait3A_1104, %dma_wait3A_1105] : memref<1000000x32xf32, #tpu.memory_space<hbm>> -> memref<1000000x32xf32, #tpu.memory_space<hbm>>
    tpu.wait_indirect_dma semaphore(%arg9 : memref<!tpu.dma_semaphore, #tpu.memory_space<semaphore_mem>>) src(%dma_wait3A_1106 : memref<1000000x32xf32, #tpu.memory_space<hbm>>) dst(%dma_wait3A_1101 : memref<512x32xf32, #tpu.memory_space<vmem>>)
    %add3A_1107 = arith.constant 11264 : i32
    %add3A_1108 = arith.addi %mul3A_2, %add3A_1107 : i32
    %dma_start3A_1109 = arith.constant 2 : i32
    %dma_start3A_1110 = arith.constant 0 : i32
    %dma_start3A_1111 = arith.constant 0 : i32
    %dma_start3A_1112 = tpu.memref_slice %arg6[%dma_start3A_1109, %dma_start3A_1110, %dma_start3A_1111] : memref<4x512x32xf32, #tpu.memory_space<vmem>> -> memref<1x512x32xf32, #tpu.memory_space<vmem>>
    %dma_start3A_1113 = tpu.memref_squeeze %dma_start3A_1112 : memref<1x512x32xf32, #tpu.memory_space<vmem>> -> memref<512x32xf32, #tpu.memory_space<vmem>>
    %dma_start3A_1114 = arith.constant 0 : i32
    %dma_start3A_1115 = tpu.memref_slice %arg4[%add3A_1108, %dma_start3A_1114] : memref<819200x32xf32, #tpu.memory_space<hbm>> -> memref<512x32xf32, #tpu.memory_space<hbm>>
    %dma_start3A_1116 = arith.constant 0 : i32
    %dma_start3A_1117 = tpu.memref_slice %arg4[%add3A_1108, %dma_start3A_1116] : memref<819200x32xf32, #tpu.memory_space<hbm>> -> memref<512x32xf32, #tpu.memory_space<hbm>>
    %dma_start3A_1118 = arith.constant 0 : i32
    %dma_start3A_1119 = arith.constant 0 : i32
    %dma_start3A_1120 = tpu.memref_slice %arg6[%dma_start3A_1109, %dma_start3A_1118, %dma_start3A_1119] : memref<4x512x32xf32, #tpu.memory_space<vmem>> -> memref<1x512x32xf32, #tpu.memory_space<vmem>>
    %dma_start3A_1121 = tpu.memref_squeeze %dma_start3A_1120 : memref<1x512x32xf32, #tpu.memory_space<vmem>> -> memref<512x32xf32, #tpu.memory_space<vmem>>
    tpu.enqueue_dma source(%dma_start3A_1121 : memref<512x32xf32, #tpu.memory_space<vmem>>) target(%dma_start3A_1117 : memref<512x32xf32, #tpu.memory_space<hbm>>) target_semaphore(%arg13 : memref<!tpu.dma_semaphore, #tpu.memory_space<semaphore_mem>>)
    %dma_wait3A_1122 = arith.constant 2 : i32
    %dma_wait3A_1123 = arith.constant 0 : i32
    %dma_wait3A_1124 = arith.constant 0 : i32
    %dma_wait3A_1125 = tpu.memref_slice %arg6[%dma_wait3A_1122, %dma_wait3A_1123, %dma_wait3A_1124] : memref<4x512x32xf32, #tpu.memory_space<vmem>> -> memref<1x512x32xf32, #tpu.memory_space<vmem>>
    %dma_wait3A_1126 = tpu.memref_squeeze %dma_wait3A_1125 : memref<1x512x32xf32, #tpu.memory_space<vmem>> -> memref<512x32xf32, #tpu.memory_space<vmem>>
    %dma_wait3A_1127 = arith.constant 0 : i32
    %dma_wait3A_1128 = tpu.memref_slice %arg4[%add3A_1108, %dma_wait3A_1127] : memref<819200x32xf32, #tpu.memory_space<hbm>> -> memref<512x32xf32, #tpu.memory_space<hbm>>
    %dma_wait3A_1129 = arith.constant 0 : i32
    %dma_wait3A_1130 = tpu.memref_slice %arg4[%add3A_1108, %dma_wait3A_1129] : memref<819200x32xf32, #tpu.memory_space<hbm>> -> memref<512x32xf32, #tpu.memory_space<hbm>>
    %dma_wait3A_1131 = arith.constant 0 : i32
    %dma_wait3A_1132 = arith.constant 0 : i32
    %dma_wait3A_1133 = tpu.memref_slice %arg6[%dma_wait3A_1122, %dma_wait3A_1131, %dma_wait3A_1132] : memref<4x512x32xf32, #tpu.memory_space<vmem>> -> memref<1x512x32xf32, #tpu.memory_space<vmem>>
    %dma_wait3A_1134 = tpu.memref_squeeze %dma_wait3A_1133 : memref<1x512x32xf32, #tpu.memory_space<vmem>> -> memref<512x32xf32, #tpu.memory_space<vmem>>
    tpu.wait_dma2 semaphore(%arg13 : memref<!tpu.dma_semaphore, #tpu.memory_space<semaphore_mem>>) src(%dma_wait3A_1134 : memref<512x32xf32, #tpu.memory_space<vmem>>) dst(%dma_wait3A_1130 : memref<512x32xf32, #tpu.memory_space<hbm>>)
    %dma_start3A_1135 = arith.constant 2 : i32
    %dma_start3A_1136 = arith.constant 0 : i32
    %dma_start3A_1137 = arith.constant 0 : i32
    %dma_start3A_1138 = tpu.memref_slice %arg6[%dma_start3A_1135, %dma_start3A_1136, %dma_start3A_1137] : memref<4x512x32xf32, #tpu.memory_space<vmem>> -> memref<1x512x32xf32, #tpu.memory_space<vmem>>
    %dma_start3A_1139 = tpu.memref_squeeze %dma_start3A_1138 : memref<1x512x32xf32, #tpu.memory_space<vmem>> -> memref<512x32xf32, #tpu.memory_space<vmem>>
    %dma_start3A_1140 = arith.constant 13312 : i32
    %dma_start3A_1141 = tpu.memref_slice %arg5[%dma_start3A_1140] : memref<25600xi32, #tpu.memory_space<vmem>> -> memref<512xi32, #tpu.memory_space<vmem>>
    %dma_start3A_1142 = arith.constant 0 : i32
    %dma_start3A_1143 = arith.constant 0 : i32
    %dma_start3A_1144 = tpu.memref_slice %arg3[%dma_start3A_1142, %dma_start3A_1143] : memref<1000000x32xf32, #tpu.memory_space<hbm>> -> memref<1000000x32xf32, #tpu.memory_space<hbm>>
    tpu.enqueue_indirect_dma source(%dma_start3A_1144 : memref<1000000x32xf32, #tpu.memory_space<hbm>>) target(%dma_start3A_1139 : memref<512x32xf32, #tpu.memory_space<vmem>>) offsets(%dma_start3A_1141 : memref<512xi32, #tpu.memory_space<vmem>>) semaphore(%arg9 : memref<!tpu.dma_semaphore, #tpu.memory_space<semaphore_mem>>)
    %dma_wait3A_1145 = arith.constant 3 : i32
    %dma_wait3A_1146 = arith.constant 0 : i32
    %dma_wait3A_1147 = arith.constant 0 : i32
    %dma_wait3A_1148 = tpu.memref_slice %arg6[%dma_wait3A_1145, %dma_wait3A_1146, %dma_wait3A_1147] : memref<4x512x32xf32, #tpu.memory_space<vmem>> -> memref<1x512x32xf32, #tpu.memory_space<vmem>>
    %dma_wait3A_1149 = tpu.memref_squeeze %dma_wait3A_1148 : memref<1x512x32xf32, #tpu.memory_space<vmem>> -> memref<512x32xf32, #tpu.memory_space<vmem>>
    %dma_wait3A_1150 = arith.constant 11776 : i32
    %dma_wait3A_1151 = tpu.memref_slice %arg5[%dma_wait3A_1150] : memref<25600xi32, #tpu.memory_space<vmem>> -> memref<512xi32, #tpu.memory_space<vmem>>
    %dma_wait3A_1152 = arith.constant 0 : i32
    %dma_wait3A_1153 = arith.constant 0 : i32
    %dma_wait3A_1154 = tpu.memref_slice %arg3[%dma_wait3A_1152, %dma_wait3A_1153] : memref<1000000x32xf32, #tpu.memory_space<hbm>> -> memref<1000000x32xf32, #tpu.memory_space<hbm>>
    tpu.wait_indirect_dma semaphore(%arg10 : memref<!tpu.dma_semaphore, #tpu.memory_space<semaphore_mem>>) src(%dma_wait3A_1154 : memref<1000000x32xf32, #tpu.memory_space<hbm>>) dst(%dma_wait3A_1149 : memref<512x32xf32, #tpu.memory_space<vmem>>)
    %add3A_1155 = arith.constant 11776 : i32
    %add3A_1156 = arith.addi %mul3A_2, %add3A_1155 : i32
    %dma_start3A_1157 = arith.constant 3 : i32
    %dma_start3A_1158 = arith.constant 0 : i32
    %dma_start3A_1159 = arith.constant 0 : i32
    %dma_start3A_1160 = tpu.memref_slice %arg6[%dma_start3A_1157, %dma_start3A_1158, %dma_start3A_1159] : memref<4x512x32xf32, #tpu.memory_space<vmem>> -> memref<1x512x32xf32, #tpu.memory_space<vmem>>
    %dma_start3A_1161 = tpu.memref_squeeze %dma_start3A_1160 : memref<1x512x32xf32, #tpu.memory_space<vmem>> -> memref<512x32xf32, #tpu.memory_space<vmem>>
    %dma_start3A_1162 = arith.constant 0 : i32
    %dma_start3A_1163 = tpu.memref_slice %arg4[%add3A_1156, %dma_start3A_1162] : memref<819200x32xf32, #tpu.memory_space<hbm>> -> memref<512x32xf32, #tpu.memory_space<hbm>>
    %dma_start3A_1164 = arith.constant 0 : i32
    %dma_start3A_1165 = tpu.memref_slice %arg4[%add3A_1156, %dma_start3A_1164] : memref<819200x32xf32, #tpu.memory_space<hbm>> -> memref<512x32xf32, #tpu.memory_space<hbm>>
    %dma_start3A_1166 = arith.constant 0 : i32
    %dma_start3A_1167 = arith.constant 0 : i32
    %dma_start3A_1168 = tpu.memref_slice %arg6[%dma_start3A_1157, %dma_start3A_1166, %dma_start3A_1167] : memref<4x512x32xf32, #tpu.memory_space<vmem>> -> memref<1x512x32xf32, #tpu.memory_space<vmem>>
    %dma_start3A_1169 = tpu.memref_squeeze %dma_start3A_1168 : memref<1x512x32xf32, #tpu.memory_space<vmem>> -> memref<512x32xf32, #tpu.memory_space<vmem>>
    tpu.enqueue_dma source(%dma_start3A_1169 : memref<512x32xf32, #tpu.memory_space<vmem>>) target(%dma_start3A_1165 : memref<512x32xf32, #tpu.memory_space<hbm>>) target_semaphore(%arg14 : memref<!tpu.dma_semaphore, #tpu.memory_space<semaphore_mem>>)
    %dma_wait3A_1170 = arith.constant 3 : i32
    %dma_wait3A_1171 = arith.constant 0 : i32
    %dma_wait3A_1172 = arith.constant 0 : i32
    %dma_wait3A_1173 = tpu.memref_slice %arg6[%dma_wait3A_1170, %dma_wait3A_1171, %dma_wait3A_1172] : memref<4x512x32xf32, #tpu.memory_space<vmem>> -> memref<1x512x32xf32, #tpu.memory_space<vmem>>
    %dma_wait3A_1174 = tpu.memref_squeeze %dma_wait3A_1173 : memref<1x512x32xf32, #tpu.memory_space<vmem>> -> memref<512x32xf32, #tpu.memory_space<vmem>>
    %dma_wait3A_1175 = arith.constant 0 : i32
    %dma_wait3A_1176 = tpu.memref_slice %arg4[%add3A_1156, %dma_wait3A_1175] : memref<819200x32xf32, #tpu.memory_space<hbm>> -> memref<512x32xf32, #tpu.memory_space<hbm>>
    %dma_wait3A_1177 = arith.constant 0 : i32
    %dma_wait3A_1178 = tpu.memref_slice %arg4[%add3A_1156, %dma_wait3A_1177] : memref<819200x32xf32, #tpu.memory_space<hbm>> -> memref<512x32xf32, #tpu.memory_space<hbm>>
    %dma_wait3A_1179 = arith.constant 0 : i32
    %dma_wait3A_1180 = arith.constant 0 : i32
    %dma_wait3A_1181 = tpu.memref_slice %arg6[%dma_wait3A_1170, %dma_wait3A_1179, %dma_wait3A_1180] : memref<4x512x32xf32, #tpu.memory_space<vmem>> -> memref<1x512x32xf32, #tpu.memory_space<vmem>>
    %dma_wait3A_1182 = tpu.memref_squeeze %dma_wait3A_1181 : memref<1x512x32xf32, #tpu.memory_space<vmem>> -> memref<512x32xf32, #tpu.memory_space<vmem>>
    tpu.wait_dma2 semaphore(%arg14 : memref<!tpu.dma_semaphore, #tpu.memory_space<semaphore_mem>>) src(%dma_wait3A_1182 : memref<512x32xf32, #tpu.memory_space<vmem>>) dst(%dma_wait3A_1178 : memref<512x32xf32, #tpu.memory_space<hbm>>)
    %dma_start3A_1183 = arith.constant 3 : i32
    %dma_start3A_1184 = arith.constant 0 : i32
    %dma_start3A_1185 = arith.constant 0 : i32
    %dma_start3A_1186 = tpu.memref_slice %arg6[%dma_start3A_1183, %dma_start3A_1184, %dma_start3A_1185] : memref<4x512x32xf32, #tpu.memory_space<vmem>> -> memref<1x512x32xf32, #tpu.memory_space<vmem>>
    %dma_start3A_1187 = tpu.memref_squeeze %dma_start3A_1186 : memref<1x512x32xf32, #tpu.memory_space<vmem>> -> memref<512x32xf32, #tpu.memory_space<vmem>>
    %dma_start3A_1188 = arith.constant 13824 : i32
    %dma_start3A_1189 = tpu.memref_slice %arg5[%dma_start3A_1188] : memref<25600xi32, #tpu.memory_space<vmem>> -> memref<512xi32, #tpu.memory_space<vmem>>
    %dma_start3A_1190 = arith.constant 0 : i32
    %dma_start3A_1191 = arith.constant 0 : i32
    %dma_start3A_1192 = tpu.memref_slice %arg3[%dma_start3A_1190, %dma_start3A_1191] : memref<1000000x32xf32, #tpu.memory_space<hbm>> -> memref<1000000x32xf32, #tpu.memory_space<hbm>>
    tpu.enqueue_indirect_dma source(%dma_start3A_1192 : memref<1000000x32xf32, #tpu.memory_space<hbm>>) target(%dma_start3A_1187 : memref<512x32xf32, #tpu.memory_space<vmem>>) offsets(%dma_start3A_1189 : memref<512xi32, #tpu.memory_space<vmem>>) semaphore(%arg10 : memref<!tpu.dma_semaphore, #tpu.memory_space<semaphore_mem>>)
    %dma_wait3A_1193 = arith.constant 0 : i32
    %dma_wait3A_1194 = arith.constant 0 : i32
    %dma_wait3A_1195 = arith.constant 0 : i32
    %dma_wait3A_1196 = tpu.memref_slice %arg6[%dma_wait3A_1193, %dma_wait3A_1194, %dma_wait3A_1195] : memref<4x512x32xf32, #tpu.memory_space<vmem>> -> memref<1x512x32xf32, #tpu.memory_space<vmem>>
    %dma_wait3A_1197 = tpu.memref_squeeze %dma_wait3A_1196 : memref<1x512x32xf32, #tpu.memory_space<vmem>> -> memref<512x32xf32, #tpu.memory_space<vmem>>
    %dma_wait3A_1198 = arith.constant 12288 : i32
    %dma_wait3A_1199 = tpu.memref_slice %arg5[%dma_wait3A_1198] : memref<25600xi32, #tpu.memory_space<vmem>> -> memref<512xi32, #tpu.memory_space<vmem>>
    %dma_wait3A_1200 = arith.constant 0 : i32
    %dma_wait3A_1201 = arith.constant 0 : i32
    %dma_wait3A_1202 = tpu.memref_slice %arg3[%dma_wait3A_1200, %dma_wait3A_1201] : memref<1000000x32xf32, #tpu.memory_space<hbm>> -> memref<1000000x32xf32, #tpu.memory_space<hbm>>
    tpu.wait_indirect_dma semaphore(%arg7 : memref<!tpu.dma_semaphore, #tpu.memory_space<semaphore_mem>>) src(%dma_wait3A_1202 : memref<1000000x32xf32, #tpu.memory_space<hbm>>) dst(%dma_wait3A_1197 : memref<512x32xf32, #tpu.memory_space<vmem>>)
    %add3A_1203 = arith.constant 12288 : i32
    %add3A_1204 = arith.addi %mul3A_2, %add3A_1203 : i32
    %dma_start3A_1205 = arith.constant 0 : i32
    %dma_start3A_1206 = arith.constant 0 : i32
    %dma_start3A_1207 = arith.constant 0 : i32
    %dma_start3A_1208 = tpu.memref_slice %arg6[%dma_start3A_1205, %dma_start3A_1206, %dma_start3A_1207] : memref<4x512x32xf32, #tpu.memory_space<vmem>> -> memref<1x512x32xf32, #tpu.memory_space<vmem>>
    %dma_start3A_1209 = tpu.memref_squeeze %dma_start3A_1208 : memref<1x512x32xf32, #tpu.memory_space<vmem>> -> memref<512x32xf32, #tpu.memory_space<vmem>>
    %dma_start3A_1210 = arith.constant 0 : i32
    %dma_start3A_1211 = tpu.memref_slice %arg4[%add3A_1204, %dma_start3A_1210] : memref<819200x32xf32, #tpu.memory_space<hbm>> -> memref<512x32xf32, #tpu.memory_space<hbm>>
    %dma_start3A_1212 = arith.constant 0 : i32
    %dma_start3A_1213 = tpu.memref_slice %arg4[%add3A_1204, %dma_start3A_1212] : memref<819200x32xf32, #tpu.memory_space<hbm>> -> memref<512x32xf32, #tpu.memory_space<hbm>>
    %dma_start3A_1214 = arith.constant 0 : i32
    %dma_start3A_1215 = arith.constant 0 : i32
    %dma_start3A_1216 = tpu.memref_slice %arg6[%dma_start3A_1205, %dma_start3A_1214, %dma_start3A_1215] : memref<4x512x32xf32, #tpu.memory_space<vmem>> -> memref<1x512x32xf32, #tpu.memory_space<vmem>>
    %dma_start3A_1217 = tpu.memref_squeeze %dma_start3A_1216 : memref<1x512x32xf32, #tpu.memory_space<vmem>> -> memref<512x32xf32, #tpu.memory_space<vmem>>
    tpu.enqueue_dma source(%dma_start3A_1217 : memref<512x32xf32, #tpu.memory_space<vmem>>) target(%dma_start3A_1213 : memref<512x32xf32, #tpu.memory_space<hbm>>) target_semaphore(%arg11 : memref<!tpu.dma_semaphore, #tpu.memory_space<semaphore_mem>>)
    %dma_wait3A_1218 = arith.constant 0 : i32
    %dma_wait3A_1219 = arith.constant 0 : i32
    %dma_wait3A_1220 = arith.constant 0 : i32
    %dma_wait3A_1221 = tpu.memref_slice %arg6[%dma_wait3A_1218, %dma_wait3A_1219, %dma_wait3A_1220] : memref<4x512x32xf32, #tpu.memory_space<vmem>> -> memref<1x512x32xf32, #tpu.memory_space<vmem>>
    %dma_wait3A_1222 = tpu.memref_squeeze %dma_wait3A_1221 : memref<1x512x32xf32, #tpu.memory_space<vmem>> -> memref<512x32xf32, #tpu.memory_space<vmem>>
    %dma_wait3A_1223 = arith.constant 0 : i32
    %dma_wait3A_1224 = tpu.memref_slice %arg4[%add3A_1204, %dma_wait3A_1223] : memref<819200x32xf32, #tpu.memory_space<hbm>> -> memref<512x32xf32, #tpu.memory_space<hbm>>
    %dma_wait3A_1225 = arith.constant 0 : i32
    %dma_wait3A_1226 = tpu.memref_slice %arg4[%add3A_1204, %dma_wait3A_1225] : memref<819200x32xf32, #tpu.memory_space<hbm>> -> memref<512x32xf32, #tpu.memory_space<hbm>>
    %dma_wait3A_1227 = arith.constant 0 : i32
    %dma_wait3A_1228 = arith.constant 0 : i32
    %dma_wait3A_1229 = tpu.memref_slice %arg6[%dma_wait3A_1218, %dma_wait3A_1227, %dma_wait3A_1228] : memref<4x512x32xf32, #tpu.memory_space<vmem>> -> memref<1x512x32xf32, #tpu.memory_space<vmem>>
    %dma_wait3A_1230 = tpu.memref_squeeze %dma_wait3A_1229 : memref<1x512x32xf32, #tpu.memory_space<vmem>> -> memref<512x32xf32, #tpu.memory_space<vmem>>
    tpu.wait_dma2 semaphore(%arg11 : memref<!tpu.dma_semaphore, #tpu.memory_space<semaphore_mem>>) src(%dma_wait3A_1230 : memref<512x32xf32, #tpu.memory_space<vmem>>) dst(%dma_wait3A_1226 : memref<512x32xf32, #tpu.memory_space<hbm>>)
    %dma_start3A_1231 = arith.constant 0 : i32
    %dma_start3A_1232 = arith.constant 0 : i32
    %dma_start3A_1233 = arith.constant 0 : i32
    %dma_start3A_1234 = tpu.memref_slice %arg6[%dma_start3A_1231, %dma_start3A_1232, %dma_start3A_1233] : memref<4x512x32xf32, #tpu.memory_space<vmem>> -> memref<1x512x32xf32, #tpu.memory_space<vmem>>
    %dma_start3A_1235 = tpu.memref_squeeze %dma_start3A_1234 : memref<1x512x32xf32, #tpu.memory_space<vmem>> -> memref<512x32xf32, #tpu.memory_space<vmem>>
    %dma_start3A_1236 = arith.constant 14336 : i32
    %dma_start3A_1237 = tpu.memref_slice %arg5[%dma_start3A_1236] : memref<25600xi32, #tpu.memory_space<vmem>> -> memref<512xi32, #tpu.memory_space<vmem>>
    %dma_start3A_1238 = arith.constant 0 : i32
    %dma_start3A_1239 = arith.constant 0 : i32
    %dma_start3A_1240 = tpu.memref_slice %arg3[%dma_start3A_1238, %dma_start3A_1239] : memref<1000000x32xf32, #tpu.memory_space<hbm>> -> memref<1000000x32xf32, #tpu.memory_space<hbm>>
    tpu.enqueue_indirect_dma source(%dma_start3A_1240 : memref<1000000x32xf32, #tpu.memory_space<hbm>>) target(%dma_start3A_1235 : memref<512x32xf32, #tpu.memory_space<vmem>>) offsets(%dma_start3A_1237 : memref<512xi32, #tpu.memory_space<vmem>>) semaphore(%arg7 : memref<!tpu.dma_semaphore, #tpu.memory_space<semaphore_mem>>)
    %dma_wait3A_1241 = arith.constant 1 : i32
    %dma_wait3A_1242 = arith.constant 0 : i32
    %dma_wait3A_1243 = arith.constant 0 : i32
    %dma_wait3A_1244 = tpu.memref_slice %arg6[%dma_wait3A_1241, %dma_wait3A_1242, %dma_wait3A_1243] : memref<4x512x32xf32, #tpu.memory_space<vmem>> -> memref<1x512x32xf32, #tpu.memory_space<vmem>>
    %dma_wait3A_1245 = tpu.memref_squeeze %dma_wait3A_1244 : memref<1x512x32xf32, #tpu.memory_space<vmem>> -> memref<512x32xf32, #tpu.memory_space<vmem>>
    %dma_wait3A_1246 = arith.constant 12800 : i32
    %dma_wait3A_1247 = tpu.memref_slice %arg5[%dma_wait3A_1246] : memref<25600xi32, #tpu.memory_space<vmem>> -> memref<512xi32, #tpu.memory_space<vmem>>
    %dma_wait3A_1248 = arith.constant 0 : i32
    %dma_wait3A_1249 = arith.constant 0 : i32
    %dma_wait3A_1250 = tpu.memref_slice %arg3[%dma_wait3A_1248, %dma_wait3A_1249] : memref<1000000x32xf32, #tpu.memory_space<hbm>> -> memref<1000000x32xf32, #tpu.memory_space<hbm>>
    tpu.wait_indirect_dma semaphore(%arg8 : memref<!tpu.dma_semaphore, #tpu.memory_space<semaphore_mem>>) src(%dma_wait3A_1250 : memref<1000000x32xf32, #tpu.memory_space<hbm>>) dst(%dma_wait3A_1245 : memref<512x32xf32, #tpu.memory_space<vmem>>)
    %add3A_1251 = arith.constant 12800 : i32
    %add3A_1252 = arith.addi %mul3A_2, %add3A_1251 : i32
    %dma_start3A_1253 = arith.constant 1 : i32
    %dma_start3A_1254 = arith.constant 0 : i32
    %dma_start3A_1255 = arith.constant 0 : i32
    %dma_start3A_1256 = tpu.memref_slice %arg6[%dma_start3A_1253, %dma_start3A_1254, %dma_start3A_1255] : memref<4x512x32xf32, #tpu.memory_space<vmem>> -> memref<1x512x32xf32, #tpu.memory_space<vmem>>
    %dma_start3A_1257 = tpu.memref_squeeze %dma_start3A_1256 : memref<1x512x32xf32, #tpu.memory_space<vmem>> -> memref<512x32xf32, #tpu.memory_space<vmem>>
    %dma_start3A_1258 = arith.constant 0 : i32
    %dma_start3A_1259 = tpu.memref_slice %arg4[%add3A_1252, %dma_start3A_1258] : memref<819200x32xf32, #tpu.memory_space<hbm>> -> memref<512x32xf32, #tpu.memory_space<hbm>>
    %dma_start3A_1260 = arith.constant 0 : i32
    %dma_start3A_1261 = tpu.memref_slice %arg4[%add3A_1252, %dma_start3A_1260] : memref<819200x32xf32, #tpu.memory_space<hbm>> -> memref<512x32xf32, #tpu.memory_space<hbm>>
    %dma_start3A_1262 = arith.constant 0 : i32
    %dma_start3A_1263 = arith.constant 0 : i32
    %dma_start3A_1264 = tpu.memref_slice %arg6[%dma_start3A_1253, %dma_start3A_1262, %dma_start3A_1263] : memref<4x512x32xf32, #tpu.memory_space<vmem>> -> memref<1x512x32xf32, #tpu.memory_space<vmem>>
    %dma_start3A_1265 = tpu.memref_squeeze %dma_start3A_1264 : memref<1x512x32xf32, #tpu.memory_space<vmem>> -> memref<512x32xf32, #tpu.memory_space<vmem>>
    tpu.enqueue_dma source(%dma_start3A_1265 : memref<512x32xf32, #tpu.memory_space<vmem>>) target(%dma_start3A_1261 : memref<512x32xf32, #tpu.memory_space<hbm>>) target_semaphore(%arg12 : memref<!tpu.dma_semaphore, #tpu.memory_space<semaphore_mem>>)
    %dma_wait3A_1266 = arith.constant 1 : i32
    %dma_wait3A_1267 = arith.constant 0 : i32
    %dma_wait3A_1268 = arith.constant 0 : i32
    %dma_wait3A_1269 = tpu.memref_slice %arg6[%dma_wait3A_1266, %dma_wait3A_1267, %dma_wait3A_1268] : memref<4x512x32xf32, #tpu.memory_space<vmem>> -> memref<1x512x32xf32, #tpu.memory_space<vmem>>
    %dma_wait3A_1270 = tpu.memref_squeeze %dma_wait3A_1269 : memref<1x512x32xf32, #tpu.memory_space<vmem>> -> memref<512x32xf32, #tpu.memory_space<vmem>>
    %dma_wait3A_1271 = arith.constant 0 : i32
    %dma_wait3A_1272 = tpu.memref_slice %arg4[%add3A_1252, %dma_wait3A_1271] : memref<819200x32xf32, #tpu.memory_space<hbm>> -> memref<512x32xf32, #tpu.memory_space<hbm>>
    %dma_wait3A_1273 = arith.constant 0 : i32
    %dma_wait3A_1274 = tpu.memref_slice %arg4[%add3A_1252, %dma_wait3A_1273] : memref<819200x32xf32, #tpu.memory_space<hbm>> -> memref<512x32xf32, #tpu.memory_space<hbm>>
    %dma_wait3A_1275 = arith.constant 0 : i32
    %dma_wait3A_1276 = arith.constant 0 : i32
    %dma_wait3A_1277 = tpu.memref_slice %arg6[%dma_wait3A_1266, %dma_wait3A_1275, %dma_wait3A_1276] : memref<4x512x32xf32, #tpu.memory_space<vmem>> -> memref<1x512x32xf32, #tpu.memory_space<vmem>>
    %dma_wait3A_1278 = tpu.memref_squeeze %dma_wait3A_1277 : memref<1x512x32xf32, #tpu.memory_space<vmem>> -> memref<512x32xf32, #tpu.memory_space<vmem>>
    tpu.wait_dma2 semaphore(%arg12 : memref<!tpu.dma_semaphore, #tpu.memory_space<semaphore_mem>>) src(%dma_wait3A_1278 : memref<512x32xf32, #tpu.memory_space<vmem>>) dst(%dma_wait3A_1274 : memref<512x32xf32, #tpu.memory_space<hbm>>)
    %dma_start3A_1279 = arith.constant 1 : i32
    %dma_start3A_1280 = arith.constant 0 : i32
    %dma_start3A_1281 = arith.constant 0 : i32
    %dma_start3A_1282 = tpu.memref_slice %arg6[%dma_start3A_1279, %dma_start3A_1280, %dma_start3A_1281] : memref<4x512x32xf32, #tpu.memory_space<vmem>> -> memref<1x512x32xf32, #tpu.memory_space<vmem>>
    %dma_start3A_1283 = tpu.memref_squeeze %dma_start3A_1282 : memref<1x512x32xf32, #tpu.memory_space<vmem>> -> memref<512x32xf32, #tpu.memory_space<vmem>>
    %dma_start3A_1284 = arith.constant 14848 : i32
    %dma_start3A_1285 = tpu.memref_slice %arg5[%dma_start3A_1284] : memref<25600xi32, #tpu.memory_space<vmem>> -> memref<512xi32, #tpu.memory_space<vmem>>
    %dma_start3A_1286 = arith.constant 0 : i32
    %dma_start3A_1287 = arith.constant 0 : i32
    %dma_start3A_1288 = tpu.memref_slice %arg3[%dma_start3A_1286, %dma_start3A_1287] : memref<1000000x32xf32, #tpu.memory_space<hbm>> -> memref<1000000x32xf32, #tpu.memory_space<hbm>>
    tpu.enqueue_indirect_dma source(%dma_start3A_1288 : memref<1000000x32xf32, #tpu.memory_space<hbm>>) target(%dma_start3A_1283 : memref<512x32xf32, #tpu.memory_space<vmem>>) offsets(%dma_start3A_1285 : memref<512xi32, #tpu.memory_space<vmem>>) semaphore(%arg8 : memref<!tpu.dma_semaphore, #tpu.memory_space<semaphore_mem>>)
    %dma_wait3A_1289 = arith.constant 2 : i32
    %dma_wait3A_1290 = arith.constant 0 : i32
    %dma_wait3A_1291 = arith.constant 0 : i32
    %dma_wait3A_1292 = tpu.memref_slice %arg6[%dma_wait3A_1289, %dma_wait3A_1290, %dma_wait3A_1291] : memref<4x512x32xf32, #tpu.memory_space<vmem>> -> memref<1x512x32xf32, #tpu.memory_space<vmem>>
    %dma_wait3A_1293 = tpu.memref_squeeze %dma_wait3A_1292 : memref<1x512x32xf32, #tpu.memory_space<vmem>> -> memref<512x32xf32, #tpu.memory_space<vmem>>
    %dma_wait3A_1294 = arith.constant 13312 : i32
    %dma_wait3A_1295 = tpu.memref_slice %arg5[%dma_wait3A_1294] : memref<25600xi32, #tpu.memory_space<vmem>> -> memref<512xi32, #tpu.memory_space<vmem>>
    %dma_wait3A_1296 = arith.constant 0 : i32
    %dma_wait3A_1297 = arith.constant 0 : i32
    %dma_wait3A_1298 = tpu.memref_slice %arg3[%dma_wait3A_1296, %dma_wait3A_1297] : memref<1000000x32xf32, #tpu.memory_space<hbm>> -> memref<1000000x32xf32, #tpu.memory_space<hbm>>
    tpu.wait_indirect_dma semaphore(%arg9 : memref<!tpu.dma_semaphore, #tpu.memory_space<semaphore_mem>>) src(%dma_wait3A_1298 : memref<1000000x32xf32, #tpu.memory_space<hbm>>) dst(%dma_wait3A_1293 : memref<512x32xf32, #tpu.memory_space<vmem>>)
    %add3A_1299 = arith.constant 13312 : i32
    %add3A_1300 = arith.addi %mul3A_2, %add3A_1299 : i32
    %dma_start3A_1301 = arith.constant 2 : i32
    %dma_start3A_1302 = arith.constant 0 : i32
    %dma_start3A_1303 = arith.constant 0 : i32
    %dma_start3A_1304 = tpu.memref_slice %arg6[%dma_start3A_1301, %dma_start3A_1302, %dma_start3A_1303] : memref<4x512x32xf32, #tpu.memory_space<vmem>> -> memref<1x512x32xf32, #tpu.memory_space<vmem>>
    %dma_start3A_1305 = tpu.memref_squeeze %dma_start3A_1304 : memref<1x512x32xf32, #tpu.memory_space<vmem>> -> memref<512x32xf32, #tpu.memory_space<vmem>>
    %dma_start3A_1306 = arith.constant 0 : i32
    %dma_start3A_1307 = tpu.memref_slice %arg4[%add3A_1300, %dma_start3A_1306] : memref<819200x32xf32, #tpu.memory_space<hbm>> -> memref<512x32xf32, #tpu.memory_space<hbm>>
    %dma_start3A_1308 = arith.constant 0 : i32
    %dma_start3A_1309 = tpu.memref_slice %arg4[%add3A_1300, %dma_start3A_1308] : memref<819200x32xf32, #tpu.memory_space<hbm>> -> memref<512x32xf32, #tpu.memory_space<hbm>>
    %dma_start3A_1310 = arith.constant 0 : i32
    %dma_start3A_1311 = arith.constant 0 : i32
    %dma_start3A_1312 = tpu.memref_slice %arg6[%dma_start3A_1301, %dma_start3A_1310, %dma_start3A_1311] : memref<4x512x32xf32, #tpu.memory_space<vmem>> -> memref<1x512x32xf32, #tpu.memory_space<vmem>>
    %dma_start3A_1313 = tpu.memref_squeeze %dma_start3A_1312 : memref<1x512x32xf32, #tpu.memory_space<vmem>> -> memref<512x32xf32, #tpu.memory_space<vmem>>
    tpu.enqueue_dma source(%dma_start3A_1313 : memref<512x32xf32, #tpu.memory_space<vmem>>) target(%dma_start3A_1309 : memref<512x32xf32, #tpu.memory_space<hbm>>) target_semaphore(%arg13 : memref<!tpu.dma_semaphore, #tpu.memory_space<semaphore_mem>>)
    %dma_wait3A_1314 = arith.constant 2 : i32
    %dma_wait3A_1315 = arith.constant 0 : i32
    %dma_wait3A_1316 = arith.constant 0 : i32
    %dma_wait3A_1317 = tpu.memref_slice %arg6[%dma_wait3A_1314, %dma_wait3A_1315, %dma_wait3A_1316] : memref<4x512x32xf32, #tpu.memory_space<vmem>> -> memref<1x512x32xf32, #tpu.memory_space<vmem>>
    %dma_wait3A_1318 = tpu.memref_squeeze %dma_wait3A_1317 : memref<1x512x32xf32, #tpu.memory_space<vmem>> -> memref<512x32xf32, #tpu.memory_space<vmem>>
    %dma_wait3A_1319 = arith.constant 0 : i32
    %dma_wait3A_1320 = tpu.memref_slice %arg4[%add3A_1300, %dma_wait3A_1319] : memref<819200x32xf32, #tpu.memory_space<hbm>> -> memref<512x32xf32, #tpu.memory_space<hbm>>
    %dma_wait3A_1321 = arith.constant 0 : i32
    %dma_wait3A_1322 = tpu.memref_slice %arg4[%add3A_1300, %dma_wait3A_1321] : memref<819200x32xf32, #tpu.memory_space<hbm>> -> memref<512x32xf32, #tpu.memory_space<hbm>>
    %dma_wait3A_1323 = arith.constant 0 : i32
    %dma_wait3A_1324 = arith.constant 0 : i32
    %dma_wait3A_1325 = tpu.memref_slice %arg6[%dma_wait3A_1314, %dma_wait3A_1323, %dma_wait3A_1324] : memref<4x512x32xf32, #tpu.memory_space<vmem>> -> memref<1x512x32xf32, #tpu.memory_space<vmem>>
    %dma_wait3A_1326 = tpu.memref_squeeze %dma_wait3A_1325 : memref<1x512x32xf32, #tpu.memory_space<vmem>> -> memref<512x32xf32, #tpu.memory_space<vmem>>
    tpu.wait_dma2 semaphore(%arg13 : memref<!tpu.dma_semaphore, #tpu.memory_space<semaphore_mem>>) src(%dma_wait3A_1326 : memref<512x32xf32, #tpu.memory_space<vmem>>) dst(%dma_wait3A_1322 : memref<512x32xf32, #tpu.memory_space<hbm>>)
    %dma_start3A_1327 = arith.constant 2 : i32
    %dma_start3A_1328 = arith.constant 0 : i32
    %dma_start3A_1329 = arith.constant 0 : i32
    %dma_start3A_1330 = tpu.memref_slice %arg6[%dma_start3A_1327, %dma_start3A_1328, %dma_start3A_1329] : memref<4x512x32xf32, #tpu.memory_space<vmem>> -> memref<1x512x32xf32, #tpu.memory_space<vmem>>
    %dma_start3A_1331 = tpu.memref_squeeze %dma_start3A_1330 : memref<1x512x32xf32, #tpu.memory_space<vmem>> -> memref<512x32xf32, #tpu.memory_space<vmem>>
    %dma_start3A_1332 = arith.constant 15360 : i32
    %dma_start3A_1333 = tpu.memref_slice %arg5[%dma_start3A_1332] : memref<25600xi32, #tpu.memory_space<vmem>> -> memref<512xi32, #tpu.memory_space<vmem>>
    %dma_start3A_1334 = arith.constant 0 : i32
    %dma_start3A_1335 = arith.constant 0 : i32
    %dma_start3A_1336 = tpu.memref_slice %arg3[%dma_start3A_1334, %dma_start3A_1335] : memref<1000000x32xf32, #tpu.memory_space<hbm>> -> memref<1000000x32xf32, #tpu.memory_space<hbm>>
    tpu.enqueue_indirect_dma source(%dma_start3A_1336 : memref<1000000x32xf32, #tpu.memory_space<hbm>>) target(%dma_start3A_1331 : memref<512x32xf32, #tpu.memory_space<vmem>>) offsets(%dma_start3A_1333 : memref<512xi32, #tpu.memory_space<vmem>>) semaphore(%arg9 : memref<!tpu.dma_semaphore, #tpu.memory_space<semaphore_mem>>)
    %dma_wait3A_1337 = arith.constant 3 : i32
    %dma_wait3A_1338 = arith.constant 0 : i32
    %dma_wait3A_1339 = arith.constant 0 : i32
    %dma_wait3A_1340 = tpu.memref_slice %arg6[%dma_wait3A_1337, %dma_wait3A_1338, %dma_wait3A_1339] : memref<4x512x32xf32, #tpu.memory_space<vmem>> -> memref<1x512x32xf32, #tpu.memory_space<vmem>>
    %dma_wait3A_1341 = tpu.memref_squeeze %dma_wait3A_1340 : memref<1x512x32xf32, #tpu.memory_space<vmem>> -> memref<512x32xf32, #tpu.memory_space<vmem>>
    %dma_wait3A_1342 = arith.constant 13824 : i32
    %dma_wait3A_1343 = tpu.memref_slice %arg5[%dma_wait3A_1342] : memref<25600xi32, #tpu.memory_space<vmem>> -> memref<512xi32, #tpu.memory_space<vmem>>
    %dma_wait3A_1344 = arith.constant 0 : i32
    %dma_wait3A_1345 = arith.constant 0 : i32
    %dma_wait3A_1346 = tpu.memref_slice %arg3[%dma_wait3A_1344, %dma_wait3A_1345] : memref<1000000x32xf32, #tpu.memory_space<hbm>> -> memref<1000000x32xf32, #tpu.memory_space<hbm>>
    tpu.wait_indirect_dma semaphore(%arg10 : memref<!tpu.dma_semaphore, #tpu.memory_space<semaphore_mem>>) src(%dma_wait3A_1346 : memref<1000000x32xf32, #tpu.memory_space<hbm>>) dst(%dma_wait3A_1341 : memref<512x32xf32, #tpu.memory_space<vmem>>)
    %add3A_1347 = arith.constant 13824 : i32
    %add3A_1348 = arith.addi %mul3A_2, %add3A_1347 : i32
    %dma_start3A_1349 = arith.constant 3 : i32
    %dma_start3A_1350 = arith.constant 0 : i32
    %dma_start3A_1351 = arith.constant 0 : i32
    %dma_start3A_1352 = tpu.memref_slice %arg6[%dma_start3A_1349, %dma_start3A_1350, %dma_start3A_1351] : memref<4x512x32xf32, #tpu.memory_space<vmem>> -> memref<1x512x32xf32, #tpu.memory_space<vmem>>
    %dma_start3A_1353 = tpu.memref_squeeze %dma_start3A_1352 : memref<1x512x32xf32, #tpu.memory_space<vmem>> -> memref<512x32xf32, #tpu.memory_space<vmem>>
    %dma_start3A_1354 = arith.constant 0 : i32
    %dma_start3A_1355 = tpu.memref_slice %arg4[%add3A_1348, %dma_start3A_1354] : memref<819200x32xf32, #tpu.memory_space<hbm>> -> memref<512x32xf32, #tpu.memory_space<hbm>>
    %dma_start3A_1356 = arith.constant 0 : i32
    %dma_start3A_1357 = tpu.memref_slice %arg4[%add3A_1348, %dma_start3A_1356] : memref<819200x32xf32, #tpu.memory_space<hbm>> -> memref<512x32xf32, #tpu.memory_space<hbm>>
    %dma_start3A_1358 = arith.constant 0 : i32
    %dma_start3A_1359 = arith.constant 0 : i32
    %dma_start3A_1360 = tpu.memref_slice %arg6[%dma_start3A_1349, %dma_start3A_1358, %dma_start3A_1359] : memref<4x512x32xf32, #tpu.memory_space<vmem>> -> memref<1x512x32xf32, #tpu.memory_space<vmem>>
    %dma_start3A_1361 = tpu.memref_squeeze %dma_start3A_1360 : memref<1x512x32xf32, #tpu.memory_space<vmem>> -> memref<512x32xf32, #tpu.memory_space<vmem>>
    tpu.enqueue_dma source(%dma_start3A_1361 : memref<512x32xf32, #tpu.memory_space<vmem>>) target(%dma_start3A_1357 : memref<512x32xf32, #tpu.memory_space<hbm>>) target_semaphore(%arg14 : memref<!tpu.dma_semaphore, #tpu.memory_space<semaphore_mem>>)
    %dma_wait3A_1362 = arith.constant 3 : i32
    %dma_wait3A_1363 = arith.constant 0 : i32
    %dma_wait3A_1364 = arith.constant 0 : i32
    %dma_wait3A_1365 = tpu.memref_slice %arg6[%dma_wait3A_1362, %dma_wait3A_1363, %dma_wait3A_1364] : memref<4x512x32xf32, #tpu.memory_space<vmem>> -> memref<1x512x32xf32, #tpu.memory_space<vmem>>
    %dma_wait3A_1366 = tpu.memref_squeeze %dma_wait3A_1365 : memref<1x512x32xf32, #tpu.memory_space<vmem>> -> memref<512x32xf32, #tpu.memory_space<vmem>>
    %dma_wait3A_1367 = arith.constant 0 : i32
    %dma_wait3A_1368 = tpu.memref_slice %arg4[%add3A_1348, %dma_wait3A_1367] : memref<819200x32xf32, #tpu.memory_space<hbm>> -> memref<512x32xf32, #tpu.memory_space<hbm>>
    %dma_wait3A_1369 = arith.constant 0 : i32
    %dma_wait3A_1370 = tpu.memref_slice %arg4[%add3A_1348, %dma_wait3A_1369] : memref<819200x32xf32, #tpu.memory_space<hbm>> -> memref<512x32xf32, #tpu.memory_space<hbm>>
    %dma_wait3A_1371 = arith.constant 0 : i32
    %dma_wait3A_1372 = arith.constant 0 : i32
    %dma_wait3A_1373 = tpu.memref_slice %arg6[%dma_wait3A_1362, %dma_wait3A_1371, %dma_wait3A_1372] : memref<4x512x32xf32, #tpu.memory_space<vmem>> -> memref<1x512x32xf32, #tpu.memory_space<vmem>>
    %dma_wait3A_1374 = tpu.memref_squeeze %dma_wait3A_1373 : memref<1x512x32xf32, #tpu.memory_space<vmem>> -> memref<512x32xf32, #tpu.memory_space<vmem>>
    tpu.wait_dma2 semaphore(%arg14 : memref<!tpu.dma_semaphore, #tpu.memory_space<semaphore_mem>>) src(%dma_wait3A_1374 : memref<512x32xf32, #tpu.memory_space<vmem>>) dst(%dma_wait3A_1370 : memref<512x32xf32, #tpu.memory_space<hbm>>)
    %dma_start3A_1375 = arith.constant 3 : i32
    %dma_start3A_1376 = arith.constant 0 : i32
    %dma_start3A_1377 = arith.constant 0 : i32
    %dma_start3A_1378 = tpu.memref_slice %arg6[%dma_start3A_1375, %dma_start3A_1376, %dma_start3A_1377] : memref<4x512x32xf32, #tpu.memory_space<vmem>> -> memref<1x512x32xf32, #tpu.memory_space<vmem>>
    %dma_start3A_1379 = tpu.memref_squeeze %dma_start3A_1378 : memref<1x512x32xf32, #tpu.memory_space<vmem>> -> memref<512x32xf32, #tpu.memory_space<vmem>>
    %dma_start3A_1380 = arith.constant 15872 : i32
    %dma_start3A_1381 = tpu.memref_slice %arg5[%dma_start3A_1380] : memref<25600xi32, #tpu.memory_space<vmem>> -> memref<512xi32, #tpu.memory_space<vmem>>
    %dma_start3A_1382 = arith.constant 0 : i32
    %dma_start3A_1383 = arith.constant 0 : i32
    %dma_start3A_1384 = tpu.memref_slice %arg3[%dma_start3A_1382, %dma_start3A_1383] : memref<1000000x32xf32, #tpu.memory_space<hbm>> -> memref<1000000x32xf32, #tpu.memory_space<hbm>>
    tpu.enqueue_indirect_dma source(%dma_start3A_1384 : memref<1000000x32xf32, #tpu.memory_space<hbm>>) target(%dma_start3A_1379 : memref<512x32xf32, #tpu.memory_space<vmem>>) offsets(%dma_start3A_1381 : memref<512xi32, #tpu.memory_space<vmem>>) semaphore(%arg10 : memref<!tpu.dma_semaphore, #tpu.memory_space<semaphore_mem>>)
    %dma_wait3A_1385 = arith.constant 0 : i32
    %dma_wait3A_1386 = arith.constant 0 : i32
    %dma_wait3A_1387 = arith.constant 0 : i32
    %dma_wait3A_1388 = tpu.memref_slice %arg6[%dma_wait3A_1385, %dma_wait3A_1386, %dma_wait3A_1387] : memref<4x512x32xf32, #tpu.memory_space<vmem>> -> memref<1x512x32xf32, #tpu.memory_space<vmem>>
    %dma_wait3A_1389 = tpu.memref_squeeze %dma_wait3A_1388 : memref<1x512x32xf32, #tpu.memory_space<vmem>> -> memref<512x32xf32, #tpu.memory_space<vmem>>
    %dma_wait3A_1390 = arith.constant 14336 : i32
    %dma_wait3A_1391 = tpu.memref_slice %arg5[%dma_wait3A_1390] : memref<25600xi32, #tpu.memory_space<vmem>> -> memref<512xi32, #tpu.memory_space<vmem>>
    %dma_wait3A_1392 = arith.constant 0 : i32
    %dma_wait3A_1393 = arith.constant 0 : i32
    %dma_wait3A_1394 = tpu.memref_slice %arg3[%dma_wait3A_1392, %dma_wait3A_1393] : memref<1000000x32xf32, #tpu.memory_space<hbm>> -> memref<1000000x32xf32, #tpu.memory_space<hbm>>
    tpu.wait_indirect_dma semaphore(%arg7 : memref<!tpu.dma_semaphore, #tpu.memory_space<semaphore_mem>>) src(%dma_wait3A_1394 : memref<1000000x32xf32, #tpu.memory_space<hbm>>) dst(%dma_wait3A_1389 : memref<512x32xf32, #tpu.memory_space<vmem>>)
    %add3A_1395 = arith.constant 14336 : i32
    %add3A_1396 = arith.addi %mul3A_2, %add3A_1395 : i32
    %dma_start3A_1397 = arith.constant 0 : i32
    %dma_start3A_1398 = arith.constant 0 : i32
    %dma_start3A_1399 = arith.constant 0 : i32
    %dma_start3A_1400 = tpu.memref_slice %arg6[%dma_start3A_1397, %dma_start3A_1398, %dma_start3A_1399] : memref<4x512x32xf32, #tpu.memory_space<vmem>> -> memref<1x512x32xf32, #tpu.memory_space<vmem>>
    %dma_start3A_1401 = tpu.memref_squeeze %dma_start3A_1400 : memref<1x512x32xf32, #tpu.memory_space<vmem>> -> memref<512x32xf32, #tpu.memory_space<vmem>>
    %dma_start3A_1402 = arith.constant 0 : i32
    %dma_start3A_1403 = tpu.memref_slice %arg4[%add3A_1396, %dma_start3A_1402] : memref<819200x32xf32, #tpu.memory_space<hbm>> -> memref<512x32xf32, #tpu.memory_space<hbm>>
    %dma_start3A_1404 = arith.constant 0 : i32
    %dma_start3A_1405 = tpu.memref_slice %arg4[%add3A_1396, %dma_start3A_1404] : memref<819200x32xf32, #tpu.memory_space<hbm>> -> memref<512x32xf32, #tpu.memory_space<hbm>>
    %dma_start3A_1406 = arith.constant 0 : i32
    %dma_start3A_1407 = arith.constant 0 : i32
    %dma_start3A_1408 = tpu.memref_slice %arg6[%dma_start3A_1397, %dma_start3A_1406, %dma_start3A_1407] : memref<4x512x32xf32, #tpu.memory_space<vmem>> -> memref<1x512x32xf32, #tpu.memory_space<vmem>>
    %dma_start3A_1409 = tpu.memref_squeeze %dma_start3A_1408 : memref<1x512x32xf32, #tpu.memory_space<vmem>> -> memref<512x32xf32, #tpu.memory_space<vmem>>
    tpu.enqueue_dma source(%dma_start3A_1409 : memref<512x32xf32, #tpu.memory_space<vmem>>) target(%dma_start3A_1405 : memref<512x32xf32, #tpu.memory_space<hbm>>) target_semaphore(%arg11 : memref<!tpu.dma_semaphore, #tpu.memory_space<semaphore_mem>>)
    %dma_wait3A_1410 = arith.constant 0 : i32
    %dma_wait3A_1411 = arith.constant 0 : i32
    %dma_wait3A_1412 = arith.constant 0 : i32
    %dma_wait3A_1413 = tpu.memref_slice %arg6[%dma_wait3A_1410, %dma_wait3A_1411, %dma_wait3A_1412] : memref<4x512x32xf32, #tpu.memory_space<vmem>> -> memref<1x512x32xf32, #tpu.memory_space<vmem>>
    %dma_wait3A_1414 = tpu.memref_squeeze %dma_wait3A_1413 : memref<1x512x32xf32, #tpu.memory_space<vmem>> -> memref<512x32xf32, #tpu.memory_space<vmem>>
    %dma_wait3A_1415 = arith.constant 0 : i32
    %dma_wait3A_1416 = tpu.memref_slice %arg4[%add3A_1396, %dma_wait3A_1415] : memref<819200x32xf32, #tpu.memory_space<hbm>> -> memref<512x32xf32, #tpu.memory_space<hbm>>
    %dma_wait3A_1417 = arith.constant 0 : i32
    %dma_wait3A_1418 = tpu.memref_slice %arg4[%add3A_1396, %dma_wait3A_1417] : memref<819200x32xf32, #tpu.memory_space<hbm>> -> memref<512x32xf32, #tpu.memory_space<hbm>>
    %dma_wait3A_1419 = arith.constant 0 : i32
    %dma_wait3A_1420 = arith.constant 0 : i32
    %dma_wait3A_1421 = tpu.memref_slice %arg6[%dma_wait3A_1410, %dma_wait3A_1419, %dma_wait3A_1420] : memref<4x512x32xf32, #tpu.memory_space<vmem>> -> memref<1x512x32xf32, #tpu.memory_space<vmem>>
    %dma_wait3A_1422 = tpu.memref_squeeze %dma_wait3A_1421 : memref<1x512x32xf32, #tpu.memory_space<vmem>> -> memref<512x32xf32, #tpu.memory_space<vmem>>
    tpu.wait_dma2 semaphore(%arg11 : memref<!tpu.dma_semaphore, #tpu.memory_space<semaphore_mem>>) src(%dma_wait3A_1422 : memref<512x32xf32, #tpu.memory_space<vmem>>) dst(%dma_wait3A_1418 : memref<512x32xf32, #tpu.memory_space<hbm>>)
    %dma_start3A_1423 = arith.constant 0 : i32
    %dma_start3A_1424 = arith.constant 0 : i32
    %dma_start3A_1425 = arith.constant 0 : i32
    %dma_start3A_1426 = tpu.memref_slice %arg6[%dma_start3A_1423, %dma_start3A_1424, %dma_start3A_1425] : memref<4x512x32xf32, #tpu.memory_space<vmem>> -> memref<1x512x32xf32, #tpu.memory_space<vmem>>
    %dma_start3A_1427 = tpu.memref_squeeze %dma_start3A_1426 : memref<1x512x32xf32, #tpu.memory_space<vmem>> -> memref<512x32xf32, #tpu.memory_space<vmem>>
    %dma_start3A_1428 = arith.constant 16384 : i32
    %dma_start3A_1429 = tpu.memref_slice %arg5[%dma_start3A_1428] : memref<25600xi32, #tpu.memory_space<vmem>> -> memref<512xi32, #tpu.memory_space<vmem>>
    %dma_start3A_1430 = arith.constant 0 : i32
    %dma_start3A_1431 = arith.constant 0 : i32
    %dma_start3A_1432 = tpu.memref_slice %arg3[%dma_start3A_1430, %dma_start3A_1431] : memref<1000000x32xf32, #tpu.memory_space<hbm>> -> memref<1000000x32xf32, #tpu.memory_space<hbm>>
    tpu.enqueue_indirect_dma source(%dma_start3A_1432 : memref<1000000x32xf32, #tpu.memory_space<hbm>>) target(%dma_start3A_1427 : memref<512x32xf32, #tpu.memory_space<vmem>>) offsets(%dma_start3A_1429 : memref<512xi32, #tpu.memory_space<vmem>>) semaphore(%arg7 : memref<!tpu.dma_semaphore, #tpu.memory_space<semaphore_mem>>)
    %dma_wait3A_1433 = arith.constant 1 : i32
    %dma_wait3A_1434 = arith.constant 0 : i32
    %dma_wait3A_1435 = arith.constant 0 : i32
    %dma_wait3A_1436 = tpu.memref_slice %arg6[%dma_wait3A_1433, %dma_wait3A_1434, %dma_wait3A_1435] : memref<4x512x32xf32, #tpu.memory_space<vmem>> -> memref<1x512x32xf32, #tpu.memory_space<vmem>>
    %dma_wait3A_1437 = tpu.memref_squeeze %dma_wait3A_1436 : memref<1x512x32xf32, #tpu.memory_space<vmem>> -> memref<512x32xf32, #tpu.memory_space<vmem>>
    %dma_wait3A_1438 = arith.constant 14848 : i32
    %dma_wait3A_1439 = tpu.memref_slice %arg5[%dma_wait3A_1438] : memref<25600xi32, #tpu.memory_space<vmem>> -> memref<512xi32, #tpu.memory_space<vmem>>
    %dma_wait3A_1440 = arith.constant 0 : i32
    %dma_wait3A_1441 = arith.constant 0 : i32
    %dma_wait3A_1442 = tpu.memref_slice %arg3[%dma_wait3A_1440, %dma_wait3A_1441] : memref<1000000x32xf32, #tpu.memory_space<hbm>> -> memref<1000000x32xf32, #tpu.memory_space<hbm>>
    tpu.wait_indirect_dma semaphore(%arg8 : memref<!tpu.dma_semaphore, #tpu.memory_space<semaphore_mem>>) src(%dma_wait3A_1442 : memref<1000000x32xf32, #tpu.memory_space<hbm>>) dst(%dma_wait3A_1437 : memref<512x32xf32, #tpu.memory_space<vmem>>)
    %add3A_1443 = arith.constant 14848 : i32
    %add3A_1444 = arith.addi %mul3A_2, %add3A_1443 : i32
    %dma_start3A_1445 = arith.constant 1 : i32
    %dma_start3A_1446 = arith.constant 0 : i32
    %dma_start3A_1447 = arith.constant 0 : i32
    %dma_start3A_1448 = tpu.memref_slice %arg6[%dma_start3A_1445, %dma_start3A_1446, %dma_start3A_1447] : memref<4x512x32xf32, #tpu.memory_space<vmem>> -> memref<1x512x32xf32, #tpu.memory_space<vmem>>
    %dma_start3A_1449 = tpu.memref_squeeze %dma_start3A_1448 : memref<1x512x32xf32, #tpu.memory_space<vmem>> -> memref<512x32xf32, #tpu.memory_space<vmem>>
    %dma_start3A_1450 = arith.constant 0 : i32
    %dma_start3A_1451 = tpu.memref_slice %arg4[%add3A_1444, %dma_start3A_1450] : memref<819200x32xf32, #tpu.memory_space<hbm>> -> memref<512x32xf32, #tpu.memory_space<hbm>>
    %dma_start3A_1452 = arith.constant 0 : i32
    %dma_start3A_1453 = tpu.memref_slice %arg4[%add3A_1444, %dma_start3A_1452] : memref<819200x32xf32, #tpu.memory_space<hbm>> -> memref<512x32xf32, #tpu.memory_space<hbm>>
    %dma_start3A_1454 = arith.constant 0 : i32
    %dma_start3A_1455 = arith.constant 0 : i32
    %dma_start3A_1456 = tpu.memref_slice %arg6[%dma_start3A_1445, %dma_start3A_1454, %dma_start3A_1455] : memref<4x512x32xf32, #tpu.memory_space<vmem>> -> memref<1x512x32xf32, #tpu.memory_space<vmem>>
    %dma_start3A_1457 = tpu.memref_squeeze %dma_start3A_1456 : memref<1x512x32xf32, #tpu.memory_space<vmem>> -> memref<512x32xf32, #tpu.memory_space<vmem>>
    tpu.enqueue_dma source(%dma_start3A_1457 : memref<512x32xf32, #tpu.memory_space<vmem>>) target(%dma_start3A_1453 : memref<512x32xf32, #tpu.memory_space<hbm>>) target_semaphore(%arg12 : memref<!tpu.dma_semaphore, #tpu.memory_space<semaphore_mem>>)
    %dma_wait3A_1458 = arith.constant 1 : i32
    %dma_wait3A_1459 = arith.constant 0 : i32
    %dma_wait3A_1460 = arith.constant 0 : i32
    %dma_wait3A_1461 = tpu.memref_slice %arg6[%dma_wait3A_1458, %dma_wait3A_1459, %dma_wait3A_1460] : memref<4x512x32xf32, #tpu.memory_space<vmem>> -> memref<1x512x32xf32, #tpu.memory_space<vmem>>
    %dma_wait3A_1462 = tpu.memref_squeeze %dma_wait3A_1461 : memref<1x512x32xf32, #tpu.memory_space<vmem>> -> memref<512x32xf32, #tpu.memory_space<vmem>>
    %dma_wait3A_1463 = arith.constant 0 : i32
    %dma_wait3A_1464 = tpu.memref_slice %arg4[%add3A_1444, %dma_wait3A_1463] : memref<819200x32xf32, #tpu.memory_space<hbm>> -> memref<512x32xf32, #tpu.memory_space<hbm>>
    %dma_wait3A_1465 = arith.constant 0 : i32
    %dma_wait3A_1466 = tpu.memref_slice %arg4[%add3A_1444, %dma_wait3A_1465] : memref<819200x32xf32, #tpu.memory_space<hbm>> -> memref<512x32xf32, #tpu.memory_space<hbm>>
    %dma_wait3A_1467 = arith.constant 0 : i32
    %dma_wait3A_1468 = arith.constant 0 : i32
    %dma_wait3A_1469 = tpu.memref_slice %arg6[%dma_wait3A_1458, %dma_wait3A_1467, %dma_wait3A_1468] : memref<4x512x32xf32, #tpu.memory_space<vmem>> -> memref<1x512x32xf32, #tpu.memory_space<vmem>>
    %dma_wait3A_1470 = tpu.memref_squeeze %dma_wait3A_1469 : memref<1x512x32xf32, #tpu.memory_space<vmem>> -> memref<512x32xf32, #tpu.memory_space<vmem>>
    tpu.wait_dma2 semaphore(%arg12 : memref<!tpu.dma_semaphore, #tpu.memory_space<semaphore_mem>>) src(%dma_wait3A_1470 : memref<512x32xf32, #tpu.memory_space<vmem>>) dst(%dma_wait3A_1466 : memref<512x32xf32, #tpu.memory_space<hbm>>)
    %dma_start3A_1471 = arith.constant 1 : i32
    %dma_start3A_1472 = arith.constant 0 : i32
    %dma_start3A_1473 = arith.constant 0 : i32
    %dma_start3A_1474 = tpu.memref_slice %arg6[%dma_start3A_1471, %dma_start3A_1472, %dma_start3A_1473] : memref<4x512x32xf32, #tpu.memory_space<vmem>> -> memref<1x512x32xf32, #tpu.memory_space<vmem>>
    %dma_start3A_1475 = tpu.memref_squeeze %dma_start3A_1474 : memref<1x512x32xf32, #tpu.memory_space<vmem>> -> memref<512x32xf32, #tpu.memory_space<vmem>>
    %dma_start3A_1476 = arith.constant 16896 : i32
    %dma_start3A_1477 = tpu.memref_slice %arg5[%dma_start3A_1476] : memref<25600xi32, #tpu.memory_space<vmem>> -> memref<512xi32, #tpu.memory_space<vmem>>
    %dma_start3A_1478 = arith.constant 0 : i32
    %dma_start3A_1479 = arith.constant 0 : i32
    %dma_start3A_1480 = tpu.memref_slice %arg3[%dma_start3A_1478, %dma_start3A_1479] : memref<1000000x32xf32, #tpu.memory_space<hbm>> -> memref<1000000x32xf32, #tpu.memory_space<hbm>>
    tpu.enqueue_indirect_dma source(%dma_start3A_1480 : memref<1000000x32xf32, #tpu.memory_space<hbm>>) target(%dma_start3A_1475 : memref<512x32xf32, #tpu.memory_space<vmem>>) offsets(%dma_start3A_1477 : memref<512xi32, #tpu.memory_space<vmem>>) semaphore(%arg8 : memref<!tpu.dma_semaphore, #tpu.memory_space<semaphore_mem>>)
    %dma_wait3A_1481 = arith.constant 2 : i32
    %dma_wait3A_1482 = arith.constant 0 : i32
    %dma_wait3A_1483 = arith.constant 0 : i32
    %dma_wait3A_1484 = tpu.memref_slice %arg6[%dma_wait3A_1481, %dma_wait3A_1482, %dma_wait3A_1483] : memref<4x512x32xf32, #tpu.memory_space<vmem>> -> memref<1x512x32xf32, #tpu.memory_space<vmem>>
    %dma_wait3A_1485 = tpu.memref_squeeze %dma_wait3A_1484 : memref<1x512x32xf32, #tpu.memory_space<vmem>> -> memref<512x32xf32, #tpu.memory_space<vmem>>
    %dma_wait3A_1486 = arith.constant 15360 : i32
    %dma_wait3A_1487 = tpu.memref_slice %arg5[%dma_wait3A_1486] : memref<25600xi32, #tpu.memory_space<vmem>> -> memref<512xi32, #tpu.memory_space<vmem>>
    %dma_wait3A_1488 = arith.constant 0 : i32
    %dma_wait3A_1489 = arith.constant 0 : i32
    %dma_wait3A_1490 = tpu.memref_slice %arg3[%dma_wait3A_1488, %dma_wait3A_1489] : memref<1000000x32xf32, #tpu.memory_space<hbm>> -> memref<1000000x32xf32, #tpu.memory_space<hbm>>
    tpu.wait_indirect_dma semaphore(%arg9 : memref<!tpu.dma_semaphore, #tpu.memory_space<semaphore_mem>>) src(%dma_wait3A_1490 : memref<1000000x32xf32, #tpu.memory_space<hbm>>) dst(%dma_wait3A_1485 : memref<512x32xf32, #tpu.memory_space<vmem>>)
    %add3A_1491 = arith.constant 15360 : i32
    %add3A_1492 = arith.addi %mul3A_2, %add3A_1491 : i32
    %dma_start3A_1493 = arith.constant 2 : i32
    %dma_start3A_1494 = arith.constant 0 : i32
    %dma_start3A_1495 = arith.constant 0 : i32
    %dma_start3A_1496 = tpu.memref_slice %arg6[%dma_start3A_1493, %dma_start3A_1494, %dma_start3A_1495] : memref<4x512x32xf32, #tpu.memory_space<vmem>> -> memref<1x512x32xf32, #tpu.memory_space<vmem>>
    %dma_start3A_1497 = tpu.memref_squeeze %dma_start3A_1496 : memref<1x512x32xf32, #tpu.memory_space<vmem>> -> memref<512x32xf32, #tpu.memory_space<vmem>>
    %dma_start3A_1498 = arith.constant 0 : i32
    %dma_start3A_1499 = tpu.memref_slice %arg4[%add3A_1492, %dma_start3A_1498] : memref<819200x32xf32, #tpu.memory_space<hbm>> -> memref<512x32xf32, #tpu.memory_space<hbm>>
    %dma_start3A_1500 = arith.constant 0 : i32
    %dma_start3A_1501 = tpu.memref_slice %arg4[%add3A_1492, %dma_start3A_1500] : memref<819200x32xf32, #tpu.memory_space<hbm>> -> memref<512x32xf32, #tpu.memory_space<hbm>>
    %dma_start3A_1502 = arith.constant 0 : i32
    %dma_start3A_1503 = arith.constant 0 : i32
    %dma_start3A_1504 = tpu.memref_slice %arg6[%dma_start3A_1493, %dma_start3A_1502, %dma_start3A_1503] : memref<4x512x32xf32, #tpu.memory_space<vmem>> -> memref<1x512x32xf32, #tpu.memory_space<vmem>>
    %dma_start3A_1505 = tpu.memref_squeeze %dma_start3A_1504 : memref<1x512x32xf32, #tpu.memory_space<vmem>> -> memref<512x32xf32, #tpu.memory_space<vmem>>
    tpu.enqueue_dma source(%dma_start3A_1505 : memref<512x32xf32, #tpu.memory_space<vmem>>) target(%dma_start3A_1501 : memref<512x32xf32, #tpu.memory_space<hbm>>) target_semaphore(%arg13 : memref<!tpu.dma_semaphore, #tpu.memory_space<semaphore_mem>>)
    %dma_wait3A_1506 = arith.constant 2 : i32
    %dma_wait3A_1507 = arith.constant 0 : i32
    %dma_wait3A_1508 = arith.constant 0 : i32
    %dma_wait3A_1509 = tpu.memref_slice %arg6[%dma_wait3A_1506, %dma_wait3A_1507, %dma_wait3A_1508] : memref<4x512x32xf32, #tpu.memory_space<vmem>> -> memref<1x512x32xf32, #tpu.memory_space<vmem>>
    %dma_wait3A_1510 = tpu.memref_squeeze %dma_wait3A_1509 : memref<1x512x32xf32, #tpu.memory_space<vmem>> -> memref<512x32xf32, #tpu.memory_space<vmem>>
    %dma_wait3A_1511 = arith.constant 0 : i32
    %dma_wait3A_1512 = tpu.memref_slice %arg4[%add3A_1492, %dma_wait3A_1511] : memref<819200x32xf32, #tpu.memory_space<hbm>> -> memref<512x32xf32, #tpu.memory_space<hbm>>
    %dma_wait3A_1513 = arith.constant 0 : i32
    %dma_wait3A_1514 = tpu.memref_slice %arg4[%add3A_1492, %dma_wait3A_1513] : memref<819200x32xf32, #tpu.memory_space<hbm>> -> memref<512x32xf32, #tpu.memory_space<hbm>>
    %dma_wait3A_1515 = arith.constant 0 : i32
    %dma_wait3A_1516 = arith.constant 0 : i32
    %dma_wait3A_1517 = tpu.memref_slice %arg6[%dma_wait3A_1506, %dma_wait3A_1515, %dma_wait3A_1516] : memref<4x512x32xf32, #tpu.memory_space<vmem>> -> memref<1x512x32xf32, #tpu.memory_space<vmem>>
    %dma_wait3A_1518 = tpu.memref_squeeze %dma_wait3A_1517 : memref<1x512x32xf32, #tpu.memory_space<vmem>> -> memref<512x32xf32, #tpu.memory_space<vmem>>
    tpu.wait_dma2 semaphore(%arg13 : memref<!tpu.dma_semaphore, #tpu.memory_space<semaphore_mem>>) src(%dma_wait3A_1518 : memref<512x32xf32, #tpu.memory_space<vmem>>) dst(%dma_wait3A_1514 : memref<512x32xf32, #tpu.memory_space<hbm>>)
    %dma_start3A_1519 = arith.constant 2 : i32
    %dma_start3A_1520 = arith.constant 0 : i32
    %dma_start3A_1521 = arith.constant 0 : i32
    %dma_start3A_1522 = tpu.memref_slice %arg6[%dma_start3A_1519, %dma_start3A_1520, %dma_start3A_1521] : memref<4x512x32xf32, #tpu.memory_space<vmem>> -> memref<1x512x32xf32, #tpu.memory_space<vmem>>
    %dma_start3A_1523 = tpu.memref_squeeze %dma_start3A_1522 : memref<1x512x32xf32, #tpu.memory_space<vmem>> -> memref<512x32xf32, #tpu.memory_space<vmem>>
    %dma_start3A_1524 = arith.constant 17408 : i32
    %dma_start3A_1525 = tpu.memref_slice %arg5[%dma_start3A_1524] : memref<25600xi32, #tpu.memory_space<vmem>> -> memref<512xi32, #tpu.memory_space<vmem>>
    %dma_start3A_1526 = arith.constant 0 : i32
    %dma_start3A_1527 = arith.constant 0 : i32
    %dma_start3A_1528 = tpu.memref_slice %arg3[%dma_start3A_1526, %dma_start3A_1527] : memref<1000000x32xf32, #tpu.memory_space<hbm>> -> memref<1000000x32xf32, #tpu.memory_space<hbm>>
    tpu.enqueue_indirect_dma source(%dma_start3A_1528 : memref<1000000x32xf32, #tpu.memory_space<hbm>>) target(%dma_start3A_1523 : memref<512x32xf32, #tpu.memory_space<vmem>>) offsets(%dma_start3A_1525 : memref<512xi32, #tpu.memory_space<vmem>>) semaphore(%arg9 : memref<!tpu.dma_semaphore, #tpu.memory_space<semaphore_mem>>)
    %dma_wait3A_1529 = arith.constant 3 : i32
    %dma_wait3A_1530 = arith.constant 0 : i32
    %dma_wait3A_1531 = arith.constant 0 : i32
    %dma_wait3A_1532 = tpu.memref_slice %arg6[%dma_wait3A_1529, %dma_wait3A_1530, %dma_wait3A_1531] : memref<4x512x32xf32, #tpu.memory_space<vmem>> -> memref<1x512x32xf32, #tpu.memory_space<vmem>>
    %dma_wait3A_1533 = tpu.memref_squeeze %dma_wait3A_1532 : memref<1x512x32xf32, #tpu.memory_space<vmem>> -> memref<512x32xf32, #tpu.memory_space<vmem>>
    %dma_wait3A_1534 = arith.constant 15872 : i32
    %dma_wait3A_1535 = tpu.memref_slice %arg5[%dma_wait3A_1534] : memref<25600xi32, #tpu.memory_space<vmem>> -> memref<512xi32, #tpu.memory_space<vmem>>
    %dma_wait3A_1536 = arith.constant 0 : i32
    %dma_wait3A_1537 = arith.constant 0 : i32
    %dma_wait3A_1538 = tpu.memref_slice %arg3[%dma_wait3A_1536, %dma_wait3A_1537] : memref<1000000x32xf32, #tpu.memory_space<hbm>> -> memref<1000000x32xf32, #tpu.memory_space<hbm>>
    tpu.wait_indirect_dma semaphore(%arg10 : memref<!tpu.dma_semaphore, #tpu.memory_space<semaphore_mem>>) src(%dma_wait3A_1538 : memref<1000000x32xf32, #tpu.memory_space<hbm>>) dst(%dma_wait3A_1533 : memref<512x32xf32, #tpu.memory_space<vmem>>)
    %add3A_1539 = arith.constant 15872 : i32
    %add3A_1540 = arith.addi %mul3A_2, %add3A_1539 : i32
    %dma_start3A_1541 = arith.constant 3 : i32
    %dma_start3A_1542 = arith.constant 0 : i32
    %dma_start3A_1543 = arith.constant 0 : i32
    %dma_start3A_1544 = tpu.memref_slice %arg6[%dma_start3A_1541, %dma_start3A_1542, %dma_start3A_1543] : memref<4x512x32xf32, #tpu.memory_space<vmem>> -> memref<1x512x32xf32, #tpu.memory_space<vmem>>
    %dma_start3A_1545 = tpu.memref_squeeze %dma_start3A_1544 : memref<1x512x32xf32, #tpu.memory_space<vmem>> -> memref<512x32xf32, #tpu.memory_space<vmem>>
    %dma_start3A_1546 = arith.constant 0 : i32
    %dma_start3A_1547 = tpu.memref_slice %arg4[%add3A_1540, %dma_start3A_1546] : memref<819200x32xf32, #tpu.memory_space<hbm>> -> memref<512x32xf32, #tpu.memory_space<hbm>>
    %dma_start3A_1548 = arith.constant 0 : i32
    %dma_start3A_1549 = tpu.memref_slice %arg4[%add3A_1540, %dma_start3A_1548] : memref<819200x32xf32, #tpu.memory_space<hbm>> -> memref<512x32xf32, #tpu.memory_space<hbm>>
    %dma_start3A_1550 = arith.constant 0 : i32
    %dma_start3A_1551 = arith.constant 0 : i32
    %dma_start3A_1552 = tpu.memref_slice %arg6[%dma_start3A_1541, %dma_start3A_1550, %dma_start3A_1551] : memref<4x512x32xf32, #tpu.memory_space<vmem>> -> memref<1x512x32xf32, #tpu.memory_space<vmem>>
    %dma_start3A_1553 = tpu.memref_squeeze %dma_start3A_1552 : memref<1x512x32xf32, #tpu.memory_space<vmem>> -> memref<512x32xf32, #tpu.memory_space<vmem>>
    tpu.enqueue_dma source(%dma_start3A_1553 : memref<512x32xf32, #tpu.memory_space<vmem>>) target(%dma_start3A_1549 : memref<512x32xf32, #tpu.memory_space<hbm>>) target_semaphore(%arg14 : memref<!tpu.dma_semaphore, #tpu.memory_space<semaphore_mem>>)
    %dma_wait3A_1554 = arith.constant 3 : i32
    %dma_wait3A_1555 = arith.constant 0 : i32
    %dma_wait3A_1556 = arith.constant 0 : i32
    %dma_wait3A_1557 = tpu.memref_slice %arg6[%dma_wait3A_1554, %dma_wait3A_1555, %dma_wait3A_1556] : memref<4x512x32xf32, #tpu.memory_space<vmem>> -> memref<1x512x32xf32, #tpu.memory_space<vmem>>
    %dma_wait3A_1558 = tpu.memref_squeeze %dma_wait3A_1557 : memref<1x512x32xf32, #tpu.memory_space<vmem>> -> memref<512x32xf32, #tpu.memory_space<vmem>>
    %dma_wait3A_1559 = arith.constant 0 : i32
    %dma_wait3A_1560 = tpu.memref_slice %arg4[%add3A_1540, %dma_wait3A_1559] : memref<819200x32xf32, #tpu.memory_space<hbm>> -> memref<512x32xf32, #tpu.memory_space<hbm>>
    %dma_wait3A_1561 = arith.constant 0 : i32
    %dma_wait3A_1562 = tpu.memref_slice %arg4[%add3A_1540, %dma_wait3A_1561] : memref<819200x32xf32, #tpu.memory_space<hbm>> -> memref<512x32xf32, #tpu.memory_space<hbm>>
    %dma_wait3A_1563 = arith.constant 0 : i32
    %dma_wait3A_1564 = arith.constant 0 : i32
    %dma_wait3A_1565 = tpu.memref_slice %arg6[%dma_wait3A_1554, %dma_wait3A_1563, %dma_wait3A_1564] : memref<4x512x32xf32, #tpu.memory_space<vmem>> -> memref<1x512x32xf32, #tpu.memory_space<vmem>>
    %dma_wait3A_1566 = tpu.memref_squeeze %dma_wait3A_1565 : memref<1x512x32xf32, #tpu.memory_space<vmem>> -> memref<512x32xf32, #tpu.memory_space<vmem>>
    tpu.wait_dma2 semaphore(%arg14 : memref<!tpu.dma_semaphore, #tpu.memory_space<semaphore_mem>>) src(%dma_wait3A_1566 : memref<512x32xf32, #tpu.memory_space<vmem>>) dst(%dma_wait3A_1562 : memref<512x32xf32, #tpu.memory_space<hbm>>)
    %dma_start3A_1567 = arith.constant 3 : i32
    %dma_start3A_1568 = arith.constant 0 : i32
    %dma_start3A_1569 = arith.constant 0 : i32
    %dma_start3A_1570 = tpu.memref_slice %arg6[%dma_start3A_1567, %dma_start3A_1568, %dma_start3A_1569] : memref<4x512x32xf32, #tpu.memory_space<vmem>> -> memref<1x512x32xf32, #tpu.memory_space<vmem>>
    %dma_start3A_1571 = tpu.memref_squeeze %dma_start3A_1570 : memref<1x512x32xf32, #tpu.memory_space<vmem>> -> memref<512x32xf32, #tpu.memory_space<vmem>>
    %dma_start3A_1572 = arith.constant 17920 : i32
    %dma_start3A_1573 = tpu.memref_slice %arg5[%dma_start3A_1572] : memref<25600xi32, #tpu.memory_space<vmem>> -> memref<512xi32, #tpu.memory_space<vmem>>
    %dma_start3A_1574 = arith.constant 0 : i32
    %dma_start3A_1575 = arith.constant 0 : i32
    %dma_start3A_1576 = tpu.memref_slice %arg3[%dma_start3A_1574, %dma_start3A_1575] : memref<1000000x32xf32, #tpu.memory_space<hbm>> -> memref<1000000x32xf32, #tpu.memory_space<hbm>>
    tpu.enqueue_indirect_dma source(%dma_start3A_1576 : memref<1000000x32xf32, #tpu.memory_space<hbm>>) target(%dma_start3A_1571 : memref<512x32xf32, #tpu.memory_space<vmem>>) offsets(%dma_start3A_1573 : memref<512xi32, #tpu.memory_space<vmem>>) semaphore(%arg10 : memref<!tpu.dma_semaphore, #tpu.memory_space<semaphore_mem>>)
    %dma_wait3A_1577 = arith.constant 0 : i32
    %dma_wait3A_1578 = arith.constant 0 : i32
    %dma_wait3A_1579 = arith.constant 0 : i32
    %dma_wait3A_1580 = tpu.memref_slice %arg6[%dma_wait3A_1577, %dma_wait3A_1578, %dma_wait3A_1579] : memref<4x512x32xf32, #tpu.memory_space<vmem>> -> memref<1x512x32xf32, #tpu.memory_space<vmem>>
    %dma_wait3A_1581 = tpu.memref_squeeze %dma_wait3A_1580 : memref<1x512x32xf32, #tpu.memory_space<vmem>> -> memref<512x32xf32, #tpu.memory_space<vmem>>
    %dma_wait3A_1582 = arith.constant 16384 : i32
    %dma_wait3A_1583 = tpu.memref_slice %arg5[%dma_wait3A_1582] : memref<25600xi32, #tpu.memory_space<vmem>> -> memref<512xi32, #tpu.memory_space<vmem>>
    %dma_wait3A_1584 = arith.constant 0 : i32
    %dma_wait3A_1585 = arith.constant 0 : i32
    %dma_wait3A_1586 = tpu.memref_slice %arg3[%dma_wait3A_1584, %dma_wait3A_1585] : memref<1000000x32xf32, #tpu.memory_space<hbm>> -> memref<1000000x32xf32, #tpu.memory_space<hbm>>
    tpu.wait_indirect_dma semaphore(%arg7 : memref<!tpu.dma_semaphore, #tpu.memory_space<semaphore_mem>>) src(%dma_wait3A_1586 : memref<1000000x32xf32, #tpu.memory_space<hbm>>) dst(%dma_wait3A_1581 : memref<512x32xf32, #tpu.memory_space<vmem>>)
    %add3A_1587 = arith.constant 16384 : i32
    %add3A_1588 = arith.addi %mul3A_2, %add3A_1587 : i32
    %dma_start3A_1589 = arith.constant 0 : i32
    %dma_start3A_1590 = arith.constant 0 : i32
    %dma_start3A_1591 = arith.constant 0 : i32
    %dma_start3A_1592 = tpu.memref_slice %arg6[%dma_start3A_1589, %dma_start3A_1590, %dma_start3A_1591] : memref<4x512x32xf32, #tpu.memory_space<vmem>> -> memref<1x512x32xf32, #tpu.memory_space<vmem>>
    %dma_start3A_1593 = tpu.memref_squeeze %dma_start3A_1592 : memref<1x512x32xf32, #tpu.memory_space<vmem>> -> memref<512x32xf32, #tpu.memory_space<vmem>>
    %dma_start3A_1594 = arith.constant 0 : i32
    %dma_start3A_1595 = tpu.memref_slice %arg4[%add3A_1588, %dma_start3A_1594] : memref<819200x32xf32, #tpu.memory_space<hbm>> -> memref<512x32xf32, #tpu.memory_space<hbm>>
    %dma_start3A_1596 = arith.constant 0 : i32
    %dma_start3A_1597 = tpu.memref_slice %arg4[%add3A_1588, %dma_start3A_1596] : memref<819200x32xf32, #tpu.memory_space<hbm>> -> memref<512x32xf32, #tpu.memory_space<hbm>>
    %dma_start3A_1598 = arith.constant 0 : i32
    %dma_start3A_1599 = arith.constant 0 : i32
    %dma_start3A_1600 = tpu.memref_slice %arg6[%dma_start3A_1589, %dma_start3A_1598, %dma_start3A_1599] : memref<4x512x32xf32, #tpu.memory_space<vmem>> -> memref<1x512x32xf32, #tpu.memory_space<vmem>>
    %dma_start3A_1601 = tpu.memref_squeeze %dma_start3A_1600 : memref<1x512x32xf32, #tpu.memory_space<vmem>> -> memref<512x32xf32, #tpu.memory_space<vmem>>
    tpu.enqueue_dma source(%dma_start3A_1601 : memref<512x32xf32, #tpu.memory_space<vmem>>) target(%dma_start3A_1597 : memref<512x32xf32, #tpu.memory_space<hbm>>) target_semaphore(%arg11 : memref<!tpu.dma_semaphore, #tpu.memory_space<semaphore_mem>>)
    %dma_wait3A_1602 = arith.constant 0 : i32
    %dma_wait3A_1603 = arith.constant 0 : i32
    %dma_wait3A_1604 = arith.constant 0 : i32
    %dma_wait3A_1605 = tpu.memref_slice %arg6[%dma_wait3A_1602, %dma_wait3A_1603, %dma_wait3A_1604] : memref<4x512x32xf32, #tpu.memory_space<vmem>> -> memref<1x512x32xf32, #tpu.memory_space<vmem>>
    %dma_wait3A_1606 = tpu.memref_squeeze %dma_wait3A_1605 : memref<1x512x32xf32, #tpu.memory_space<vmem>> -> memref<512x32xf32, #tpu.memory_space<vmem>>
    %dma_wait3A_1607 = arith.constant 0 : i32
    %dma_wait3A_1608 = tpu.memref_slice %arg4[%add3A_1588, %dma_wait3A_1607] : memref<819200x32xf32, #tpu.memory_space<hbm>> -> memref<512x32xf32, #tpu.memory_space<hbm>>
    %dma_wait3A_1609 = arith.constant 0 : i32
    %dma_wait3A_1610 = tpu.memref_slice %arg4[%add3A_1588, %dma_wait3A_1609] : memref<819200x32xf32, #tpu.memory_space<hbm>> -> memref<512x32xf32, #tpu.memory_space<hbm>>
    %dma_wait3A_1611 = arith.constant 0 : i32
    %dma_wait3A_1612 = arith.constant 0 : i32
    %dma_wait3A_1613 = tpu.memref_slice %arg6[%dma_wait3A_1602, %dma_wait3A_1611, %dma_wait3A_1612] : memref<4x512x32xf32, #tpu.memory_space<vmem>> -> memref<1x512x32xf32, #tpu.memory_space<vmem>>
    %dma_wait3A_1614 = tpu.memref_squeeze %dma_wait3A_1613 : memref<1x512x32xf32, #tpu.memory_space<vmem>> -> memref<512x32xf32, #tpu.memory_space<vmem>>
    tpu.wait_dma2 semaphore(%arg11 : memref<!tpu.dma_semaphore, #tpu.memory_space<semaphore_mem>>) src(%dma_wait3A_1614 : memref<512x32xf32, #tpu.memory_space<vmem>>) dst(%dma_wait3A_1610 : memref<512x32xf32, #tpu.memory_space<hbm>>)
    %dma_start3A_1615 = arith.constant 0 : i32
    %dma_start3A_1616 = arith.constant 0 : i32
    %dma_start3A_1617 = arith.constant 0 : i32
    %dma_start3A_1618 = tpu.memref_slice %arg6[%dma_start3A_1615, %dma_start3A_1616, %dma_start3A_1617] : memref<4x512x32xf32, #tpu.memory_space<vmem>> -> memref<1x512x32xf32, #tpu.memory_space<vmem>>
    %dma_start3A_1619 = tpu.memref_squeeze %dma_start3A_1618 : memref<1x512x32xf32, #tpu.memory_space<vmem>> -> memref<512x32xf32, #tpu.memory_space<vmem>>
    %dma_start3A_1620 = arith.constant 18432 : i32
    %dma_start3A_1621 = tpu.memref_slice %arg5[%dma_start3A_1620] : memref<25600xi32, #tpu.memory_space<vmem>> -> memref<512xi32, #tpu.memory_space<vmem>>
    %dma_start3A_1622 = arith.constant 0 : i32
    %dma_start3A_1623 = arith.constant 0 : i32
    %dma_start3A_1624 = tpu.memref_slice %arg3[%dma_start3A_1622, %dma_start3A_1623] : memref<1000000x32xf32, #tpu.memory_space<hbm>> -> memref<1000000x32xf32, #tpu.memory_space<hbm>>
    tpu.enqueue_indirect_dma source(%dma_start3A_1624 : memref<1000000x32xf32, #tpu.memory_space<hbm>>) target(%dma_start3A_1619 : memref<512x32xf32, #tpu.memory_space<vmem>>) offsets(%dma_start3A_1621 : memref<512xi32, #tpu.memory_space<vmem>>) semaphore(%arg7 : memref<!tpu.dma_semaphore, #tpu.memory_space<semaphore_mem>>)
    %dma_wait3A_1625 = arith.constant 1 : i32
    %dma_wait3A_1626 = arith.constant 0 : i32
    %dma_wait3A_1627 = arith.constant 0 : i32
    %dma_wait3A_1628 = tpu.memref_slice %arg6[%dma_wait3A_1625, %dma_wait3A_1626, %dma_wait3A_1627] : memref<4x512x32xf32, #tpu.memory_space<vmem>> -> memref<1x512x32xf32, #tpu.memory_space<vmem>>
    %dma_wait3A_1629 = tpu.memref_squeeze %dma_wait3A_1628 : memref<1x512x32xf32, #tpu.memory_space<vmem>> -> memref<512x32xf32, #tpu.memory_space<vmem>>
    %dma_wait3A_1630 = arith.constant 16896 : i32
    %dma_wait3A_1631 = tpu.memref_slice %arg5[%dma_wait3A_1630] : memref<25600xi32, #tpu.memory_space<vmem>> -> memref<512xi32, #tpu.memory_space<vmem>>
    %dma_wait3A_1632 = arith.constant 0 : i32
    %dma_wait3A_1633 = arith.constant 0 : i32
    %dma_wait3A_1634 = tpu.memref_slice %arg3[%dma_wait3A_1632, %dma_wait3A_1633] : memref<1000000x32xf32, #tpu.memory_space<hbm>> -> memref<1000000x32xf32, #tpu.memory_space<hbm>>
    tpu.wait_indirect_dma semaphore(%arg8 : memref<!tpu.dma_semaphore, #tpu.memory_space<semaphore_mem>>) src(%dma_wait3A_1634 : memref<1000000x32xf32, #tpu.memory_space<hbm>>) dst(%dma_wait3A_1629 : memref<512x32xf32, #tpu.memory_space<vmem>>)
    %add3A_1635 = arith.constant 16896 : i32
    %add3A_1636 = arith.addi %mul3A_2, %add3A_1635 : i32
    %dma_start3A_1637 = arith.constant 1 : i32
    %dma_start3A_1638 = arith.constant 0 : i32
    %dma_start3A_1639 = arith.constant 0 : i32
    %dma_start3A_1640 = tpu.memref_slice %arg6[%dma_start3A_1637, %dma_start3A_1638, %dma_start3A_1639] : memref<4x512x32xf32, #tpu.memory_space<vmem>> -> memref<1x512x32xf32, #tpu.memory_space<vmem>>
    %dma_start3A_1641 = tpu.memref_squeeze %dma_start3A_1640 : memref<1x512x32xf32, #tpu.memory_space<vmem>> -> memref<512x32xf32, #tpu.memory_space<vmem>>
    %dma_start3A_1642 = arith.constant 0 : i32
    %dma_start3A_1643 = tpu.memref_slice %arg4[%add3A_1636, %dma_start3A_1642] : memref<819200x32xf32, #tpu.memory_space<hbm>> -> memref<512x32xf32, #tpu.memory_space<hbm>>
    %dma_start3A_1644 = arith.constant 0 : i32
    %dma_start3A_1645 = tpu.memref_slice %arg4[%add3A_1636, %dma_start3A_1644] : memref<819200x32xf32, #tpu.memory_space<hbm>> -> memref<512x32xf32, #tpu.memory_space<hbm>>
    %dma_start3A_1646 = arith.constant 0 : i32
    %dma_start3A_1647 = arith.constant 0 : i32
    %dma_start3A_1648 = tpu.memref_slice %arg6[%dma_start3A_1637, %dma_start3A_1646, %dma_start3A_1647] : memref<4x512x32xf32, #tpu.memory_space<vmem>> -> memref<1x512x32xf32, #tpu.memory_space<vmem>>
    %dma_start3A_1649 = tpu.memref_squeeze %dma_start3A_1648 : memref<1x512x32xf32, #tpu.memory_space<vmem>> -> memref<512x32xf32, #tpu.memory_space<vmem>>
    tpu.enqueue_dma source(%dma_start3A_1649 : memref<512x32xf32, #tpu.memory_space<vmem>>) target(%dma_start3A_1645 : memref<512x32xf32, #tpu.memory_space<hbm>>) target_semaphore(%arg12 : memref<!tpu.dma_semaphore, #tpu.memory_space<semaphore_mem>>)
    %dma_wait3A_1650 = arith.constant 1 : i32
    %dma_wait3A_1651 = arith.constant 0 : i32
    %dma_wait3A_1652 = arith.constant 0 : i32
    %dma_wait3A_1653 = tpu.memref_slice %arg6[%dma_wait3A_1650, %dma_wait3A_1651, %dma_wait3A_1652] : memref<4x512x32xf32, #tpu.memory_space<vmem>> -> memref<1x512x32xf32, #tpu.memory_space<vmem>>
    %dma_wait3A_1654 = tpu.memref_squeeze %dma_wait3A_1653 : memref<1x512x32xf32, #tpu.memory_space<vmem>> -> memref<512x32xf32, #tpu.memory_space<vmem>>
    %dma_wait3A_1655 = arith.constant 0 : i32
    %dma_wait3A_1656 = tpu.memref_slice %arg4[%add3A_1636, %dma_wait3A_1655] : memref<819200x32xf32, #tpu.memory_space<hbm>> -> memref<512x32xf32, #tpu.memory_space<hbm>>
    %dma_wait3A_1657 = arith.constant 0 : i32
    %dma_wait3A_1658 = tpu.memref_slice %arg4[%add3A_1636, %dma_wait3A_1657] : memref<819200x32xf32, #tpu.memory_space<hbm>> -> memref<512x32xf32, #tpu.memory_space<hbm>>
    %dma_wait3A_1659 = arith.constant 0 : i32
    %dma_wait3A_1660 = arith.constant 0 : i32
    %dma_wait3A_1661 = tpu.memref_slice %arg6[%dma_wait3A_1650, %dma_wait3A_1659, %dma_wait3A_1660] : memref<4x512x32xf32, #tpu.memory_space<vmem>> -> memref<1x512x32xf32, #tpu.memory_space<vmem>>
    %dma_wait3A_1662 = tpu.memref_squeeze %dma_wait3A_1661 : memref<1x512x32xf32, #tpu.memory_space<vmem>> -> memref<512x32xf32, #tpu.memory_space<vmem>>
    tpu.wait_dma2 semaphore(%arg12 : memref<!tpu.dma_semaphore, #tpu.memory_space<semaphore_mem>>) src(%dma_wait3A_1662 : memref<512x32xf32, #tpu.memory_space<vmem>>) dst(%dma_wait3A_1658 : memref<512x32xf32, #tpu.memory_space<hbm>>)
    %dma_start3A_1663 = arith.constant 1 : i32
    %dma_start3A_1664 = arith.constant 0 : i32
    %dma_start3A_1665 = arith.constant 0 : i32
    %dma_start3A_1666 = tpu.memref_slice %arg6[%dma_start3A_1663, %dma_start3A_1664, %dma_start3A_1665] : memref<4x512x32xf32, #tpu.memory_space<vmem>> -> memref<1x512x32xf32, #tpu.memory_space<vmem>>
    %dma_start3A_1667 = tpu.memref_squeeze %dma_start3A_1666 : memref<1x512x32xf32, #tpu.memory_space<vmem>> -> memref<512x32xf32, #tpu.memory_space<vmem>>
    %dma_start3A_1668 = arith.constant 18944 : i32
    %dma_start3A_1669 = tpu.memref_slice %arg5[%dma_start3A_1668] : memref<25600xi32, #tpu.memory_space<vmem>> -> memref<512xi32, #tpu.memory_space<vmem>>
    %dma_start3A_1670 = arith.constant 0 : i32
    %dma_start3A_1671 = arith.constant 0 : i32
    %dma_start3A_1672 = tpu.memref_slice %arg3[%dma_start3A_1670, %dma_start3A_1671] : memref<1000000x32xf32, #tpu.memory_space<hbm>> -> memref<1000000x32xf32, #tpu.memory_space<hbm>>
    tpu.enqueue_indirect_dma source(%dma_start3A_1672 : memref<1000000x32xf32, #tpu.memory_space<hbm>>) target(%dma_start3A_1667 : memref<512x32xf32, #tpu.memory_space<vmem>>) offsets(%dma_start3A_1669 : memref<512xi32, #tpu.memory_space<vmem>>) semaphore(%arg8 : memref<!tpu.dma_semaphore, #tpu.memory_space<semaphore_mem>>)
    %dma_wait3A_1673 = arith.constant 2 : i32
    %dma_wait3A_1674 = arith.constant 0 : i32
    %dma_wait3A_1675 = arith.constant 0 : i32
    %dma_wait3A_1676 = tpu.memref_slice %arg6[%dma_wait3A_1673, %dma_wait3A_1674, %dma_wait3A_1675] : memref<4x512x32xf32, #tpu.memory_space<vmem>> -> memref<1x512x32xf32, #tpu.memory_space<vmem>>
    %dma_wait3A_1677 = tpu.memref_squeeze %dma_wait3A_1676 : memref<1x512x32xf32, #tpu.memory_space<vmem>> -> memref<512x32xf32, #tpu.memory_space<vmem>>
    %dma_wait3A_1678 = arith.constant 17408 : i32
    %dma_wait3A_1679 = tpu.memref_slice %arg5[%dma_wait3A_1678] : memref<25600xi32, #tpu.memory_space<vmem>> -> memref<512xi32, #tpu.memory_space<vmem>>
    %dma_wait3A_1680 = arith.constant 0 : i32
    %dma_wait3A_1681 = arith.constant 0 : i32
    %dma_wait3A_1682 = tpu.memref_slice %arg3[%dma_wait3A_1680, %dma_wait3A_1681] : memref<1000000x32xf32, #tpu.memory_space<hbm>> -> memref<1000000x32xf32, #tpu.memory_space<hbm>>
    tpu.wait_indirect_dma semaphore(%arg9 : memref<!tpu.dma_semaphore, #tpu.memory_space<semaphore_mem>>) src(%dma_wait3A_1682 : memref<1000000x32xf32, #tpu.memory_space<hbm>>) dst(%dma_wait3A_1677 : memref<512x32xf32, #tpu.memory_space<vmem>>)
    %add3A_1683 = arith.constant 17408 : i32
    %add3A_1684 = arith.addi %mul3A_2, %add3A_1683 : i32
    %dma_start3A_1685 = arith.constant 2 : i32
    %dma_start3A_1686 = arith.constant 0 : i32
    %dma_start3A_1687 = arith.constant 0 : i32
    %dma_start3A_1688 = tpu.memref_slice %arg6[%dma_start3A_1685, %dma_start3A_1686, %dma_start3A_1687] : memref<4x512x32xf32, #tpu.memory_space<vmem>> -> memref<1x512x32xf32, #tpu.memory_space<vmem>>
    %dma_start3A_1689 = tpu.memref_squeeze %dma_start3A_1688 : memref<1x512x32xf32, #tpu.memory_space<vmem>> -> memref<512x32xf32, #tpu.memory_space<vmem>>
    %dma_start3A_1690 = arith.constant 0 : i32
    %dma_start3A_1691 = tpu.memref_slice %arg4[%add3A_1684, %dma_start3A_1690] : memref<819200x32xf32, #tpu.memory_space<hbm>> -> memref<512x32xf32, #tpu.memory_space<hbm>>
    %dma_start3A_1692 = arith.constant 0 : i32
    %dma_start3A_1693 = tpu.memref_slice %arg4[%add3A_1684, %dma_start3A_1692] : memref<819200x32xf32, #tpu.memory_space<hbm>> -> memref<512x32xf32, #tpu.memory_space<hbm>>
    %dma_start3A_1694 = arith.constant 0 : i32
    %dma_start3A_1695 = arith.constant 0 : i32
    %dma_start3A_1696 = tpu.memref_slice %arg6[%dma_start3A_1685, %dma_start3A_1694, %dma_start3A_1695] : memref<4x512x32xf32, #tpu.memory_space<vmem>> -> memref<1x512x32xf32, #tpu.memory_space<vmem>>
    %dma_start3A_1697 = tpu.memref_squeeze %dma_start3A_1696 : memref<1x512x32xf32, #tpu.memory_space<vmem>> -> memref<512x32xf32, #tpu.memory_space<vmem>>
    tpu.enqueue_dma source(%dma_start3A_1697 : memref<512x32xf32, #tpu.memory_space<vmem>>) target(%dma_start3A_1693 : memref<512x32xf32, #tpu.memory_space<hbm>>) target_semaphore(%arg13 : memref<!tpu.dma_semaphore, #tpu.memory_space<semaphore_mem>>)
    %dma_wait3A_1698 = arith.constant 2 : i32
    %dma_wait3A_1699 = arith.constant 0 : i32
    %dma_wait3A_1700 = arith.constant 0 : i32
    %dma_wait3A_1701 = tpu.memref_slice %arg6[%dma_wait3A_1698, %dma_wait3A_1699, %dma_wait3A_1700] : memref<4x512x32xf32, #tpu.memory_space<vmem>> -> memref<1x512x32xf32, #tpu.memory_space<vmem>>
    %dma_wait3A_1702 = tpu.memref_squeeze %dma_wait3A_1701 : memref<1x512x32xf32, #tpu.memory_space<vmem>> -> memref<512x32xf32, #tpu.memory_space<vmem>>
    %dma_wait3A_1703 = arith.constant 0 : i32
    %dma_wait3A_1704 = tpu.memref_slice %arg4[%add3A_1684, %dma_wait3A_1703] : memref<819200x32xf32, #tpu.memory_space<hbm>> -> memref<512x32xf32, #tpu.memory_space<hbm>>
    %dma_wait3A_1705 = arith.constant 0 : i32
    %dma_wait3A_1706 = tpu.memref_slice %arg4[%add3A_1684, %dma_wait3A_1705] : memref<819200x32xf32, #tpu.memory_space<hbm>> -> memref<512x32xf32, #tpu.memory_space<hbm>>
    %dma_wait3A_1707 = arith.constant 0 : i32
    %dma_wait3A_1708 = arith.constant 0 : i32
    %dma_wait3A_1709 = tpu.memref_slice %arg6[%dma_wait3A_1698, %dma_wait3A_1707, %dma_wait3A_1708] : memref<4x512x32xf32, #tpu.memory_space<vmem>> -> memref<1x512x32xf32, #tpu.memory_space<vmem>>
    %dma_wait3A_1710 = tpu.memref_squeeze %dma_wait3A_1709 : memref<1x512x32xf32, #tpu.memory_space<vmem>> -> memref<512x32xf32, #tpu.memory_space<vmem>>
    tpu.wait_dma2 semaphore(%arg13 : memref<!tpu.dma_semaphore, #tpu.memory_space<semaphore_mem>>) src(%dma_wait3A_1710 : memref<512x32xf32, #tpu.memory_space<vmem>>) dst(%dma_wait3A_1706 : memref<512x32xf32, #tpu.memory_space<hbm>>)
    %dma_start3A_1711 = arith.constant 2 : i32
    %dma_start3A_1712 = arith.constant 0 : i32
    %dma_start3A_1713 = arith.constant 0 : i32
    %dma_start3A_1714 = tpu.memref_slice %arg6[%dma_start3A_1711, %dma_start3A_1712, %dma_start3A_1713] : memref<4x512x32xf32, #tpu.memory_space<vmem>> -> memref<1x512x32xf32, #tpu.memory_space<vmem>>
    %dma_start3A_1715 = tpu.memref_squeeze %dma_start3A_1714 : memref<1x512x32xf32, #tpu.memory_space<vmem>> -> memref<512x32xf32, #tpu.memory_space<vmem>>
    %dma_start3A_1716 = arith.constant 19456 : i32
    %dma_start3A_1717 = tpu.memref_slice %arg5[%dma_start3A_1716] : memref<25600xi32, #tpu.memory_space<vmem>> -> memref<512xi32, #tpu.memory_space<vmem>>
    %dma_start3A_1718 = arith.constant 0 : i32
    %dma_start3A_1719 = arith.constant 0 : i32
    %dma_start3A_1720 = tpu.memref_slice %arg3[%dma_start3A_1718, %dma_start3A_1719] : memref<1000000x32xf32, #tpu.memory_space<hbm>> -> memref<1000000x32xf32, #tpu.memory_space<hbm>>
    tpu.enqueue_indirect_dma source(%dma_start3A_1720 : memref<1000000x32xf32, #tpu.memory_space<hbm>>) target(%dma_start3A_1715 : memref<512x32xf32, #tpu.memory_space<vmem>>) offsets(%dma_start3A_1717 : memref<512xi32, #tpu.memory_space<vmem>>) semaphore(%arg9 : memref<!tpu.dma_semaphore, #tpu.memory_space<semaphore_mem>>)
    %dma_wait3A_1721 = arith.constant 3 : i32
    %dma_wait3A_1722 = arith.constant 0 : i32
    %dma_wait3A_1723 = arith.constant 0 : i32
    %dma_wait3A_1724 = tpu.memref_slice %arg6[%dma_wait3A_1721, %dma_wait3A_1722, %dma_wait3A_1723] : memref<4x512x32xf32, #tpu.memory_space<vmem>> -> memref<1x512x32xf32, #tpu.memory_space<vmem>>
    %dma_wait3A_1725 = tpu.memref_squeeze %dma_wait3A_1724 : memref<1x512x32xf32, #tpu.memory_space<vmem>> -> memref<512x32xf32, #tpu.memory_space<vmem>>
    %dma_wait3A_1726 = arith.constant 17920 : i32
    %dma_wait3A_1727 = tpu.memref_slice %arg5[%dma_wait3A_1726] : memref<25600xi32, #tpu.memory_space<vmem>> -> memref<512xi32, #tpu.memory_space<vmem>>
    %dma_wait3A_1728 = arith.constant 0 : i32
    %dma_wait3A_1729 = arith.constant 0 : i32
    %dma_wait3A_1730 = tpu.memref_slice %arg3[%dma_wait3A_1728, %dma_wait3A_1729] : memref<1000000x32xf32, #tpu.memory_space<hbm>> -> memref<1000000x32xf32, #tpu.memory_space<hbm>>
    tpu.wait_indirect_dma semaphore(%arg10 : memref<!tpu.dma_semaphore, #tpu.memory_space<semaphore_mem>>) src(%dma_wait3A_1730 : memref<1000000x32xf32, #tpu.memory_space<hbm>>) dst(%dma_wait3A_1725 : memref<512x32xf32, #tpu.memory_space<vmem>>)
    %add3A_1731 = arith.constant 17920 : i32
    %add3A_1732 = arith.addi %mul3A_2, %add3A_1731 : i32
    %dma_start3A_1733 = arith.constant 3 : i32
    %dma_start3A_1734 = arith.constant 0 : i32
    %dma_start3A_1735 = arith.constant 0 : i32
    %dma_start3A_1736 = tpu.memref_slice %arg6[%dma_start3A_1733, %dma_start3A_1734, %dma_start3A_1735] : memref<4x512x32xf32, #tpu.memory_space<vmem>> -> memref<1x512x32xf32, #tpu.memory_space<vmem>>
    %dma_start3A_1737 = tpu.memref_squeeze %dma_start3A_1736 : memref<1x512x32xf32, #tpu.memory_space<vmem>> -> memref<512x32xf32, #tpu.memory_space<vmem>>
    %dma_start3A_1738 = arith.constant 0 : i32
    %dma_start3A_1739 = tpu.memref_slice %arg4[%add3A_1732, %dma_start3A_1738] : memref<819200x32xf32, #tpu.memory_space<hbm>> -> memref<512x32xf32, #tpu.memory_space<hbm>>
    %dma_start3A_1740 = arith.constant 0 : i32
    %dma_start3A_1741 = tpu.memref_slice %arg4[%add3A_1732, %dma_start3A_1740] : memref<819200x32xf32, #tpu.memory_space<hbm>> -> memref<512x32xf32, #tpu.memory_space<hbm>>
    %dma_start3A_1742 = arith.constant 0 : i32
    %dma_start3A_1743 = arith.constant 0 : i32
    %dma_start3A_1744 = tpu.memref_slice %arg6[%dma_start3A_1733, %dma_start3A_1742, %dma_start3A_1743] : memref<4x512x32xf32, #tpu.memory_space<vmem>> -> memref<1x512x32xf32, #tpu.memory_space<vmem>>
    %dma_start3A_1745 = tpu.memref_squeeze %dma_start3A_1744 : memref<1x512x32xf32, #tpu.memory_space<vmem>> -> memref<512x32xf32, #tpu.memory_space<vmem>>
    tpu.enqueue_dma source(%dma_start3A_1745 : memref<512x32xf32, #tpu.memory_space<vmem>>) target(%dma_start3A_1741 : memref<512x32xf32, #tpu.memory_space<hbm>>) target_semaphore(%arg14 : memref<!tpu.dma_semaphore, #tpu.memory_space<semaphore_mem>>)
    %dma_wait3A_1746 = arith.constant 3 : i32
    %dma_wait3A_1747 = arith.constant 0 : i32
    %dma_wait3A_1748 = arith.constant 0 : i32
    %dma_wait3A_1749 = tpu.memref_slice %arg6[%dma_wait3A_1746, %dma_wait3A_1747, %dma_wait3A_1748] : memref<4x512x32xf32, #tpu.memory_space<vmem>> -> memref<1x512x32xf32, #tpu.memory_space<vmem>>
    %dma_wait3A_1750 = tpu.memref_squeeze %dma_wait3A_1749 : memref<1x512x32xf32, #tpu.memory_space<vmem>> -> memref<512x32xf32, #tpu.memory_space<vmem>>
    %dma_wait3A_1751 = arith.constant 0 : i32
    %dma_wait3A_1752 = tpu.memref_slice %arg4[%add3A_1732, %dma_wait3A_1751] : memref<819200x32xf32, #tpu.memory_space<hbm>> -> memref<512x32xf32, #tpu.memory_space<hbm>>
    %dma_wait3A_1753 = arith.constant 0 : i32
    %dma_wait3A_1754 = tpu.memref_slice %arg4[%add3A_1732, %dma_wait3A_1753] : memref<819200x32xf32, #tpu.memory_space<hbm>> -> memref<512x32xf32, #tpu.memory_space<hbm>>
    %dma_wait3A_1755 = arith.constant 0 : i32
    %dma_wait3A_1756 = arith.constant 0 : i32
    %dma_wait3A_1757 = tpu.memref_slice %arg6[%dma_wait3A_1746, %dma_wait3A_1755, %dma_wait3A_1756] : memref<4x512x32xf32, #tpu.memory_space<vmem>> -> memref<1x512x32xf32, #tpu.memory_space<vmem>>
    %dma_wait3A_1758 = tpu.memref_squeeze %dma_wait3A_1757 : memref<1x512x32xf32, #tpu.memory_space<vmem>> -> memref<512x32xf32, #tpu.memory_space<vmem>>
    tpu.wait_dma2 semaphore(%arg14 : memref<!tpu.dma_semaphore, #tpu.memory_space<semaphore_mem>>) src(%dma_wait3A_1758 : memref<512x32xf32, #tpu.memory_space<vmem>>) dst(%dma_wait3A_1754 : memref<512x32xf32, #tpu.memory_space<hbm>>)
    %dma_start3A_1759 = arith.constant 3 : i32
    %dma_start3A_1760 = arith.constant 0 : i32
    %dma_start3A_1761 = arith.constant 0 : i32
    %dma_start3A_1762 = tpu.memref_slice %arg6[%dma_start3A_1759, %dma_start3A_1760, %dma_start3A_1761] : memref<4x512x32xf32, #tpu.memory_space<vmem>> -> memref<1x512x32xf32, #tpu.memory_space<vmem>>
    %dma_start3A_1763 = tpu.memref_squeeze %dma_start3A_1762 : memref<1x512x32xf32, #tpu.memory_space<vmem>> -> memref<512x32xf32, #tpu.memory_space<vmem>>
    %dma_start3A_1764 = arith.constant 19968 : i32
    %dma_start3A_1765 = tpu.memref_slice %arg5[%dma_start3A_1764] : memref<25600xi32, #tpu.memory_space<vmem>> -> memref<512xi32, #tpu.memory_space<vmem>>
    %dma_start3A_1766 = arith.constant 0 : i32
    %dma_start3A_1767 = arith.constant 0 : i32
    %dma_start3A_1768 = tpu.memref_slice %arg3[%dma_start3A_1766, %dma_start3A_1767] : memref<1000000x32xf32, #tpu.memory_space<hbm>> -> memref<1000000x32xf32, #tpu.memory_space<hbm>>
    tpu.enqueue_indirect_dma source(%dma_start3A_1768 : memref<1000000x32xf32, #tpu.memory_space<hbm>>) target(%dma_start3A_1763 : memref<512x32xf32, #tpu.memory_space<vmem>>) offsets(%dma_start3A_1765 : memref<512xi32, #tpu.memory_space<vmem>>) semaphore(%arg10 : memref<!tpu.dma_semaphore, #tpu.memory_space<semaphore_mem>>)
    %dma_wait3A_1769 = arith.constant 0 : i32
    %dma_wait3A_1770 = arith.constant 0 : i32
    %dma_wait3A_1771 = arith.constant 0 : i32
    %dma_wait3A_1772 = tpu.memref_slice %arg6[%dma_wait3A_1769, %dma_wait3A_1770, %dma_wait3A_1771] : memref<4x512x32xf32, #tpu.memory_space<vmem>> -> memref<1x512x32xf32, #tpu.memory_space<vmem>>
    %dma_wait3A_1773 = tpu.memref_squeeze %dma_wait3A_1772 : memref<1x512x32xf32, #tpu.memory_space<vmem>> -> memref<512x32xf32, #tpu.memory_space<vmem>>
    %dma_wait3A_1774 = arith.constant 18432 : i32
    %dma_wait3A_1775 = tpu.memref_slice %arg5[%dma_wait3A_1774] : memref<25600xi32, #tpu.memory_space<vmem>> -> memref<512xi32, #tpu.memory_space<vmem>>
    %dma_wait3A_1776 = arith.constant 0 : i32
    %dma_wait3A_1777 = arith.constant 0 : i32
    %dma_wait3A_1778 = tpu.memref_slice %arg3[%dma_wait3A_1776, %dma_wait3A_1777] : memref<1000000x32xf32, #tpu.memory_space<hbm>> -> memref<1000000x32xf32, #tpu.memory_space<hbm>>
    tpu.wait_indirect_dma semaphore(%arg7 : memref<!tpu.dma_semaphore, #tpu.memory_space<semaphore_mem>>) src(%dma_wait3A_1778 : memref<1000000x32xf32, #tpu.memory_space<hbm>>) dst(%dma_wait3A_1773 : memref<512x32xf32, #tpu.memory_space<vmem>>)
    %add3A_1779 = arith.constant 18432 : i32
    %add3A_1780 = arith.addi %mul3A_2, %add3A_1779 : i32
    %dma_start3A_1781 = arith.constant 0 : i32
    %dma_start3A_1782 = arith.constant 0 : i32
    %dma_start3A_1783 = arith.constant 0 : i32
    %dma_start3A_1784 = tpu.memref_slice %arg6[%dma_start3A_1781, %dma_start3A_1782, %dma_start3A_1783] : memref<4x512x32xf32, #tpu.memory_space<vmem>> -> memref<1x512x32xf32, #tpu.memory_space<vmem>>
    %dma_start3A_1785 = tpu.memref_squeeze %dma_start3A_1784 : memref<1x512x32xf32, #tpu.memory_space<vmem>> -> memref<512x32xf32, #tpu.memory_space<vmem>>
    %dma_start3A_1786 = arith.constant 0 : i32
    %dma_start3A_1787 = tpu.memref_slice %arg4[%add3A_1780, %dma_start3A_1786] : memref<819200x32xf32, #tpu.memory_space<hbm>> -> memref<512x32xf32, #tpu.memory_space<hbm>>
    %dma_start3A_1788 = arith.constant 0 : i32
    %dma_start3A_1789 = tpu.memref_slice %arg4[%add3A_1780, %dma_start3A_1788] : memref<819200x32xf32, #tpu.memory_space<hbm>> -> memref<512x32xf32, #tpu.memory_space<hbm>>
    %dma_start3A_1790 = arith.constant 0 : i32
    %dma_start3A_1791 = arith.constant 0 : i32
    %dma_start3A_1792 = tpu.memref_slice %arg6[%dma_start3A_1781, %dma_start3A_1790, %dma_start3A_1791] : memref<4x512x32xf32, #tpu.memory_space<vmem>> -> memref<1x512x32xf32, #tpu.memory_space<vmem>>
    %dma_start3A_1793 = tpu.memref_squeeze %dma_start3A_1792 : memref<1x512x32xf32, #tpu.memory_space<vmem>> -> memref<512x32xf32, #tpu.memory_space<vmem>>
    tpu.enqueue_dma source(%dma_start3A_1793 : memref<512x32xf32, #tpu.memory_space<vmem>>) target(%dma_start3A_1789 : memref<512x32xf32, #tpu.memory_space<hbm>>) target_semaphore(%arg11 : memref<!tpu.dma_semaphore, #tpu.memory_space<semaphore_mem>>)
    %dma_wait3A_1794 = arith.constant 0 : i32
    %dma_wait3A_1795 = arith.constant 0 : i32
    %dma_wait3A_1796 = arith.constant 0 : i32
    %dma_wait3A_1797 = tpu.memref_slice %arg6[%dma_wait3A_1794, %dma_wait3A_1795, %dma_wait3A_1796] : memref<4x512x32xf32, #tpu.memory_space<vmem>> -> memref<1x512x32xf32, #tpu.memory_space<vmem>>
    %dma_wait3A_1798 = tpu.memref_squeeze %dma_wait3A_1797 : memref<1x512x32xf32, #tpu.memory_space<vmem>> -> memref<512x32xf32, #tpu.memory_space<vmem>>
    %dma_wait3A_1799 = arith.constant 0 : i32
    %dma_wait3A_1800 = tpu.memref_slice %arg4[%add3A_1780, %dma_wait3A_1799] : memref<819200x32xf32, #tpu.memory_space<hbm>> -> memref<512x32xf32, #tpu.memory_space<hbm>>
    %dma_wait3A_1801 = arith.constant 0 : i32
    %dma_wait3A_1802 = tpu.memref_slice %arg4[%add3A_1780, %dma_wait3A_1801] : memref<819200x32xf32, #tpu.memory_space<hbm>> -> memref<512x32xf32, #tpu.memory_space<hbm>>
    %dma_wait3A_1803 = arith.constant 0 : i32
    %dma_wait3A_1804 = arith.constant 0 : i32
    %dma_wait3A_1805 = tpu.memref_slice %arg6[%dma_wait3A_1794, %dma_wait3A_1803, %dma_wait3A_1804] : memref<4x512x32xf32, #tpu.memory_space<vmem>> -> memref<1x512x32xf32, #tpu.memory_space<vmem>>
    %dma_wait3A_1806 = tpu.memref_squeeze %dma_wait3A_1805 : memref<1x512x32xf32, #tpu.memory_space<vmem>> -> memref<512x32xf32, #tpu.memory_space<vmem>>
    tpu.wait_dma2 semaphore(%arg11 : memref<!tpu.dma_semaphore, #tpu.memory_space<semaphore_mem>>) src(%dma_wait3A_1806 : memref<512x32xf32, #tpu.memory_space<vmem>>) dst(%dma_wait3A_1802 : memref<512x32xf32, #tpu.memory_space<hbm>>)
    %dma_start3A_1807 = arith.constant 0 : i32
    %dma_start3A_1808 = arith.constant 0 : i32
    %dma_start3A_1809 = arith.constant 0 : i32
    %dma_start3A_1810 = tpu.memref_slice %arg6[%dma_start3A_1807, %dma_start3A_1808, %dma_start3A_1809] : memref<4x512x32xf32, #tpu.memory_space<vmem>> -> memref<1x512x32xf32, #tpu.memory_space<vmem>>
    %dma_start3A_1811 = tpu.memref_squeeze %dma_start3A_1810 : memref<1x512x32xf32, #tpu.memory_space<vmem>> -> memref<512x32xf32, #tpu.memory_space<vmem>>
    %dma_start3A_1812 = arith.constant 20480 : i32
    %dma_start3A_1813 = tpu.memref_slice %arg5[%dma_start3A_1812] : memref<25600xi32, #tpu.memory_space<vmem>> -> memref<512xi32, #tpu.memory_space<vmem>>
    %dma_start3A_1814 = arith.constant 0 : i32
    %dma_start3A_1815 = arith.constant 0 : i32
    %dma_start3A_1816 = tpu.memref_slice %arg3[%dma_start3A_1814, %dma_start3A_1815] : memref<1000000x32xf32, #tpu.memory_space<hbm>> -> memref<1000000x32xf32, #tpu.memory_space<hbm>>
    tpu.enqueue_indirect_dma source(%dma_start3A_1816 : memref<1000000x32xf32, #tpu.memory_space<hbm>>) target(%dma_start3A_1811 : memref<512x32xf32, #tpu.memory_space<vmem>>) offsets(%dma_start3A_1813 : memref<512xi32, #tpu.memory_space<vmem>>) semaphore(%arg7 : memref<!tpu.dma_semaphore, #tpu.memory_space<semaphore_mem>>)
    %dma_wait3A_1817 = arith.constant 1 : i32
    %dma_wait3A_1818 = arith.constant 0 : i32
    %dma_wait3A_1819 = arith.constant 0 : i32
    %dma_wait3A_1820 = tpu.memref_slice %arg6[%dma_wait3A_1817, %dma_wait3A_1818, %dma_wait3A_1819] : memref<4x512x32xf32, #tpu.memory_space<vmem>> -> memref<1x512x32xf32, #tpu.memory_space<vmem>>
    %dma_wait3A_1821 = tpu.memref_squeeze %dma_wait3A_1820 : memref<1x512x32xf32, #tpu.memory_space<vmem>> -> memref<512x32xf32, #tpu.memory_space<vmem>>
    %dma_wait3A_1822 = arith.constant 18944 : i32
    %dma_wait3A_1823 = tpu.memref_slice %arg5[%dma_wait3A_1822] : memref<25600xi32, #tpu.memory_space<vmem>> -> memref<512xi32, #tpu.memory_space<vmem>>
    %dma_wait3A_1824 = arith.constant 0 : i32
    %dma_wait3A_1825 = arith.constant 0 : i32
    %dma_wait3A_1826 = tpu.memref_slice %arg3[%dma_wait3A_1824, %dma_wait3A_1825] : memref<1000000x32xf32, #tpu.memory_space<hbm>> -> memref<1000000x32xf32, #tpu.memory_space<hbm>>
    tpu.wait_indirect_dma semaphore(%arg8 : memref<!tpu.dma_semaphore, #tpu.memory_space<semaphore_mem>>) src(%dma_wait3A_1826 : memref<1000000x32xf32, #tpu.memory_space<hbm>>) dst(%dma_wait3A_1821 : memref<512x32xf32, #tpu.memory_space<vmem>>)
    %add3A_1827 = arith.constant 18944 : i32
    %add3A_1828 = arith.addi %mul3A_2, %add3A_1827 : i32
    %dma_start3A_1829 = arith.constant 1 : i32
    %dma_start3A_1830 = arith.constant 0 : i32
    %dma_start3A_1831 = arith.constant 0 : i32
    %dma_start3A_1832 = tpu.memref_slice %arg6[%dma_start3A_1829, %dma_start3A_1830, %dma_start3A_1831] : memref<4x512x32xf32, #tpu.memory_space<vmem>> -> memref<1x512x32xf32, #tpu.memory_space<vmem>>
    %dma_start3A_1833 = tpu.memref_squeeze %dma_start3A_1832 : memref<1x512x32xf32, #tpu.memory_space<vmem>> -> memref<512x32xf32, #tpu.memory_space<vmem>>
    %dma_start3A_1834 = arith.constant 0 : i32
    %dma_start3A_1835 = tpu.memref_slice %arg4[%add3A_1828, %dma_start3A_1834] : memref<819200x32xf32, #tpu.memory_space<hbm>> -> memref<512x32xf32, #tpu.memory_space<hbm>>
    %dma_start3A_1836 = arith.constant 0 : i32
    %dma_start3A_1837 = tpu.memref_slice %arg4[%add3A_1828, %dma_start3A_1836] : memref<819200x32xf32, #tpu.memory_space<hbm>> -> memref<512x32xf32, #tpu.memory_space<hbm>>
    %dma_start3A_1838 = arith.constant 0 : i32
    %dma_start3A_1839 = arith.constant 0 : i32
    %dma_start3A_1840 = tpu.memref_slice %arg6[%dma_start3A_1829, %dma_start3A_1838, %dma_start3A_1839] : memref<4x512x32xf32, #tpu.memory_space<vmem>> -> memref<1x512x32xf32, #tpu.memory_space<vmem>>
    %dma_start3A_1841 = tpu.memref_squeeze %dma_start3A_1840 : memref<1x512x32xf32, #tpu.memory_space<vmem>> -> memref<512x32xf32, #tpu.memory_space<vmem>>
    tpu.enqueue_dma source(%dma_start3A_1841 : memref<512x32xf32, #tpu.memory_space<vmem>>) target(%dma_start3A_1837 : memref<512x32xf32, #tpu.memory_space<hbm>>) target_semaphore(%arg12 : memref<!tpu.dma_semaphore, #tpu.memory_space<semaphore_mem>>)
    %dma_wait3A_1842 = arith.constant 1 : i32
    %dma_wait3A_1843 = arith.constant 0 : i32
    %dma_wait3A_1844 = arith.constant 0 : i32
    %dma_wait3A_1845 = tpu.memref_slice %arg6[%dma_wait3A_1842, %dma_wait3A_1843, %dma_wait3A_1844] : memref<4x512x32xf32, #tpu.memory_space<vmem>> -> memref<1x512x32xf32, #tpu.memory_space<vmem>>
    %dma_wait3A_1846 = tpu.memref_squeeze %dma_wait3A_1845 : memref<1x512x32xf32, #tpu.memory_space<vmem>> -> memref<512x32xf32, #tpu.memory_space<vmem>>
    %dma_wait3A_1847 = arith.constant 0 : i32
    %dma_wait3A_1848 = tpu.memref_slice %arg4[%add3A_1828, %dma_wait3A_1847] : memref<819200x32xf32, #tpu.memory_space<hbm>> -> memref<512x32xf32, #tpu.memory_space<hbm>>
    %dma_wait3A_1849 = arith.constant 0 : i32
    %dma_wait3A_1850 = tpu.memref_slice %arg4[%add3A_1828, %dma_wait3A_1849] : memref<819200x32xf32, #tpu.memory_space<hbm>> -> memref<512x32xf32, #tpu.memory_space<hbm>>
    %dma_wait3A_1851 = arith.constant 0 : i32
    %dma_wait3A_1852 = arith.constant 0 : i32
    %dma_wait3A_1853 = tpu.memref_slice %arg6[%dma_wait3A_1842, %dma_wait3A_1851, %dma_wait3A_1852] : memref<4x512x32xf32, #tpu.memory_space<vmem>> -> memref<1x512x32xf32, #tpu.memory_space<vmem>>
    %dma_wait3A_1854 = tpu.memref_squeeze %dma_wait3A_1853 : memref<1x512x32xf32, #tpu.memory_space<vmem>> -> memref<512x32xf32, #tpu.memory_space<vmem>>
    tpu.wait_dma2 semaphore(%arg12 : memref<!tpu.dma_semaphore, #tpu.memory_space<semaphore_mem>>) src(%dma_wait3A_1854 : memref<512x32xf32, #tpu.memory_space<vmem>>) dst(%dma_wait3A_1850 : memref<512x32xf32, #tpu.memory_space<hbm>>)
    %dma_start3A_1855 = arith.constant 1 : i32
    %dma_start3A_1856 = arith.constant 0 : i32
    %dma_start3A_1857 = arith.constant 0 : i32
    %dma_start3A_1858 = tpu.memref_slice %arg6[%dma_start3A_1855, %dma_start3A_1856, %dma_start3A_1857] : memref<4x512x32xf32, #tpu.memory_space<vmem>> -> memref<1x512x32xf32, #tpu.memory_space<vmem>>
    %dma_start3A_1859 = tpu.memref_squeeze %dma_start3A_1858 : memref<1x512x32xf32, #tpu.memory_space<vmem>> -> memref<512x32xf32, #tpu.memory_space<vmem>>
    %dma_start3A_1860 = arith.constant 20992 : i32
    %dma_start3A_1861 = tpu.memref_slice %arg5[%dma_start3A_1860] : memref<25600xi32, #tpu.memory_space<vmem>> -> memref<512xi32, #tpu.memory_space<vmem>>
    %dma_start3A_1862 = arith.constant 0 : i32
    %dma_start3A_1863 = arith.constant 0 : i32
    %dma_start3A_1864 = tpu.memref_slice %arg3[%dma_start3A_1862, %dma_start3A_1863] : memref<1000000x32xf32, #tpu.memory_space<hbm>> -> memref<1000000x32xf32, #tpu.memory_space<hbm>>
    tpu.enqueue_indirect_dma source(%dma_start3A_1864 : memref<1000000x32xf32, #tpu.memory_space<hbm>>) target(%dma_start3A_1859 : memref<512x32xf32, #tpu.memory_space<vmem>>) offsets(%dma_start3A_1861 : memref<512xi32, #tpu.memory_space<vmem>>) semaphore(%arg8 : memref<!tpu.dma_semaphore, #tpu.memory_space<semaphore_mem>>)
    %dma_wait3A_1865 = arith.constant 2 : i32
    %dma_wait3A_1866 = arith.constant 0 : i32
    %dma_wait3A_1867 = arith.constant 0 : i32
    %dma_wait3A_1868 = tpu.memref_slice %arg6[%dma_wait3A_1865, %dma_wait3A_1866, %dma_wait3A_1867] : memref<4x512x32xf32, #tpu.memory_space<vmem>> -> memref<1x512x32xf32, #tpu.memory_space<vmem>>
    %dma_wait3A_1869 = tpu.memref_squeeze %dma_wait3A_1868 : memref<1x512x32xf32, #tpu.memory_space<vmem>> -> memref<512x32xf32, #tpu.memory_space<vmem>>
    %dma_wait3A_1870 = arith.constant 19456 : i32
    %dma_wait3A_1871 = tpu.memref_slice %arg5[%dma_wait3A_1870] : memref<25600xi32, #tpu.memory_space<vmem>> -> memref<512xi32, #tpu.memory_space<vmem>>
    %dma_wait3A_1872 = arith.constant 0 : i32
    %dma_wait3A_1873 = arith.constant 0 : i32
    %dma_wait3A_1874 = tpu.memref_slice %arg3[%dma_wait3A_1872, %dma_wait3A_1873] : memref<1000000x32xf32, #tpu.memory_space<hbm>> -> memref<1000000x32xf32, #tpu.memory_space<hbm>>
    tpu.wait_indirect_dma semaphore(%arg9 : memref<!tpu.dma_semaphore, #tpu.memory_space<semaphore_mem>>) src(%dma_wait3A_1874 : memref<1000000x32xf32, #tpu.memory_space<hbm>>) dst(%dma_wait3A_1869 : memref<512x32xf32, #tpu.memory_space<vmem>>)
    %add3A_1875 = arith.constant 19456 : i32
    %add3A_1876 = arith.addi %mul3A_2, %add3A_1875 : i32
    %dma_start3A_1877 = arith.constant 2 : i32
    %dma_start3A_1878 = arith.constant 0 : i32
    %dma_start3A_1879 = arith.constant 0 : i32
    %dma_start3A_1880 = tpu.memref_slice %arg6[%dma_start3A_1877, %dma_start3A_1878, %dma_start3A_1879] : memref<4x512x32xf32, #tpu.memory_space<vmem>> -> memref<1x512x32xf32, #tpu.memory_space<vmem>>
    %dma_start3A_1881 = tpu.memref_squeeze %dma_start3A_1880 : memref<1x512x32xf32, #tpu.memory_space<vmem>> -> memref<512x32xf32, #tpu.memory_space<vmem>>
    %dma_start3A_1882 = arith.constant 0 : i32
    %dma_start3A_1883 = tpu.memref_slice %arg4[%add3A_1876, %dma_start3A_1882] : memref<819200x32xf32, #tpu.memory_space<hbm>> -> memref<512x32xf32, #tpu.memory_space<hbm>>
    %dma_start3A_1884 = arith.constant 0 : i32
    %dma_start3A_1885 = tpu.memref_slice %arg4[%add3A_1876, %dma_start3A_1884] : memref<819200x32xf32, #tpu.memory_space<hbm>> -> memref<512x32xf32, #tpu.memory_space<hbm>>
    %dma_start3A_1886 = arith.constant 0 : i32
    %dma_start3A_1887 = arith.constant 0 : i32
    %dma_start3A_1888 = tpu.memref_slice %arg6[%dma_start3A_1877, %dma_start3A_1886, %dma_start3A_1887] : memref<4x512x32xf32, #tpu.memory_space<vmem>> -> memref<1x512x32xf32, #tpu.memory_space<vmem>>
    %dma_start3A_1889 = tpu.memref_squeeze %dma_start3A_1888 : memref<1x512x32xf32, #tpu.memory_space<vmem>> -> memref<512x32xf32, #tpu.memory_space<vmem>>
    tpu.enqueue_dma source(%dma_start3A_1889 : memref<512x32xf32, #tpu.memory_space<vmem>>) target(%dma_start3A_1885 : memref<512x32xf32, #tpu.memory_space<hbm>>) target_semaphore(%arg13 : memref<!tpu.dma_semaphore, #tpu.memory_space<semaphore_mem>>)
    %dma_wait3A_1890 = arith.constant 2 : i32
    %dma_wait3A_1891 = arith.constant 0 : i32
    %dma_wait3A_1892 = arith.constant 0 : i32
    %dma_wait3A_1893 = tpu.memref_slice %arg6[%dma_wait3A_1890, %dma_wait3A_1891, %dma_wait3A_1892] : memref<4x512x32xf32, #tpu.memory_space<vmem>> -> memref<1x512x32xf32, #tpu.memory_space<vmem>>
    %dma_wait3A_1894 = tpu.memref_squeeze %dma_wait3A_1893 : memref<1x512x32xf32, #tpu.memory_space<vmem>> -> memref<512x32xf32, #tpu.memory_space<vmem>>
    %dma_wait3A_1895 = arith.constant 0 : i32
    %dma_wait3A_1896 = tpu.memref_slice %arg4[%add3A_1876, %dma_wait3A_1895] : memref<819200x32xf32, #tpu.memory_space<hbm>> -> memref<512x32xf32, #tpu.memory_space<hbm>>
    %dma_wait3A_1897 = arith.constant 0 : i32
    %dma_wait3A_1898 = tpu.memref_slice %arg4[%add3A_1876, %dma_wait3A_1897] : memref<819200x32xf32, #tpu.memory_space<hbm>> -> memref<512x32xf32, #tpu.memory_space<hbm>>
    %dma_wait3A_1899 = arith.constant 0 : i32
    %dma_wait3A_1900 = arith.constant 0 : i32
    %dma_wait3A_1901 = tpu.memref_slice %arg6[%dma_wait3A_1890, %dma_wait3A_1899, %dma_wait3A_1900] : memref<4x512x32xf32, #tpu.memory_space<vmem>> -> memref<1x512x32xf32, #tpu.memory_space<vmem>>
    %dma_wait3A_1902 = tpu.memref_squeeze %dma_wait3A_1901 : memref<1x512x32xf32, #tpu.memory_space<vmem>> -> memref<512x32xf32, #tpu.memory_space<vmem>>
    tpu.wait_dma2 semaphore(%arg13 : memref<!tpu.dma_semaphore, #tpu.memory_space<semaphore_mem>>) src(%dma_wait3A_1902 : memref<512x32xf32, #tpu.memory_space<vmem>>) dst(%dma_wait3A_1898 : memref<512x32xf32, #tpu.memory_space<hbm>>)
    %dma_start3A_1903 = arith.constant 2 : i32
    %dma_start3A_1904 = arith.constant 0 : i32
    %dma_start3A_1905 = arith.constant 0 : i32
    %dma_start3A_1906 = tpu.memref_slice %arg6[%dma_start3A_1903, %dma_start3A_1904, %dma_start3A_1905] : memref<4x512x32xf32, #tpu.memory_space<vmem>> -> memref<1x512x32xf32, #tpu.memory_space<vmem>>
    %dma_start3A_1907 = tpu.memref_squeeze %dma_start3A_1906 : memref<1x512x32xf32, #tpu.memory_space<vmem>> -> memref<512x32xf32, #tpu.memory_space<vmem>>
    %dma_start3A_1908 = arith.constant 21504 : i32
    %dma_start3A_1909 = tpu.memref_slice %arg5[%dma_start3A_1908] : memref<25600xi32, #tpu.memory_space<vmem>> -> memref<512xi32, #tpu.memory_space<vmem>>
    %dma_start3A_1910 = arith.constant 0 : i32
    %dma_start3A_1911 = arith.constant 0 : i32
    %dma_start3A_1912 = tpu.memref_slice %arg3[%dma_start3A_1910, %dma_start3A_1911] : memref<1000000x32xf32, #tpu.memory_space<hbm>> -> memref<1000000x32xf32, #tpu.memory_space<hbm>>
    tpu.enqueue_indirect_dma source(%dma_start3A_1912 : memref<1000000x32xf32, #tpu.memory_space<hbm>>) target(%dma_start3A_1907 : memref<512x32xf32, #tpu.memory_space<vmem>>) offsets(%dma_start3A_1909 : memref<512xi32, #tpu.memory_space<vmem>>) semaphore(%arg9 : memref<!tpu.dma_semaphore, #tpu.memory_space<semaphore_mem>>)
    %dma_wait3A_1913 = arith.constant 3 : i32
    %dma_wait3A_1914 = arith.constant 0 : i32
    %dma_wait3A_1915 = arith.constant 0 : i32
    %dma_wait3A_1916 = tpu.memref_slice %arg6[%dma_wait3A_1913, %dma_wait3A_1914, %dma_wait3A_1915] : memref<4x512x32xf32, #tpu.memory_space<vmem>> -> memref<1x512x32xf32, #tpu.memory_space<vmem>>
    %dma_wait3A_1917 = tpu.memref_squeeze %dma_wait3A_1916 : memref<1x512x32xf32, #tpu.memory_space<vmem>> -> memref<512x32xf32, #tpu.memory_space<vmem>>
    %dma_wait3A_1918 = arith.constant 19968 : i32
    %dma_wait3A_1919 = tpu.memref_slice %arg5[%dma_wait3A_1918] : memref<25600xi32, #tpu.memory_space<vmem>> -> memref<512xi32, #tpu.memory_space<vmem>>
    %dma_wait3A_1920 = arith.constant 0 : i32
    %dma_wait3A_1921 = arith.constant 0 : i32
    %dma_wait3A_1922 = tpu.memref_slice %arg3[%dma_wait3A_1920, %dma_wait3A_1921] : memref<1000000x32xf32, #tpu.memory_space<hbm>> -> memref<1000000x32xf32, #tpu.memory_space<hbm>>
    tpu.wait_indirect_dma semaphore(%arg10 : memref<!tpu.dma_semaphore, #tpu.memory_space<semaphore_mem>>) src(%dma_wait3A_1922 : memref<1000000x32xf32, #tpu.memory_space<hbm>>) dst(%dma_wait3A_1917 : memref<512x32xf32, #tpu.memory_space<vmem>>)
    %add3A_1923 = arith.constant 19968 : i32
    %add3A_1924 = arith.addi %mul3A_2, %add3A_1923 : i32
    %dma_start3A_1925 = arith.constant 3 : i32
    %dma_start3A_1926 = arith.constant 0 : i32
    %dma_start3A_1927 = arith.constant 0 : i32
    %dma_start3A_1928 = tpu.memref_slice %arg6[%dma_start3A_1925, %dma_start3A_1926, %dma_start3A_1927] : memref<4x512x32xf32, #tpu.memory_space<vmem>> -> memref<1x512x32xf32, #tpu.memory_space<vmem>>
    %dma_start3A_1929 = tpu.memref_squeeze %dma_start3A_1928 : memref<1x512x32xf32, #tpu.memory_space<vmem>> -> memref<512x32xf32, #tpu.memory_space<vmem>>
    %dma_start3A_1930 = arith.constant 0 : i32
    %dma_start3A_1931 = tpu.memref_slice %arg4[%add3A_1924, %dma_start3A_1930] : memref<819200x32xf32, #tpu.memory_space<hbm>> -> memref<512x32xf32, #tpu.memory_space<hbm>>
    %dma_start3A_1932 = arith.constant 0 : i32
    %dma_start3A_1933 = tpu.memref_slice %arg4[%add3A_1924, %dma_start3A_1932] : memref<819200x32xf32, #tpu.memory_space<hbm>> -> memref<512x32xf32, #tpu.memory_space<hbm>>
    %dma_start3A_1934 = arith.constant 0 : i32
    %dma_start3A_1935 = arith.constant 0 : i32
    %dma_start3A_1936 = tpu.memref_slice %arg6[%dma_start3A_1925, %dma_start3A_1934, %dma_start3A_1935] : memref<4x512x32xf32, #tpu.memory_space<vmem>> -> memref<1x512x32xf32, #tpu.memory_space<vmem>>
    %dma_start3A_1937 = tpu.memref_squeeze %dma_start3A_1936 : memref<1x512x32xf32, #tpu.memory_space<vmem>> -> memref<512x32xf32, #tpu.memory_space<vmem>>
    tpu.enqueue_dma source(%dma_start3A_1937 : memref<512x32xf32, #tpu.memory_space<vmem>>) target(%dma_start3A_1933 : memref<512x32xf32, #tpu.memory_space<hbm>>) target_semaphore(%arg14 : memref<!tpu.dma_semaphore, #tpu.memory_space<semaphore_mem>>)
    %dma_wait3A_1938 = arith.constant 3 : i32
    %dma_wait3A_1939 = arith.constant 0 : i32
    %dma_wait3A_1940 = arith.constant 0 : i32
    %dma_wait3A_1941 = tpu.memref_slice %arg6[%dma_wait3A_1938, %dma_wait3A_1939, %dma_wait3A_1940] : memref<4x512x32xf32, #tpu.memory_space<vmem>> -> memref<1x512x32xf32, #tpu.memory_space<vmem>>
    %dma_wait3A_1942 = tpu.memref_squeeze %dma_wait3A_1941 : memref<1x512x32xf32, #tpu.memory_space<vmem>> -> memref<512x32xf32, #tpu.memory_space<vmem>>
    %dma_wait3A_1943 = arith.constant 0 : i32
    %dma_wait3A_1944 = tpu.memref_slice %arg4[%add3A_1924, %dma_wait3A_1943] : memref<819200x32xf32, #tpu.memory_space<hbm>> -> memref<512x32xf32, #tpu.memory_space<hbm>>
    %dma_wait3A_1945 = arith.constant 0 : i32
    %dma_wait3A_1946 = tpu.memref_slice %arg4[%add3A_1924, %dma_wait3A_1945] : memref<819200x32xf32, #tpu.memory_space<hbm>> -> memref<512x32xf32, #tpu.memory_space<hbm>>
    %dma_wait3A_1947 = arith.constant 0 : i32
    %dma_wait3A_1948 = arith.constant 0 : i32
    %dma_wait3A_1949 = tpu.memref_slice %arg6[%dma_wait3A_1938, %dma_wait3A_1947, %dma_wait3A_1948] : memref<4x512x32xf32, #tpu.memory_space<vmem>> -> memref<1x512x32xf32, #tpu.memory_space<vmem>>
    %dma_wait3A_1950 = tpu.memref_squeeze %dma_wait3A_1949 : memref<1x512x32xf32, #tpu.memory_space<vmem>> -> memref<512x32xf32, #tpu.memory_space<vmem>>
    tpu.wait_dma2 semaphore(%arg14 : memref<!tpu.dma_semaphore, #tpu.memory_space<semaphore_mem>>) src(%dma_wait3A_1950 : memref<512x32xf32, #tpu.memory_space<vmem>>) dst(%dma_wait3A_1946 : memref<512x32xf32, #tpu.memory_space<hbm>>)
    %dma_start3A_1951 = arith.constant 3 : i32
    %dma_start3A_1952 = arith.constant 0 : i32
    %dma_start3A_1953 = arith.constant 0 : i32
    %dma_start3A_1954 = tpu.memref_slice %arg6[%dma_start3A_1951, %dma_start3A_1952, %dma_start3A_1953] : memref<4x512x32xf32, #tpu.memory_space<vmem>> -> memref<1x512x32xf32, #tpu.memory_space<vmem>>
    %dma_start3A_1955 = tpu.memref_squeeze %dma_start3A_1954 : memref<1x512x32xf32, #tpu.memory_space<vmem>> -> memref<512x32xf32, #tpu.memory_space<vmem>>
    %dma_start3A_1956 = arith.constant 22016 : i32
    %dma_start3A_1957 = tpu.memref_slice %arg5[%dma_start3A_1956] : memref<25600xi32, #tpu.memory_space<vmem>> -> memref<512xi32, #tpu.memory_space<vmem>>
    %dma_start3A_1958 = arith.constant 0 : i32
    %dma_start3A_1959 = arith.constant 0 : i32
    %dma_start3A_1960 = tpu.memref_slice %arg3[%dma_start3A_1958, %dma_start3A_1959] : memref<1000000x32xf32, #tpu.memory_space<hbm>> -> memref<1000000x32xf32, #tpu.memory_space<hbm>>
    tpu.enqueue_indirect_dma source(%dma_start3A_1960 : memref<1000000x32xf32, #tpu.memory_space<hbm>>) target(%dma_start3A_1955 : memref<512x32xf32, #tpu.memory_space<vmem>>) offsets(%dma_start3A_1957 : memref<512xi32, #tpu.memory_space<vmem>>) semaphore(%arg10 : memref<!tpu.dma_semaphore, #tpu.memory_space<semaphore_mem>>)
    %dma_wait3A_1961 = arith.constant 0 : i32
    %dma_wait3A_1962 = arith.constant 0 : i32
    %dma_wait3A_1963 = arith.constant 0 : i32
    %dma_wait3A_1964 = tpu.memref_slice %arg6[%dma_wait3A_1961, %dma_wait3A_1962, %dma_wait3A_1963] : memref<4x512x32xf32, #tpu.memory_space<vmem>> -> memref<1x512x32xf32, #tpu.memory_space<vmem>>
    %dma_wait3A_1965 = tpu.memref_squeeze %dma_wait3A_1964 : memref<1x512x32xf32, #tpu.memory_space<vmem>> -> memref<512x32xf32, #tpu.memory_space<vmem>>
    %dma_wait3A_1966 = arith.constant 20480 : i32
    %dma_wait3A_1967 = tpu.memref_slice %arg5[%dma_wait3A_1966] : memref<25600xi32, #tpu.memory_space<vmem>> -> memref<512xi32, #tpu.memory_space<vmem>>
    %dma_wait3A_1968 = arith.constant 0 : i32
    %dma_wait3A_1969 = arith.constant 0 : i32
    %dma_wait3A_1970 = tpu.memref_slice %arg3[%dma_wait3A_1968, %dma_wait3A_1969] : memref<1000000x32xf32, #tpu.memory_space<hbm>> -> memref<1000000x32xf32, #tpu.memory_space<hbm>>
    tpu.wait_indirect_dma semaphore(%arg7 : memref<!tpu.dma_semaphore, #tpu.memory_space<semaphore_mem>>) src(%dma_wait3A_1970 : memref<1000000x32xf32, #tpu.memory_space<hbm>>) dst(%dma_wait3A_1965 : memref<512x32xf32, #tpu.memory_space<vmem>>)
    %add3A_1971 = arith.constant 20480 : i32
    %add3A_1972 = arith.addi %mul3A_2, %add3A_1971 : i32
    %dma_start3A_1973 = arith.constant 0 : i32
    %dma_start3A_1974 = arith.constant 0 : i32
    %dma_start3A_1975 = arith.constant 0 : i32
    %dma_start3A_1976 = tpu.memref_slice %arg6[%dma_start3A_1973, %dma_start3A_1974, %dma_start3A_1975] : memref<4x512x32xf32, #tpu.memory_space<vmem>> -> memref<1x512x32xf32, #tpu.memory_space<vmem>>
    %dma_start3A_1977 = tpu.memref_squeeze %dma_start3A_1976 : memref<1x512x32xf32, #tpu.memory_space<vmem>> -> memref<512x32xf32, #tpu.memory_space<vmem>>
    %dma_start3A_1978 = arith.constant 0 : i32
    %dma_start3A_1979 = tpu.memref_slice %arg4[%add3A_1972, %dma_start3A_1978] : memref<819200x32xf32, #tpu.memory_space<hbm>> -> memref<512x32xf32, #tpu.memory_space<hbm>>
    %dma_start3A_1980 = arith.constant 0 : i32
    %dma_start3A_1981 = tpu.memref_slice %arg4[%add3A_1972, %dma_start3A_1980] : memref<819200x32xf32, #tpu.memory_space<hbm>> -> memref<512x32xf32, #tpu.memory_space<hbm>>
    %dma_start3A_1982 = arith.constant 0 : i32
    %dma_start3A_1983 = arith.constant 0 : i32
    %dma_start3A_1984 = tpu.memref_slice %arg6[%dma_start3A_1973, %dma_start3A_1982, %dma_start3A_1983] : memref<4x512x32xf32, #tpu.memory_space<vmem>> -> memref<1x512x32xf32, #tpu.memory_space<vmem>>
    %dma_start3A_1985 = tpu.memref_squeeze %dma_start3A_1984 : memref<1x512x32xf32, #tpu.memory_space<vmem>> -> memref<512x32xf32, #tpu.memory_space<vmem>>
    tpu.enqueue_dma source(%dma_start3A_1985 : memref<512x32xf32, #tpu.memory_space<vmem>>) target(%dma_start3A_1981 : memref<512x32xf32, #tpu.memory_space<hbm>>) target_semaphore(%arg11 : memref<!tpu.dma_semaphore, #tpu.memory_space<semaphore_mem>>)
    %dma_wait3A_1986 = arith.constant 0 : i32
    %dma_wait3A_1987 = arith.constant 0 : i32
    %dma_wait3A_1988 = arith.constant 0 : i32
    %dma_wait3A_1989 = tpu.memref_slice %arg6[%dma_wait3A_1986, %dma_wait3A_1987, %dma_wait3A_1988] : memref<4x512x32xf32, #tpu.memory_space<vmem>> -> memref<1x512x32xf32, #tpu.memory_space<vmem>>
    %dma_wait3A_1990 = tpu.memref_squeeze %dma_wait3A_1989 : memref<1x512x32xf32, #tpu.memory_space<vmem>> -> memref<512x32xf32, #tpu.memory_space<vmem>>
    %dma_wait3A_1991 = arith.constant 0 : i32
    %dma_wait3A_1992 = tpu.memref_slice %arg4[%add3A_1972, %dma_wait3A_1991] : memref<819200x32xf32, #tpu.memory_space<hbm>> -> memref<512x32xf32, #tpu.memory_space<hbm>>
    %dma_wait3A_1993 = arith.constant 0 : i32
    %dma_wait3A_1994 = tpu.memref_slice %arg4[%add3A_1972, %dma_wait3A_1993] : memref<819200x32xf32, #tpu.memory_space<hbm>> -> memref<512x32xf32, #tpu.memory_space<hbm>>
    %dma_wait3A_1995 = arith.constant 0 : i32
    %dma_wait3A_1996 = arith.constant 0 : i32
    %dma_wait3A_1997 = tpu.memref_slice %arg6[%dma_wait3A_1986, %dma_wait3A_1995, %dma_wait3A_1996] : memref<4x512x32xf32, #tpu.memory_space<vmem>> -> memref<1x512x32xf32, #tpu.memory_space<vmem>>
    %dma_wait3A_1998 = tpu.memref_squeeze %dma_wait3A_1997 : memref<1x512x32xf32, #tpu.memory_space<vmem>> -> memref<512x32xf32, #tpu.memory_space<vmem>>
    tpu.wait_dma2 semaphore(%arg11 : memref<!tpu.dma_semaphore, #tpu.memory_space<semaphore_mem>>) src(%dma_wait3A_1998 : memref<512x32xf32, #tpu.memory_space<vmem>>) dst(%dma_wait3A_1994 : memref<512x32xf32, #tpu.memory_space<hbm>>)
    %dma_start3A_1999 = arith.constant 0 : i32
    %dma_start3A_2000 = arith.constant 0 : i32
    %dma_start3A_2001 = arith.constant 0 : i32
    %dma_start3A_2002 = tpu.memref_slice %arg6[%dma_start3A_1999, %dma_start3A_2000, %dma_start3A_2001] : memref<4x512x32xf32, #tpu.memory_space<vmem>> -> memref<1x512x32xf32, #tpu.memory_space<vmem>>
    %dma_start3A_2003 = tpu.memref_squeeze %dma_start3A_2002 : memref<1x512x32xf32, #tpu.memory_space<vmem>> -> memref<512x32xf32, #tpu.memory_space<vmem>>
    %dma_start3A_2004 = arith.constant 22528 : i32
    %dma_start3A_2005 = tpu.memref_slice %arg5[%dma_start3A_2004] : memref<25600xi32, #tpu.memory_space<vmem>> -> memref<512xi32, #tpu.memory_space<vmem>>
    %dma_start3A_2006 = arith.constant 0 : i32
    %dma_start3A_2007 = arith.constant 0 : i32
    %dma_start3A_2008 = tpu.memref_slice %arg3[%dma_start3A_2006, %dma_start3A_2007] : memref<1000000x32xf32, #tpu.memory_space<hbm>> -> memref<1000000x32xf32, #tpu.memory_space<hbm>>
    tpu.enqueue_indirect_dma source(%dma_start3A_2008 : memref<1000000x32xf32, #tpu.memory_space<hbm>>) target(%dma_start3A_2003 : memref<512x32xf32, #tpu.memory_space<vmem>>) offsets(%dma_start3A_2005 : memref<512xi32, #tpu.memory_space<vmem>>) semaphore(%arg7 : memref<!tpu.dma_semaphore, #tpu.memory_space<semaphore_mem>>)
    %dma_wait3A_2009 = arith.constant 1 : i32
    %dma_wait3A_2010 = arith.constant 0 : i32
    %dma_wait3A_2011 = arith.constant 0 : i32
    %dma_wait3A_2012 = tpu.memref_slice %arg6[%dma_wait3A_2009, %dma_wait3A_2010, %dma_wait3A_2011] : memref<4x512x32xf32, #tpu.memory_space<vmem>> -> memref<1x512x32xf32, #tpu.memory_space<vmem>>
    %dma_wait3A_2013 = tpu.memref_squeeze %dma_wait3A_2012 : memref<1x512x32xf32, #tpu.memory_space<vmem>> -> memref<512x32xf32, #tpu.memory_space<vmem>>
    %dma_wait3A_2014 = arith.constant 20992 : i32
    %dma_wait3A_2015 = tpu.memref_slice %arg5[%dma_wait3A_2014] : memref<25600xi32, #tpu.memory_space<vmem>> -> memref<512xi32, #tpu.memory_space<vmem>>
    %dma_wait3A_2016 = arith.constant 0 : i32
    %dma_wait3A_2017 = arith.constant 0 : i32
    %dma_wait3A_2018 = tpu.memref_slice %arg3[%dma_wait3A_2016, %dma_wait3A_2017] : memref<1000000x32xf32, #tpu.memory_space<hbm>> -> memref<1000000x32xf32, #tpu.memory_space<hbm>>
    tpu.wait_indirect_dma semaphore(%arg8 : memref<!tpu.dma_semaphore, #tpu.memory_space<semaphore_mem>>) src(%dma_wait3A_2018 : memref<1000000x32xf32, #tpu.memory_space<hbm>>) dst(%dma_wait3A_2013 : memref<512x32xf32, #tpu.memory_space<vmem>>)
    %add3A_2019 = arith.constant 20992 : i32
    %add3A_2020 = arith.addi %mul3A_2, %add3A_2019 : i32
    %dma_start3A_2021 = arith.constant 1 : i32
    %dma_start3A_2022 = arith.constant 0 : i32
    %dma_start3A_2023 = arith.constant 0 : i32
    %dma_start3A_2024 = tpu.memref_slice %arg6[%dma_start3A_2021, %dma_start3A_2022, %dma_start3A_2023] : memref<4x512x32xf32, #tpu.memory_space<vmem>> -> memref<1x512x32xf32, #tpu.memory_space<vmem>>
    %dma_start3A_2025 = tpu.memref_squeeze %dma_start3A_2024 : memref<1x512x32xf32, #tpu.memory_space<vmem>> -> memref<512x32xf32, #tpu.memory_space<vmem>>
    %dma_start3A_2026 = arith.constant 0 : i32
    %dma_start3A_2027 = tpu.memref_slice %arg4[%add3A_2020, %dma_start3A_2026] : memref<819200x32xf32, #tpu.memory_space<hbm>> -> memref<512x32xf32, #tpu.memory_space<hbm>>
    %dma_start3A_2028 = arith.constant 0 : i32
    %dma_start3A_2029 = tpu.memref_slice %arg4[%add3A_2020, %dma_start3A_2028] : memref<819200x32xf32, #tpu.memory_space<hbm>> -> memref<512x32xf32, #tpu.memory_space<hbm>>
    %dma_start3A_2030 = arith.constant 0 : i32
    %dma_start3A_2031 = arith.constant 0 : i32
    %dma_start3A_2032 = tpu.memref_slice %arg6[%dma_start3A_2021, %dma_start3A_2030, %dma_start3A_2031] : memref<4x512x32xf32, #tpu.memory_space<vmem>> -> memref<1x512x32xf32, #tpu.memory_space<vmem>>
    %dma_start3A_2033 = tpu.memref_squeeze %dma_start3A_2032 : memref<1x512x32xf32, #tpu.memory_space<vmem>> -> memref<512x32xf32, #tpu.memory_space<vmem>>
    tpu.enqueue_dma source(%dma_start3A_2033 : memref<512x32xf32, #tpu.memory_space<vmem>>) target(%dma_start3A_2029 : memref<512x32xf32, #tpu.memory_space<hbm>>) target_semaphore(%arg12 : memref<!tpu.dma_semaphore, #tpu.memory_space<semaphore_mem>>)
    %dma_wait3A_2034 = arith.constant 1 : i32
    %dma_wait3A_2035 = arith.constant 0 : i32
    %dma_wait3A_2036 = arith.constant 0 : i32
    %dma_wait3A_2037 = tpu.memref_slice %arg6[%dma_wait3A_2034, %dma_wait3A_2035, %dma_wait3A_2036] : memref<4x512x32xf32, #tpu.memory_space<vmem>> -> memref<1x512x32xf32, #tpu.memory_space<vmem>>
    %dma_wait3A_2038 = tpu.memref_squeeze %dma_wait3A_2037 : memref<1x512x32xf32, #tpu.memory_space<vmem>> -> memref<512x32xf32, #tpu.memory_space<vmem>>
    %dma_wait3A_2039 = arith.constant 0 : i32
    %dma_wait3A_2040 = tpu.memref_slice %arg4[%add3A_2020, %dma_wait3A_2039] : memref<819200x32xf32, #tpu.memory_space<hbm>> -> memref<512x32xf32, #tpu.memory_space<hbm>>
    %dma_wait3A_2041 = arith.constant 0 : i32
    %dma_wait3A_2042 = tpu.memref_slice %arg4[%add3A_2020, %dma_wait3A_2041] : memref<819200x32xf32, #tpu.memory_space<hbm>> -> memref<512x32xf32, #tpu.memory_space<hbm>>
    %dma_wait3A_2043 = arith.constant 0 : i32
    %dma_wait3A_2044 = arith.constant 0 : i32
    %dma_wait3A_2045 = tpu.memref_slice %arg6[%dma_wait3A_2034, %dma_wait3A_2043, %dma_wait3A_2044] : memref<4x512x32xf32, #tpu.memory_space<vmem>> -> memref<1x512x32xf32, #tpu.memory_space<vmem>>
    %dma_wait3A_2046 = tpu.memref_squeeze %dma_wait3A_2045 : memref<1x512x32xf32, #tpu.memory_space<vmem>> -> memref<512x32xf32, #tpu.memory_space<vmem>>
    tpu.wait_dma2 semaphore(%arg12 : memref<!tpu.dma_semaphore, #tpu.memory_space<semaphore_mem>>) src(%dma_wait3A_2046 : memref<512x32xf32, #tpu.memory_space<vmem>>) dst(%dma_wait3A_2042 : memref<512x32xf32, #tpu.memory_space<hbm>>)
    %dma_start3A_2047 = arith.constant 1 : i32
    %dma_start3A_2048 = arith.constant 0 : i32
    %dma_start3A_2049 = arith.constant 0 : i32
    %dma_start3A_2050 = tpu.memref_slice %arg6[%dma_start3A_2047, %dma_start3A_2048, %dma_start3A_2049] : memref<4x512x32xf32, #tpu.memory_space<vmem>> -> memref<1x512x32xf32, #tpu.memory_space<vmem>>
    %dma_start3A_2051 = tpu.memref_squeeze %dma_start3A_2050 : memref<1x512x32xf32, #tpu.memory_space<vmem>> -> memref<512x32xf32, #tpu.memory_space<vmem>>
    %dma_start3A_2052 = arith.constant 23040 : i32
    %dma_start3A_2053 = tpu.memref_slice %arg5[%dma_start3A_2052] : memref<25600xi32, #tpu.memory_space<vmem>> -> memref<512xi32, #tpu.memory_space<vmem>>
    %dma_start3A_2054 = arith.constant 0 : i32
    %dma_start3A_2055 = arith.constant 0 : i32
    %dma_start3A_2056 = tpu.memref_slice %arg3[%dma_start3A_2054, %dma_start3A_2055] : memref<1000000x32xf32, #tpu.memory_space<hbm>> -> memref<1000000x32xf32, #tpu.memory_space<hbm>>
    tpu.enqueue_indirect_dma source(%dma_start3A_2056 : memref<1000000x32xf32, #tpu.memory_space<hbm>>) target(%dma_start3A_2051 : memref<512x32xf32, #tpu.memory_space<vmem>>) offsets(%dma_start3A_2053 : memref<512xi32, #tpu.memory_space<vmem>>) semaphore(%arg8 : memref<!tpu.dma_semaphore, #tpu.memory_space<semaphore_mem>>)
    %dma_wait3A_2057 = arith.constant 2 : i32
    %dma_wait3A_2058 = arith.constant 0 : i32
    %dma_wait3A_2059 = arith.constant 0 : i32
    %dma_wait3A_2060 = tpu.memref_slice %arg6[%dma_wait3A_2057, %dma_wait3A_2058, %dma_wait3A_2059] : memref<4x512x32xf32, #tpu.memory_space<vmem>> -> memref<1x512x32xf32, #tpu.memory_space<vmem>>
    %dma_wait3A_2061 = tpu.memref_squeeze %dma_wait3A_2060 : memref<1x512x32xf32, #tpu.memory_space<vmem>> -> memref<512x32xf32, #tpu.memory_space<vmem>>
    %dma_wait3A_2062 = arith.constant 21504 : i32
    %dma_wait3A_2063 = tpu.memref_slice %arg5[%dma_wait3A_2062] : memref<25600xi32, #tpu.memory_space<vmem>> -> memref<512xi32, #tpu.memory_space<vmem>>
    %dma_wait3A_2064 = arith.constant 0 : i32
    %dma_wait3A_2065 = arith.constant 0 : i32
    %dma_wait3A_2066 = tpu.memref_slice %arg3[%dma_wait3A_2064, %dma_wait3A_2065] : memref<1000000x32xf32, #tpu.memory_space<hbm>> -> memref<1000000x32xf32, #tpu.memory_space<hbm>>
    tpu.wait_indirect_dma semaphore(%arg9 : memref<!tpu.dma_semaphore, #tpu.memory_space<semaphore_mem>>) src(%dma_wait3A_2066 : memref<1000000x32xf32, #tpu.memory_space<hbm>>) dst(%dma_wait3A_2061 : memref<512x32xf32, #tpu.memory_space<vmem>>)
    %add3A_2067 = arith.constant 21504 : i32
    %add3A_2068 = arith.addi %mul3A_2, %add3A_2067 : i32
    %dma_start3A_2069 = arith.constant 2 : i32
    %dma_start3A_2070 = arith.constant 0 : i32
    %dma_start3A_2071 = arith.constant 0 : i32
    %dma_start3A_2072 = tpu.memref_slice %arg6[%dma_start3A_2069, %dma_start3A_2070, %dma_start3A_2071] : memref<4x512x32xf32, #tpu.memory_space<vmem>> -> memref<1x512x32xf32, #tpu.memory_space<vmem>>
    %dma_start3A_2073 = tpu.memref_squeeze %dma_start3A_2072 : memref<1x512x32xf32, #tpu.memory_space<vmem>> -> memref<512x32xf32, #tpu.memory_space<vmem>>
    %dma_start3A_2074 = arith.constant 0 : i32
    %dma_start3A_2075 = tpu.memref_slice %arg4[%add3A_2068, %dma_start3A_2074] : memref<819200x32xf32, #tpu.memory_space<hbm>> -> memref<512x32xf32, #tpu.memory_space<hbm>>
    %dma_start3A_2076 = arith.constant 0 : i32
    %dma_start3A_2077 = tpu.memref_slice %arg4[%add3A_2068, %dma_start3A_2076] : memref<819200x32xf32, #tpu.memory_space<hbm>> -> memref<512x32xf32, #tpu.memory_space<hbm>>
    %dma_start3A_2078 = arith.constant 0 : i32
    %dma_start3A_2079 = arith.constant 0 : i32
    %dma_start3A_2080 = tpu.memref_slice %arg6[%dma_start3A_2069, %dma_start3A_2078, %dma_start3A_2079] : memref<4x512x32xf32, #tpu.memory_space<vmem>> -> memref<1x512x32xf32, #tpu.memory_space<vmem>>
    %dma_start3A_2081 = tpu.memref_squeeze %dma_start3A_2080 : memref<1x512x32xf32, #tpu.memory_space<vmem>> -> memref<512x32xf32, #tpu.memory_space<vmem>>
    tpu.enqueue_dma source(%dma_start3A_2081 : memref<512x32xf32, #tpu.memory_space<vmem>>) target(%dma_start3A_2077 : memref<512x32xf32, #tpu.memory_space<hbm>>) target_semaphore(%arg13 : memref<!tpu.dma_semaphore, #tpu.memory_space<semaphore_mem>>)
    %dma_wait3A_2082 = arith.constant 2 : i32
    %dma_wait3A_2083 = arith.constant 0 : i32
    %dma_wait3A_2084 = arith.constant 0 : i32
    %dma_wait3A_2085 = tpu.memref_slice %arg6[%dma_wait3A_2082, %dma_wait3A_2083, %dma_wait3A_2084] : memref<4x512x32xf32, #tpu.memory_space<vmem>> -> memref<1x512x32xf32, #tpu.memory_space<vmem>>
    %dma_wait3A_2086 = tpu.memref_squeeze %dma_wait3A_2085 : memref<1x512x32xf32, #tpu.memory_space<vmem>> -> memref<512x32xf32, #tpu.memory_space<vmem>>
    %dma_wait3A_2087 = arith.constant 0 : i32
    %dma_wait3A_2088 = tpu.memref_slice %arg4[%add3A_2068, %dma_wait3A_2087] : memref<819200x32xf32, #tpu.memory_space<hbm>> -> memref<512x32xf32, #tpu.memory_space<hbm>>
    %dma_wait3A_2089 = arith.constant 0 : i32
    %dma_wait3A_2090 = tpu.memref_slice %arg4[%add3A_2068, %dma_wait3A_2089] : memref<819200x32xf32, #tpu.memory_space<hbm>> -> memref<512x32xf32, #tpu.memory_space<hbm>>
    %dma_wait3A_2091 = arith.constant 0 : i32
    %dma_wait3A_2092 = arith.constant 0 : i32
    %dma_wait3A_2093 = tpu.memref_slice %arg6[%dma_wait3A_2082, %dma_wait3A_2091, %dma_wait3A_2092] : memref<4x512x32xf32, #tpu.memory_space<vmem>> -> memref<1x512x32xf32, #tpu.memory_space<vmem>>
    %dma_wait3A_2094 = tpu.memref_squeeze %dma_wait3A_2093 : memref<1x512x32xf32, #tpu.memory_space<vmem>> -> memref<512x32xf32, #tpu.memory_space<vmem>>
    tpu.wait_dma2 semaphore(%arg13 : memref<!tpu.dma_semaphore, #tpu.memory_space<semaphore_mem>>) src(%dma_wait3A_2094 : memref<512x32xf32, #tpu.memory_space<vmem>>) dst(%dma_wait3A_2090 : memref<512x32xf32, #tpu.memory_space<hbm>>)
    %dma_start3A_2095 = arith.constant 2 : i32
    %dma_start3A_2096 = arith.constant 0 : i32
    %dma_start3A_2097 = arith.constant 0 : i32
    %dma_start3A_2098 = tpu.memref_slice %arg6[%dma_start3A_2095, %dma_start3A_2096, %dma_start3A_2097] : memref<4x512x32xf32, #tpu.memory_space<vmem>> -> memref<1x512x32xf32, #tpu.memory_space<vmem>>
    %dma_start3A_2099 = tpu.memref_squeeze %dma_start3A_2098 : memref<1x512x32xf32, #tpu.memory_space<vmem>> -> memref<512x32xf32, #tpu.memory_space<vmem>>
    %dma_start3A_2100 = arith.constant 23552 : i32
    %dma_start3A_2101 = tpu.memref_slice %arg5[%dma_start3A_2100] : memref<25600xi32, #tpu.memory_space<vmem>> -> memref<512xi32, #tpu.memory_space<vmem>>
    %dma_start3A_2102 = arith.constant 0 : i32
    %dma_start3A_2103 = arith.constant 0 : i32
    %dma_start3A_2104 = tpu.memref_slice %arg3[%dma_start3A_2102, %dma_start3A_2103] : memref<1000000x32xf32, #tpu.memory_space<hbm>> -> memref<1000000x32xf32, #tpu.memory_space<hbm>>
    tpu.enqueue_indirect_dma source(%dma_start3A_2104 : memref<1000000x32xf32, #tpu.memory_space<hbm>>) target(%dma_start3A_2099 : memref<512x32xf32, #tpu.memory_space<vmem>>) offsets(%dma_start3A_2101 : memref<512xi32, #tpu.memory_space<vmem>>) semaphore(%arg9 : memref<!tpu.dma_semaphore, #tpu.memory_space<semaphore_mem>>)
    %dma_wait3A_2105 = arith.constant 3 : i32
    %dma_wait3A_2106 = arith.constant 0 : i32
    %dma_wait3A_2107 = arith.constant 0 : i32
    %dma_wait3A_2108 = tpu.memref_slice %arg6[%dma_wait3A_2105, %dma_wait3A_2106, %dma_wait3A_2107] : memref<4x512x32xf32, #tpu.memory_space<vmem>> -> memref<1x512x32xf32, #tpu.memory_space<vmem>>
    %dma_wait3A_2109 = tpu.memref_squeeze %dma_wait3A_2108 : memref<1x512x32xf32, #tpu.memory_space<vmem>> -> memref<512x32xf32, #tpu.memory_space<vmem>>
    %dma_wait3A_2110 = arith.constant 22016 : i32
    %dma_wait3A_2111 = tpu.memref_slice %arg5[%dma_wait3A_2110] : memref<25600xi32, #tpu.memory_space<vmem>> -> memref<512xi32, #tpu.memory_space<vmem>>
    %dma_wait3A_2112 = arith.constant 0 : i32
    %dma_wait3A_2113 = arith.constant 0 : i32
    %dma_wait3A_2114 = tpu.memref_slice %arg3[%dma_wait3A_2112, %dma_wait3A_2113] : memref<1000000x32xf32, #tpu.memory_space<hbm>> -> memref<1000000x32xf32, #tpu.memory_space<hbm>>
    tpu.wait_indirect_dma semaphore(%arg10 : memref<!tpu.dma_semaphore, #tpu.memory_space<semaphore_mem>>) src(%dma_wait3A_2114 : memref<1000000x32xf32, #tpu.memory_space<hbm>>) dst(%dma_wait3A_2109 : memref<512x32xf32, #tpu.memory_space<vmem>>)
    %add3A_2115 = arith.constant 22016 : i32
    %add3A_2116 = arith.addi %mul3A_2, %add3A_2115 : i32
    %dma_start3A_2117 = arith.constant 3 : i32
    %dma_start3A_2118 = arith.constant 0 : i32
    %dma_start3A_2119 = arith.constant 0 : i32
    %dma_start3A_2120 = tpu.memref_slice %arg6[%dma_start3A_2117, %dma_start3A_2118, %dma_start3A_2119] : memref<4x512x32xf32, #tpu.memory_space<vmem>> -> memref<1x512x32xf32, #tpu.memory_space<vmem>>
    %dma_start3A_2121 = tpu.memref_squeeze %dma_start3A_2120 : memref<1x512x32xf32, #tpu.memory_space<vmem>> -> memref<512x32xf32, #tpu.memory_space<vmem>>
    %dma_start3A_2122 = arith.constant 0 : i32
    %dma_start3A_2123 = tpu.memref_slice %arg4[%add3A_2116, %dma_start3A_2122] : memref<819200x32xf32, #tpu.memory_space<hbm>> -> memref<512x32xf32, #tpu.memory_space<hbm>>
    %dma_start3A_2124 = arith.constant 0 : i32
    %dma_start3A_2125 = tpu.memref_slice %arg4[%add3A_2116, %dma_start3A_2124] : memref<819200x32xf32, #tpu.memory_space<hbm>> -> memref<512x32xf32, #tpu.memory_space<hbm>>
    %dma_start3A_2126 = arith.constant 0 : i32
    %dma_start3A_2127 = arith.constant 0 : i32
    %dma_start3A_2128 = tpu.memref_slice %arg6[%dma_start3A_2117, %dma_start3A_2126, %dma_start3A_2127] : memref<4x512x32xf32, #tpu.memory_space<vmem>> -> memref<1x512x32xf32, #tpu.memory_space<vmem>>
    %dma_start3A_2129 = tpu.memref_squeeze %dma_start3A_2128 : memref<1x512x32xf32, #tpu.memory_space<vmem>> -> memref<512x32xf32, #tpu.memory_space<vmem>>
    tpu.enqueue_dma source(%dma_start3A_2129 : memref<512x32xf32, #tpu.memory_space<vmem>>) target(%dma_start3A_2125 : memref<512x32xf32, #tpu.memory_space<hbm>>) target_semaphore(%arg14 : memref<!tpu.dma_semaphore, #tpu.memory_space<semaphore_mem>>)
    %dma_wait3A_2130 = arith.constant 3 : i32
    %dma_wait3A_2131 = arith.constant 0 : i32
    %dma_wait3A_2132 = arith.constant 0 : i32
    %dma_wait3A_2133 = tpu.memref_slice %arg6[%dma_wait3A_2130, %dma_wait3A_2131, %dma_wait3A_2132] : memref<4x512x32xf32, #tpu.memory_space<vmem>> -> memref<1x512x32xf32, #tpu.memory_space<vmem>>
    %dma_wait3A_2134 = tpu.memref_squeeze %dma_wait3A_2133 : memref<1x512x32xf32, #tpu.memory_space<vmem>> -> memref<512x32xf32, #tpu.memory_space<vmem>>
    %dma_wait3A_2135 = arith.constant 0 : i32
    %dma_wait3A_2136 = tpu.memref_slice %arg4[%add3A_2116, %dma_wait3A_2135] : memref<819200x32xf32, #tpu.memory_space<hbm>> -> memref<512x32xf32, #tpu.memory_space<hbm>>
    %dma_wait3A_2137 = arith.constant 0 : i32
    %dma_wait3A_2138 = tpu.memref_slice %arg4[%add3A_2116, %dma_wait3A_2137] : memref<819200x32xf32, #tpu.memory_space<hbm>> -> memref<512x32xf32, #tpu.memory_space<hbm>>
    %dma_wait3A_2139 = arith.constant 0 : i32
    %dma_wait3A_2140 = arith.constant 0 : i32
    %dma_wait3A_2141 = tpu.memref_slice %arg6[%dma_wait3A_2130, %dma_wait3A_2139, %dma_wait3A_2140] : memref<4x512x32xf32, #tpu.memory_space<vmem>> -> memref<1x512x32xf32, #tpu.memory_space<vmem>>
    %dma_wait3A_2142 = tpu.memref_squeeze %dma_wait3A_2141 : memref<1x512x32xf32, #tpu.memory_space<vmem>> -> memref<512x32xf32, #tpu.memory_space<vmem>>
    tpu.wait_dma2 semaphore(%arg14 : memref<!tpu.dma_semaphore, #tpu.memory_space<semaphore_mem>>) src(%dma_wait3A_2142 : memref<512x32xf32, #tpu.memory_space<vmem>>) dst(%dma_wait3A_2138 : memref<512x32xf32, #tpu.memory_space<hbm>>)
    %dma_start3A_2143 = arith.constant 3 : i32
    %dma_start3A_2144 = arith.constant 0 : i32
    %dma_start3A_2145 = arith.constant 0 : i32
    %dma_start3A_2146 = tpu.memref_slice %arg6[%dma_start3A_2143, %dma_start3A_2144, %dma_start3A_2145] : memref<4x512x32xf32, #tpu.memory_space<vmem>> -> memref<1x512x32xf32, #tpu.memory_space<vmem>>
    %dma_start3A_2147 = tpu.memref_squeeze %dma_start3A_2146 : memref<1x512x32xf32, #tpu.memory_space<vmem>> -> memref<512x32xf32, #tpu.memory_space<vmem>>
    %dma_start3A_2148 = arith.constant 24064 : i32
    %dma_start3A_2149 = tpu.memref_slice %arg5[%dma_start3A_2148] : memref<25600xi32, #tpu.memory_space<vmem>> -> memref<512xi32, #tpu.memory_space<vmem>>
    %dma_start3A_2150 = arith.constant 0 : i32
    %dma_start3A_2151 = arith.constant 0 : i32
    %dma_start3A_2152 = tpu.memref_slice %arg3[%dma_start3A_2150, %dma_start3A_2151] : memref<1000000x32xf32, #tpu.memory_space<hbm>> -> memref<1000000x32xf32, #tpu.memory_space<hbm>>
    tpu.enqueue_indirect_dma source(%dma_start3A_2152 : memref<1000000x32xf32, #tpu.memory_space<hbm>>) target(%dma_start3A_2147 : memref<512x32xf32, #tpu.memory_space<vmem>>) offsets(%dma_start3A_2149 : memref<512xi32, #tpu.memory_space<vmem>>) semaphore(%arg10 : memref<!tpu.dma_semaphore, #tpu.memory_space<semaphore_mem>>)
    %dma_wait3A_2153 = arith.constant 0 : i32
    %dma_wait3A_2154 = arith.constant 0 : i32
    %dma_wait3A_2155 = arith.constant 0 : i32
    %dma_wait3A_2156 = tpu.memref_slice %arg6[%dma_wait3A_2153, %dma_wait3A_2154, %dma_wait3A_2155] : memref<4x512x32xf32, #tpu.memory_space<vmem>> -> memref<1x512x32xf32, #tpu.memory_space<vmem>>
    %dma_wait3A_2157 = tpu.memref_squeeze %dma_wait3A_2156 : memref<1x512x32xf32, #tpu.memory_space<vmem>> -> memref<512x32xf32, #tpu.memory_space<vmem>>
    %dma_wait3A_2158 = arith.constant 22528 : i32
    %dma_wait3A_2159 = tpu.memref_slice %arg5[%dma_wait3A_2158] : memref<25600xi32, #tpu.memory_space<vmem>> -> memref<512xi32, #tpu.memory_space<vmem>>
    %dma_wait3A_2160 = arith.constant 0 : i32
    %dma_wait3A_2161 = arith.constant 0 : i32
    %dma_wait3A_2162 = tpu.memref_slice %arg3[%dma_wait3A_2160, %dma_wait3A_2161] : memref<1000000x32xf32, #tpu.memory_space<hbm>> -> memref<1000000x32xf32, #tpu.memory_space<hbm>>
    tpu.wait_indirect_dma semaphore(%arg7 : memref<!tpu.dma_semaphore, #tpu.memory_space<semaphore_mem>>) src(%dma_wait3A_2162 : memref<1000000x32xf32, #tpu.memory_space<hbm>>) dst(%dma_wait3A_2157 : memref<512x32xf32, #tpu.memory_space<vmem>>)
    %add3A_2163 = arith.constant 22528 : i32
    %add3A_2164 = arith.addi %mul3A_2, %add3A_2163 : i32
    %dma_start3A_2165 = arith.constant 0 : i32
    %dma_start3A_2166 = arith.constant 0 : i32
    %dma_start3A_2167 = arith.constant 0 : i32
    %dma_start3A_2168 = tpu.memref_slice %arg6[%dma_start3A_2165, %dma_start3A_2166, %dma_start3A_2167] : memref<4x512x32xf32, #tpu.memory_space<vmem>> -> memref<1x512x32xf32, #tpu.memory_space<vmem>>
    %dma_start3A_2169 = tpu.memref_squeeze %dma_start3A_2168 : memref<1x512x32xf32, #tpu.memory_space<vmem>> -> memref<512x32xf32, #tpu.memory_space<vmem>>
    %dma_start3A_2170 = arith.constant 0 : i32
    %dma_start3A_2171 = tpu.memref_slice %arg4[%add3A_2164, %dma_start3A_2170] : memref<819200x32xf32, #tpu.memory_space<hbm>> -> memref<512x32xf32, #tpu.memory_space<hbm>>
    %dma_start3A_2172 = arith.constant 0 : i32
    %dma_start3A_2173 = tpu.memref_slice %arg4[%add3A_2164, %dma_start3A_2172] : memref<819200x32xf32, #tpu.memory_space<hbm>> -> memref<512x32xf32, #tpu.memory_space<hbm>>
    %dma_start3A_2174 = arith.constant 0 : i32
    %dma_start3A_2175 = arith.constant 0 : i32
    %dma_start3A_2176 = tpu.memref_slice %arg6[%dma_start3A_2165, %dma_start3A_2174, %dma_start3A_2175] : memref<4x512x32xf32, #tpu.memory_space<vmem>> -> memref<1x512x32xf32, #tpu.memory_space<vmem>>
    %dma_start3A_2177 = tpu.memref_squeeze %dma_start3A_2176 : memref<1x512x32xf32, #tpu.memory_space<vmem>> -> memref<512x32xf32, #tpu.memory_space<vmem>>
    tpu.enqueue_dma source(%dma_start3A_2177 : memref<512x32xf32, #tpu.memory_space<vmem>>) target(%dma_start3A_2173 : memref<512x32xf32, #tpu.memory_space<hbm>>) target_semaphore(%arg11 : memref<!tpu.dma_semaphore, #tpu.memory_space<semaphore_mem>>)
    %dma_wait3A_2178 = arith.constant 0 : i32
    %dma_wait3A_2179 = arith.constant 0 : i32
    %dma_wait3A_2180 = arith.constant 0 : i32
    %dma_wait3A_2181 = tpu.memref_slice %arg6[%dma_wait3A_2178, %dma_wait3A_2179, %dma_wait3A_2180] : memref<4x512x32xf32, #tpu.memory_space<vmem>> -> memref<1x512x32xf32, #tpu.memory_space<vmem>>
    %dma_wait3A_2182 = tpu.memref_squeeze %dma_wait3A_2181 : memref<1x512x32xf32, #tpu.memory_space<vmem>> -> memref<512x32xf32, #tpu.memory_space<vmem>>
    %dma_wait3A_2183 = arith.constant 0 : i32
    %dma_wait3A_2184 = tpu.memref_slice %arg4[%add3A_2164, %dma_wait3A_2183] : memref<819200x32xf32, #tpu.memory_space<hbm>> -> memref<512x32xf32, #tpu.memory_space<hbm>>
    %dma_wait3A_2185 = arith.constant 0 : i32
    %dma_wait3A_2186 = tpu.memref_slice %arg4[%add3A_2164, %dma_wait3A_2185] : memref<819200x32xf32, #tpu.memory_space<hbm>> -> memref<512x32xf32, #tpu.memory_space<hbm>>
    %dma_wait3A_2187 = arith.constant 0 : i32
    %dma_wait3A_2188 = arith.constant 0 : i32
    %dma_wait3A_2189 = tpu.memref_slice %arg6[%dma_wait3A_2178, %dma_wait3A_2187, %dma_wait3A_2188] : memref<4x512x32xf32, #tpu.memory_space<vmem>> -> memref<1x512x32xf32, #tpu.memory_space<vmem>>
    %dma_wait3A_2190 = tpu.memref_squeeze %dma_wait3A_2189 : memref<1x512x32xf32, #tpu.memory_space<vmem>> -> memref<512x32xf32, #tpu.memory_space<vmem>>
    tpu.wait_dma2 semaphore(%arg11 : memref<!tpu.dma_semaphore, #tpu.memory_space<semaphore_mem>>) src(%dma_wait3A_2190 : memref<512x32xf32, #tpu.memory_space<vmem>>) dst(%dma_wait3A_2186 : memref<512x32xf32, #tpu.memory_space<hbm>>)
    %dma_start3A_2191 = arith.constant 0 : i32
    %dma_start3A_2192 = arith.constant 0 : i32
    %dma_start3A_2193 = arith.constant 0 : i32
    %dma_start3A_2194 = tpu.memref_slice %arg6[%dma_start3A_2191, %dma_start3A_2192, %dma_start3A_2193] : memref<4x512x32xf32, #tpu.memory_space<vmem>> -> memref<1x512x32xf32, #tpu.memory_space<vmem>>
    %dma_start3A_2195 = tpu.memref_squeeze %dma_start3A_2194 : memref<1x512x32xf32, #tpu.memory_space<vmem>> -> memref<512x32xf32, #tpu.memory_space<vmem>>
    %dma_start3A_2196 = arith.constant 24576 : i32
    %dma_start3A_2197 = tpu.memref_slice %arg5[%dma_start3A_2196] : memref<25600xi32, #tpu.memory_space<vmem>> -> memref<512xi32, #tpu.memory_space<vmem>>
    %dma_start3A_2198 = arith.constant 0 : i32
    %dma_start3A_2199 = arith.constant 0 : i32
    %dma_start3A_2200 = tpu.memref_slice %arg3[%dma_start3A_2198, %dma_start3A_2199] : memref<1000000x32xf32, #tpu.memory_space<hbm>> -> memref<1000000x32xf32, #tpu.memory_space<hbm>>
    tpu.enqueue_indirect_dma source(%dma_start3A_2200 : memref<1000000x32xf32, #tpu.memory_space<hbm>>) target(%dma_start3A_2195 : memref<512x32xf32, #tpu.memory_space<vmem>>) offsets(%dma_start3A_2197 : memref<512xi32, #tpu.memory_space<vmem>>) semaphore(%arg7 : memref<!tpu.dma_semaphore, #tpu.memory_space<semaphore_mem>>)
    %dma_wait3A_2201 = arith.constant 1 : i32
    %dma_wait3A_2202 = arith.constant 0 : i32
    %dma_wait3A_2203 = arith.constant 0 : i32
    %dma_wait3A_2204 = tpu.memref_slice %arg6[%dma_wait3A_2201, %dma_wait3A_2202, %dma_wait3A_2203] : memref<4x512x32xf32, #tpu.memory_space<vmem>> -> memref<1x512x32xf32, #tpu.memory_space<vmem>>
    %dma_wait3A_2205 = tpu.memref_squeeze %dma_wait3A_2204 : memref<1x512x32xf32, #tpu.memory_space<vmem>> -> memref<512x32xf32, #tpu.memory_space<vmem>>
    %dma_wait3A_2206 = arith.constant 23040 : i32
    %dma_wait3A_2207 = tpu.memref_slice %arg5[%dma_wait3A_2206] : memref<25600xi32, #tpu.memory_space<vmem>> -> memref<512xi32, #tpu.memory_space<vmem>>
    %dma_wait3A_2208 = arith.constant 0 : i32
    %dma_wait3A_2209 = arith.constant 0 : i32
    %dma_wait3A_2210 = tpu.memref_slice %arg3[%dma_wait3A_2208, %dma_wait3A_2209] : memref<1000000x32xf32, #tpu.memory_space<hbm>> -> memref<1000000x32xf32, #tpu.memory_space<hbm>>
    tpu.wait_indirect_dma semaphore(%arg8 : memref<!tpu.dma_semaphore, #tpu.memory_space<semaphore_mem>>) src(%dma_wait3A_2210 : memref<1000000x32xf32, #tpu.memory_space<hbm>>) dst(%dma_wait3A_2205 : memref<512x32xf32, #tpu.memory_space<vmem>>)
    %add3A_2211 = arith.constant 23040 : i32
    %add3A_2212 = arith.addi %mul3A_2, %add3A_2211 : i32
    %dma_start3A_2213 = arith.constant 1 : i32
    %dma_start3A_2214 = arith.constant 0 : i32
    %dma_start3A_2215 = arith.constant 0 : i32
    %dma_start3A_2216 = tpu.memref_slice %arg6[%dma_start3A_2213, %dma_start3A_2214, %dma_start3A_2215] : memref<4x512x32xf32, #tpu.memory_space<vmem>> -> memref<1x512x32xf32, #tpu.memory_space<vmem>>
    %dma_start3A_2217 = tpu.memref_squeeze %dma_start3A_2216 : memref<1x512x32xf32, #tpu.memory_space<vmem>> -> memref<512x32xf32, #tpu.memory_space<vmem>>
    %dma_start3A_2218 = arith.constant 0 : i32
    %dma_start3A_2219 = tpu.memref_slice %arg4[%add3A_2212, %dma_start3A_2218] : memref<819200x32xf32, #tpu.memory_space<hbm>> -> memref<512x32xf32, #tpu.memory_space<hbm>>
    %dma_start3A_2220 = arith.constant 0 : i32
    %dma_start3A_2221 = tpu.memref_slice %arg4[%add3A_2212, %dma_start3A_2220] : memref<819200x32xf32, #tpu.memory_space<hbm>> -> memref<512x32xf32, #tpu.memory_space<hbm>>
    %dma_start3A_2222 = arith.constant 0 : i32
    %dma_start3A_2223 = arith.constant 0 : i32
    %dma_start3A_2224 = tpu.memref_slice %arg6[%dma_start3A_2213, %dma_start3A_2222, %dma_start3A_2223] : memref<4x512x32xf32, #tpu.memory_space<vmem>> -> memref<1x512x32xf32, #tpu.memory_space<vmem>>
    %dma_start3A_2225 = tpu.memref_squeeze %dma_start3A_2224 : memref<1x512x32xf32, #tpu.memory_space<vmem>> -> memref<512x32xf32, #tpu.memory_space<vmem>>
    tpu.enqueue_dma source(%dma_start3A_2225 : memref<512x32xf32, #tpu.memory_space<vmem>>) target(%dma_start3A_2221 : memref<512x32xf32, #tpu.memory_space<hbm>>) target_semaphore(%arg12 : memref<!tpu.dma_semaphore, #tpu.memory_space<semaphore_mem>>)
    %dma_wait3A_2226 = arith.constant 1 : i32
    %dma_wait3A_2227 = arith.constant 0 : i32
    %dma_wait3A_2228 = arith.constant 0 : i32
    %dma_wait3A_2229 = tpu.memref_slice %arg6[%dma_wait3A_2226, %dma_wait3A_2227, %dma_wait3A_2228] : memref<4x512x32xf32, #tpu.memory_space<vmem>> -> memref<1x512x32xf32, #tpu.memory_space<vmem>>
    %dma_wait3A_2230 = tpu.memref_squeeze %dma_wait3A_2229 : memref<1x512x32xf32, #tpu.memory_space<vmem>> -> memref<512x32xf32, #tpu.memory_space<vmem>>
    %dma_wait3A_2231 = arith.constant 0 : i32
    %dma_wait3A_2232 = tpu.memref_slice %arg4[%add3A_2212, %dma_wait3A_2231] : memref<819200x32xf32, #tpu.memory_space<hbm>> -> memref<512x32xf32, #tpu.memory_space<hbm>>
    %dma_wait3A_2233 = arith.constant 0 : i32
    %dma_wait3A_2234 = tpu.memref_slice %arg4[%add3A_2212, %dma_wait3A_2233] : memref<819200x32xf32, #tpu.memory_space<hbm>> -> memref<512x32xf32, #tpu.memory_space<hbm>>
    %dma_wait3A_2235 = arith.constant 0 : i32
    %dma_wait3A_2236 = arith.constant 0 : i32
    %dma_wait3A_2237 = tpu.memref_slice %arg6[%dma_wait3A_2226, %dma_wait3A_2235, %dma_wait3A_2236] : memref<4x512x32xf32, #tpu.memory_space<vmem>> -> memref<1x512x32xf32, #tpu.memory_space<vmem>>
    %dma_wait3A_2238 = tpu.memref_squeeze %dma_wait3A_2237 : memref<1x512x32xf32, #tpu.memory_space<vmem>> -> memref<512x32xf32, #tpu.memory_space<vmem>>
    tpu.wait_dma2 semaphore(%arg12 : memref<!tpu.dma_semaphore, #tpu.memory_space<semaphore_mem>>) src(%dma_wait3A_2238 : memref<512x32xf32, #tpu.memory_space<vmem>>) dst(%dma_wait3A_2234 : memref<512x32xf32, #tpu.memory_space<hbm>>)
    %dma_start3A_2239 = arith.constant 1 : i32
    %dma_start3A_2240 = arith.constant 0 : i32
    %dma_start3A_2241 = arith.constant 0 : i32
    %dma_start3A_2242 = tpu.memref_slice %arg6[%dma_start3A_2239, %dma_start3A_2240, %dma_start3A_2241] : memref<4x512x32xf32, #tpu.memory_space<vmem>> -> memref<1x512x32xf32, #tpu.memory_space<vmem>>
    %dma_start3A_2243 = tpu.memref_squeeze %dma_start3A_2242 : memref<1x512x32xf32, #tpu.memory_space<vmem>> -> memref<512x32xf32, #tpu.memory_space<vmem>>
    %dma_start3A_2244 = arith.constant 25088 : i32
    %dma_start3A_2245 = tpu.memref_slice %arg5[%dma_start3A_2244] : memref<25600xi32, #tpu.memory_space<vmem>> -> memref<512xi32, #tpu.memory_space<vmem>>
    %dma_start3A_2246 = arith.constant 0 : i32
    %dma_start3A_2247 = arith.constant 0 : i32
    %dma_start3A_2248 = tpu.memref_slice %arg3[%dma_start3A_2246, %dma_start3A_2247] : memref<1000000x32xf32, #tpu.memory_space<hbm>> -> memref<1000000x32xf32, #tpu.memory_space<hbm>>
    tpu.enqueue_indirect_dma source(%dma_start3A_2248 : memref<1000000x32xf32, #tpu.memory_space<hbm>>) target(%dma_start3A_2243 : memref<512x32xf32, #tpu.memory_space<vmem>>) offsets(%dma_start3A_2245 : memref<512xi32, #tpu.memory_space<vmem>>) semaphore(%arg8 : memref<!tpu.dma_semaphore, #tpu.memory_space<semaphore_mem>>)
    %dma_wait3A_2249 = arith.constant 2 : i32
    %dma_wait3A_2250 = arith.constant 0 : i32
    %dma_wait3A_2251 = arith.constant 0 : i32
    %dma_wait3A_2252 = tpu.memref_slice %arg6[%dma_wait3A_2249, %dma_wait3A_2250, %dma_wait3A_2251] : memref<4x512x32xf32, #tpu.memory_space<vmem>> -> memref<1x512x32xf32, #tpu.memory_space<vmem>>
    %dma_wait3A_2253 = tpu.memref_squeeze %dma_wait3A_2252 : memref<1x512x32xf32, #tpu.memory_space<vmem>> -> memref<512x32xf32, #tpu.memory_space<vmem>>
    %dma_wait3A_2254 = arith.constant 23552 : i32
    %dma_wait3A_2255 = tpu.memref_slice %arg5[%dma_wait3A_2254] : memref<25600xi32, #tpu.memory_space<vmem>> -> memref<512xi32, #tpu.memory_space<vmem>>
    %dma_wait3A_2256 = arith.constant 0 : i32
    %dma_wait3A_2257 = arith.constant 0 : i32
    %dma_wait3A_2258 = tpu.memref_slice %arg3[%dma_wait3A_2256, %dma_wait3A_2257] : memref<1000000x32xf32, #tpu.memory_space<hbm>> -> memref<1000000x32xf32, #tpu.memory_space<hbm>>
    tpu.wait_indirect_dma semaphore(%arg9 : memref<!tpu.dma_semaphore, #tpu.memory_space<semaphore_mem>>) src(%dma_wait3A_2258 : memref<1000000x32xf32, #tpu.memory_space<hbm>>) dst(%dma_wait3A_2253 : memref<512x32xf32, #tpu.memory_space<vmem>>)
    %add3A_2259 = arith.constant 23552 : i32
    %add3A_2260 = arith.addi %mul3A_2, %add3A_2259 : i32
    %dma_start3A_2261 = arith.constant 2 : i32
    %dma_start3A_2262 = arith.constant 0 : i32
    %dma_start3A_2263 = arith.constant 0 : i32
    %dma_start3A_2264 = tpu.memref_slice %arg6[%dma_start3A_2261, %dma_start3A_2262, %dma_start3A_2263] : memref<4x512x32xf32, #tpu.memory_space<vmem>> -> memref<1x512x32xf32, #tpu.memory_space<vmem>>
    %dma_start3A_2265 = tpu.memref_squeeze %dma_start3A_2264 : memref<1x512x32xf32, #tpu.memory_space<vmem>> -> memref<512x32xf32, #tpu.memory_space<vmem>>
    %dma_start3A_2266 = arith.constant 0 : i32
    %dma_start3A_2267 = tpu.memref_slice %arg4[%add3A_2260, %dma_start3A_2266] : memref<819200x32xf32, #tpu.memory_space<hbm>> -> memref<512x32xf32, #tpu.memory_space<hbm>>
    %dma_start3A_2268 = arith.constant 0 : i32
    %dma_start3A_2269 = tpu.memref_slice %arg4[%add3A_2260, %dma_start3A_2268] : memref<819200x32xf32, #tpu.memory_space<hbm>> -> memref<512x32xf32, #tpu.memory_space<hbm>>
    %dma_start3A_2270 = arith.constant 0 : i32
    %dma_start3A_2271 = arith.constant 0 : i32
    %dma_start3A_2272 = tpu.memref_slice %arg6[%dma_start3A_2261, %dma_start3A_2270, %dma_start3A_2271] : memref<4x512x32xf32, #tpu.memory_space<vmem>> -> memref<1x512x32xf32, #tpu.memory_space<vmem>>
    %dma_start3A_2273 = tpu.memref_squeeze %dma_start3A_2272 : memref<1x512x32xf32, #tpu.memory_space<vmem>> -> memref<512x32xf32, #tpu.memory_space<vmem>>
    tpu.enqueue_dma source(%dma_start3A_2273 : memref<512x32xf32, #tpu.memory_space<vmem>>) target(%dma_start3A_2269 : memref<512x32xf32, #tpu.memory_space<hbm>>) target_semaphore(%arg13 : memref<!tpu.dma_semaphore, #tpu.memory_space<semaphore_mem>>)
    %dma_wait3A_2274 = arith.constant 3 : i32
    %dma_wait3A_2275 = arith.constant 0 : i32
    %dma_wait3A_2276 = arith.constant 0 : i32
    %dma_wait3A_2277 = tpu.memref_slice %arg6[%dma_wait3A_2274, %dma_wait3A_2275, %dma_wait3A_2276] : memref<4x512x32xf32, #tpu.memory_space<vmem>> -> memref<1x512x32xf32, #tpu.memory_space<vmem>>
    %dma_wait3A_2278 = tpu.memref_squeeze %dma_wait3A_2277 : memref<1x512x32xf32, #tpu.memory_space<vmem>> -> memref<512x32xf32, #tpu.memory_space<vmem>>
    %dma_wait3A_2279 = arith.constant 24064 : i32
    %dma_wait3A_2280 = tpu.memref_slice %arg5[%dma_wait3A_2279] : memref<25600xi32, #tpu.memory_space<vmem>> -> memref<512xi32, #tpu.memory_space<vmem>>
    %dma_wait3A_2281 = arith.constant 0 : i32
    %dma_wait3A_2282 = arith.constant 0 : i32
    %dma_wait3A_2283 = tpu.memref_slice %arg3[%dma_wait3A_2281, %dma_wait3A_2282] : memref<1000000x32xf32, #tpu.memory_space<hbm>> -> memref<1000000x32xf32, #tpu.memory_space<hbm>>
    tpu.wait_indirect_dma semaphore(%arg10 : memref<!tpu.dma_semaphore, #tpu.memory_space<semaphore_mem>>) src(%dma_wait3A_2283 : memref<1000000x32xf32, #tpu.memory_space<hbm>>) dst(%dma_wait3A_2278 : memref<512x32xf32, #tpu.memory_space<vmem>>)
    %add3A_2284 = arith.constant 24064 : i32
    %add3A_2285 = arith.addi %mul3A_2, %add3A_2284 : i32
    %dma_start3A_2286 = arith.constant 3 : i32
    %dma_start3A_2287 = arith.constant 0 : i32
    %dma_start3A_2288 = arith.constant 0 : i32
    %dma_start3A_2289 = tpu.memref_slice %arg6[%dma_start3A_2286, %dma_start3A_2287, %dma_start3A_2288] : memref<4x512x32xf32, #tpu.memory_space<vmem>> -> memref<1x512x32xf32, #tpu.memory_space<vmem>>
    %dma_start3A_2290 = tpu.memref_squeeze %dma_start3A_2289 : memref<1x512x32xf32, #tpu.memory_space<vmem>> -> memref<512x32xf32, #tpu.memory_space<vmem>>
    %dma_start3A_2291 = arith.constant 0 : i32
    %dma_start3A_2292 = tpu.memref_slice %arg4[%add3A_2285, %dma_start3A_2291] : memref<819200x32xf32, #tpu.memory_space<hbm>> -> memref<512x32xf32, #tpu.memory_space<hbm>>
    %dma_start3A_2293 = arith.constant 0 : i32
    %dma_start3A_2294 = tpu.memref_slice %arg4[%add3A_2285, %dma_start3A_2293] : memref<819200x32xf32, #tpu.memory_space<hbm>> -> memref<512x32xf32, #tpu.memory_space<hbm>>
    %dma_start3A_2295 = arith.constant 0 : i32
    %dma_start3A_2296 = arith.constant 0 : i32
    %dma_start3A_2297 = tpu.memref_slice %arg6[%dma_start3A_2286, %dma_start3A_2295, %dma_start3A_2296] : memref<4x512x32xf32, #tpu.memory_space<vmem>> -> memref<1x512x32xf32, #tpu.memory_space<vmem>>
    %dma_start3A_2298 = tpu.memref_squeeze %dma_start3A_2297 : memref<1x512x32xf32, #tpu.memory_space<vmem>> -> memref<512x32xf32, #tpu.memory_space<vmem>>
    tpu.enqueue_dma source(%dma_start3A_2298 : memref<512x32xf32, #tpu.memory_space<vmem>>) target(%dma_start3A_2294 : memref<512x32xf32, #tpu.memory_space<hbm>>) target_semaphore(%arg14 : memref<!tpu.dma_semaphore, #tpu.memory_space<semaphore_mem>>)
    %dma_wait3A_2299 = arith.constant 0 : i32
    %dma_wait3A_2300 = arith.constant 0 : i32
    %dma_wait3A_2301 = arith.constant 0 : i32
    %dma_wait3A_2302 = tpu.memref_slice %arg6[%dma_wait3A_2299, %dma_wait3A_2300, %dma_wait3A_2301] : memref<4x512x32xf32, #tpu.memory_space<vmem>> -> memref<1x512x32xf32, #tpu.memory_space<vmem>>
    %dma_wait3A_2303 = tpu.memref_squeeze %dma_wait3A_2302 : memref<1x512x32xf32, #tpu.memory_space<vmem>> -> memref<512x32xf32, #tpu.memory_space<vmem>>
    %dma_wait3A_2304 = arith.constant 24576 : i32
    %dma_wait3A_2305 = tpu.memref_slice %arg5[%dma_wait3A_2304] : memref<25600xi32, #tpu.memory_space<vmem>> -> memref<512xi32, #tpu.memory_space<vmem>>
    %dma_wait3A_2306 = arith.constant 0 : i32
    %dma_wait3A_2307 = arith.constant 0 : i32
    %dma_wait3A_2308 = tpu.memref_slice %arg3[%dma_wait3A_2306, %dma_wait3A_2307] : memref<1000000x32xf32, #tpu.memory_space<hbm>> -> memref<1000000x32xf32, #tpu.memory_space<hbm>>
    tpu.wait_indirect_dma semaphore(%arg7 : memref<!tpu.dma_semaphore, #tpu.memory_space<semaphore_mem>>) src(%dma_wait3A_2308 : memref<1000000x32xf32, #tpu.memory_space<hbm>>) dst(%dma_wait3A_2303 : memref<512x32xf32, #tpu.memory_space<vmem>>)
    %add3A_2309 = arith.constant 24576 : i32
    %add3A_2310 = arith.addi %mul3A_2, %add3A_2309 : i32
    %dma_start3A_2311 = arith.constant 0 : i32
    %dma_start3A_2312 = arith.constant 0 : i32
    %dma_start3A_2313 = arith.constant 0 : i32
    %dma_start3A_2314 = tpu.memref_slice %arg6[%dma_start3A_2311, %dma_start3A_2312, %dma_start3A_2313] : memref<4x512x32xf32, #tpu.memory_space<vmem>> -> memref<1x512x32xf32, #tpu.memory_space<vmem>>
    %dma_start3A_2315 = tpu.memref_squeeze %dma_start3A_2314 : memref<1x512x32xf32, #tpu.memory_space<vmem>> -> memref<512x32xf32, #tpu.memory_space<vmem>>
    %dma_start3A_2316 = arith.constant 0 : i32
    %dma_start3A_2317 = tpu.memref_slice %arg4[%add3A_2310, %dma_start3A_2316] : memref<819200x32xf32, #tpu.memory_space<hbm>> -> memref<512x32xf32, #tpu.memory_space<hbm>>
    %dma_start3A_2318 = arith.constant 0 : i32
    %dma_start3A_2319 = tpu.memref_slice %arg4[%add3A_2310, %dma_start3A_2318] : memref<819200x32xf32, #tpu.memory_space<hbm>> -> memref<512x32xf32, #tpu.memory_space<hbm>>
    %dma_start3A_2320 = arith.constant 0 : i32
    %dma_start3A_2321 = arith.constant 0 : i32
    %dma_start3A_2322 = tpu.memref_slice %arg6[%dma_start3A_2311, %dma_start3A_2320, %dma_start3A_2321] : memref<4x512x32xf32, #tpu.memory_space<vmem>> -> memref<1x512x32xf32, #tpu.memory_space<vmem>>
    %dma_start3A_2323 = tpu.memref_squeeze %dma_start3A_2322 : memref<1x512x32xf32, #tpu.memory_space<vmem>> -> memref<512x32xf32, #tpu.memory_space<vmem>>
    tpu.enqueue_dma source(%dma_start3A_2323 : memref<512x32xf32, #tpu.memory_space<vmem>>) target(%dma_start3A_2319 : memref<512x32xf32, #tpu.memory_space<hbm>>) target_semaphore(%arg11 : memref<!tpu.dma_semaphore, #tpu.memory_space<semaphore_mem>>)
    %dma_wait3A_2324 = arith.constant 1 : i32
    %dma_wait3A_2325 = arith.constant 0 : i32
    %dma_wait3A_2326 = arith.constant 0 : i32
    %dma_wait3A_2327 = tpu.memref_slice %arg6[%dma_wait3A_2324, %dma_wait3A_2325, %dma_wait3A_2326] : memref<4x512x32xf32, #tpu.memory_space<vmem>> -> memref<1x512x32xf32, #tpu.memory_space<vmem>>
    %dma_wait3A_2328 = tpu.memref_squeeze %dma_wait3A_2327 : memref<1x512x32xf32, #tpu.memory_space<vmem>> -> memref<512x32xf32, #tpu.memory_space<vmem>>
    %dma_wait3A_2329 = arith.constant 25088 : i32
    %dma_wait3A_2330 = tpu.memref_slice %arg5[%dma_wait3A_2329] : memref<25600xi32, #tpu.memory_space<vmem>> -> memref<512xi32, #tpu.memory_space<vmem>>
    %dma_wait3A_2331 = arith.constant 0 : i32
    %dma_wait3A_2332 = arith.constant 0 : i32
    %dma_wait3A_2333 = tpu.memref_slice %arg3[%dma_wait3A_2331, %dma_wait3A_2332] : memref<1000000x32xf32, #tpu.memory_space<hbm>> -> memref<1000000x32xf32, #tpu.memory_space<hbm>>
    tpu.wait_indirect_dma semaphore(%arg8 : memref<!tpu.dma_semaphore, #tpu.memory_space<semaphore_mem>>) src(%dma_wait3A_2333 : memref<1000000x32xf32, #tpu.memory_space<hbm>>) dst(%dma_wait3A_2328 : memref<512x32xf32, #tpu.memory_space<vmem>>)
    %add3A_2334 = arith.constant 25088 : i32
    %add3A_2335 = arith.addi %mul3A_2, %add3A_2334 : i32
    %dma_start3A_2336 = arith.constant 1 : i32
    %dma_start3A_2337 = arith.constant 0 : i32
    %dma_start3A_2338 = arith.constant 0 : i32
    %dma_start3A_2339 = tpu.memref_slice %arg6[%dma_start3A_2336, %dma_start3A_2337, %dma_start3A_2338] : memref<4x512x32xf32, #tpu.memory_space<vmem>> -> memref<1x512x32xf32, #tpu.memory_space<vmem>>
    %dma_start3A_2340 = tpu.memref_squeeze %dma_start3A_2339 : memref<1x512x32xf32, #tpu.memory_space<vmem>> -> memref<512x32xf32, #tpu.memory_space<vmem>>
    %dma_start3A_2341 = arith.constant 0 : i32
    %dma_start3A_2342 = tpu.memref_slice %arg4[%add3A_2335, %dma_start3A_2341] : memref<819200x32xf32, #tpu.memory_space<hbm>> -> memref<512x32xf32, #tpu.memory_space<hbm>>
    %dma_start3A_2343 = arith.constant 0 : i32
    %dma_start3A_2344 = tpu.memref_slice %arg4[%add3A_2335, %dma_start3A_2343] : memref<819200x32xf32, #tpu.memory_space<hbm>> -> memref<512x32xf32, #tpu.memory_space<hbm>>
    %dma_start3A_2345 = arith.constant 0 : i32
    %dma_start3A_2346 = arith.constant 0 : i32
    %dma_start3A_2347 = tpu.memref_slice %arg6[%dma_start3A_2336, %dma_start3A_2345, %dma_start3A_2346] : memref<4x512x32xf32, #tpu.memory_space<vmem>> -> memref<1x512x32xf32, #tpu.memory_space<vmem>>
    %dma_start3A_2348 = tpu.memref_squeeze %dma_start3A_2347 : memref<1x512x32xf32, #tpu.memory_space<vmem>> -> memref<512x32xf32, #tpu.memory_space<vmem>>
    tpu.enqueue_dma source(%dma_start3A_2348 : memref<512x32xf32, #tpu.memory_space<vmem>>) target(%dma_start3A_2344 : memref<512x32xf32, #tpu.memory_space<hbm>>) target_semaphore(%arg12 : memref<!tpu.dma_semaphore, #tpu.memory_space<semaphore_mem>>)
    %dma_wait3A_2349 = arith.constant 2 : i32
    %dma_wait3A_2350 = arith.constant 0 : i32
    %dma_wait3A_2351 = arith.constant 0 : i32
    %dma_wait3A_2352 = tpu.memref_slice %arg6[%dma_wait3A_2349, %dma_wait3A_2350, %dma_wait3A_2351] : memref<4x512x32xf32, #tpu.memory_space<vmem>> -> memref<1x512x32xf32, #tpu.memory_space<vmem>>
    %dma_wait3A_2353 = tpu.memref_squeeze %dma_wait3A_2352 : memref<1x512x32xf32, #tpu.memory_space<vmem>> -> memref<512x32xf32, #tpu.memory_space<vmem>>
    %dma_wait3A_2354 = arith.constant 0 : i32
    %dma_wait3A_2355 = tpu.memref_slice %arg4[%add3A_2260, %dma_wait3A_2354] : memref<819200x32xf32, #tpu.memory_space<hbm>> -> memref<512x32xf32, #tpu.memory_space<hbm>>
    %dma_wait3A_2356 = arith.constant 0 : i32
    %dma_wait3A_2357 = tpu.memref_slice %arg4[%add3A_2260, %dma_wait3A_2356] : memref<819200x32xf32, #tpu.memory_space<hbm>> -> memref<512x32xf32, #tpu.memory_space<hbm>>
    %dma_wait3A_2358 = arith.constant 0 : i32
    %dma_wait3A_2359 = arith.constant 0 : i32
    %dma_wait3A_2360 = tpu.memref_slice %arg6[%dma_wait3A_2349, %dma_wait3A_2358, %dma_wait3A_2359] : memref<4x512x32xf32, #tpu.memory_space<vmem>> -> memref<1x512x32xf32, #tpu.memory_space<vmem>>
    %dma_wait3A_2361 = tpu.memref_squeeze %dma_wait3A_2360 : memref<1x512x32xf32, #tpu.memory_space<vmem>> -> memref<512x32xf32, #tpu.memory_space<vmem>>
    tpu.wait_dma2 semaphore(%arg13 : memref<!tpu.dma_semaphore, #tpu.memory_space<semaphore_mem>>) src(%dma_wait3A_2361 : memref<512x32xf32, #tpu.memory_space<vmem>>) dst(%dma_wait3A_2357 : memref<512x32xf32, #tpu.memory_space<hbm>>)
    %dma_wait3A_2362 = arith.constant 3 : i32
    %dma_wait3A_2363 = arith.constant 0 : i32
    %dma_wait3A_2364 = arith.constant 0 : i32
    %dma_wait3A_2365 = tpu.memref_slice %arg6[%dma_wait3A_2362, %dma_wait3A_2363, %dma_wait3A_2364] : memref<4x512x32xf32, #tpu.memory_space<vmem>> -> memref<1x512x32xf32, #tpu.memory_space<vmem>>
    %dma_wait3A_2366 = tpu.memref_squeeze %dma_wait3A_2365 : memref<1x512x32xf32, #tpu.memory_space<vmem>> -> memref<512x32xf32, #tpu.memory_space<vmem>>
    %dma_wait3A_2367 = arith.constant 0 : i32
    %dma_wait3A_2368 = tpu.memref_slice %arg4[%add3A_2285, %dma_wait3A_2367] : memref<819200x32xf32, #tpu.memory_space<hbm>> -> memref<512x32xf32, #tpu.memory_space<hbm>>
    %dma_wait3A_2369 = arith.constant 0 : i32
    %dma_wait3A_2370 = tpu.memref_slice %arg4[%add3A_2285, %dma_wait3A_2369] : memref<819200x32xf32, #tpu.memory_space<hbm>> -> memref<512x32xf32, #tpu.memory_space<hbm>>
    %dma_wait3A_2371 = arith.constant 0 : i32
    %dma_wait3A_2372 = arith.constant 0 : i32
    %dma_wait3A_2373 = tpu.memref_slice %arg6[%dma_wait3A_2362, %dma_wait3A_2371, %dma_wait3A_2372] : memref<4x512x32xf32, #tpu.memory_space<vmem>> -> memref<1x512x32xf32, #tpu.memory_space<vmem>>
    %dma_wait3A_2374 = tpu.memref_squeeze %dma_wait3A_2373 : memref<1x512x32xf32, #tpu.memory_space<vmem>> -> memref<512x32xf32, #tpu.memory_space<vmem>>
    tpu.wait_dma2 semaphore(%arg14 : memref<!tpu.dma_semaphore, #tpu.memory_space<semaphore_mem>>) src(%dma_wait3A_2374 : memref<512x32xf32, #tpu.memory_space<vmem>>) dst(%dma_wait3A_2370 : memref<512x32xf32, #tpu.memory_space<hbm>>)
    %dma_wait3A_2375 = arith.constant 0 : i32
    %dma_wait3A_2376 = arith.constant 0 : i32
    %dma_wait3A_2377 = arith.constant 0 : i32
    %dma_wait3A_2378 = tpu.memref_slice %arg6[%dma_wait3A_2375, %dma_wait3A_2376, %dma_wait3A_2377] : memref<4x512x32xf32, #tpu.memory_space<vmem>> -> memref<1x512x32xf32, #tpu.memory_space<vmem>>
    %dma_wait3A_2379 = tpu.memref_squeeze %dma_wait3A_2378 : memref<1x512x32xf32, #tpu.memory_space<vmem>> -> memref<512x32xf32, #tpu.memory_space<vmem>>
    %dma_wait3A_2380 = arith.constant 0 : i32
    %dma_wait3A_2381 = tpu.memref_slice %arg4[%add3A_2310, %dma_wait3A_2380] : memref<819200x32xf32, #tpu.memory_space<hbm>> -> memref<512x32xf32, #tpu.memory_space<hbm>>
    %dma_wait3A_2382 = arith.constant 0 : i32
    %dma_wait3A_2383 = tpu.memref_slice %arg4[%add3A_2310, %dma_wait3A_2382] : memref<819200x32xf32, #tpu.memory_space<hbm>> -> memref<512x32xf32, #tpu.memory_space<hbm>>
    %dma_wait3A_2384 = arith.constant 0 : i32
    %dma_wait3A_2385 = arith.constant 0 : i32
    %dma_wait3A_2386 = tpu.memref_slice %arg6[%dma_wait3A_2375, %dma_wait3A_2384, %dma_wait3A_2385] : memref<4x512x32xf32, #tpu.memory_space<vmem>> -> memref<1x512x32xf32, #tpu.memory_space<vmem>>
    %dma_wait3A_2387 = tpu.memref_squeeze %dma_wait3A_2386 : memref<1x512x32xf32, #tpu.memory_space<vmem>> -> memref<512x32xf32, #tpu.memory_space<vmem>>
    tpu.wait_dma2 semaphore(%arg11 : memref<!tpu.dma_semaphore, #tpu.memory_space<semaphore_mem>>) src(%dma_wait3A_2387 : memref<512x32xf32, #tpu.memory_space<vmem>>) dst(%dma_wait3A_2383 : memref<512x32xf32, #tpu.memory_space<hbm>>)
    %dma_wait3A_2388 = arith.constant 1 : i32
    %dma_wait3A_2389 = arith.constant 0 : i32
    %dma_wait3A_2390 = arith.constant 0 : i32
    %dma_wait3A_2391 = tpu.memref_slice %arg6[%dma_wait3A_2388, %dma_wait3A_2389, %dma_wait3A_2390] : memref<4x512x32xf32, #tpu.memory_space<vmem>> -> memref<1x512x32xf32, #tpu.memory_space<vmem>>
    %dma_wait3A_2392 = tpu.memref_squeeze %dma_wait3A_2391 : memref<1x512x32xf32, #tpu.memory_space<vmem>> -> memref<512x32xf32, #tpu.memory_space<vmem>>
    %dma_wait3A_2393 = arith.constant 0 : i32
    %dma_wait3A_2394 = tpu.memref_slice %arg4[%add3A_2335, %dma_wait3A_2393] : memref<819200x32xf32, #tpu.memory_space<hbm>> -> memref<512x32xf32, #tpu.memory_space<hbm>>
    %dma_wait3A_2395 = arith.constant 0 : i32
    %dma_wait3A_2396 = tpu.memref_slice %arg4[%add3A_2335, %dma_wait3A_2395] : memref<819200x32xf32, #tpu.memory_space<hbm>> -> memref<512x32xf32, #tpu.memory_space<hbm>>
    %dma_wait3A_2397 = arith.constant 0 : i32
    %dma_wait3A_2398 = arith.constant 0 : i32
    %dma_wait3A_2399 = tpu.memref_slice %arg6[%dma_wait3A_2388, %dma_wait3A_2397, %dma_wait3A_2398] : memref<4x512x32xf32, #tpu.memory_space<vmem>> -> memref<1x512x32xf32, #tpu.memory_space<vmem>>
    %dma_wait3A_2400 = tpu.memref_squeeze %dma_wait3A_2399 : memref<1x512x32xf32, #tpu.memory_space<vmem>> -> memref<512x32xf32, #tpu.memory_space<vmem>>
    tpu.wait_dma2 semaphore(%arg12 : memref<!tpu.dma_semaphore, #tpu.memory_space<semaphore_mem>>) src(%dma_wait3A_2400 : memref<512x32xf32, #tpu.memory_space<vmem>>) dst(%dma_wait3A_2396 : memref<512x32xf32, #tpu.memory_space<hbm>>)
    return
  }
}

</mosaic_0001>

<sc_bundles>
// kernel: kernel.3.cloned.1.call-start
scs
__scs_entry_jumppad:
0x0: {  	(pc) =	sbr.rel $0x88, $3  }
0x1: {  	(tag) =	ssettag $0x0;
	lr =	simm.s32 $0x1  }
0x2: {  	[smem:$0x3F9F] =	sst lr;
	_ =	strace $0xD0000000  }
0x3: {  	_ = 	snop  }
0x4: {  	_ = 	snop  }
0x5: {  	_ = 	snop  }
0x6: {  	_ = 	snop  }
0x7: {  	_ = 	snop  }
__scs_overlays_trampoline_lowered:
0x8: {  	[smem:$0x3FAE] =	sst s0  }
0x9: {  	[smem:$0x3FAF] =	sst s1  }
0xa: {  	[smem:$0x3FB0] =	sst s2  }
0xb: {  	[smem:$0x3FB1] =	sst s3  }
0xc: {  	[smem:$0x3FB2] =	sst s4  }
0xd: {  	[smem:$0x3FB3] =	sst s5  }
0xe: {  	[smem:$0x3FB4] =	sst s6  }
0xf: {  	[smem:$0x3FB5] =	sst s7  }
0x10: {  	[smem:$0x3FB6] =	sst s8  }
0x11: {  	[smem:$0x3FB7] =	sst s9;
	s0 =	simm.s32 @!p0 $0x0  }
0x12: {  	s1 =	sld [smem:$0x3F9D];
	s0 =	simm.s32 @p0 $0x1  }
0x13: {  	[smem:$0x3FB8] =	sst s0;
	s0 =	simm.s32 @!p1 $0x0  }
0x14: {  	s2 =	sld [smem:$0x3F9C];
	s0 =	simm.s32 @p1 $0x1  }
0x15: {  	[smem:$0x3FB9] =	sst s0;
	s0 =	simm.s32 @!p2 $0x0  }
0x16: {  	s3 =	sld [smem:$0x3FDB];
	s0 =	simm.s32 @p2 $0x1  }
0x17: {  	s4 =	simm.s32 $0x1BF5;
	[smem:$0x3FBB] =	sst s0  }
0x18: {  	s0 =	sld [smem:$0x3F9E];
	_ =	swait.ge [sflag:s4], $0x0  }
0x19: {  	s7 =	sld [smem:$0x3F9F]  }
0x1a: {  	s8 =	sadd.s32 $0xFFFFE003, lr  }
0x1b: {  	s9 =	sadd.s32 $0xFFFFFEF7, lr;
	s5 =	simm.s32 $0xFFFFFFFF;
	p2 =	slt.u32 s8, $0xFFFFF086  }
0x1c: {  	p1 =	slt.u32 s9, $0xF7A;
	s5 =	simm.s32 @!p2 $0x0  }
0x1d: {  	s5 =	simm.s32 @p1 $0x1;
	p0 =	seq.s32 s7, s2  }
0x1e: {  	s7 =	smul.u32 @!p0 $0xF7A, s2;
	p2 =	seq.s32 @!p0 s5, $0x0  }
0x1f: {  	s9 =	smul.u32 $0xF7A, s1;
	s8 =	simm.s32 @!p0 $0x1BF5;
	p2 =	por !p2, p0  }
0x20: {  	[sflag:s8] =	ssyncset.s32 @!p0 $0xFFFFF086;
	s6 =	sadd.s32 @!p0 s3, s7;
	s7 =	simm.s32 @!p0 $0x108  }
0x21: {  	s3 =	sadd.s32 s3, s9;
	s6 =	sadd.s32 @!p0 $0x88, s6;
	s7 =	simm.s32 @p2 $0x1082  }
0x22: {  	[simem:s7], [sflag:s8] =	dma.local @!p0 [hbm:s6], $0xF7A  }
0x23: {  	s9 =	sor.u32 $0xD0000000, s2;
	s6 =	simm.s32 $0x108;
	_ =	swait.ge @!p0 [sflag:s8], $0x0  }
0x24: {  	s3 =	sadd.s32 $0x88, s3;
	s6 =	simm.s32 @!p1 $0x1082;
	[sflag:s4] =	ssyncset.s32 $0xFFFFF086  }
0x25: {  	[simem:s6], [sflag:s4] =	dma.local [hbm:s3], $0xF7A  }
0x26: {  	[smem:$0x3F9F] =	sst s1;
	(tag) =	ssettag s2;
	_ =	strace s9  }
0x27: {  	s1 =	sld [smem:$0x3FAF]  }
0x28: {  	s2 =	sld [smem:$0x3FB0]  }
0x29: {  	s4 =	sld [smem:$0x3FB2]  }
0x2a: {  	p0 =	seq.s32 s5, $0x0;
	s5 =	sld [smem:$0x3FB3]  }
0x2b: {  	s6 =	sld [smem:$0x3FB4]  }
0x2c: {  	s7 =	sld [smem:$0x3FB5]  }
0x2d: {  	s3 =	simm.s32 $0x108;
	s8 =	sld [smem:$0x3FB6]  }
0x2e: {  	s3 =	simm.s32 @!p0 $0x1082;
	s9 =	sld [smem:$0x3FB7]  }
0x2f: {  	lr =	sadd.s32 s0, s3;
	s0 =	sld [smem:$0x3FAE]  }
0x30: {  	s3 =	sld [smem:$0x3FB1]  }
0x31: {  	[smem:$0x3FBA] =	sst s10  }
0x32: {  	s10 =	sld [smem:$0x3FB8];
	_ =	sdelay $0x3  }
0x33: {  	p0 =	seq.s32 s10, $0x1;
	s10 =	sld [smem:$0x3FBA];
	_ =	sdelay $0x3  }
0x34: {  	[smem:$0x3FBA] =	sst s10  }
0x35: {  	s10 =	sld [smem:$0x3FB9];
	_ =	sdelay $0x3  }
0x36: {  	p1 =	seq.s32 s10, $0x1;
	s10 =	sld [smem:$0x3FBA];
	_ =	sdelay $0x3  }
0x37: {  	[smem:$0x3FBA] =	sst s10  }
0x38: {  	s10 =	sld [smem:$0x3FBB]  }
0x39: {  	_ = 	snop;
	(pc) =	sbr.ind lr, $3  }
0x3a: {  	_ = 	snop  }
0x3b: {  	_ = 	snop  }
0x3c: {  	p2 =	seq.s32 s10, $0x1;
	s10 =	sld [smem:$0x3FBA]  }
0x3d: {  	_ =	shalt  }
0x3e: {  	_ =	shalt  }
0x3f: {  	_ =	shalt  }
0x40: {  	_ =	shalt  }
0x41: {  	_ =	shalt  }
0x42: {  	_ =	shalt  }
0x43: {  	_ =	shalt  }
0x44: {  	_ =	shalt  }
0x45: {  	_ =	shalt  }
0x46: {  	_ =	shalt  }
0x47: {  	_ =	shalt  }
0x48: {  	_ =	shalt  }
0x49: {  	_ =	shalt  }
0x4a: {  	_ =	shalt  }
0x4b: {  	_ =	shalt  }
0x4c: {  	_ =	shalt  }
0x4d: {  	_ =	shalt  }
0x4e: {  	_ =	shalt  }
0x4f: {  	_ =	shalt  }
0x50: {  	_ =	shalt  }
0x51: {  	_ =	shalt  }
0x52: {  	_ =	shalt  }
0x53: {  	_ =	shalt  }
0x54: {  	_ =	shalt  }
0x55: {  	_ =	shalt  }
0x56: {  	_ =	shalt  }
0x57: {  	_ =	shalt  }
0x58: {  	_ =	shalt  }
0x59: {  	_ =	shalt  }
0x5a: {  	_ =	shalt  }
0x5b: {  	_ =	shalt  }
0x5c: {  	_ =	shalt  }
0x5d: {  	_ =	shalt  }
0x5e: {  	_ =	shalt  }
0x5f: {  	_ =	shalt  }
0x60: {  	_ =	shalt  }
0x61: {  	_ =	shalt  }
0x62: {  	_ =	shalt  }
0x63: {  	_ =	shalt  }
0x64: {  	_ =	shalt  }
0x65: {  	_ =	shalt  }
0x66: {  	_ =	shalt  }
0x67: {  	_ =	shalt  }
0x68: {  	_ =	shalt  }
0x69: {  	_ =	shalt  }
0x6a: {  	_ =	shalt  }
0x6b: {  	_ =	shalt  }
0x6c: {  	_ =	shalt  }
0x6d: {  	_ =	shalt  }
0x6e: {  	_ =	shalt  }
0x6f: {  	_ =	shalt  }
0x70: {  	_ =	shalt  }
0x71: {  	_ =	shalt  }
0x72: {  	_ =	shalt  }
0x73: {  	_ =	shalt  }
0x74: {  	_ =	shalt  }
0x75: {  	_ =	shalt  }
0x76: {  	_ =	shalt  }
0x77: {  	_ =	shalt  }
0x78: {  	_ =	shalt  }
0x79: {  	_ =	shalt  }
0x7a: {  	_ =	shalt  }
0x7b: {  	_ =	shalt  }
0x7c: {  	_ =	shalt  }
0x7d: {  	_ =	shalt  }
0x7e: {  	_ =	shalt  }
0x7f: {  	_ =	shalt  }
0x80: {  	_ =	shalt  }
0x81: {  	_ =	shalt  }
0x82: {  	_ =	shalt  }
0x83: {  	_ =	shalt  }
0x84: {  	_ =	shalt  }
0x85: {  	_ =	shalt  }
0x86: {  	_ =	shalt  }
0x87: {  	_ =	shalt  }
.Lfunc_end0:
.L_simem_size_0:
called_computation.2_lowered:
.L_overlay_start_0:
0x88: {  	s2 =	sld [smem:$0x3FD9]  }
0x89: {  	s3 =	sld [smem:$0x3FFE];
	_ =	sdelay $0x1  }
0x8a: {  	s1 =	srdreg.scid  }
0x8b: {  	s0 =	sand.u32 $0x1, s1  }
0x8c: {  	s17 =	sshll.u32 s0, $0xA;
	s2 =	sadd.s32 s3, s2  }
0x8d: {  	s2 =	sadd.s32 s2, s17  }
0x8e: {  	[smem:$0x3FC6] =	sst s2  }
0x8f: {  	_ = 	snop  }
0x90: {  	s2 =	sld [smem:$0x3FD0];
	(tm) =	ssettm $0x1  }
0x91: {  	s18 =	sld [smem:$0x3FFB];
	_ =	sdelay $0x3  }
0x92: {  	_ =	strace s18  }
0x93: {  	s3 =	sld [smem:$0x3FFC];
	_ =	sdelay $0x3  }
0x94: {  	_ =	strace s3  }
0x95: {  	s3 =	sld [smem:$0x3FFD];
	_ =	sdelay $0x3  }
0x96: {  	_ =	strace s3  }
0x97: {  	_ =	strace $0x8FFFFFFF  }
0x98: {  	s19 =	sld [smem:$0x3FDB];
	_ =	sdelay $0x1  }
0x99: {  	s4 =	simm.s32 $_scs_section_size  }
0x9a: {  	s5 =	simm.s32 $_size__tile_overlayer_lowered;
	s6 =	simm.s32 $_tile_overlayer_lowered  }
0x9b: {  	s22 =	simm.s32 $0x1BFF;
	s21 =	sshll.u32 s6, $0x1;
	s3 =	sadd.s32 s4, s19  }
0x9c: {  	s7 =	simm.s32 $0x0;
	s20 =	sshll.u32 s5, $0x1;
	s5 =	sadd.s32 s21, s3  }
0x9d: {  	[timem:s7], [sflag:s22] =	dma.local [hbm:s5], s20  }
0x9e: {  	_ =	swait.ge [sflag:s22], s20  }
0x9f: {  	s4 =	ssub.s32 $0x0, s20;
	[sflag:s22] =	ssyncset.done $0x0  }
0xa0: {  	[sflag:s22] =	ssyncadd.s32 s4;
	_ =	sdelay $0x1  }
0xa1: {  	s23 =	simm.s32 $0x1B8B  }
0xa2: {  	_ =	swait.ge [sflag:s23], $0x1  }
0xa3: {  	[sflag:s23] =	ssyncset.done $0x0  }
0xa4: {  	s25 =	simm.s32 $0x1B8E;
	s24 =	sld [smem:$0x3FFE];
	[sflag:s23] =	ssyncadd.s32 $0xFFFFFFFF  }
0xa5: {  	s26 =	simm.s32 $execute0_lowered;
	[smem:$0x3FD2] =	sst s25  }
0xa6: {  	s5 =	sshll.u32 s26, $0x1;
	_ =	strace $0x80000046;
	[dreg:$0x1] =	wrdreg $0xFFFFFFFF  }
0xa7: {  	s28 =	simm.s32 $_size_execute0_lowered;
	s3 =	sadd.s32 s3, s5;
	[dreg:$0x0] =	wrdreg $0x0  }
0xa8: {  	s5 =	sshll.u32 s28, $0x1;
	[dreg:$0x2] =	wrdreg s3  }
0xa9: {  	[dreg:$0x3] =	wrdreg s5  }
0xaa: {  	[dreg:$0x4] =	wrdreg $0xC0  }
0xab: {  	_ =	task [dreg:s7], $0x5FFFF  }
0xac: {  	[dreg:$0x1] =	wrdreg $0xFFFFFFFF  }
0xad: {  	[dreg:$0x0] =	wrdreg $0x60  }
0xae: {  	[dreg:$0x2] =	wrdreg s24  }
0xaf: {  	[dreg:$0x3] =	wrdreg s2  }
0xb0: {  	[dreg:$0x4] =	wrdreg $0x9  }
0xb1: {  	_ =	task.clear_ibuf [dreg:s7], $0x5FFFF;
	_ =	strace $0x90000046  }
0xb2: {  	s29 =	simm.s32 $0x9;
	_ =	strace $0x80000048  }
0xb3: {  	_ =	swait.ge [sflag:s29], $0x1  }
0xb4: {  	[sflag:s29] =	ssyncadd.s32 $0xFFFFFFFF  }
0xb5: {  	_ =	strace $0x90000048  }
0xb6: {  	_ =	sfence  }
0xb7: {  	s30 =	sld [smem:$0x0];
	_ =	sdelay $0x2  }
0xb8: {  	s31 =	sshll.u32 s1, $0xD;
	s1 =	sshrl.u32 s1, $0x2  }
0xb9: {  	s3 =	sand.u32 $0x4000, s31;
	s1 =	sadd.s32 s1, s30  }
0xba: {  	s0 =	sor.u32 s3, s0;
	s1 =	sshll.u32 s1, $0x11  }
0xbb: {  	s0 =	sor.u32 s1, s0  }
0xbc: {  	s0 =	sadd.s32 $0x8F2B, s0  }
0xbd: {  	[sflag:s0] =	ssyncadd.remote.s32 $0x1  }
0xbe: {  	_ =	sfence.sel $0xFFFF  }
0xbf: {  	[dreg:$0x0] =	wrdreg $0xFFFFFFFF;
	(pc) =	sbr.abs _section_cstart, $3  }
0xc0: {  	[dreg:$0x1] =	wrdreg $0xFFFFFFFF  }
0xc1: {  	_ =	task.clear_ibuf [dreg:s7], $0x2FFFF;
	_ =	strace $0x9FFFFFFF  }
0xc2: {  	(tm) =	ssettm $0x7FFFFFFF  }
0xc3: {  	_ =	shalt  }
tec
execute0_lowered:
.L_overlay_start_1:
0x0: {  	(tag) =	ssettag $0x1  }
0x1: {  	s0 =	srdreg.scid;
	s17 =	stileid.u32  }
0x2: {  	s1 =	sand.u32 $0x1, s0;
	s25 =	sshll.u32 s17, $0x1  }
0x3: {  	s0 =	sor.u32 s1, s25  }
0x4: {  	s5 =	smul.u32 $0xC80, s0  }
0x5: {  	s3 =	rddreg [dreg:$0x0];
	s2 =	simm.s32 $0x0;
	s6 =	smul.u32 $0x19000, s0  }
0x6: {  	[smem:$0x7FF] =	sst s2;
	s0 =	smul.u32 $0xC8000, s0  }
0x7: {  	s4 =	rddreg [dreg:$0x1];
	_ =	strace $0x80000047;
	s5 =	sadd.s32 s5, s3  }
0x8: {  	s30 =	sadd.s32 s4, s6;
	s0 =	sshrl.u32 s0, $0x3;
	s5 =	sadd.s32 $0xE00, s5  }
0x9: {  	s26 =	sadd.s32 $0x800, s30;
	s4 =	sadd.s32 s4, s0;
	[dreg:$0x3] =	wrdreg s5  }
0xa: {  	[dreg:$0x4] =	wrdreg s26;
	s0 =	sadd.s32 $0x1000, s4  }
0xb: {  	s6 =	sadd.s32 $0x1800, s4;
	[dreg:$0x5] =	wrdreg s0  }
0xc: {  	s7 =	sadd.s32 $0x2000, s4;
	[dreg:$0x6] =	wrdreg s6  }
0xd: {  	s8 =	sadd.s32 $0x2800, s4;
	[dreg:$0x7] =	wrdreg s7  }
0xe: {  	s9 =	sadd.s32 $0x3000, s4;
	[dreg:$0x8] =	wrdreg s8  }
0xf: {  	s10 =	sadd.s32 $0x3800, s4;
	[dreg:$0x9] =	wrdreg s9  }
0x10: {  	s11 =	sadd.s32 $0x4000, s4;
	[dreg:$0xa] =	wrdreg s10  }
0x11: {  	s12 =	sadd.s32 $0x4800, s4;
	[dreg:$0xb] =	wrdreg s11  }
0x12: {  	s13 =	sadd.s32 $0x5000, s4;
	[dreg:$0xc] =	wrdreg s12  }
0x13: {  	s14 =	sadd.s32 $0x5800, s4;
	[dreg:$0xd] =	wrdreg s13  }
0x14: {  	s15 =	sadd.s32 $0x6000, s4;
	[dreg:$0xe] =	wrdreg s14  }
0x15: {  	s16 =	sadd.s32 $0x6800, s4;
	[dreg:$0xf] =	wrdreg s15  }
0x16: {  	s18 =	sadd.s32 $0x7000, s4;
	[dreg:$0x10] =	wrdreg s16  }
0x17: {  	s19 =	sadd.s32 $0x7800, s4;
	[dreg:$0x11] =	wrdreg s18  }
0x18: {  	s20 =	sadd.s32 $0x8000, s4;
	[dreg:$0x12] =	wrdreg s19  }
0x19: {  	s21 =	sadd.s32 $0x8800, s4;
	[dreg:$0x13] =	wrdreg s20  }
0x1a: {  	s22 =	sadd.s32 $0x9000, s4;
	[dreg:$0x14] =	wrdreg s21  }
0x1b: {  	s23 =	sadd.s32 $0x9800, s4;
	[dreg:$0x15] =	wrdreg s22  }
0x1c: {  	s24 =	sadd.s32 $0xA000, s4;
	[dreg:$0x16] =	wrdreg s23  }
0x1d: {  	s25 =	sadd.s32 $0xA800, s4;
	[dreg:$0x17] =	wrdreg s24  }
0x1e: {  	s26 =	sadd.s32 $0xB000, s4;
	[dreg:$0x18] =	wrdreg s25  }
0x1f: {  	s5 =	sadd.s32 $0xB800, s4;
	[dreg:$0x19] =	wrdreg s26  }
0x20: {  	[dreg:$0x1a] =	wrdreg s5  }
0x21: {  	s6 =	sadd.s32 $0xC000, s4;
	s0 =	rddreg [dreg:$0x3]  }
0x22: {  	s7 =	sadd.s32 $0xC800, s4;
	[dreg:$0x1b] =	wrdreg s6  }
0x23: {  	s8 =	sadd.s32 $0xD000, s4;
	[dreg:$0x1c] =	wrdreg s7  }
0x24: {  	s9 =	sadd.s32 $0xD800, s4;
	[dreg:$0x1d] =	wrdreg s8  }
0x25: {  	s10 =	sadd.s32 $0xE000, s4;
	[dreg:$0x1e] =	wrdreg s9  }
0x26: {  	s11 =	sadd.s32 $0xE800, s4;
	[dreg:$0x1f] =	wrdreg s10  }
0x27: {  	s12 =	sadd.s32 $0xF000, s4;
	[smem:$0x7C5] =	sst s11  }
0x28: {  	s13 =	sadd.s32 $0xF800, s4;
	[smem:$0x7C6] =	sst s12  }
0x29: {  	s14 =	sadd.s32 $0x10000, s4;
	[smem:$0x7C7] =	sst s13  }
0x2a: {  	s15 =	sadd.s32 $0x10800, s4;
	[smem:$0x7C8] =	sst s14  }
0x2b: {  	s16 =	sadd.s32 $0x11000, s4;
	[smem:$0x7C9] =	sst s15  }
0x2c: {  	s18 =	sadd.s32 $0x11800, s4;
	[smem:$0x7CA] =	sst s16  }
0x2d: {  	s19 =	sadd.s32 $0x12000, s4;
	[smem:$0x7CB] =	sst s18  }
0x2e: {  	s20 =	sadd.s32 $0x12800, s4;
	[smem:$0x7CC] =	sst s19  }
0x2f: {  	s21 =	sadd.s32 $0x13000, s4;
	[smem:$0x7CD] =	sst s20  }
0x30: {  	s22 =	sadd.s32 $0x13800, s4;
	[smem:$0x7CE] =	sst s21  }
0x31: {  	s23 =	sadd.s32 $0x14000, s4;
	[smem:$0x7CF] =	sst s22  }
0x32: {  	s24 =	sadd.s32 $0x14800, s4;
	[smem:$0x7D0] =	sst s23  }
0x33: {  	s25 =	sadd.s32 $0x15000, s4;
	[smem:$0x7D1] =	sst s24  }
0x34: {  	s26 =	sadd.s32 $0x15800, s4;
	[smem:$0x7D2] =	sst s25  }
0x35: {  	s5 =	sadd.s32 $0x16000, s4;
	[smem:$0x7D3] =	sst s26  }
0x36: {  	[smem:$0x7D4] =	sst s5;
	s6 =	sadd.s32 $0x16800, s4  }
0x37: {  	s7 =	sadd.s32 $0x17000, s4;
	[smem:$0x7D5] =	sst s6  }
0x38: {  	s8 =	sadd.s32 $0x17800, s4;
	[smem:$0x7D6] =	sst s7  }
0x39: {  	s9 =	sadd.s32 $0x18000, s4;
	[smem:$0x7D7] =	sst s8  }
0x3a: {  	s10 =	sadd.s32 $0x18800, s4;
	[smem:$0x7D8] =	sst s9  }
0x3b: {  	s11 =	simm.s32 $0x400;
	[smem:$0x7D9] =	sst s10  }
0x3c: {  	s12 =	simm.s32 $0x600;
	[smem:$0x7DA] =	sst s11  }
0x3d: {  	s13 =	simm.s32 $0x800;
	[smem:$0x7DB] =	sst s12  }
0x3e: {  	s14 =	simm.s32 $0xA00;
	[smem:$0x7DC] =	sst s13  }
0x3f: {  	s15 =	simm.s32 $0xC00;
	[smem:$0x7DD] =	sst s14  }
0x40: {  	s16 =	simm.s32 $0xE00;
	[smem:$0x7DE] =	sst s15  }
0x41: {  	s18 =	simm.s32 $0x1000;
	[smem:$0x7DF] =	sst s16  }
0x42: {  	s19 =	simm.s32 $0x1200;
	[smem:$0x7E0] =	sst s18  }
0x43: {  	s20 =	simm.s32 $0x1400;
	[smem:$0x7E1] =	sst s19  }
0x44: {  	s21 =	simm.s32 $0x1600;
	[smem:$0x7E2] =	sst s20  }
0x45: {  	s22 =	simm.s32 $0x1800;
	[smem:$0x7E3] =	sst s21  }
0x46: {  	s23 =	simm.s32 $0x1A00;
	[smem:$0x7E4] =	sst s22  }
0x47: {  	s24 =	simm.s32 $0x1C00;
	[smem:$0x7E5] =	sst s23  }
0x48: {  	s31 =	simm.s32 $0x9;
	s25 =	simm.s32 $0x1E00;
	[smem:$0x7E6] =	sst s24  }
0x49: {  	s29 =	simm.s32 $0x4E00;
	s26 =	simm.s32 $0x2000;
	[smem:$0x7E7] =	sst s25  }
0x4a: {  	s28 =	simm.s32 $0x5000;
	s4 =	simm.s32 $0x2200;
	[smem:$0x7E8] =	sst s26  }
0x4b: {  	p0 =	por $0x0, $0x0;
	s5 =	simm.s32 $0x2400;
	[smem:$0x7E9] =	sst s4  }
0x4c: {  	s1 =	ssub.s32 $0x2, s1;
	[smem:$0x7EA] =	sst s5;
	s6 =	simm.s32 $0x2600  }
0x4d: {  	s3 =	sadd.s32 $0xF43200, s3;
	s7 =	simm.s32 $0x2800;
	[smem:$0x7EB] =	sst s6  }
0x4e: {  	s8 =	simm.s32 $0x2A00;
	s9 =	sshrl.u32 s1, $0x1;
	[smem:$0x7EC] =	sst s7  }
0x4f: {  	s10 =	simm.s32 $0x2C00;
	s11 =	simm.s32 $0x2E00;
	[smem:$0x7ED] =	sst s8  }
0x50: {  	s12 =	simm.s32 $0x3000;
	s13 =	simm.s32 $0x3200;
	[smem:$0x7EE] =	sst s10  }
0x51: {  	s14 =	simm.s32 $0x3400;
	s5 =	simm.s32 $0x6400;
	[smem:$0x7EF] =	sst s11  }
0x52: {  	s15 =	simm.s32 $0x3600;
	s4 =	simm.s32 $0xA400;
	[smem:$0x7F0] =	sst s12  }
0x53: {  	s16 =	simm.s32 $0x3800;
	s18 =	simm.s32 $0x3A00;
	[smem:$0x7F1] =	sst s13  }
0x54: {  	s19 =	simm.s32 $0x3C00;
	s20 =	simm.s32 $0x3E00;
	[smem:$0x7F2] =	sst s14  }
0x55: {  	s21 =	simm.s32 $0x4000;
	s22 =	simm.s32 $0x4200;
	[smem:$0x7F3] =	sst s15  }
0x56: {  	s23 =	simm.s32 $0x4400;
	s24 =	simm.s32 $0x4600;
	[smem:$0x7F4] =	sst s16  }
0x57: {  	s25 =	simm.s32 $0x4800;
	s26 =	simm.s32 $0x4A00;
	[smem:$0x7F5] =	sst s18  }
0x58: {  	s1 =	ssub.s32 s1, s9;
	s8 =	simm.s32 $0x200;
	[smem:$0x7F6] =	sst s19  }
0x59: {  	s12 =	simm.s32 $0xE400;
	s10 =	simm.s32 $0x12400;
	[smem:$0x7F7] =	sst s20  }
0x5a: {  	s9 =	simm.s32 $0x1;
	s6 =	simm.s32 $0x5;
	[smem:$0x7F8] =	sst s21  }
0x5b: {  	s11 =	simm.s32 $0x2;
	s7 =	simm.s32 $0x6;
	[smem:$0x7F9] =	sst s22  }
0x5c: {  	s15 =	simm.s32 $0x3;
	[smem:$0x7FA] =	sst s23;
	s1 =	smax.u32 s1, $0x1  }
0x5d: {  	s13 =	simm.s32 $0x7;
	[smem:$0x7FB] =	sst s24;
	p1 =	sne.s32 s1, $0x1  }
.Ltmp0:
0x5e: {  	s16 =	simm.s32 $0x4;
	[smem:$0x7FC] =	sst s25;
	(pc) =	sbr.rel @!p1 .LBB2_1-.Ltmp0, $4  }
0x5f: {  	s14 =	simm.s32 $0x8;
	[smem:$0x7FD] =	sst s26;
	s26 =	simm.s32 $0x5200  }
0x60: {  	s25 =	simm.s32 $0x5400;
	s24 =	simm.s32 $0x5600;
	s23 =	simm.s32 $0x5800  }
0x61: {  	s22 =	simm.s32 $0x5A00;
	s21 =	simm.s32 $0x5C00;
	s20 =	simm.s32 $0x5E00  }
0x62: {  	s19 =	simm.s32 $0x6000;
	s18 =	simm.s32 $0x6200;
	s1 =	sadd.s32 $0xFFFFFFFF, s1  }
0x63: {  	[tilespmem:s2], [sflag:$0x9] =	stream.linear.gather [hbm4b:s0+s2], $0x6400, $0x38;
	[tilespmem:$0x16400] =	vst v63  }
0x64: {  	_ =	swait.ge [sflag:s31], $0x6400  }
0x65: {  	[sflag:s31] =	ssyncset.done $0x0  }
0x66: {  	[sflag:s31] =	ssyncadd.s32 $0xFFFF9C00  }
0x67: {  	[tilespmem:s5], [sflag:$0x1] =	stream.indirect.gather [hbm4b:s3+s8], $0x20, s2, s8, $0xb8;
	[tilespmem:$0x16400] =	vst v63  }
0x68: {  	s0 =	sld [smem:$0x7DA]  }
0x69: {  	[tilespmem:s4], [sflag:$0x2] =	stream.indirect.gather [hbm4b:s3+s8], $0x20, s8, s8, $0xb8;
	[tilespmem:$0x16400] =	vst v63  }
0x6a: {  	s17 =	smov.u32 s1;
	s1 =	sld [smem:$0x7DB]  }
0x6b: {  	[tilespmem:s12], [sflag:$0x3] =	stream.indirect.gather [hbm4b:s3+s8], $0x20, s0, s8, $0xb8;
	[tilespmem:$0x16400] =	vst v63  }
0x6c: {  	_ = 	snop  }
0x6d: {  	[tilespmem:s10], [sflag:$0x4] =	stream.indirect.gather [hbm4b:s3+s8], $0x20, s1, s8, $0xb8;
	[tilespmem:$0x16400] =	vst v63  }
0x6e: {  	_ =	swait.ge [sflag:s9], $0x4000  }
0x6f: {  	[sflag:s9] =	ssyncset.done $0x0  }
0x70: {  	[sflag:s9] =	ssyncadd.s32 $0xFFFFC000  }
0x71: {  	[hbm4b:s30+s2] =	stream.linear.scatter [tilespmem:s5], [sflag:$0x5], $0x4000, $0x38;
	[tilespmem:$0x16400] =	vst v63  }
0x72: {  	_ =	swait.ge [sflag:s6], $0x4000  }
0x73: {  	s1 =	sld [smem:$0x7DC]  }
0x74: {  	[sflag:s6] =	ssyncset.done $0x0  }
0x75: {  	[sflag:s6] =	ssyncadd.s32 $0xFFFFC000  }
0x76: {  	[tilespmem:s5], [sflag:$0x1] =	stream.indirect.gather [hbm4b:s3+s8], $0x20, s1, s8, $0xb8;
	[tilespmem:$0x16400] =	vst v63  }
0x77: {  	_ =	swait.ge [sflag:s11], $0x4000  }
0x78: {  	[sflag:s11] =	ssyncset.done $0x0  }
0x79: {  	s1 =	rddreg [dreg:$0x4];
	[sflag:s11] =	ssyncadd.s32 $0xFFFFC000  }
0x7a: {  	[hbm4b:s1+s2] =	stream.linear.scatter [tilespmem:s4], [sflag:$0x6], $0x4000, $0x38;
	[tilespmem:$0x16400] =	vst v63  }
0x7b: {  	_ =	swait.ge [sflag:s7], $0x4000  }
0x7c: {  	s1 =	sld [smem:$0x7DD]  }
0x7d: {  	[sflag:s7] =	ssyncset.done $0x0  }
0x7e: {  	[sflag:s7] =	ssyncadd.s32 $0xFFFFC000  }
0x7f: {  	[tilespmem:s4], [sflag:$0x2] =	stream.indirect.gather [hbm4b:s3+s8], $0x20, s1, s8, $0xb8;
	[tilespmem:$0x16400] =	vst v63  }
0x80: {  	_ =	swait.ge [sflag:s15], $0x4000  }
0x81: {  	[sflag:s15] =	ssyncset.done $0x0  }
0x82: {  	s1 =	rddreg [dreg:$0x5];
	[sflag:s15] =	ssyncadd.s32 $0xFFFFC000  }
0x83: {  	[hbm4b:s1+s2] =	stream.linear.scatter [tilespmem:s12], [sflag:$0x7], $0x4000, $0x38;
	[tilespmem:$0x16400] =	vst v63  }
0x84: {  	_ =	swait.ge [sflag:s13], $0x4000  }
0x85: {  	s1 =	sld [smem:$0x7DE]  }
0x86: {  	[sflag:s13] =	ssyncset.done $0x0  }
0x87: {  	[sflag:s13] =	ssyncadd.s32 $0xFFFFC000  }
0x88: {  	[tilespmem:s12], [sflag:$0x3] =	stream.indirect.gather [hbm4b:s3+s8], $0x20, s1, s8, $0xb8;
	[tilespmem:$0x16400] =	vst v63  }
0x89: {  	_ =	swait.ge [sflag:s16], $0x4000  }
0x8a: {  	[sflag:s16] =	ssyncset.done $0x0  }
0x8b: {  	s1 =	rddreg [dreg:$0x6];
	[sflag:s16] =	ssyncadd.s32 $0xFFFFC000  }
0x8c: {  	[hbm4b:s1+s2] =	stream.linear.scatter [tilespmem:s10], [sflag:$0x8], $0x4000, $0x38;
	[tilespmem:$0x16400] =	vst v63  }
0x8d: {  	_ =	swait.ge [sflag:s14], $0x4000  }
0x8e: {  	s1 =	sld [smem:$0x7DF]  }
0x8f: {  	[sflag:s14] =	ssyncset.done $0x0  }
0x90: {  	[sflag:s14] =	ssyncadd.s32 $0xFFFFC000  }
0x91: {  	[tilespmem:s10], [sflag:$0x4] =	stream.indirect.gather [hbm4b:s3+s8], $0x20, s1, s8, $0xb8;
	[tilespmem:$0x16400] =	vst v63  }
0x92: {  	_ =	swait.ge [sflag:s9], $0x4000  }
0x93: {  	[sflag:s9] =	ssyncset.done $0x0  }
0x94: {  	s1 =	rddreg [dreg:$0x7];
	[sflag:s9] =	ssyncadd.s32 $0xFFFFC000  }
0x95: {  	[hbm4b:s1+s2] =	stream.linear.scatter [tilespmem:s5], [sflag:$0x5], $0x4000, $0x38;
	[tilespmem:$0x16400] =	vst v63  }
0x96: {  	_ =	swait.ge [sflag:s6], $0x4000  }
0x97: {  	s1 =	sld [smem:$0x7E0]  }
0x98: {  	[sflag:s6] =	ssyncset.done $0x0  }
0x99: {  	[sflag:s6] =	ssyncadd.s32 $0xFFFFC000  }
0x9a: {  	[tilespmem:s5], [sflag:$0x1] =	stream.indirect.gather [hbm4b:s3+s8], $0x20, s1, s8, $0xb8;
	[tilespmem:$0x16400] =	vst v63  }
0x9b: {  	_ =	swait.ge [sflag:s11], $0x4000  }
0x9c: {  	[sflag:s11] =	ssyncset.done $0x0  }
0x9d: {  	s1 =	rddreg [dreg:$0x8];
	[sflag:s11] =	ssyncadd.s32 $0xFFFFC000  }
0x9e: {  	[hbm4b:s1+s2] =	stream.linear.scatter [tilespmem:s4], [sflag:$0x6], $0x4000, $0x38;
	[tilespmem:$0x16400] =	vst v63  }
0x9f: {  	_ =	swait.ge [sflag:s7], $0x4000  }
0xa0: {  	s1 =	sld [smem:$0x7E1]  }
0xa1: {  	[sflag:s7] =	ssyncset.done $0x0  }
0xa2: {  	[sflag:s7] =	ssyncadd.s32 $0xFFFFC000  }
0xa3: {  	[tilespmem:s4], [sflag:$0x2] =	stream.indirect.gather [hbm4b:s3+s8], $0x20, s1, s8, $0xb8;
	[tilespmem:$0x16400] =	vst v63  }
0xa4: {  	_ =	swait.ge [sflag:s15], $0x4000  }
0xa5: {  	[sflag:s15] =	ssyncset.done $0x0  }
0xa6: {  	s1 =	rddreg [dreg:$0x9];
	[sflag:s15] =	ssyncadd.s32 $0xFFFFC000  }
0xa7: {  	[hbm4b:s1+s2] =	stream.linear.scatter [tilespmem:s12], [sflag:$0x7], $0x4000, $0x38;
	[tilespmem:$0x16400] =	vst v63  }
0xa8: {  	_ =	swait.ge [sflag:s13], $0x4000  }
0xa9: {  	s1 =	sld [smem:$0x7E2]  }
0xaa: {  	[sflag:s13] =	ssyncset.done $0x0  }
0xab: {  	[sflag:s13] =	ssyncadd.s32 $0xFFFFC000  }
0xac: {  	[tilespmem:s12], [sflag:$0x3] =	stream.indirect.gather [hbm4b:s3+s8], $0x20, s1, s8, $0xb8;
	[tilespmem:$0x16400] =	vst v63  }
0xad: {  	_ =	swait.ge [sflag:s16], $0x4000  }
0xae: {  	[sflag:s16] =	ssyncset.done $0x0  }
0xaf: {  	s1 =	rddreg [dreg:$0xa];
	[sflag:s16] =	ssyncadd.s32 $0xFFFFC000  }
0xb0: {  	[hbm4b:s1+s2] =	stream.linear.scatter [tilespmem:s10], [sflag:$0x8], $0x4000, $0x38;
	[tilespmem:$0x16400] =	vst v63  }
0xb1: {  	_ =	swait.ge [sflag:s14], $0x4000  }
0xb2: {  	s1 =	sld [smem:$0x7E3]  }
0xb3: {  	[sflag:s14] =	ssyncset.done $0x0  }
0xb4: {  	[sflag:s14] =	ssyncadd.s32 $0xFFFFC000  }
0xb5: {  	[tilespmem:s10], [sflag:$0x4] =	stream.indirect.gather [hbm4b:s3+s8], $0x20, s1, s8, $0xb8;
	[tilespmem:$0x16400] =	vst v63  }
0xb6: {  	_ =	swait.ge [sflag:s9], $0x4000  }
0xb7: {  	[sflag:s9] =	ssyncset.done $0x0  }
0xb8: {  	s1 =	rddreg [dreg:$0xb];
	[sflag:s9] =	ssyncadd.s32 $0xFFFFC000  }
0xb9: {  	[hbm4b:s1+s2] =	stream.linear.scatter [tilespmem:s5], [sflag:$0x5], $0x4000, $0x38;
	[tilespmem:$0x16400] =	vst v63  }
0xba: {  	_ =	swait.ge [sflag:s6], $0x4000  }
0xbb: {  	s1 =	sld [smem:$0x7E4]  }
0xbc: {  	[sflag:s6] =	ssyncset.done $0x0  }
0xbd: {  	[sflag:s6] =	ssyncadd.s32 $0xFFFFC000  }
0xbe: {  	[tilespmem:s5], [sflag:$0x1] =	stream.indirect.gather [hbm4b:s3+s8], $0x20, s1, s8, $0xb8;
	[tilespmem:$0x16400] =	vst v63  }
0xbf: {  	_ =	swait.ge [sflag:s11], $0x4000  }
0xc0: {  	[sflag:s11] =	ssyncset.done $0x0  }
0xc1: {  	s1 =	rddreg [dreg:$0xc];
	[sflag:s11] =	ssyncadd.s32 $0xFFFFC000  }
0xc2: {  	[hbm4b:s1+s2] =	stream.linear.scatter [tilespmem:s4], [sflag:$0x6], $0x4000, $0x38;
	[tilespmem:$0x16400] =	vst v63  }
0xc3: {  	_ =	swait.ge [sflag:s7], $0x4000  }
0xc4: {  	s1 =	sld [smem:$0x7E5]  }
0xc5: {  	[sflag:s7] =	ssyncset.done $0x0  }
0xc6: {  	[sflag:s7] =	ssyncadd.s32 $0xFFFFC000  }
0xc7: {  	[tilespmem:s4], [sflag:$0x2] =	stream.indirect.gather [hbm4b:s3+s8], $0x20, s1, s8, $0xb8;
	[tilespmem:$0x16400] =	vst v63  }
0xc8: {  	_ =	swait.ge [sflag:s15], $0x4000  }
0xc9: {  	[sflag:s15] =	ssyncset.done $0x0  }
0xca: {  	s1 =	rddreg [dreg:$0xd];
	[sflag:s15] =	ssyncadd.s32 $0xFFFFC000  }
0xcb: {  	[hbm4b:s1+s2] =	stream.linear.scatter [tilespmem:s12], [sflag:$0x7], $0x4000, $0x38;
	[tilespmem:$0x16400] =	vst v63  }
0xcc: {  	_ =	swait.ge [sflag:s13], $0x4000  }
0xcd: {  	s1 =	sld [smem:$0x7E6]  }
0xce: {  	[sflag:s13] =	ssyncset.done $0x0  }
0xcf: {  	[sflag:s13] =	ssyncadd.s32 $0xFFFFC000  }
0xd0: {  	[tilespmem:s12], [sflag:$0x3] =	stream.indirect.gather [hbm4b:s3+s8], $0x20, s1, s8, $0xb8;
	[tilespmem:$0x16400] =	vst v63  }
0xd1: {  	_ =	swait.ge [sflag:s16], $0x4000  }
0xd2: {  	[sflag:s16] =	ssyncset.done $0x0  }
0xd3: {  	s1 =	rddreg [dreg:$0xe];
	[sflag:s16] =	ssyncadd.s32 $0xFFFFC000  }
0xd4: {  	[hbm4b:s1+s2] =	stream.linear.scatter [tilespmem:s10], [sflag:$0x8], $0x4000, $0x38;
	[tilespmem:$0x16400] =	vst v63  }
0xd5: {  	_ =	swait.ge [sflag:s14], $0x4000  }
0xd6: {  	s1 =	sld [smem:$0x7E7]  }
0xd7: {  	[sflag:s14] =	ssyncset.done $0x0  }
0xd8: {  	[sflag:s14] =	ssyncadd.s32 $0xFFFFC000  }
0xd9: {  	[tilespmem:s10], [sflag:$0x4] =	stream.indirect.gather [hbm4b:s3+s8], $0x20, s1, s8, $0xb8;
	[tilespmem:$0x16400] =	vst v63  }
0xda: {  	_ =	swait.ge [sflag:s9], $0x4000  }
0xdb: {  	[sflag:s9] =	ssyncset.done $0x0  }
0xdc: {  	s1 =	rddreg [dreg:$0xf];
	[sflag:s9] =	ssyncadd.s32 $0xFFFFC000  }
0xdd: {  	[hbm4b:s1+s2] =	stream.linear.scatter [tilespmem:s5], [sflag:$0x5], $0x4000, $0x38;
	[tilespmem:$0x16400] =	vst v63  }
0xde: {  	_ =	swait.ge [sflag:s6], $0x4000  }
0xdf: {  	s1 =	sld [smem:$0x7E8]  }
0xe0: {  	[sflag:s6] =	ssyncset.done $0x0  }
0xe1: {  	[sflag:s6] =	ssyncadd.s32 $0xFFFFC000  }
0xe2: {  	[tilespmem:s5], [sflag:$0x1] =	stream.indirect.gather [hbm4b:s3+s8], $0x20, s1, s8, $0xb8;
	[tilespmem:$0x16400] =	vst v63  }
0xe3: {  	_ =	swait.ge [sflag:s11], $0x4000  }
0xe4: {  	[sflag:s11] =	ssyncset.done $0x0  }
0xe5: {  	s1 =	rddreg [dreg:$0x10];
	[sflag:s11] =	ssyncadd.s32 $0xFFFFC000  }
0xe6: {  	[hbm4b:s1+s2] =	stream.linear.scatter [tilespmem:s4], [sflag:$0x6], $0x4000, $0x38;
	[tilespmem:$0x16400] =	vst v63  }
0xe7: {  	_ =	swait.ge [sflag:s7], $0x4000  }
0xe8: {  	s1 =	sld [smem:$0x7E9]  }
0xe9: {  	[sflag:s7] =	ssyncset.done $0x0  }
0xea: {  	[sflag:s7] =	ssyncadd.s32 $0xFFFFC000  }
0xeb: {  	[tilespmem:s4], [sflag:$0x2] =	stream.indirect.gather [hbm4b:s3+s8], $0x20, s1, s8, $0xb8;
	[tilespmem:$0x16400] =	vst v63  }
0xec: {  	_ =	swait.ge [sflag:s15], $0x4000  }
0xed: {  	[sflag:s15] =	ssyncset.done $0x0  }
0xee: {  	s1 =	rddreg [dreg:$0x11];
	[sflag:s15] =	ssyncadd.s32 $0xFFFFC000  }
0xef: {  	[hbm4b:s1+s2] =	stream.linear.scatter [tilespmem:s12], [sflag:$0x7], $0x4000, $0x38;
	[tilespmem:$0x16400] =	vst v63  }
0xf0: {  	_ =	swait.ge [sflag:s13], $0x4000  }
0xf1: {  	s1 =	sld [smem:$0x7EA]  }
0xf2: {  	[sflag:s13] =	ssyncset.done $0x0  }
0xf3: {  	[sflag:s13] =	ssyncadd.s32 $0xFFFFC000  }
0xf4: {  	[tilespmem:s12], [sflag:$0x3] =	stream.indirect.gather [hbm4b:s3+s8], $0x20, s1, s8, $0xb8;
	[tilespmem:$0x16400] =	vst v63  }
0xf5: {  	_ =	swait.ge [sflag:s16], $0x4000  }
0xf6: {  	[sflag:s16] =	ssyncset.done $0x0  }
0xf7: {  	s1 =	rddreg [dreg:$0x12];
	[sflag:s16] =	ssyncadd.s32 $0xFFFFC000  }
0xf8: {  	[hbm4b:s1+s2] =	stream.linear.scatter [tilespmem:s10], [sflag:$0x8], $0x4000, $0x38;
	[tilespmem:$0x16400] =	vst v63  }
0xf9: {  	_ =	swait.ge [sflag:s14], $0x4000  }
0xfa: {  	s1 =	sld [smem:$0x7EB]  }
0xfb: {  	[sflag:s14] =	ssyncset.done $0x0  }
0xfc: {  	[sflag:s14] =	ssyncadd.s32 $0xFFFFC000  }
0xfd: {  	[tilespmem:s10], [sflag:$0x4] =	stream.indirect.gather [hbm4b:s3+s8], $0x20, s1, s8, $0xb8;
	[tilespmem:$0x16400] =	vst v63  }
0xfe: {  	_ =	swait.ge [sflag:s9], $0x4000  }
0xff: {  	[sflag:s9] =	ssyncset.done $0x0  }
0x100: {  	s1 =	rddreg [dreg:$0x13];
	[sflag:s9] =	ssyncadd.s32 $0xFFFFC000  }
0x101: {  	[hbm4b:s1+s2] =	stream.linear.scatter [tilespmem:s5], [sflag:$0x5], $0x4000, $0x38;
	[tilespmem:$0x16400] =	vst v63  }
0x102: {  	_ =	swait.ge [sflag:s6], $0x4000  }
0x103: {  	s1 =	sld [smem:$0x7EC]  }
0x104: {  	[sflag:s6] =	ssyncset.done $0x0  }
0x105: {  	[sflag:s6] =	ssyncadd.s32 $0xFFFFC000  }
0x106: {  	[tilespmem:s5], [sflag:$0x1] =	stream.indirect.gather [hbm4b:s3+s8], $0x20, s1, s8, $0xb8;
	[tilespmem:$0x16400] =	vst v63  }
0x107: {  	_ =	swait.ge [sflag:s11], $0x4000  }
0x108: {  	[sflag:s11] =	ssyncset.done $0x0  }
0x109: {  	s1 =	rddreg [dreg:$0x14];
	[sflag:s11] =	ssyncadd.s32 $0xFFFFC000  }
0x10a: {  	[hbm4b:s1+s2] =	stream.linear.scatter [tilespmem:s4], [sflag:$0x6], $0x4000, $0x38;
	[tilespmem:$0x16400] =	vst v63  }
0x10b: {  	_ =	swait.ge [sflag:s7], $0x4000  }
0x10c: {  	s1 =	sld [smem:$0x7ED]  }
0x10d: {  	[sflag:s7] =	ssyncset.done $0x0  }
0x10e: {  	[sflag:s7] =	ssyncadd.s32 $0xFFFFC000  }
0x10f: {  	[tilespmem:s4], [sflag:$0x2] =	stream.indirect.gather [hbm4b:s3+s8], $0x20, s1, s8, $0xb8;
	[tilespmem:$0x16400] =	vst v63  }
0x110: {  	_ =	swait.ge [sflag:s15], $0x4000  }
0x111: {  	[sflag:s15] =	ssyncset.done $0x0  }
0x112: {  	s1 =	rddreg [dreg:$0x15];
	[sflag:s15] =	ssyncadd.s32 $0xFFFFC000  }
0x113: {  	[hbm4b:s1+s2] =	stream.linear.scatter [tilespmem:s12], [sflag:$0x7], $0x4000, $0x38;
	[tilespmem:$0x16400] =	vst v63  }
0x114: {  	_ =	swait.ge [sflag:s13], $0x4000  }
0x115: {  	s1 =	sld [smem:$0x7EE]  }
0x116: {  	[sflag:s13] =	ssyncset.done $0x0  }
0x117: {  	[sflag:s13] =	ssyncadd.s32 $0xFFFFC000  }
0x118: {  	[tilespmem:s12], [sflag:$0x3] =	stream.indirect.gather [hbm4b:s3+s8], $0x20, s1, s8, $0xb8;
	[tilespmem:$0x16400] =	vst v63  }
0x119: {  	_ =	swait.ge [sflag:s16], $0x4000  }
0x11a: {  	[sflag:s16] =	ssyncset.done $0x0  }
0x11b: {  	s1 =	rddreg [dreg:$0x16];
	[sflag:s16] =	ssyncadd.s32 $0xFFFFC000  }
0x11c: {  	[hbm4b:s1+s2] =	stream.linear.scatter [tilespmem:s10], [sflag:$0x8], $0x4000, $0x38;
	[tilespmem:$0x16400] =	vst v63  }
0x11d: {  	_ =	swait.ge [sflag:s14], $0x4000  }
0x11e: {  	s1 =	sld [smem:$0x7EF]  }
0x11f: {  	[sflag:s14] =	ssyncset.done $0x0  }
0x120: {  	[sflag:s14] =	ssyncadd.s32 $0xFFFFC000  }
0x121: {  	[tilespmem:s10], [sflag:$0x4] =	stream.indirect.gather [hbm4b:s3+s8], $0x20, s1, s8, $0xb8;
	[tilespmem:$0x16400] =	vst v63  }
0x122: {  	_ =	swait.ge [sflag:s9], $0x4000  }
0x123: {  	[sflag:s9] =	ssyncset.done $0x0  }
0x124: {  	s1 =	rddreg [dreg:$0x17];
	[sflag:s9] =	ssyncadd.s32 $0xFFFFC000  }
0x125: {  	[hbm4b:s1+s2] =	stream.linear.scatter [tilespmem:s5], [sflag:$0x5], $0x4000, $0x38;
	[tilespmem:$0x16400] =	vst v63  }
0x126: {  	_ =	swait.ge [sflag:s6], $0x4000  }
0x127: {  	s1 =	sld [smem:$0x7F0]  }
0x128: {  	[sflag:s6] =	ssyncset.done $0x0  }
0x129: {  	[sflag:s6] =	ssyncadd.s32 $0xFFFFC000  }
0x12a: {  	[tilespmem:s5], [sflag:$0x1] =	stream.indirect.gather [hbm4b:s3+s8], $0x20, s1, s8, $0xb8;
	[tilespmem:$0x16400] =	vst v63  }
0x12b: {  	_ =	swait.ge [sflag:s11], $0x4000  }
0x12c: {  	[sflag:s11] =	ssyncset.done $0x0  }
0x12d: {  	s1 =	rddreg [dreg:$0x18];
	[sflag:s11] =	ssyncadd.s32 $0xFFFFC000  }
0x12e: {  	[hbm4b:s1+s2] =	stream.linear.scatter [tilespmem:s4], [sflag:$0x6], $0x4000, $0x38;
	[tilespmem:$0x16400] =	vst v63  }
0x12f: {  	_ =	swait.ge [sflag:s7], $0x4000  }
0x130: {  	s1 =	sld [smem:$0x7F1]  }
0x131: {  	[sflag:s7] =	ssyncset.done $0x0  }
0x132: {  	[sflag:s7] =	ssyncadd.s32 $0xFFFFC000  }
0x133: {  	[tilespmem:s4], [sflag:$0x2] =	stream.indirect.gather [hbm4b:s3+s8], $0x20, s1, s8, $0xb8;
	[tilespmem:$0x16400] =	vst v63  }
0x134: {  	_ =	swait.ge [sflag:s15], $0x4000  }
0x135: {  	[sflag:s15] =	ssyncset.done $0x0  }
0x136: {  	s1 =	rddreg [dreg:$0x19];
	[sflag:s15] =	ssyncadd.s32 $0xFFFFC000  }
0x137: {  	[hbm4b:s1+s2] =	stream.linear.scatter [tilespmem:s12], [sflag:$0x7], $0x4000, $0x38;
	[tilespmem:$0x16400] =	vst v63  }
0x138: {  	_ =	swait.ge [sflag:s13], $0x4000  }
0x139: {  	s1 =	sld [smem:$0x7F2]  }
0x13a: {  	[sflag:s13] =	ssyncset.done $0x0  }
0x13b: {  	[sflag:s13] =	ssyncadd.s32 $0xFFFFC000  }
0x13c: {  	[tilespmem:s12], [sflag:$0x3] =	stream.indirect.gather [hbm4b:s3+s8], $0x20, s1, s8, $0xb8;
	[tilespmem:$0x16400] =	vst v63  }
0x13d: {  	_ =	swait.ge [sflag:s16], $0x4000  }
0x13e: {  	[sflag:s16] =	ssyncset.done $0x0  }
0x13f: {  	s1 =	rddreg [dreg:$0x1a];
	[sflag:s16] =	ssyncadd.s32 $0xFFFFC000  }
0x140: {  	[hbm4b:s1+s2] =	stream.linear.scatter [tilespmem:s10], [sflag:$0x8], $0x4000, $0x38;
	[tilespmem:$0x16400] =	vst v63  }
0x141: {  	_ =	swait.ge [sflag:s14], $0x4000  }
0x142: {  	s1 =	sld [smem:$0x7F3]  }
0x143: {  	[sflag:s14] =	ssyncset.done $0x0  }
0x144: {  	[sflag:s14] =	ssyncadd.s32 $0xFFFFC000  }
0x145: {  	[tilespmem:s10], [sflag:$0x4] =	stream.indirect.gather [hbm4b:s3+s8], $0x20, s1, s8, $0xb8;
	[tilespmem:$0x16400] =	vst v63  }
0x146: {  	_ =	swait.ge [sflag:s9], $0x4000  }
0x147: {  	[sflag:s9] =	ssyncset.done $0x0  }
0x148: {  	s1 =	rddreg [dreg:$0x1b];
	[sflag:s9] =	ssyncadd.s32 $0xFFFFC000  }
0x149: {  	[hbm4b:s1+s2] =	stream.linear.scatter [tilespmem:s5], [sflag:$0x5], $0x4000, $0x38;
	[tilespmem:$0x16400] =	vst v63  }
0x14a: {  	_ =	swait.ge [sflag:s6], $0x4000  }
0x14b: {  	s1 =	sld [smem:$0x7F4]  }
0x14c: {  	[sflag:s6] =	ssyncset.done $0x0  }
0x14d: {  	[sflag:s6] =	ssyncadd.s32 $0xFFFFC000  }
0x14e: {  	[tilespmem:s5], [sflag:$0x1] =	stream.indirect.gather [hbm4b:s3+s8], $0x20, s1, s8, $0xb8;
	[tilespmem:$0x16400] =	vst v63  }
0x14f: {  	_ =	swait.ge [sflag:s11], $0x4000  }
0x150: {  	[sflag:s11] =	ssyncset.done $0x0  }
0x151: {  	s1 =	rddreg [dreg:$0x1c];
	[sflag:s11] =	ssyncadd.s32 $0xFFFFC000  }
0x152: {  	[hbm4b:s1+s2] =	stream.linear.scatter [tilespmem:s4], [sflag:$0x6], $0x4000, $0x38;
	[tilespmem:$0x16400] =	vst v63  }
0x153: {  	_ =	swait.ge [sflag:s7], $0x4000  }
0x154: {  	s1 =	sld [smem:$0x7F5]  }
0x155: {  	[sflag:s7] =	ssyncset.done $0x0  }
0x156: {  	[sflag:s7] =	ssyncadd.s32 $0xFFFFC000  }
0x157: {  	[tilespmem:s4], [sflag:$0x2] =	stream.indirect.gather [hbm4b:s3+s8], $0x20, s1, s8, $0xb8;
	[tilespmem:$0x16400] =	vst v63  }
0x158: {  	_ =	swait.ge [sflag:s15], $0x4000  }
0x159: {  	[sflag:s15] =	ssyncset.done $0x0  }
0x15a: {  	s1 =	rddreg [dreg:$0x1d];
	[sflag:s15] =	ssyncadd.s32 $0xFFFFC000  }
0x15b: {  	[hbm4b:s1+s2] =	stream.linear.scatter [tilespmem:s12], [sflag:$0x7], $0x4000, $0x38;
	[tilespmem:$0x16400] =	vst v63  }
0x15c: {  	_ =	swait.ge [sflag:s13], $0x4000  }
0x15d: {  	s1 =	sld [smem:$0x7F6]  }
0x15e: {  	[sflag:s13] =	ssyncset.done $0x0  }
0x15f: {  	[sflag:s13] =	ssyncadd.s32 $0xFFFFC000  }
0x160: {  	[tilespmem:s12], [sflag:$0x3] =	stream.indirect.gather [hbm4b:s3+s8], $0x20, s1, s8, $0xb8;
	[tilespmem:$0x16400] =	vst v63  }
0x161: {  	_ =	swait.ge [sflag:s16], $0x4000  }
0x162: {  	[sflag:s16] =	ssyncset.done $0x0  }
0x163: {  	s1 =	rddreg [dreg:$0x1e];
	[sflag:s16] =	ssyncadd.s32 $0xFFFFC000  }
0x164: {  	[hbm4b:s1+s2] =	stream.linear.scatter [tilespmem:s10], [sflag:$0x8], $0x4000, $0x38;
	[tilespmem:$0x16400] =	vst v63  }
0x165: {  	_ =	swait.ge [sflag:s14], $0x4000  }
0x166: {  	s1 =	sld [smem:$0x7F7]  }
0x167: {  	[sflag:s14] =	ssyncset.done $0x0  }
0x168: {  	[sflag:s14] =	ssyncadd.s32 $0xFFFFC000  }
0x169: {  	[tilespmem:s10], [sflag:$0x4] =	stream.indirect.gather [hbm4b:s3+s8], $0x20, s1, s8, $0xb8;
	[tilespmem:$0x16400] =	vst v63  }
0x16a: {  	_ =	swait.ge [sflag:s9], $0x4000  }
0x16b: {  	[sflag:s9] =	ssyncset.done $0x0  }
0x16c: {  	s1 =	rddreg [dreg:$0x1f];
	[sflag:s9] =	ssyncadd.s32 $0xFFFFC000  }
0x16d: {  	[hbm4b:s1+s2] =	stream.linear.scatter [tilespmem:s5], [sflag:$0x5], $0x4000, $0x38;
	[tilespmem:$0x16400] =	vst v63  }
0x16e: {  	_ =	swait.ge [sflag:s6], $0x4000  }
0x16f: {  	s1 =	sld [smem:$0x7F8]  }
0x170: {  	[sflag:s6] =	ssyncset.done $0x0  }
0x171: {  	[sflag:s6] =	ssyncadd.s32 $0xFFFFC000  }
0x172: {  	[tilespmem:s5], [sflag:$0x1] =	stream.indirect.gather [hbm4b:s3+s8], $0x20, s1, s8, $0xb8;
	[tilespmem:$0x16400] =	vst v63  }
0x173: {  	_ =	swait.ge [sflag:s11], $0x4000  }
0x174: {  	s1 =	sld [smem:$0x7C5]  }
0x175: {  	[sflag:s11] =	ssyncset.done $0x0  }
0x176: {  	[sflag:s11] =	ssyncadd.s32 $0xFFFFC000  }
0x177: {  	[hbm4b:s1+s2] =	stream.linear.scatter [tilespmem:s4], [sflag:$0x6], $0x4000, $0x38;
	[tilespmem:$0x16400] =	vst v63  }
0x178: {  	_ =	swait.ge [sflag:s7], $0x4000  }
0x179: {  	s1 =	sld [smem:$0x7F9]  }
0x17a: {  	[sflag:s7] =	ssyncset.done $0x0  }
0x17b: {  	[sflag:s7] =	ssyncadd.s32 $0xFFFFC000  }
0x17c: {  	[tilespmem:s4], [sflag:$0x2] =	stream.indirect.gather [hbm4b:s3+s8], $0x20, s1, s8, $0xb8;
	[tilespmem:$0x16400] =	vst v63  }
0x17d: {  	_ =	swait.ge [sflag:s15], $0x4000  }
0x17e: {  	s1 =	sld [smem:$0x7C6]  }
0x17f: {  	[sflag:s15] =	ssyncset.done $0x0  }
0x180: {  	[sflag:s15] =	ssyncadd.s32 $0xFFFFC000  }
0x181: {  	[hbm4b:s1+s2] =	stream.linear.scatter [tilespmem:s12], [sflag:$0x7], $0x4000, $0x38;
	[tilespmem:$0x16400] =	vst v63  }
0x182: {  	_ =	swait.ge [sflag:s13], $0x4000  }
0x183: {  	s1 =	sld [smem:$0x7FA]  }
0x184: {  	[sflag:s13] =	ssyncset.done $0x0  }
0x185: {  	[sflag:s13] =	ssyncadd.s32 $0xFFFFC000  }
0x186: {  	[tilespmem:s12], [sflag:$0x3] =	stream.indirect.gather [hbm4b:s3+s8], $0x20, s1, s8, $0xb8;
	[tilespmem:$0x16400] =	vst v63  }
0x187: {  	_ =	swait.ge [sflag:s16], $0x4000  }
0x188: {  	s1 =	sld [smem:$0x7C7]  }
0x189: {  	[sflag:s16] =	ssyncset.done $0x0  }
0x18a: {  	[sflag:s16] =	ssyncadd.s32 $0xFFFFC000  }
0x18b: {  	[hbm4b:s1+s2] =	stream.linear.scatter [tilespmem:s10], [sflag:$0x8], $0x4000, $0x38;
	[tilespmem:$0x16400] =	vst v63  }
0x18c: {  	_ =	swait.ge [sflag:s14], $0x4000  }
0x18d: {  	s1 =	sld [smem:$0x7FB]  }
0x18e: {  	[sflag:s14] =	ssyncset.done $0x0  }
0x18f: {  	[sflag:s14] =	ssyncadd.s32 $0xFFFFC000  }
0x190: {  	[tilespmem:s10], [sflag:$0x4] =	stream.indirect.gather [hbm4b:s3+s8], $0x20, s1, s8, $0xb8;
	[tilespmem:$0x16400] =	vst v63  }
0x191: {  	_ =	swait.ge [sflag:s9], $0x4000  }
0x192: {  	s1 =	sld [smem:$0x7C8]  }
0x193: {  	[sflag:s9] =	ssyncset.done $0x0  }
0x194: {  	[sflag:s9] =	ssyncadd.s32 $0xFFFFC000  }
0x195: {  	[hbm4b:s1+s2] =	stream.linear.scatter [tilespmem:s5], [sflag:$0x5], $0x4000, $0x38;
	[tilespmem:$0x16400] =	vst v63  }
0x196: {  	_ =	swait.ge [sflag:s6], $0x4000  }
0x197: {  	s1 =	sld [smem:$0x7FC]  }
0x198: {  	[sflag:s6] =	ssyncset.done $0x0  }
0x199: {  	[sflag:s6] =	ssyncadd.s32 $0xFFFFC000  }
0x19a: {  	[tilespmem:s5], [sflag:$0x1] =	stream.indirect.gather [hbm4b:s3+s8], $0x20, s1, s8, $0xb8;
	[tilespmem:$0x16400] =	vst v63  }
0x19b: {  	_ =	swait.ge [sflag:s11], $0x4000  }
0x19c: {  	s1 =	sld [smem:$0x7C9]  }
0x19d: {  	[sflag:s11] =	ssyncset.done $0x0  }
0x19e: {  	[sflag:s11] =	ssyncadd.s32 $0xFFFFC000  }
0x19f: {  	[hbm4b:s1+s2] =	stream.linear.scatter [tilespmem:s4], [sflag:$0x6], $0x4000, $0x38;
	[tilespmem:$0x16400] =	vst v63  }
0x1a0: {  	_ =	swait.ge [sflag:s7], $0x4000  }
0x1a1: {  	s1 =	sld [smem:$0x7FD]  }
0x1a2: {  	[sflag:s7] =	ssyncset.done $0x0  }
0x1a3: {  	[sflag:s7] =	ssyncadd.s32 $0xFFFFC000  }
0x1a4: {  	[tilespmem:s4], [sflag:$0x2] =	stream.indirect.gather [hbm4b:s3+s8], $0x20, s1, s8, $0xb8;
	[tilespmem:$0x16400] =	vst v63  }
0x1a5: {  	_ =	swait.ge [sflag:s15], $0x4000  }
0x1a6: {  	s1 =	sld [smem:$0x7CA]  }
0x1a7: {  	[sflag:s15] =	ssyncset.done $0x0  }
0x1a8: {  	[sflag:s15] =	ssyncadd.s32 $0xFFFFC000  }
0x1a9: {  	[hbm4b:s1+s2] =	stream.linear.scatter [tilespmem:s12], [sflag:$0x7], $0x4000, $0x38;
	[tilespmem:$0x16400] =	vst v63  }
0x1aa: {  	_ =	swait.ge [sflag:s13], $0x4000  }
0x1ab: {  	[sflag:s13] =	ssyncset.done $0x0  }
0x1ac: {  	s1 =	simm.s32 $0x4C00;
	[sflag:s13] =	ssyncadd.s32 $0xFFFFC000  }
0x1ad: {  	[tilespmem:s12], [sflag:$0x3] =	stream.indirect.gather [hbm4b:s3+s8], $0x20, s1, s8, $0xb8;
	[tilespmem:$0x16400] =	vst v63  }
0x1ae: {  	_ =	swait.ge [sflag:s16], $0x4000  }
0x1af: {  	s1 =	sld [smem:$0x7CB]  }
0x1b0: {  	[sflag:s16] =	ssyncset.done $0x0  }
0x1b1: {  	[sflag:s16] =	ssyncadd.s32 $0xFFFFC000  }
0x1b2: {  	[hbm4b:s1+s2] =	stream.linear.scatter [tilespmem:s10], [sflag:$0x8], $0x4000, $0x38;
	[tilespmem:$0x16400] =	vst v63  }
0x1b3: {  	_ =	swait.ge [sflag:s14], $0x4000  }
0x1b4: {  	[sflag:s14] =	ssyncset.done $0x0  }
0x1b5: {  	[sflag:s14] =	ssyncadd.s32 $0xFFFFC000  }
0x1b6: {  	[tilespmem:s10], [sflag:$0x4] =	stream.indirect.gather [hbm4b:s3+s8], $0x20, s29, s8, $0xb8;
	[tilespmem:$0x16400] =	vst v63  }
0x1b7: {  	_ =	swait.ge [sflag:s9], $0x4000  }
0x1b8: {  	s1 =	sld [smem:$0x7CC]  }
0x1b9: {  	[sflag:s9] =	ssyncset.done $0x0  }
0x1ba: {  	[sflag:s9] =	ssyncadd.s32 $0xFFFFC000  }
0x1bb: {  	[hbm4b:s1+s2] =	stream.linear.scatter [tilespmem:s5], [sflag:$0x5], $0x4000, $0x38;
	[tilespmem:$0x16400] =	vst v63  }
0x1bc: {  	_ =	swait.ge [sflag:s6], $0x4000  }
0x1bd: {  	[sflag:s6] =	ssyncset.done $0x0  }
0x1be: {  	[sflag:s6] =	ssyncadd.s32 $0xFFFFC000  }
0x1bf: {  	[tilespmem:s5], [sflag:$0x1] =	stream.indirect.gather [hbm4b:s3+s8], $0x20, s28, s8, $0xb8;
	[tilespmem:$0x16400] =	vst v63  }
0x1c0: {  	_ =	swait.ge [sflag:s11], $0x4000  }
0x1c1: {  	s1 =	sld [smem:$0x7CD]  }
0x1c2: {  	[sflag:s11] =	ssyncset.done $0x0  }
0x1c3: {  	[sflag:s11] =	ssyncadd.s32 $0xFFFFC000  }
0x1c4: {  	[hbm4b:s1+s2] =	stream.linear.scatter [tilespmem:s4], [sflag:$0x6], $0x4000, $0x38;
	[tilespmem:$0x16400] =	vst v63  }
0x1c5: {  	_ =	swait.ge [sflag:s7], $0x4000  }
0x1c6: {  	[sflag:s7] =	ssyncset.done $0x0  }
0x1c7: {  	[sflag:s7] =	ssyncadd.s32 $0xFFFFC000  }
0x1c8: {  	[tilespmem:s4], [sflag:$0x2] =	stream.indirect.gather [hbm4b:s3+s8], $0x20, s26, s8, $0xb8;
	[tilespmem:$0x16400] =	vst v63  }
0x1c9: {  	_ =	swait.ge [sflag:s15], $0x4000  }
0x1ca: {  	s1 =	sld [smem:$0x7CE]  }
0x1cb: {  	[sflag:s15] =	ssyncset.done $0x0  }
0x1cc: {  	[sflag:s15] =	ssyncadd.s32 $0xFFFFC000  }
0x1cd: {  	[hbm4b:s1+s2] =	stream.linear.scatter [tilespmem:s12], [sflag:$0x7], $0x4000, $0x38;
	[tilespmem:$0x16400] =	vst v63  }
0x1ce: {  	_ =	swait.ge [sflag:s13], $0x4000  }
0x1cf: {  	[sflag:s13] =	ssyncset.done $0x0  }
0x1d0: {  	[sflag:s13] =	ssyncadd.s32 $0xFFFFC000  }
0x1d1: {  	[tilespmem:s12], [sflag:$0x3] =	stream.indirect.gather [hbm4b:s3+s8], $0x20, s25, s8, $0xb8;
	[tilespmem:$0x16400] =	vst v63  }
0x1d2: {  	_ =	swait.ge [sflag:s16], $0x4000  }
0x1d3: {  	s1 =	sld [smem:$0x7CF]  }
0x1d4: {  	[sflag:s16] =	ssyncset.done $0x0  }
0x1d5: {  	[sflag:s16] =	ssyncadd.s32 $0xFFFFC000  }
0x1d6: {  	[hbm4b:s1+s2] =	stream.linear.scatter [tilespmem:s10], [sflag:$0x8], $0x4000, $0x38;
	[tilespmem:$0x16400] =	vst v63  }
0x1d7: {  	_ =	swait.ge [sflag:s14], $0x4000  }
0x1d8: {  	[sflag:s14] =	ssyncset.done $0x0  }
0x1d9: {  	[sflag:s14] =	ssyncadd.s32 $0xFFFFC000  }
0x1da: {  	[tilespmem:s10], [sflag:$0x4] =	stream.indirect.gather [hbm4b:s3+s8], $0x20, s24, s8, $0xb8;
	[tilespmem:$0x16400] =	vst v63  }
0x1db: {  	_ =	swait.ge [sflag:s9], $0x4000  }
0x1dc: {  	s1 =	sld [smem:$0x7D0]  }
0x1dd: {  	[sflag:s9] =	ssyncset.done $0x0  }
0x1de: {  	[sflag:s9] =	ssyncadd.s32 $0xFFFFC000  }
0x1df: {  	[hbm4b:s1+s2] =	stream.linear.scatter [tilespmem:s5], [sflag:$0x5], $0x4000, $0x38;
	[tilespmem:$0x16400] =	vst v63  }
0x1e0: {  	_ =	swait.ge [sflag:s6], $0x4000  }
0x1e1: {  	[sflag:s6] =	ssyncset.done $0x0  }
0x1e2: {  	[sflag:s6] =	ssyncadd.s32 $0xFFFFC000  }
0x1e3: {  	[tilespmem:s5], [sflag:$0x1] =	stream.indirect.gather [hbm4b:s3+s8], $0x20, s23, s8, $0xb8;
	[tilespmem:$0x16400] =	vst v63  }
0x1e4: {  	_ =	swait.ge [sflag:s11], $0x4000  }
0x1e5: {  	s1 =	sld [smem:$0x7D1]  }
0x1e6: {  	[sflag:s11] =	ssyncset.done $0x0  }
0x1e7: {  	[sflag:s11] =	ssyncadd.s32 $0xFFFFC000  }
0x1e8: {  	[hbm4b:s1+s2] =	stream.linear.scatter [tilespmem:s4], [sflag:$0x6], $0x4000, $0x38;
	[tilespmem:$0x16400] =	vst v63  }
0x1e9: {  	_ =	swait.ge [sflag:s7], $0x4000  }
0x1ea: {  	[sflag:s7] =	ssyncset.done $0x0  }
0x1eb: {  	[sflag:s7] =	ssyncadd.s32 $0xFFFFC000  }
0x1ec: {  	[tilespmem:s4], [sflag:$0x2] =	stream.indirect.gather [hbm4b:s3+s8], $0x20, s22, s8, $0xb8;
	[tilespmem:$0x16400] =	vst v63  }
0x1ed: {  	_ =	swait.ge [sflag:s15], $0x4000  }
0x1ee: {  	s1 =	sld [smem:$0x7D2]  }
0x1ef: {  	[sflag:s15] =	ssyncset.done $0x0  }
0x1f0: {  	[sflag:s15] =	ssyncadd.s32 $0xFFFFC000  }
0x1f1: {  	[hbm4b:s1+s2] =	stream.linear.scatter [tilespmem:s12], [sflag:$0x7], $0x4000, $0x38;
	[tilespmem:$0x16400] =	vst v63  }
0x1f2: {  	_ =	swait.ge [sflag:s13], $0x4000  }
0x1f3: {  	[sflag:s13] =	ssyncset.done $0x0  }
0x1f4: {  	[sflag:s13] =	ssyncadd.s32 $0xFFFFC000  }
0x1f5: {  	[tilespmem:s12], [sflag:$0x3] =	stream.indirect.gather [hbm4b:s3+s8], $0x20, s21, s8, $0xb8;
	[tilespmem:$0x16400] =	vst v63  }
0x1f6: {  	_ =	swait.ge [sflag:s16], $0x4000  }
0x1f7: {  	s1 =	sld [smem:$0x7D3]  }
0x1f8: {  	[sflag:s16] =	ssyncset.done $0x0  }
0x1f9: {  	[sflag:s16] =	ssyncadd.s32 $0xFFFFC000  }
0x1fa: {  	[hbm4b:s1+s2] =	stream.linear.scatter [tilespmem:s10], [sflag:$0x8], $0x4000, $0x38;
	[tilespmem:$0x16400] =	vst v63  }
0x1fb: {  	_ =	swait.ge [sflag:s14], $0x4000  }
0x1fc: {  	[sflag:s14] =	ssyncset.done $0x0  }
0x1fd: {  	[sflag:s14] =	ssyncadd.s32 $0xFFFFC000  }
0x1fe: {  	[tilespmem:s10], [sflag:$0x4] =	stream.indirect.gather [hbm4b:s3+s8], $0x20, s20, s8, $0xb8;
	[tilespmem:$0x16400] =	vst v63  }
0x1ff: {  	_ =	swait.ge [sflag:s9], $0x4000  }
0x200: {  	s1 =	sld [smem:$0x7D4]  }
0x201: {  	[sflag:s9] =	ssyncset.done $0x0  }
0x202: {  	[sflag:s9] =	ssyncadd.s32 $0xFFFFC000  }
0x203: {  	[hbm4b:s1+s2] =	stream.linear.scatter [tilespmem:s5], [sflag:$0x5], $0x4000, $0x38;
	[tilespmem:$0x16400] =	vst v63  }
0x204: {  	_ =	swait.ge [sflag:s6], $0x4000  }
0x205: {  	[sflag:s6] =	ssyncset.done $0x0  }
0x206: {  	[sflag:s6] =	ssyncadd.s32 $0xFFFFC000  }
0x207: {  	[tilespmem:s5], [sflag:$0x1] =	stream.indirect.gather [hbm4b:s3+s8], $0x20, s19, s8, $0xb8;
	[tilespmem:$0x16400] =	vst v63  }
0x208: {  	_ =	swait.ge [sflag:s11], $0x4000  }
0x209: {  	s1 =	sld [smem:$0x7D5]  }
0x20a: {  	[sflag:s11] =	ssyncset.done $0x0  }
0x20b: {  	[sflag:s11] =	ssyncadd.s32 $0xFFFFC000  }
0x20c: {  	[hbm4b:s1+s2] =	stream.linear.scatter [tilespmem:s4], [sflag:$0x6], $0x4000, $0x38;
	[tilespmem:$0x16400] =	vst v63  }
0x20d: {  	_ =	swait.ge [sflag:s7], $0x4000  }
0x20e: {  	[sflag:s7] =	ssyncset.done $0x0  }
0x20f: {  	[sflag:s7] =	ssyncadd.s32 $0xFFFFC000  }
0x210: {  	[tilespmem:s4], [sflag:$0x2] =	stream.indirect.gather [hbm4b:s3+s8], $0x20, s18, s8, $0xb8;
	[tilespmem:$0x16400] =	vst v63  }
0x211: {  	_ =	swait.ge [sflag:s15], $0x4000  }
0x212: {  	s1 =	sld [smem:$0x7D6]  }
0x213: {  	[sflag:s15] =	ssyncset.done $0x0  }
0x214: {  	[sflag:s15] =	ssyncadd.s32 $0xFFFFC000  }
0x215: {  	[hbm4b:s1+s2] =	stream.linear.scatter [tilespmem:s12], [sflag:$0x7], $0x4000, $0x38;
	[tilespmem:$0x16400] =	vst v63  }
0x216: {  	_ =	swait.ge [sflag:s16], $0x4000  }
0x217: {  	s1 =	sld [smem:$0x7D7]  }
0x218: {  	[sflag:s16] =	ssyncset.done $0x0  }
0x219: {  	[sflag:s16] =	ssyncadd.s32 $0xFFFFC000  }
0x21a: {  	[hbm4b:s1+s2] =	stream.linear.scatter [tilespmem:s10], [sflag:$0x8], $0x4000, $0x38;
	[tilespmem:$0x16400] =	vst v63  }
0x21b: {  	_ =	swait.ge [sflag:s9], $0x4000  }
0x21c: {  	s1 =	sld [smem:$0x7D8]  }
0x21d: {  	[sflag:s9] =	ssyncset.done $0x0  }
0x21e: {  	[sflag:s9] =	ssyncadd.s32 $0xFFFFC000  }
0x21f: {  	[hbm4b:s1+s2] =	stream.linear.scatter [tilespmem:s5], [sflag:$0x5], $0x4000, $0x38;
	[tilespmem:$0x16400] =	vst v63  }
0x220: {  	_ =	swait.ge [sflag:s11], $0x4000  }
0x221: {  	s1 =	sld [smem:$0x7D9]  }
0x222: {  	[sflag:s11] =	ssyncset.done $0x0  }
0x223: {  	[sflag:s11] =	ssyncadd.s32 $0xFFFFC000  }
0x224: {  	[hbm4b:s1+s2] =	stream.linear.scatter [tilespmem:s4], [sflag:$0x6], $0x4000, $0x38;
	[tilespmem:$0x16400] =	vst v63  }
0x225: {  	_ =	swait.ge [sflag:s13], $0x4000  }
0x226: {  	[sflag:s13] =	ssyncset.done $0x0  }
0x227: {  	[sflag:s13] =	ssyncadd.s32 $0xFFFFC000  }
0x228: {  	_ =	swait.ge [sflag:s14], $0x4000  }
0x229: {  	[sflag:s14] =	ssyncset.done $0x0  }
0x22a: {  	p1 =	sne.s32 s17, $0x1;
	[sflag:s14] =	ssyncadd.s32 $0xFFFFC000  }
.Ltmp1:
0x22b: {  	_ =	swait.ge [sflag:s6], $0x4000;
	(pc) =	sbr.rel @!p1 .LBB2_3-.Ltmp1, $4  }
0x22c: {  	[sflag:s6] =	ssyncset.done $0x0  }
0x22d: {  	[sflag:s6] =	ssyncadd.s32 $0xFFFFC000  }
0x22e: {  	p0 =	por $0x1, $0x1;
	_ =	swait.ge [sflag:s7], $0x4000  }
0x22f: {  	s1 =	sadd.s32 $0xFFFFFFFF, s17;
	s0 =	rddreg [dreg:$0x3];
	[sflag:s7] =	ssyncset.done $0x0  }
.LBB2_4:
0x230: {  	[sflag:s7] =	ssyncadd.s32 $0xFFFFC000  }
0x231: {  	[tilespmem:s2], [sflag:$0x9] =	stream.linear.gather [hbm4b:s0+s2], $0x6400, $0x38;
	[tilespmem:$0x16400] =	vst v63  }
0x232: {  	_ =	swait.ge [sflag:s31], $0x6400  }
0x233: {  	[sflag:s31] =	ssyncset.done $0x0  }
0x234: {  	[sflag:s31] =	ssyncadd.s32 $0xFFFF9C00  }
0x235: {  	[tilespmem:s5], [sflag:$0x1] =	stream.indirect.gather [hbm4b:s3+s8], $0x20, s2, s8, $0xb8;
	[tilespmem:$0x16400] =	vst v63  }
0x236: {  	s0 =	sld [smem:$0x7DA]  }
0x237: {  	[tilespmem:s4], [sflag:$0x2] =	stream.indirect.gather [hbm4b:s3+s8], $0x20, s8, s8, $0xb8;
	[tilespmem:$0x16400] =	vst v63  }
0x238: {  	s17 =	sld [smem:$0x7DB]  }
0x239: {  	[tilespmem:s12], [sflag:$0x3] =	stream.indirect.gather [hbm4b:s3+s8], $0x20, s0, s8, $0xb8;
	[tilespmem:$0x16400] =	vst v63  }
0x23a: {  	_ = 	snop  }
0x23b: {  	[tilespmem:s10], [sflag:$0x4] =	stream.indirect.gather [hbm4b:s3+s8], $0x20, s17, s8, $0xb8;
	[tilespmem:$0x16400] =	vst v63  }
0x23c: {  	_ =	swait.ge [sflag:s9], $0x4000  }
0x23d: {  	[sflag:s9] =	ssyncset.done $0x0  }
0x23e: {  	[sflag:s9] =	ssyncadd.s32 $0xFFFFC000  }
0x23f: {  	[hbm4b:s30+s2] =	stream.linear.scatter [tilespmem:s5], [sflag:$0x5], $0x4000, $0x38;
	[tilespmem:$0x16400] =	vst v63  }
0x240: {  	_ =	swait.ge [sflag:s6], $0x4000  }
0x241: {  	s17 =	sld [smem:$0x7DC]  }
0x242: {  	[sflag:s6] =	ssyncset.done $0x0  }
0x243: {  	[sflag:s6] =	ssyncadd.s32 $0xFFFFC000  }
0x244: {  	[tilespmem:s5], [sflag:$0x1] =	stream.indirect.gather [hbm4b:s3+s8], $0x20, s17, s8, $0xb8;
	[tilespmem:$0x16400] =	vst v63  }
0x245: {  	_ =	swait.ge [sflag:s11], $0x4000  }
0x246: {  	[sflag:s11] =	ssyncset.done $0x0  }
0x247: {  	s17 =	rddreg [dreg:$0x4];
	[sflag:s11] =	ssyncadd.s32 $0xFFFFC000  }
0x248: {  	[hbm4b:s17+s2] =	stream.linear.scatter [tilespmem:s4], [sflag:$0x6], $0x4000, $0x38;
	[tilespmem:$0x16400] =	vst v63  }
0x249: {  	_ =	swait.ge [sflag:s7], $0x4000  }
0x24a: {  	s17 =	sld [smem:$0x7DD]  }
0x24b: {  	[sflag:s7] =	ssyncset.done $0x0  }
0x24c: {  	[sflag:s7] =	ssyncadd.s32 $0xFFFFC000  }
0x24d: {  	[tilespmem:s4], [sflag:$0x2] =	stream.indirect.gather [hbm4b:s3+s8], $0x20, s17, s8, $0xb8;
	[tilespmem:$0x16400] =	vst v63  }
0x24e: {  	_ =	swait.ge [sflag:s15], $0x4000  }
0x24f: {  	[sflag:s15] =	ssyncset.done $0x0  }
0x250: {  	s17 =	rddreg [dreg:$0x5];
	[sflag:s15] =	ssyncadd.s32 $0xFFFFC000  }
0x251: {  	[hbm4b:s17+s2] =	stream.linear.scatter [tilespmem:s12], [sflag:$0x7], $0x4000, $0x38;
	[tilespmem:$0x16400] =	vst v63  }
0x252: {  	_ =	swait.ge [sflag:s13], $0x4000  }
0x253: {  	s17 =	sld [smem:$0x7DE]  }
0x254: {  	[sflag:s13] =	ssyncset.done $0x0  }
0x255: {  	[sflag:s13] =	ssyncadd.s32 $0xFFFFC000  }
0x256: {  	[tilespmem:s12], [sflag:$0x3] =	stream.indirect.gather [hbm4b:s3+s8], $0x20, s17, s8, $0xb8;
	[tilespmem:$0x16400] =	vst v63  }
0x257: {  	_ =	swait.ge [sflag:s16], $0x4000  }
0x258: {  	[sflag:s16] =	ssyncset.done $0x0  }
0x259: {  	s17 =	rddreg [dreg:$0x6];
	[sflag:s16] =	ssyncadd.s32 $0xFFFFC000  }
0x25a: {  	[hbm4b:s17+s2] =	stream.linear.scatter [tilespmem:s10], [sflag:$0x8], $0x4000, $0x38;
	[tilespmem:$0x16400] =	vst v63  }
0x25b: {  	_ =	swait.ge [sflag:s14], $0x4000  }
0x25c: {  	s17 =	sld [smem:$0x7DF]  }
0x25d: {  	[sflag:s14] =	ssyncset.done $0x0  }
0x25e: {  	[sflag:s14] =	ssyncadd.s32 $0xFFFFC000  }
0x25f: {  	[tilespmem:s10], [sflag:$0x4] =	stream.indirect.gather [hbm4b:s3+s8], $0x20, s17, s8, $0xb8;
	[tilespmem:$0x16400] =	vst v63  }
0x260: {  	_ =	swait.ge [sflag:s9], $0x4000  }
0x261: {  	[sflag:s9] =	ssyncset.done $0x0  }
0x262: {  	s17 =	rddreg [dreg:$0x7];
	[sflag:s9] =	ssyncadd.s32 $0xFFFFC000  }
0x263: {  	[hbm4b:s17+s2] =	stream.linear.scatter [tilespmem:s5], [sflag:$0x5], $0x4000, $0x38;
	[tilespmem:$0x16400] =	vst v63  }
0x264: {  	_ =	swait.ge [sflag:s6], $0x4000  }
0x265: {  	s17 =	sld [smem:$0x7E0]  }
0x266: {  	[sflag:s6] =	ssyncset.done $0x0  }
0x267: {  	[sflag:s6] =	ssyncadd.s32 $0xFFFFC000  }
0x268: {  	[tilespmem:s5], [sflag:$0x1] =	stream.indirect.gather [hbm4b:s3+s8], $0x20, s17, s8, $0xb8;
	[tilespmem:$0x16400] =	vst v63  }
0x269: {  	_ =	swait.ge [sflag:s11], $0x4000  }
0x26a: {  	[sflag:s11] =	ssyncset.done $0x0  }
0x26b: {  	s17 =	rddreg [dreg:$0x8];
	[sflag:s11] =	ssyncadd.s32 $0xFFFFC000  }
0x26c: {  	[hbm4b:s17+s2] =	stream.linear.scatter [tilespmem:s4], [sflag:$0x6], $0x4000, $0x38;
	[tilespmem:$0x16400] =	vst v63  }
0x26d: {  	_ =	swait.ge [sflag:s7], $0x4000  }
0x26e: {  	s17 =	sld [smem:$0x7E1]  }
0x26f: {  	[sflag:s7] =	ssyncset.done $0x0  }
0x270: {  	[sflag:s7] =	ssyncadd.s32 $0xFFFFC000  }
0x271: {  	[tilespmem:s4], [sflag:$0x2] =	stream.indirect.gather [hbm4b:s3+s8], $0x20, s17, s8, $0xb8;
	[tilespmem:$0x16400] =	vst v63  }
0x272: {  	_ =	swait.ge [sflag:s15], $0x4000  }
0x273: {  	[sflag:s15] =	ssyncset.done $0x0  }
0x274: {  	s17 =	rddreg [dreg:$0x9];
	[sflag:s15] =	ssyncadd.s32 $0xFFFFC000  }
0x275: {  	[hbm4b:s17+s2] =	stream.linear.scatter [tilespmem:s12], [sflag:$0x7], $0x4000, $0x38;
	[tilespmem:$0x16400] =	vst v63  }
0x276: {  	_ =	swait.ge [sflag:s13], $0x4000  }
0x277: {  	s17 =	sld [smem:$0x7E2]  }
0x278: {  	[sflag:s13] =	ssyncset.done $0x0  }
0x279: {  	[sflag:s13] =	ssyncadd.s32 $0xFFFFC000  }
0x27a: {  	[tilespmem:s12], [sflag:$0x3] =	stream.indirect.gather [hbm4b:s3+s8], $0x20, s17, s8, $0xb8;
	[tilespmem:$0x16400] =	vst v63  }
0x27b: {  	_ =	swait.ge [sflag:s16], $0x4000  }
0x27c: {  	[sflag:s16] =	ssyncset.done $0x0  }
0x27d: {  	s17 =	rddreg [dreg:$0xa];
	[sflag:s16] =	ssyncadd.s32 $0xFFFFC000  }
0x27e: {  	[hbm4b:s17+s2] =	stream.linear.scatter [tilespmem:s10], [sflag:$0x8], $0x4000, $0x38;
	[tilespmem:$0x16400] =	vst v63  }
0x27f: {  	_ =	swait.ge [sflag:s14], $0x4000  }
0x280: {  	s17 =	sld [smem:$0x7E3]  }
0x281: {  	[sflag:s14] =	ssyncset.done $0x0  }
0x282: {  	[sflag:s14] =	ssyncadd.s32 $0xFFFFC000  }
0x283: {  	[tilespmem:s10], [sflag:$0x4] =	stream.indirect.gather [hbm4b:s3+s8], $0x20, s17, s8, $0xb8;
	[tilespmem:$0x16400] =	vst v63  }
0x284: {  	_ =	swait.ge [sflag:s9], $0x4000  }
0x285: {  	[sflag:s9] =	ssyncset.done $0x0  }
0x286: {  	s17 =	rddreg [dreg:$0xb];
	[sflag:s9] =	ssyncadd.s32 $0xFFFFC000  }
0x287: {  	[hbm4b:s17+s2] =	stream.linear.scatter [tilespmem:s5], [sflag:$0x5], $0x4000, $0x38;
	[tilespmem:$0x16400] =	vst v63  }
0x288: {  	_ =	swait.ge [sflag:s6], $0x4000  }
0x289: {  	s17 =	sld [smem:$0x7E4]  }
0x28a: {  	[sflag:s6] =	ssyncset.done $0x0  }
0x28b: {  	[sflag:s6] =	ssyncadd.s32 $0xFFFFC000  }
0x28c: {  	[tilespmem:s5], [sflag:$0x1] =	stream.indirect.gather [hbm4b:s3+s8], $0x20, s17, s8, $0xb8;
	[tilespmem:$0x16400] =	vst v63  }
0x28d: {  	_ =	swait.ge [sflag:s11], $0x4000  }
0x28e: {  	[sflag:s11] =	ssyncset.done $0x0  }
0x28f: {  	s17 =	rddreg [dreg:$0xc];
	[sflag:s11] =	ssyncadd.s32 $0xFFFFC000  }
0x290: {  	[hbm4b:s17+s2] =	stream.linear.scatter [tilespmem:s4], [sflag:$0x6], $0x4000, $0x38;
	[tilespmem:$0x16400] =	vst v63  }
0x291: {  	_ =	swait.ge [sflag:s7], $0x4000  }
0x292: {  	s17 =	sld [smem:$0x7E5]  }
0x293: {  	[sflag:s7] =	ssyncset.done $0x0  }
0x294: {  	[sflag:s7] =	ssyncadd.s32 $0xFFFFC000  }
0x295: {  	[tilespmem:s4], [sflag:$0x2] =	stream.indirect.gather [hbm4b:s3+s8], $0x20, s17, s8, $0xb8;
	[tilespmem:$0x16400] =	vst v63  }
0x296: {  	_ =	swait.ge [sflag:s15], $0x4000  }
0x297: {  	[sflag:s15] =	ssyncset.done $0x0  }
0x298: {  	s17 =	rddreg [dreg:$0xd];
	[sflag:s15] =	ssyncadd.s32 $0xFFFFC000  }
0x299: {  	[hbm4b:s17+s2] =	stream.linear.scatter [tilespmem:s12], [sflag:$0x7], $0x4000, $0x38;
	[tilespmem:$0x16400] =	vst v63  }
0x29a: {  	_ =	swait.ge [sflag:s13], $0x4000  }
0x29b: {  	s17 =	sld [smem:$0x7E6]  }
0x29c: {  	[sflag:s13] =	ssyncset.done $0x0  }
0x29d: {  	[sflag:s13] =	ssyncadd.s32 $0xFFFFC000  }
0x29e: {  	[tilespmem:s12], [sflag:$0x3] =	stream.indirect.gather [hbm4b:s3+s8], $0x20, s17, s8, $0xb8;
	[tilespmem:$0x16400] =	vst v63  }
0x29f: {  	_ =	swait.ge [sflag:s16], $0x4000  }
0x2a0: {  	[sflag:s16] =	ssyncset.done $0x0  }
0x2a1: {  	s17 =	rddreg [dreg:$0xe];
	[sflag:s16] =	ssyncadd.s32 $0xFFFFC000  }
0x2a2: {  	[hbm4b:s17+s2] =	stream.linear.scatter [tilespmem:s10], [sflag:$0x8], $0x4000, $0x38;
	[tilespmem:$0x16400] =	vst v63  }
0x2a3: {  	_ =	swait.ge [sflag:s14], $0x4000  }
0x2a4: {  	s17 =	sld [smem:$0x7E7]  }
0x2a5: {  	[sflag:s14] =	ssyncset.done $0x0  }
0x2a6: {  	[sflag:s14] =	ssyncadd.s32 $0xFFFFC000  }
0x2a7: {  	[tilespmem:s10], [sflag:$0x4] =	stream.indirect.gather [hbm4b:s3+s8], $0x20, s17, s8, $0xb8;
	[tilespmem:$0x16400] =	vst v63  }
0x2a8: {  	_ =	swait.ge [sflag:s9], $0x4000  }
0x2a9: {  	[sflag:s9] =	ssyncset.done $0x0  }
0x2aa: {  	s17 =	rddreg [dreg:$0xf];
	[sflag:s9] =	ssyncadd.s32 $0xFFFFC000  }
0x2ab: {  	[hbm4b:s17+s2] =	stream.linear.scatter [tilespmem:s5], [sflag:$0x5], $0x4000, $0x38;
	[tilespmem:$0x16400] =	vst v63  }
0x2ac: {  	_ =	swait.ge [sflag:s6], $0x4000  }
0x2ad: {  	s17 =	sld [smem:$0x7E8]  }
0x2ae: {  	[sflag:s6] =	ssyncset.done $0x0  }
0x2af: {  	[sflag:s6] =	ssyncadd.s32 $0xFFFFC000  }
0x2b0: {  	[tilespmem:s5], [sflag:$0x1] =	stream.indirect.gather [hbm4b:s3+s8], $0x20, s17, s8, $0xb8;
	[tilespmem:$0x16400] =	vst v63  }
0x2b1: {  	_ =	swait.ge [sflag:s11], $0x4000  }
0x2b2: {  	[sflag:s11] =	ssyncset.done $0x0  }
0x2b3: {  	s17 =	rddreg [dreg:$0x10];
	[sflag:s11] =	ssyncadd.s32 $0xFFFFC000  }
0x2b4: {  	[hbm4b:s17+s2] =	stream.linear.scatter [tilespmem:s4], [sflag:$0x6], $0x4000, $0x38;
	[tilespmem:$0x16400] =	vst v63  }
0x2b5: {  	_ =	swait.ge [sflag:s7], $0x4000  }
0x2b6: {  	s17 =	sld [smem:$0x7E9]  }
0x2b7: {  	[sflag:s7] =	ssyncset.done $0x0  }
0x2b8: {  	[sflag:s7] =	ssyncadd.s32 $0xFFFFC000  }
0x2b9: {  	[tilespmem:s4], [sflag:$0x2] =	stream.indirect.gather [hbm4b:s3+s8], $0x20, s17, s8, $0xb8;
	[tilespmem:$0x16400] =	vst v63  }
0x2ba: {  	_ =	swait.ge [sflag:s15], $0x4000  }
0x2bb: {  	[sflag:s15] =	ssyncset.done $0x0  }
0x2bc: {  	s17 =	rddreg [dreg:$0x11];
	[sflag:s15] =	ssyncadd.s32 $0xFFFFC000  }
0x2bd: {  	[hbm4b:s17+s2] =	stream.linear.scatter [tilespmem:s12], [sflag:$0x7], $0x4000, $0x38;
	[tilespmem:$0x16400] =	vst v63  }
0x2be: {  	_ =	swait.ge [sflag:s13], $0x4000  }
0x2bf: {  	s17 =	sld [smem:$0x7EA]  }
0x2c0: {  	[sflag:s13] =	ssyncset.done $0x0  }
0x2c1: {  	[sflag:s13] =	ssyncadd.s32 $0xFFFFC000  }
0x2c2: {  	[tilespmem:s12], [sflag:$0x3] =	stream.indirect.gather [hbm4b:s3+s8], $0x20, s17, s8, $0xb8;
	[tilespmem:$0x16400] =	vst v63  }
0x2c3: {  	_ =	swait.ge [sflag:s16], $0x4000  }
0x2c4: {  	[sflag:s16] =	ssyncset.done $0x0  }
0x2c5: {  	s17 =	rddreg [dreg:$0x12];
	[sflag:s16] =	ssyncadd.s32 $0xFFFFC000  }
0x2c6: {  	[hbm4b:s17+s2] =	stream.linear.scatter [tilespmem:s10], [sflag:$0x8], $0x4000, $0x38;
	[tilespmem:$0x16400] =	vst v63  }
0x2c7: {  	_ =	swait.ge [sflag:s14], $0x4000  }
0x2c8: {  	s17 =	sld [smem:$0x7EB]  }
0x2c9: {  	[sflag:s14] =	ssyncset.done $0x0  }
0x2ca: {  	[sflag:s14] =	ssyncadd.s32 $0xFFFFC000  }
0x2cb: {  	[tilespmem:s10], [sflag:$0x4] =	stream.indirect.gather [hbm4b:s3+s8], $0x20, s17, s8, $0xb8;
	[tilespmem:$0x16400] =	vst v63  }
0x2cc: {  	_ =	swait.ge [sflag:s9], $0x4000  }
0x2cd: {  	[sflag:s9] =	ssyncset.done $0x0  }
0x2ce: {  	s17 =	rddreg [dreg:$0x13];
	[sflag:s9] =	ssyncadd.s32 $0xFFFFC000  }
0x2cf: {  	[hbm4b:s17+s2] =	stream.linear.scatter [tilespmem:s5], [sflag:$0x5], $0x4000, $0x38;
	[tilespmem:$0x16400] =	vst v63  }
0x2d0: {  	_ =	swait.ge [sflag:s6], $0x4000  }
0x2d1: {  	s17 =	sld [smem:$0x7EC]  }
0x2d2: {  	[sflag:s6] =	ssyncset.done $0x0  }
0x2d3: {  	[sflag:s6] =	ssyncadd.s32 $0xFFFFC000  }
0x2d4: {  	[tilespmem:s5], [sflag:$0x1] =	stream.indirect.gather [hbm4b:s3+s8], $0x20, s17, s8, $0xb8;
	[tilespmem:$0x16400] =	vst v63  }
0x2d5: {  	_ =	swait.ge [sflag:s11], $0x4000  }
0x2d6: {  	[sflag:s11] =	ssyncset.done $0x0  }
0x2d7: {  	s17 =	rddreg [dreg:$0x14];
	[sflag:s11] =	ssyncadd.s32 $0xFFFFC000  }
0x2d8: {  	[hbm4b:s17+s2] =	stream.linear.scatter [tilespmem:s4], [sflag:$0x6], $0x4000, $0x38;
	[tilespmem:$0x16400] =	vst v63  }
0x2d9: {  	_ =	swait.ge [sflag:s7], $0x4000  }
0x2da: {  	s17 =	sld [smem:$0x7ED]  }
0x2db: {  	[sflag:s7] =	ssyncset.done $0x0  }
0x2dc: {  	[sflag:s7] =	ssyncadd.s32 $0xFFFFC000  }
0x2dd: {  	[tilespmem:s4], [sflag:$0x2] =	stream.indirect.gather [hbm4b:s3+s8], $0x20, s17, s8, $0xb8;
	[tilespmem:$0x16400] =	vst v63  }
0x2de: {  	_ =	swait.ge [sflag:s15], $0x4000  }
0x2df: {  	[sflag:s15] =	ssyncset.done $0x0  }
0x2e0: {  	s17 =	rddreg [dreg:$0x15];
	[sflag:s15] =	ssyncadd.s32 $0xFFFFC000  }
0x2e1: {  	[hbm4b:s17+s2] =	stream.linear.scatter [tilespmem:s12], [sflag:$0x7], $0x4000, $0x38;
	[tilespmem:$0x16400] =	vst v63  }
0x2e2: {  	_ =	swait.ge [sflag:s13], $0x4000  }
0x2e3: {  	s17 =	sld [smem:$0x7EE]  }
0x2e4: {  	[sflag:s13] =	ssyncset.done $0x0  }
0x2e5: {  	[sflag:s13] =	ssyncadd.s32 $0xFFFFC000  }
0x2e6: {  	[tilespmem:s12], [sflag:$0x3] =	stream.indirect.gather [hbm4b:s3+s8], $0x20, s17, s8, $0xb8;
	[tilespmem:$0x16400] =	vst v63  }
0x2e7: {  	_ =	swait.ge [sflag:s16], $0x4000  }
0x2e8: {  	[sflag:s16] =	ssyncset.done $0x0  }
0x2e9: {  	s17 =	rddreg [dreg:$0x16];
	[sflag:s16] =	ssyncadd.s32 $0xFFFFC000  }
0x2ea: {  	[hbm4b:s17+s2] =	stream.linear.scatter [tilespmem:s10], [sflag:$0x8], $0x4000, $0x38;
	[tilespmem:$0x16400] =	vst v63  }
0x2eb: {  	_ =	swait.ge [sflag:s14], $0x4000  }
0x2ec: {  	s17 =	sld [smem:$0x7EF]  }
0x2ed: {  	[sflag:s14] =	ssyncset.done $0x0  }
0x2ee: {  	[sflag:s14] =	ssyncadd.s32 $0xFFFFC000  }
0x2ef: {  	[tilespmem:s10], [sflag:$0x4] =	stream.indirect.gather [hbm4b:s3+s8], $0x20, s17, s8, $0xb8;
	[tilespmem:$0x16400] =	vst v63  }
0x2f0: {  	_ =	swait.ge [sflag:s9], $0x4000  }
0x2f1: {  	[sflag:s9] =	ssyncset.done $0x0  }
0x2f2: {  	s17 =	rddreg [dreg:$0x17];
	[sflag:s9] =	ssyncadd.s32 $0xFFFFC000  }
0x2f3: {  	[hbm4b:s17+s2] =	stream.linear.scatter [tilespmem:s5], [sflag:$0x5], $0x4000, $0x38;
	[tilespmem:$0x16400] =	vst v63  }
0x2f4: {  	_ =	swait.ge [sflag:s6], $0x4000  }
0x2f5: {  	s17 =	sld [smem:$0x7F0]  }
0x2f6: {  	[sflag:s6] =	ssyncset.done $0x0  }
0x2f7: {  	[sflag:s6] =	ssyncadd.s32 $0xFFFFC000  }
0x2f8: {  	[tilespmem:s5], [sflag:$0x1] =	stream.indirect.gather [hbm4b:s3+s8], $0x20, s17, s8, $0xb8;
	[tilespmem:$0x16400] =	vst v63  }
0x2f9: {  	_ =	swait.ge [sflag:s11], $0x4000  }
0x2fa: {  	[sflag:s11] =	ssyncset.done $0x0  }
0x2fb: {  	s17 =	rddreg [dreg:$0x18];
	[sflag:s11] =	ssyncadd.s32 $0xFFFFC000  }
0x2fc: {  	[hbm4b:s17+s2] =	stream.linear.scatter [tilespmem:s4], [sflag:$0x6], $0x4000, $0x38;
	[tilespmem:$0x16400] =	vst v63  }
0x2fd: {  	_ =	swait.ge [sflag:s7], $0x4000  }
0x2fe: {  	s17 =	sld [smem:$0x7F1]  }
0x2ff: {  	[sflag:s7] =	ssyncset.done $0x0  }
0x300: {  	[sflag:s7] =	ssyncadd.s32 $0xFFFFC000  }
0x301: {  	[tilespmem:s4], [sflag:$0x2] =	stream.indirect.gather [hbm4b:s3+s8], $0x20, s17, s8, $0xb8;
	[tilespmem:$0x16400] =	vst v63  }
0x302: {  	_ =	swait.ge [sflag:s15], $0x4000  }
0x303: {  	[sflag:s15] =	ssyncset.done $0x0  }
0x304: {  	s17 =	rddreg [dreg:$0x19];
	[sflag:s15] =	ssyncadd.s32 $0xFFFFC000  }
0x305: {  	[hbm4b:s17+s2] =	stream.linear.scatter [tilespmem:s12], [sflag:$0x7], $0x4000, $0x38;
	[tilespmem:$0x16400] =	vst v63  }
0x306: {  	_ =	swait.ge [sflag:s13], $0x4000  }
0x307: {  	s17 =	sld [smem:$0x7F2]  }
0x308: {  	[sflag:s13] =	ssyncset.done $0x0  }
0x309: {  	[sflag:s13] =	ssyncadd.s32 $0xFFFFC000  }
0x30a: {  	[tilespmem:s12], [sflag:$0x3] =	stream.indirect.gather [hbm4b:s3+s8], $0x20, s17, s8, $0xb8;
	[tilespmem:$0x16400] =	vst v63  }
0x30b: {  	_ =	swait.ge [sflag:s16], $0x4000  }
0x30c: {  	[sflag:s16] =	ssyncset.done $0x0  }
0x30d: {  	s17 =	rddreg [dreg:$0x1a];
	[sflag:s16] =	ssyncadd.s32 $0xFFFFC000  }
0x30e: {  	[hbm4b:s17+s2] =	stream.linear.scatter [tilespmem:s10], [sflag:$0x8], $0x4000, $0x38;
	[tilespmem:$0x16400] =	vst v63  }
0x30f: {  	_ =	swait.ge [sflag:s14], $0x4000  }
0x310: {  	s17 =	sld [smem:$0x7F3]  }
0x311: {  	[sflag:s14] =	ssyncset.done $0x0  }
0x312: {  	[sflag:s14] =	ssyncadd.s32 $0xFFFFC000  }
0x313: {  	[tilespmem:s10], [sflag:$0x4] =	stream.indirect.gather [hbm4b:s3+s8], $0x20, s17, s8, $0xb8;
	[tilespmem:$0x16400] =	vst v63  }
0x314: {  	_ =	swait.ge [sflag:s9], $0x4000  }
0x315: {  	[sflag:s9] =	ssyncset.done $0x0  }
0x316: {  	s17 =	rddreg [dreg:$0x1b];
	[sflag:s9] =	ssyncadd.s32 $0xFFFFC000  }
0x317: {  	[hbm4b:s17+s2] =	stream.linear.scatter [tilespmem:s5], [sflag:$0x5], $0x4000, $0x38;
	[tilespmem:$0x16400] =	vst v63  }
0x318: {  	_ =	swait.ge [sflag:s6], $0x4000  }
0x319: {  	s17 =	sld [smem:$0x7F4]  }
0x31a: {  	[sflag:s6] =	ssyncset.done $0x0  }
0x31b: {  	[sflag:s6] =	ssyncadd.s32 $0xFFFFC000  }
0x31c: {  	[tilespmem:s5], [sflag:$0x1] =	stream.indirect.gather [hbm4b:s3+s8], $0x20, s17, s8, $0xb8;
	[tilespmem:$0x16400] =	vst v63  }
0x31d: {  	_ =	swait.ge [sflag:s11], $0x4000  }
0x31e: {  	[sflag:s11] =	ssyncset.done $0x0  }
0x31f: {  	s17 =	rddreg [dreg:$0x1c];
	[sflag:s11] =	ssyncadd.s32 $0xFFFFC000  }
0x320: {  	[hbm4b:s17+s2] =	stream.linear.scatter [tilespmem:s4], [sflag:$0x6], $0x4000, $0x38;
	[tilespmem:$0x16400] =	vst v63  }
0x321: {  	_ =	swait.ge [sflag:s7], $0x4000  }
0x322: {  	s17 =	sld [smem:$0x7F5]  }
0x323: {  	[sflag:s7] =	ssyncset.done $0x0  }
0x324: {  	[sflag:s7] =	ssyncadd.s32 $0xFFFFC000  }
0x325: {  	[tilespmem:s4], [sflag:$0x2] =	stream.indirect.gather [hbm4b:s3+s8], $0x20, s17, s8, $0xb8;
	[tilespmem:$0x16400] =	vst v63  }
0x326: {  	_ =	swait.ge [sflag:s15], $0x4000  }
0x327: {  	[sflag:s15] =	ssyncset.done $0x0  }
0x328: {  	s17 =	rddreg [dreg:$0x1d];
	[sflag:s15] =	ssyncadd.s32 $0xFFFFC000  }
0x329: {  	[hbm4b:s17+s2] =	stream.linear.scatter [tilespmem:s12], [sflag:$0x7], $0x4000, $0x38;
	[tilespmem:$0x16400] =	vst v63  }
0x32a: {  	_ =	swait.ge [sflag:s13], $0x4000  }
0x32b: {  	s17 =	sld [smem:$0x7F6]  }
0x32c: {  	[sflag:s13] =	ssyncset.done $0x0  }
0x32d: {  	[sflag:s13] =	ssyncadd.s32 $0xFFFFC000  }
0x32e: {  	[tilespmem:s12], [sflag:$0x3] =	stream.indirect.gather [hbm4b:s3+s8], $0x20, s17, s8, $0xb8;
	[tilespmem:$0x16400] =	vst v63  }
0x32f: {  	_ =	swait.ge [sflag:s16], $0x4000  }
0x330: {  	[sflag:s16] =	ssyncset.done $0x0  }
0x331: {  	s17 =	rddreg [dreg:$0x1e];
	[sflag:s16] =	ssyncadd.s32 $0xFFFFC000  }
0x332: {  	[hbm4b:s17+s2] =	stream.linear.scatter [tilespmem:s10], [sflag:$0x8], $0x4000, $0x38;
	[tilespmem:$0x16400] =	vst v63  }
0x333: {  	_ =	swait.ge [sflag:s14], $0x4000  }
0x334: {  	s17 =	sld [smem:$0x7F7]  }
0x335: {  	[sflag:s14] =	ssyncset.done $0x0  }
0x336: {  	[sflag:s14] =	ssyncadd.s32 $0xFFFFC000  }
0x337: {  	[tilespmem:s10], [sflag:$0x4] =	stream.indirect.gather [hbm4b:s3+s8], $0x20, s17, s8, $0xb8;
	[tilespmem:$0x16400] =	vst v63  }
0x338: {  	_ =	swait.ge [sflag:s9], $0x4000  }
0x339: {  	[sflag:s9] =	ssyncset.done $0x0  }
0x33a: {  	s17 =	rddreg [dreg:$0x1f];
	[sflag:s9] =	ssyncadd.s32 $0xFFFFC000  }
0x33b: {  	[hbm4b:s17+s2] =	stream.linear.scatter [tilespmem:s5], [sflag:$0x5], $0x4000, $0x38;
	[tilespmem:$0x16400] =	vst v63  }
0x33c: {  	_ =	swait.ge [sflag:s6], $0x4000  }
0x33d: {  	s17 =	sld [smem:$0x7F8]  }
0x33e: {  	[sflag:s6] =	ssyncset.done $0x0  }
0x33f: {  	[sflag:s6] =	ssyncadd.s32 $0xFFFFC000  }
0x340: {  	[tilespmem:s5], [sflag:$0x1] =	stream.indirect.gather [hbm4b:s3+s8], $0x20, s17, s8, $0xb8;
	[tilespmem:$0x16400] =	vst v63  }
0x341: {  	_ =	swait.ge [sflag:s11], $0x4000  }
0x342: {  	s17 =	sld [smem:$0x7C5]  }
0x343: {  	[sflag:s11] =	ssyncset.done $0x0  }
0x344: {  	[sflag:s11] =	ssyncadd.s32 $0xFFFFC000  }
0x345: {  	[hbm4b:s17+s2] =	stream.linear.scatter [tilespmem:s4], [sflag:$0x6], $0x4000, $0x38;
	[tilespmem:$0x16400] =	vst v63  }
0x346: {  	_ =	swait.ge [sflag:s7], $0x4000  }
0x347: {  	s17 =	sld [smem:$0x7F9]  }
0x348: {  	[sflag:s7] =	ssyncset.done $0x0  }
0x349: {  	[sflag:s7] =	ssyncadd.s32 $0xFFFFC000  }
0x34a: {  	[tilespmem:s4], [sflag:$0x2] =	stream.indirect.gather [hbm4b:s3+s8], $0x20, s17, s8, $0xb8;
	[tilespmem:$0x16400] =	vst v63  }
0x34b: {  	_ =	swait.ge [sflag:s15], $0x4000  }
0x34c: {  	s17 =	sld [smem:$0x7C6]  }
0x34d: {  	[sflag:s15] =	ssyncset.done $0x0  }
0x34e: {  	[sflag:s15] =	ssyncadd.s32 $0xFFFFC000  }
0x34f: {  	[hbm4b:s17+s2] =	stream.linear.scatter [tilespmem:s12], [sflag:$0x7], $0x4000, $0x38;
	[tilespmem:$0x16400] =	vst v63  }
0x350: {  	_ =	swait.ge [sflag:s13], $0x4000  }
0x351: {  	s17 =	sld [smem:$0x7FA]  }
0x352: {  	[sflag:s13] =	ssyncset.done $0x0  }
0x353: {  	[sflag:s13] =	ssyncadd.s32 $0xFFFFC000  }
0x354: {  	[tilespmem:s12], [sflag:$0x3] =	stream.indirect.gather [hbm4b:s3+s8], $0x20, s17, s8, $0xb8;
	[tilespmem:$0x16400] =	vst v63  }
0x355: {  	_ =	swait.ge [sflag:s16], $0x4000  }
0x356: {  	s17 =	sld [smem:$0x7C7]  }
0x357: {  	[sflag:s16] =	ssyncset.done $0x0  }
0x358: {  	[sflag:s16] =	ssyncadd.s32 $0xFFFFC000  }
0x359: {  	[hbm4b:s17+s2] =	stream.linear.scatter [tilespmem:s10], [sflag:$0x8], $0x4000, $0x38;
	[tilespmem:$0x16400] =	vst v63  }
0x35a: {  	_ =	swait.ge [sflag:s14], $0x4000  }
0x35b: {  	s17 =	sld [smem:$0x7FB]  }
0x35c: {  	[sflag:s14] =	ssyncset.done $0x0  }
0x35d: {  	[sflag:s14] =	ssyncadd.s32 $0xFFFFC000  }
0x35e: {  	[tilespmem:s10], [sflag:$0x4] =	stream.indirect.gather [hbm4b:s3+s8], $0x20, s17, s8, $0xb8;
	[tilespmem:$0x16400] =	vst v63  }
0x35f: {  	_ =	swait.ge [sflag:s9], $0x4000  }
0x360: {  	s17 =	sld [smem:$0x7C8]  }
0x361: {  	[sflag:s9] =	ssyncset.done $0x0  }
0x362: {  	[sflag:s9] =	ssyncadd.s32 $0xFFFFC000  }
0x363: {  	[hbm4b:s17+s2] =	stream.linear.scatter [tilespmem:s5], [sflag:$0x5], $0x4000, $0x38;
	[tilespmem:$0x16400] =	vst v63  }
0x364: {  	_ =	swait.ge [sflag:s6], $0x4000  }
0x365: {  	s17 =	sld [smem:$0x7FC]  }
0x366: {  	[sflag:s6] =	ssyncset.done $0x0  }
0x367: {  	[sflag:s6] =	ssyncadd.s32 $0xFFFFC000  }
0x368: {  	[tilespmem:s5], [sflag:$0x1] =	stream.indirect.gather [hbm4b:s3+s8], $0x20, s17, s8, $0xb8;
	[tilespmem:$0x16400] =	vst v63  }
0x369: {  	_ =	swait.ge [sflag:s11], $0x4000  }
0x36a: {  	s17 =	sld [smem:$0x7C9]  }
0x36b: {  	[sflag:s11] =	ssyncset.done $0x0  }
0x36c: {  	[sflag:s11] =	ssyncadd.s32 $0xFFFFC000  }
0x36d: {  	[hbm4b:s17+s2] =	stream.linear.scatter [tilespmem:s4], [sflag:$0x6], $0x4000, $0x38;
	[tilespmem:$0x16400] =	vst v63  }
0x36e: {  	_ =	swait.ge [sflag:s7], $0x4000  }
0x36f: {  	s17 =	sld [smem:$0x7FD]  }
0x370: {  	[sflag:s7] =	ssyncset.done $0x0  }
0x371: {  	[sflag:s7] =	ssyncadd.s32 $0xFFFFC000  }
0x372: {  	[tilespmem:s4], [sflag:$0x2] =	stream.indirect.gather [hbm4b:s3+s8], $0x20, s17, s8, $0xb8;
	[tilespmem:$0x16400] =	vst v63  }
0x373: {  	_ =	swait.ge [sflag:s15], $0x4000  }
0x374: {  	s17 =	sld [smem:$0x7CA]  }
0x375: {  	[sflag:s15] =	ssyncset.done $0x0  }
0x376: {  	[sflag:s15] =	ssyncadd.s32 $0xFFFFC000  }
0x377: {  	[hbm4b:s17+s2] =	stream.linear.scatter [tilespmem:s12], [sflag:$0x7], $0x4000, $0x38;
	[tilespmem:$0x16400] =	vst v63  }
0x378: {  	_ =	swait.ge [sflag:s13], $0x4000  }
0x379: {  	[sflag:s13] =	ssyncset.done $0x0  }
0x37a: {  	s17 =	simm.s32 $0x4C00;
	[sflag:s13] =	ssyncadd.s32 $0xFFFFC000  }
0x37b: {  	[tilespmem:s12], [sflag:$0x3] =	stream.indirect.gather [hbm4b:s3+s8], $0x20, s17, s8, $0xb8;
	[tilespmem:$0x16400] =	vst v63  }
0x37c: {  	_ =	swait.ge [sflag:s16], $0x4000  }
0x37d: {  	s17 =	sld [smem:$0x7CB]  }
0x37e: {  	[sflag:s16] =	ssyncset.done $0x0  }
0x37f: {  	[sflag:s16] =	ssyncadd.s32 $0xFFFFC000  }
0x380: {  	[hbm4b:s17+s2] =	stream.linear.scatter [tilespmem:s10], [sflag:$0x8], $0x4000, $0x38;
	[tilespmem:$0x16400] =	vst v63  }
0x381: {  	_ =	swait.ge [sflag:s14], $0x4000  }
0x382: {  	[sflag:s14] =	ssyncset.done $0x0  }
0x383: {  	[sflag:s14] =	ssyncadd.s32 $0xFFFFC000  }
0x384: {  	[tilespmem:s10], [sflag:$0x4] =	stream.indirect.gather [hbm4b:s3+s8], $0x20, s29, s8, $0xb8;
	[tilespmem:$0x16400] =	vst v63  }
0x385: {  	_ =	swait.ge [sflag:s9], $0x4000  }
0x386: {  	s17 =	sld [smem:$0x7CC]  }
0x387: {  	[sflag:s9] =	ssyncset.done $0x0  }
0x388: {  	[sflag:s9] =	ssyncadd.s32 $0xFFFFC000  }
0x389: {  	[hbm4b:s17+s2] =	stream.linear.scatter [tilespmem:s5], [sflag:$0x5], $0x4000, $0x38;
	[tilespmem:$0x16400] =	vst v63  }
0x38a: {  	_ =	swait.ge [sflag:s6], $0x4000  }
0x38b: {  	[sflag:s6] =	ssyncset.done $0x0  }
0x38c: {  	[sflag:s6] =	ssyncadd.s32 $0xFFFFC000  }
0x38d: {  	[tilespmem:s5], [sflag:$0x1] =	stream.indirect.gather [hbm4b:s3+s8], $0x20, s28, s8, $0xb8;
	[tilespmem:$0x16400] =	vst v63  }
0x38e: {  	_ =	swait.ge [sflag:s11], $0x4000  }
0x38f: {  	s17 =	sld [smem:$0x7CD]  }
0x390: {  	[sflag:s11] =	ssyncset.done $0x0  }
0x391: {  	[sflag:s11] =	ssyncadd.s32 $0xFFFFC000  }
0x392: {  	[hbm4b:s17+s2] =	stream.linear.scatter [tilespmem:s4], [sflag:$0x6], $0x4000, $0x38;
	[tilespmem:$0x16400] =	vst v63  }
0x393: {  	_ =	swait.ge [sflag:s7], $0x4000  }
0x394: {  	[sflag:s7] =	ssyncset.done $0x0  }
0x395: {  	[sflag:s7] =	ssyncadd.s32 $0xFFFFC000  }
0x396: {  	[tilespmem:s4], [sflag:$0x2] =	stream.indirect.gather [hbm4b:s3+s8], $0x20, s26, s8, $0xb8;
	[tilespmem:$0x16400] =	vst v63  }
0x397: {  	_ =	swait.ge [sflag:s15], $0x4000  }
0x398: {  	s17 =	sld [smem:$0x7CE]  }
0x399: {  	[sflag:s15] =	ssyncset.done $0x0  }
0x39a: {  	[sflag:s15] =	ssyncadd.s32 $0xFFFFC000  }
0x39b: {  	[hbm4b:s17+s2] =	stream.linear.scatter [tilespmem:s12], [sflag:$0x7], $0x4000, $0x38;
	[tilespmem:$0x16400] =	vst v63  }
0x39c: {  	_ =	swait.ge [sflag:s13], $0x4000  }
0x39d: {  	[sflag:s13] =	ssyncset.done $0x0  }
0x39e: {  	[sflag:s13] =	ssyncadd.s32 $0xFFFFC000  }
0x39f: {  	[tilespmem:s12], [sflag:$0x3] =	stream.indirect.gather [hbm4b:s3+s8], $0x20, s25, s8, $0xb8;
	[tilespmem:$0x16400] =	vst v63  }
0x3a0: {  	_ =	swait.ge [sflag:s16], $0x4000  }
0x3a1: {  	s17 =	sld [smem:$0x7CF]  }
0x3a2: {  	[sflag:s16] =	ssyncset.done $0x0  }
0x3a3: {  	[sflag:s16] =	ssyncadd.s32 $0xFFFFC000  }
0x3a4: {  	[hbm4b:s17+s2] =	stream.linear.scatter [tilespmem:s10], [sflag:$0x8], $0x4000, $0x38;
	[tilespmem:$0x16400] =	vst v63  }
0x3a5: {  	_ =	swait.ge [sflag:s14], $0x4000  }
0x3a6: {  	[sflag:s14] =	ssyncset.done $0x0  }
0x3a7: {  	[sflag:s14] =	ssyncadd.s32 $0xFFFFC000  }
0x3a8: {  	[tilespmem:s10], [sflag:$0x4] =	stream.indirect.gather [hbm4b:s3+s8], $0x20, s24, s8, $0xb8;
	[tilespmem:$0x16400] =	vst v63  }
0x3a9: {  	_ =	swait.ge [sflag:s9], $0x4000  }
0x3aa: {  	s17 =	sld [smem:$0x7D0]  }
0x3ab: {  	[sflag:s9] =	ssyncset.done $0x0  }
0x3ac: {  	[sflag:s9] =	ssyncadd.s32 $0xFFFFC000  }
0x3ad: {  	[hbm4b:s17+s2] =	stream.linear.scatter [tilespmem:s5], [sflag:$0x5], $0x4000, $0x38;
	[tilespmem:$0x16400] =	vst v63  }
0x3ae: {  	_ =	swait.ge [sflag:s6], $0x4000  }
0x3af: {  	[sflag:s6] =	ssyncset.done $0x0  }
0x3b0: {  	[sflag:s6] =	ssyncadd.s32 $0xFFFFC000  }
0x3b1: {  	[tilespmem:s5], [sflag:$0x1] =	stream.indirect.gather [hbm4b:s3+s8], $0x20, s23, s8, $0xb8;
	[tilespmem:$0x16400] =	vst v63  }
0x3b2: {  	_ =	swait.ge [sflag:s11], $0x4000  }
0x3b3: {  	s17 =	sld [smem:$0x7D1]  }
0x3b4: {  	[sflag:s11] =	ssyncset.done $0x0  }
0x3b5: {  	[sflag:s11] =	ssyncadd.s32 $0xFFFFC000  }
0x3b6: {  	[hbm4b:s17+s2] =	stream.linear.scatter [tilespmem:s4], [sflag:$0x6], $0x4000, $0x38;
	[tilespmem:$0x16400] =	vst v63  }
0x3b7: {  	_ =	swait.ge [sflag:s7], $0x4000  }
0x3b8: {  	[sflag:s7] =	ssyncset.done $0x0  }
0x3b9: {  	[sflag:s7] =	ssyncadd.s32 $0xFFFFC000  }
0x3ba: {  	[tilespmem:s4], [sflag:$0x2] =	stream.indirect.gather [hbm4b:s3+s8], $0x20, s22, s8, $0xb8;
	[tilespmem:$0x16400] =	vst v63  }
0x3bb: {  	_ =	swait.ge [sflag:s15], $0x4000  }
0x3bc: {  	s17 =	sld [smem:$0x7D2]  }
0x3bd: {  	[sflag:s15] =	ssyncset.done $0x0  }
0x3be: {  	[sflag:s15] =	ssyncadd.s32 $0xFFFFC000  }
0x3bf: {  	[hbm4b:s17+s2] =	stream.linear.scatter [tilespmem:s12], [sflag:$0x7], $0x4000, $0x38;
	[tilespmem:$0x16400] =	vst v63  }
0x3c0: {  	_ =	swait.ge [sflag:s13], $0x4000  }
0x3c1: {  	[sflag:s13] =	ssyncset.done $0x0  }
0x3c2: {  	[sflag:s13] =	ssyncadd.s32 $0xFFFFC000  }
0x3c3: {  	[tilespmem:s12], [sflag:$0x3] =	stream.indirect.gather [hbm4b:s3+s8], $0x20, s21, s8, $0xb8;
	[tilespmem:$0x16400] =	vst v63  }
0x3c4: {  	_ =	swait.ge [sflag:s16], $0x4000  }
0x3c5: {  	s17 =	sld [smem:$0x7D3]  }
0x3c6: {  	[sflag:s16] =	ssyncset.done $0x0  }
0x3c7: {  	[sflag:s16] =	ssyncadd.s32 $0xFFFFC000  }
0x3c8: {  	[hbm4b:s17+s2] =	stream.linear.scatter [tilespmem:s10], [sflag:$0x8], $0x4000, $0x38;
	[tilespmem:$0x16400] =	vst v63  }
0x3c9: {  	_ =	swait.ge [sflag:s14], $0x4000  }
0x3ca: {  	[sflag:s14] =	ssyncset.done $0x0  }
0x3cb: {  	[sflag:s14] =	ssyncadd.s32 $0xFFFFC000  }
0x3cc: {  	[tilespmem:s10], [sflag:$0x4] =	stream.indirect.gather [hbm4b:s3+s8], $0x20, s20, s8, $0xb8;
	[tilespmem:$0x16400] =	vst v63  }
0x3cd: {  	_ =	swait.ge [sflag:s9], $0x4000  }
0x3ce: {  	s17 =	sld [smem:$0x7D4]  }
0x3cf: {  	[sflag:s9] =	ssyncset.done $0x0  }
0x3d0: {  	[sflag:s9] =	ssyncadd.s32 $0xFFFFC000  }
0x3d1: {  	[hbm4b:s17+s2] =	stream.linear.scatter [tilespmem:s5], [sflag:$0x5], $0x4000, $0x38;
	[tilespmem:$0x16400] =	vst v63  }
0x3d2: {  	_ =	swait.ge [sflag:s6], $0x4000  }
0x3d3: {  	[sflag:s6] =	ssyncset.done $0x0  }
0x3d4: {  	[sflag:s6] =	ssyncadd.s32 $0xFFFFC000  }
0x3d5: {  	[tilespmem:s5], [sflag:$0x1] =	stream.indirect.gather [hbm4b:s3+s8], $0x20, s19, s8, $0xb8;
	[tilespmem:$0x16400] =	vst v63  }
0x3d6: {  	_ =	swait.ge [sflag:s11], $0x4000  }
0x3d7: {  	s17 =	sld [smem:$0x7D5]  }
0x3d8: {  	[sflag:s11] =	ssyncset.done $0x0  }
0x3d9: {  	[sflag:s11] =	ssyncadd.s32 $0xFFFFC000  }
0x3da: {  	[hbm4b:s17+s2] =	stream.linear.scatter [tilespmem:s4], [sflag:$0x6], $0x4000, $0x38;
	[tilespmem:$0x16400] =	vst v63  }
0x3db: {  	_ =	swait.ge [sflag:s7], $0x4000  }
0x3dc: {  	[sflag:s7] =	ssyncset.done $0x0  }
0x3dd: {  	[sflag:s7] =	ssyncadd.s32 $0xFFFFC000  }
0x3de: {  	[tilespmem:s4], [sflag:$0x2] =	stream.indirect.gather [hbm4b:s3+s8], $0x20, s18, s8, $0xb8;
	[tilespmem:$0x16400] =	vst v63  }
0x3df: {  	_ =	swait.ge [sflag:s15], $0x4000  }
0x3e0: {  	s17 =	sld [smem:$0x7D6]  }
0x3e1: {  	[sflag:s15] =	ssyncset.done $0x0  }
0x3e2: {  	[sflag:s15] =	ssyncadd.s32 $0xFFFFC000  }
0x3e3: {  	[hbm4b:s17+s2] =	stream.linear.scatter [tilespmem:s12], [sflag:$0x7], $0x4000, $0x38;
	[tilespmem:$0x16400] =	vst v63  }
0x3e4: {  	_ =	swait.ge [sflag:s16], $0x4000  }
0x3e5: {  	s17 =	sld [smem:$0x7D7]  }
0x3e6: {  	[sflag:s16] =	ssyncset.done $0x0  }
0x3e7: {  	[sflag:s16] =	ssyncadd.s32 $0xFFFFC000  }
0x3e8: {  	[hbm4b:s17+s2] =	stream.linear.scatter [tilespmem:s10], [sflag:$0x8], $0x4000, $0x38;
	[tilespmem:$0x16400] =	vst v63  }
0x3e9: {  	_ =	swait.ge [sflag:s9], $0x4000  }
0x3ea: {  	s17 =	sld [smem:$0x7D8]  }
0x3eb: {  	[sflag:s9] =	ssyncset.done $0x0  }
0x3ec: {  	[sflag:s9] =	ssyncadd.s32 $0xFFFFC000  }
0x3ed: {  	[hbm4b:s17+s2] =	stream.linear.scatter [tilespmem:s5], [sflag:$0x5], $0x4000, $0x38;
	[tilespmem:$0x16400] =	vst v63  }
0x3ee: {  	_ =	swait.ge [sflag:s11], $0x4000  }
0x3ef: {  	s17 =	sld [smem:$0x7D9]  }
0x3f0: {  	[sflag:s11] =	ssyncset.done $0x0  }
0x3f1: {  	[sflag:s11] =	ssyncadd.s32 $0xFFFFC000  }
0x3f2: {  	[hbm4b:s17+s2] =	stream.linear.scatter [tilespmem:s4], [sflag:$0x6], $0x4000, $0x38;
	[tilespmem:$0x16400] =	vst v63  }
0x3f3: {  	_ =	swait.ge [sflag:s13], $0x4000  }
0x3f4: {  	[sflag:s13] =	ssyncset.done $0x0  }
0x3f5: {  	[sflag:s13] =	ssyncadd.s32 $0xFFFFC000  }
0x3f6: {  	_ =	swait.ge [sflag:s14], $0x4000  }
0x3f7: {  	[sflag:s14] =	ssyncset.done $0x0  }
0x3f8: {  	p1 =	sne.s32 s1, $0x1;
	[sflag:s14] =	ssyncadd.s32 $0xFFFFC000  }
.Ltmp2:
0x3f9: {  	_ =	swait.ge [sflag:s6], $0x4000;
	(pc) =	sbr.rel @p1 .LBB2_4-.Ltmp2, $4  }
0x3fa: {  	[sflag:s6] =	ssyncset.done $0x0  }
0x3fb: {  	[sflag:s6] =	ssyncadd.s32 $0xFFFFC000  }
0x3fc: {  	_ =	swait.ge [sflag:s7], $0x4000  }
0x3fd: {  	s1 =	sadd.s32 $0xFFFFFFFF, s1;
	s0 =	rddreg [dreg:$0x3];
	[sflag:s7] =	ssyncset.done $0x0  }
0x3fe: {  	s18 =	simm.s32 $0x4C00;
	s29 =	simm.s32 $0x4E00;
	s28 =	simm.s32 $0x5000  }
0x3ff: {  	s26 =	simm.s32 $0x5200;
	s25 =	simm.s32 $0x5400;
	s24 =	simm.s32 $0x5600  }
0x400: {  	s23 =	simm.s32 $0x5800;
	s22 =	simm.s32 $0x5A00;
	s21 =	simm.s32 $0x5C00  }
0x401: {  	s20 =	simm.s32 $0x5E00;
	s19 =	simm.s32 $0x6000;
	s17 =	stileid.u32  }
.LBB2_6:
0x402: {  	[sflag:s7] =	ssyncadd.s32 @p0 $0xFFFFC000  }
0x403: {  	[tilespmem:s2], [sflag:$0x9] =	stream.linear.gather [hbm4b:s0+s2], $0x6400, $0x38;
	[tilespmem:$0x16400] =	vst v63  }
0x404: {  	_ =	swait.ge [sflag:s31], $0x6400  }
0x405: {  	[sflag:s31] =	ssyncset.done $0x0  }
0x406: {  	[sflag:s31] =	ssyncadd.s32 $0xFFFF9C00  }
0x407: {  	[tilespmem:s5], [sflag:$0x1] =	stream.indirect.gather [hbm4b:s3+s8], $0x20, s2, s8, $0xb8;
	[tilespmem:$0x16400] =	vst v63  }
0x408: {  	s31 =	sld [smem:$0x7DA]  }
0x409: {  	[tilespmem:s4], [sflag:$0x2] =	stream.indirect.gather [hbm4b:s3+s8], $0x20, s8, s8, $0xb8;
	[tilespmem:$0x16400] =	vst v63  }
0x40a: {  	s1 =	sld [smem:$0x7DB]  }
0x40b: {  	[tilespmem:s12], [sflag:$0x3] =	stream.indirect.gather [hbm4b:s3+s8], $0x20, s31, s8, $0xb8;
	[tilespmem:$0x16400] =	vst v63  }
0x40c: {  	_ = 	snop  }
0x40d: {  	[tilespmem:s10], [sflag:$0x4] =	stream.indirect.gather [hbm4b:s3+s8], $0x20, s1, s8, $0xb8;
	[tilespmem:$0x16400] =	vst v63  }
0x40e: {  	_ =	swait.ge [sflag:s9], $0x4000  }
0x40f: {  	[sflag:s9] =	ssyncset.done $0x0  }
0x410: {  	[sflag:s9] =	ssyncadd.s32 $0xFFFFC000  }
0x411: {  	[hbm4b:s30+s2] =	stream.linear.scatter [tilespmem:s5], [sflag:$0x5], $0x4000, $0x38;
	[tilespmem:$0x16400] =	vst v63  }
0x412: {  	_ =	swait.ge [sflag:s6], $0x4000  }
0x413: {  	s30 =	sld [smem:$0x7DC]  }
0x414: {  	[sflag:s6] =	ssyncset.done $0x0  }
0x415: {  	[sflag:s6] =	ssyncadd.s32 $0xFFFFC000  }
0x416: {  	[tilespmem:s5], [sflag:$0x1] =	stream.indirect.gather [hbm4b:s3+s8], $0x20, s30, s8, $0xb8;
	[tilespmem:$0x16400] =	vst v63  }
0x417: {  	_ =	swait.ge [sflag:s11], $0x4000  }
0x418: {  	[sflag:s11] =	ssyncset.done $0x0  }
0x419: {  	s31 =	rddreg [dreg:$0x4];
	[sflag:s11] =	ssyncadd.s32 $0xFFFFC000  }
0x41a: {  	[hbm4b:s31+s2] =	stream.linear.scatter [tilespmem:s4], [sflag:$0x6], $0x4000, $0x38;
	[tilespmem:$0x16400] =	vst v63  }
0x41b: {  	_ =	swait.ge [sflag:s7], $0x4000  }
0x41c: {  	s1 =	sld [smem:$0x7DD]  }
0x41d: {  	[sflag:s7] =	ssyncset.done $0x0  }
0x41e: {  	[sflag:s7] =	ssyncadd.s32 $0xFFFFC000  }
0x41f: {  	[tilespmem:s4], [sflag:$0x2] =	stream.indirect.gather [hbm4b:s3+s8], $0x20, s1, s8, $0xb8;
	[tilespmem:$0x16400] =	vst v63  }
0x420: {  	_ =	swait.ge [sflag:s15], $0x4000  }
0x421: {  	[sflag:s15] =	ssyncset.done $0x0  }
0x422: {  	s30 =	rddreg [dreg:$0x5];
	[sflag:s15] =	ssyncadd.s32 $0xFFFFC000  }
0x423: {  	[hbm4b:s30+s2] =	stream.linear.scatter [tilespmem:s12], [sflag:$0x7], $0x4000, $0x38;
	[tilespmem:$0x16400] =	vst v63  }
0x424: {  	_ =	swait.ge [sflag:s13], $0x4000  }
0x425: {  	s31 =	sld [smem:$0x7DE]  }
0x426: {  	[sflag:s13] =	ssyncset.done $0x0  }
0x427: {  	[sflag:s13] =	ssyncadd.s32 $0xFFFFC000  }
0x428: {  	[tilespmem:s12], [sflag:$0x3] =	stream.indirect.gather [hbm4b:s3+s8], $0x20, s31, s8, $0xb8;
	[tilespmem:$0x16400] =	vst v63  }
0x429: {  	_ =	swait.ge [sflag:s16], $0x4000  }
0x42a: {  	[sflag:s16] =	ssyncset.done $0x0  }
0x42b: {  	s1 =	rddreg [dreg:$0x6];
	[sflag:s16] =	ssyncadd.s32 $0xFFFFC000  }
0x42c: {  	[hbm4b:s1+s2] =	stream.linear.scatter [tilespmem:s10], [sflag:$0x8], $0x4000, $0x38;
	[tilespmem:$0x16400] =	vst v63  }
0x42d: {  	_ =	swait.ge [sflag:s14], $0x4000  }
0x42e: {  	s30 =	sld [smem:$0x7DF]  }
0x42f: {  	[sflag:s14] =	ssyncset.done $0x0  }
0x430: {  	[sflag:s14] =	ssyncadd.s32 $0xFFFFC000  }
0x431: {  	[tilespmem:s10], [sflag:$0x4] =	stream.indirect.gather [hbm4b:s3+s8], $0x20, s30, s8, $0xb8;
	[tilespmem:$0x16400] =	vst v63  }
0x432: {  	_ =	swait.ge [sflag:s9], $0x4000  }
0x433: {  	[sflag:s9] =	ssyncset.done $0x0  }
0x434: {  	s31 =	rddreg [dreg:$0x7];
	[sflag:s9] =	ssyncadd.s32 $0xFFFFC000  }
0x435: {  	[hbm4b:s31+s2] =	stream.linear.scatter [tilespmem:s5], [sflag:$0x5], $0x4000, $0x38;
	[tilespmem:$0x16400] =	vst v63  }
0x436: {  	_ =	swait.ge [sflag:s6], $0x4000  }
0x437: {  	s1 =	sld [smem:$0x7E0]  }
0x438: {  	[sflag:s6] =	ssyncset.done $0x0  }
0x439: {  	[sflag:s6] =	ssyncadd.s32 $0xFFFFC000  }
0x43a: {  	[tilespmem:s5], [sflag:$0x1] =	stream.indirect.gather [hbm4b:s3+s8], $0x20, s1, s8, $0xb8;
	[tilespmem:$0x16400] =	vst v63  }
0x43b: {  	_ =	swait.ge [sflag:s11], $0x4000  }
0x43c: {  	[sflag:s11] =	ssyncset.done $0x0  }
0x43d: {  	s30 =	rddreg [dreg:$0x8];
	[sflag:s11] =	ssyncadd.s32 $0xFFFFC000  }
0x43e: {  	[hbm4b:s30+s2] =	stream.linear.scatter [tilespmem:s4], [sflag:$0x6], $0x4000, $0x38;
	[tilespmem:$0x16400] =	vst v63  }
0x43f: {  	_ =	swait.ge [sflag:s7], $0x4000  }
0x440: {  	s31 =	sld [smem:$0x7E1]  }
0x441: {  	[sflag:s7] =	ssyncset.done $0x0  }
0x442: {  	[sflag:s7] =	ssyncadd.s32 $0xFFFFC000  }
0x443: {  	[tilespmem:s4], [sflag:$0x2] =	stream.indirect.gather [hbm4b:s3+s8], $0x20, s31, s8, $0xb8;
	[tilespmem:$0x16400] =	vst v63  }
0x444: {  	_ =	swait.ge [sflag:s15], $0x4000  }
0x445: {  	[sflag:s15] =	ssyncset.done $0x0  }
0x446: {  	s1 =	rddreg [dreg:$0x9];
	[sflag:s15] =	ssyncadd.s32 $0xFFFFC000  }
0x447: {  	[hbm4b:s1+s2] =	stream.linear.scatter [tilespmem:s12], [sflag:$0x7], $0x4000, $0x38;
	[tilespmem:$0x16400] =	vst v63  }
0x448: {  	_ =	swait.ge [sflag:s13], $0x4000  }
0x449: {  	s30 =	sld [smem:$0x7E2]  }
0x44a: {  	[sflag:s13] =	ssyncset.done $0x0  }
0x44b: {  	[sflag:s13] =	ssyncadd.s32 $0xFFFFC000  }
0x44c: {  	[tilespmem:s12], [sflag:$0x3] =	stream.indirect.gather [hbm4b:s3+s8], $0x20, s30, s8, $0xb8;
	[tilespmem:$0x16400] =	vst v63  }
0x44d: {  	_ =	swait.ge [sflag:s16], $0x4000  }
0x44e: {  	[sflag:s16] =	ssyncset.done $0x0  }
0x44f: {  	s31 =	rddreg [dreg:$0xa];
	[sflag:s16] =	ssyncadd.s32 $0xFFFFC000  }
0x450: {  	[hbm4b:s31+s2] =	stream.linear.scatter [tilespmem:s10], [sflag:$0x8], $0x4000, $0x38;
	[tilespmem:$0x16400] =	vst v63  }
0x451: {  	_ =	swait.ge [sflag:s14], $0x4000  }
0x452: {  	s1 =	sld [smem:$0x7E3]  }
0x453: {  	[sflag:s14] =	ssyncset.done $0x0  }
0x454: {  	[sflag:s14] =	ssyncadd.s32 $0xFFFFC000  }
0x455: {  	[tilespmem:s10], [sflag:$0x4] =	stream.indirect.gather [hbm4b:s3+s8], $0x20, s1, s8, $0xb8;
	[tilespmem:$0x16400] =	vst v63  }
0x456: {  	_ =	swait.ge [sflag:s9], $0x4000  }
0x457: {  	[sflag:s9] =	ssyncset.done $0x0  }
0x458: {  	s30 =	rddreg [dreg:$0xb];
	[sflag:s9] =	ssyncadd.s32 $0xFFFFC000  }
0x459: {  	[hbm4b:s30+s2] =	stream.linear.scatter [tilespmem:s5], [sflag:$0x5], $0x4000, $0x38;
	[tilespmem:$0x16400] =	vst v63  }
0x45a: {  	_ =	swait.ge [sflag:s6], $0x4000  }
0x45b: {  	s31 =	sld [smem:$0x7E4]  }
0x45c: {  	[sflag:s6] =	ssyncset.done $0x0  }
0x45d: {  	[sflag:s6] =	ssyncadd.s32 $0xFFFFC000  }
0x45e: {  	[tilespmem:s5], [sflag:$0x1] =	stream.indirect.gather [hbm4b:s3+s8], $0x20, s31, s8, $0xb8;
	[tilespmem:$0x16400] =	vst v63  }
0x45f: {  	_ =	swait.ge [sflag:s11], $0x4000  }
0x460: {  	[sflag:s11] =	ssyncset.done $0x0  }
0x461: {  	s1 =	rddreg [dreg:$0xc];
	[sflag:s11] =	ssyncadd.s32 $0xFFFFC000  }
0x462: {  	[hbm4b:s1+s2] =	stream.linear.scatter [tilespmem:s4], [sflag:$0x6], $0x4000, $0x38;
	[tilespmem:$0x16400] =	vst v63  }
0x463: {  	_ =	swait.ge [sflag:s7], $0x4000  }
0x464: {  	s30 =	sld [smem:$0x7E5]  }
0x465: {  	[sflag:s7] =	ssyncset.done $0x0  }
0x466: {  	[sflag:s7] =	ssyncadd.s32 $0xFFFFC000  }
0x467: {  	[tilespmem:s4], [sflag:$0x2] =	stream.indirect.gather [hbm4b:s3+s8], $0x20, s30, s8, $0xb8;
	[tilespmem:$0x16400] =	vst v63  }
0x468: {  	_ =	swait.ge [sflag:s15], $0x4000  }
0x469: {  	[sflag:s15] =	ssyncset.done $0x0  }
0x46a: {  	s31 =	rddreg [dreg:$0xd];
	[sflag:s15] =	ssyncadd.s32 $0xFFFFC000  }
0x46b: {  	[hbm4b:s31+s2] =	stream.linear.scatter [tilespmem:s12], [sflag:$0x7], $0x4000, $0x38;
	[tilespmem:$0x16400] =	vst v63  }
0x46c: {  	_ =	swait.ge [sflag:s13], $0x4000  }
0x46d: {  	s1 =	sld [smem:$0x7E6]  }
0x46e: {  	[sflag:s13] =	ssyncset.done $0x0  }
0x46f: {  	[sflag:s13] =	ssyncadd.s32 $0xFFFFC000  }
0x470: {  	[tilespmem:s12], [sflag:$0x3] =	stream.indirect.gather [hbm4b:s3+s8], $0x20, s1, s8, $0xb8;
	[tilespmem:$0x16400] =	vst v63  }
0x471: {  	_ =	swait.ge [sflag:s16], $0x4000  }
0x472: {  	[sflag:s16] =	ssyncset.done $0x0  }
0x473: {  	s30 =	rddreg [dreg:$0xe];
	[sflag:s16] =	ssyncadd.s32 $0xFFFFC000  }
0x474: {  	[hbm4b:s30+s2] =	stream.linear.scatter [tilespmem:s10], [sflag:$0x8], $0x4000, $0x38;
	[tilespmem:$0x16400] =	vst v63  }
0x475: {  	_ =	swait.ge [sflag:s14], $0x4000  }
0x476: {  	s31 =	sld [smem:$0x7E7]  }
0x477: {  	[sflag:s14] =	ssyncset.done $0x0  }
0x478: {  	[sflag:s14] =	ssyncadd.s32 $0xFFFFC000  }
0x479: {  	[tilespmem:s10], [sflag:$0x4] =	stream.indirect.gather [hbm4b:s3+s8], $0x20, s31, s8, $0xb8;
	[tilespmem:$0x16400] =	vst v63  }
0x47a: {  	_ =	swait.ge [sflag:s9], $0x4000  }
0x47b: {  	[sflag:s9] =	ssyncset.done $0x0  }
0x47c: {  	s1 =	rddreg [dreg:$0xf];
	[sflag:s9] =	ssyncadd.s32 $0xFFFFC000  }
0x47d: {  	[hbm4b:s1+s2] =	stream.linear.scatter [tilespmem:s5], [sflag:$0x5], $0x4000, $0x38;
	[tilespmem:$0x16400] =	vst v63  }
0x47e: {  	_ =	swait.ge [sflag:s6], $0x4000  }
0x47f: {  	s30 =	sld [smem:$0x7E8]  }
0x480: {  	[sflag:s6] =	ssyncset.done $0x0  }
0x481: {  	[sflag:s6] =	ssyncadd.s32 $0xFFFFC000  }
0x482: {  	[tilespmem:s5], [sflag:$0x1] =	stream.indirect.gather [hbm4b:s3+s8], $0x20, s30, s8, $0xb8;
	[tilespmem:$0x16400] =	vst v63  }
0x483: {  	_ =	swait.ge [sflag:s11], $0x4000  }
0x484: {  	[sflag:s11] =	ssyncset.done $0x0  }
0x485: {  	s31 =	rddreg [dreg:$0x10];
	[sflag:s11] =	ssyncadd.s32 $0xFFFFC000  }
0x486: {  	[hbm4b:s31+s2] =	stream.linear.scatter [tilespmem:s4], [sflag:$0x6], $0x4000, $0x38;
	[tilespmem:$0x16400] =	vst v63  }
0x487: {  	_ =	swait.ge [sflag:s7], $0x4000  }
0x488: {  	s1 =	sld [smem:$0x7E9]  }
0x489: {  	[sflag:s7] =	ssyncset.done $0x0  }
0x48a: {  	[sflag:s7] =	ssyncadd.s32 $0xFFFFC000  }
0x48b: {  	[tilespmem:s4], [sflag:$0x2] =	stream.indirect.gather [hbm4b:s3+s8], $0x20, s1, s8, $0xb8;
	[tilespmem:$0x16400] =	vst v63  }
0x48c: {  	_ =	swait.ge [sflag:s15], $0x4000  }
0x48d: {  	[sflag:s15] =	ssyncset.done $0x0  }
0x48e: {  	s30 =	rddreg [dreg:$0x11];
	[sflag:s15] =	ssyncadd.s32 $0xFFFFC000  }
0x48f: {  	[hbm4b:s30+s2] =	stream.linear.scatter [tilespmem:s12], [sflag:$0x7], $0x4000, $0x38;
	[tilespmem:$0x16400] =	vst v63  }
0x490: {  	_ =	swait.ge [sflag:s13], $0x4000  }
0x491: {  	s31 =	sld [smem:$0x7EA]  }
0x492: {  	[sflag:s13] =	ssyncset.done $0x0  }
0x493: {  	[sflag:s13] =	ssyncadd.s32 $0xFFFFC000  }
0x494: {  	[tilespmem:s12], [sflag:$0x3] =	stream.indirect.gather [hbm4b:s3+s8], $0x20, s31, s8, $0xb8;
	[tilespmem:$0x16400] =	vst v63  }
0x495: {  	_ =	swait.ge [sflag:s16], $0x4000  }
0x496: {  	[sflag:s16] =	ssyncset.done $0x0  }
0x497: {  	s1 =	rddreg [dreg:$0x12];
	[sflag:s16] =	ssyncadd.s32 $0xFFFFC000  }
0x498: {  	[hbm4b:s1+s2] =	stream.linear.scatter [tilespmem:s10], [sflag:$0x8], $0x4000, $0x38;
	[tilespmem:$0x16400] =	vst v63  }
0x499: {  	_ =	swait.ge [sflag:s14], $0x4000  }
0x49a: {  	s30 =	sld [smem:$0x7EB]  }
0x49b: {  	[sflag:s14] =	ssyncset.done $0x0  }
0x49c: {  	[sflag:s14] =	ssyncadd.s32 $0xFFFFC000  }
0x49d: {  	[tilespmem:s10], [sflag:$0x4] =	stream.indirect.gather [hbm4b:s3+s8], $0x20, s30, s8, $0xb8;
	[tilespmem:$0x16400] =	vst v63  }
0x49e: {  	_ =	swait.ge [sflag:s9], $0x4000  }
0x49f: {  	[sflag:s9] =	ssyncset.done $0x0  }
0x4a0: {  	s31 =	rddreg [dreg:$0x13];
	[sflag:s9] =	ssyncadd.s32 $0xFFFFC000  }
0x4a1: {  	[hbm4b:s31+s2] =	stream.linear.scatter [tilespmem:s5], [sflag:$0x5], $0x4000, $0x38;
	[tilespmem:$0x16400] =	vst v63  }
0x4a2: {  	_ =	swait.ge [sflag:s6], $0x4000  }
0x4a3: {  	s1 =	sld [smem:$0x7EC]  }
0x4a4: {  	[sflag:s6] =	ssyncset.done $0x0  }
0x4a5: {  	[sflag:s6] =	ssyncadd.s32 $0xFFFFC000  }
0x4a6: {  	[tilespmem:s5], [sflag:$0x1] =	stream.indirect.gather [hbm4b:s3+s8], $0x20, s1, s8, $0xb8;
	[tilespmem:$0x16400] =	vst v63  }
0x4a7: {  	_ =	swait.ge [sflag:s11], $0x4000  }
0x4a8: {  	[sflag:s11] =	ssyncset.done $0x0  }
0x4a9: {  	s30 =	rddreg [dreg:$0x14];
	[sflag:s11] =	ssyncadd.s32 $0xFFFFC000  }
0x4aa: {  	[hbm4b:s30+s2] =	stream.linear.scatter [tilespmem:s4], [sflag:$0x6], $0x4000, $0x38;
	[tilespmem:$0x16400] =	vst v63  }
0x4ab: {  	_ =	swait.ge [sflag:s7], $0x4000  }
0x4ac: {  	s31 =	sld [smem:$0x7ED]  }
0x4ad: {  	[sflag:s7] =	ssyncset.done $0x0  }
0x4ae: {  	[sflag:s7] =	ssyncadd.s32 $0xFFFFC000  }
0x4af: {  	[tilespmem:s4], [sflag:$0x2] =	stream.indirect.gather [hbm4b:s3+s8], $0x20, s31, s8, $0xb8;
	[tilespmem:$0x16400] =	vst v63  }
0x4b0: {  	_ =	swait.ge [sflag:s15], $0x4000  }
0x4b1: {  	[sflag:s15] =	ssyncset.done $0x0  }
0x4b2: {  	s1 =	rddreg [dreg:$0x15];
	[sflag:s15] =	ssyncadd.s32 $0xFFFFC000  }
0x4b3: {  	[hbm4b:s1+s2] =	stream.linear.scatter [tilespmem:s12], [sflag:$0x7], $0x4000, $0x38;
	[tilespmem:$0x16400] =	vst v63  }
0x4b4: {  	_ =	swait.ge [sflag:s13], $0x4000  }
0x4b5: {  	s30 =	sld [smem:$0x7EE]  }
0x4b6: {  	[sflag:s13] =	ssyncset.done $0x0  }
0x4b7: {  	[sflag:s13] =	ssyncadd.s32 $0xFFFFC000  }
0x4b8: {  	[tilespmem:s12], [sflag:$0x3] =	stream.indirect.gather [hbm4b:s3+s8], $0x20, s30, s8, $0xb8;
	[tilespmem:$0x16400] =	vst v63  }
0x4b9: {  	_ =	swait.ge [sflag:s16], $0x4000  }
0x4ba: {  	[sflag:s16] =	ssyncset.done $0x0  }
0x4bb: {  	s31 =	rddreg [dreg:$0x16];
	[sflag:s16] =	ssyncadd.s32 $0xFFFFC000  }
0x4bc: {  	[hbm4b:s31+s2] =	stream.linear.scatter [tilespmem:s10], [sflag:$0x8], $0x4000, $0x38;
	[tilespmem:$0x16400] =	vst v63  }
0x4bd: {  	_ =	swait.ge [sflag:s14], $0x4000  }
0x4be: {  	s1 =	sld [smem:$0x7EF]  }
0x4bf: {  	[sflag:s14] =	ssyncset.done $0x0  }
0x4c0: {  	[sflag:s14] =	ssyncadd.s32 $0xFFFFC000  }
0x4c1: {  	[tilespmem:s10], [sflag:$0x4] =	stream.indirect.gather [hbm4b:s3+s8], $0x20, s1, s8, $0xb8;
	[tilespmem:$0x16400] =	vst v63  }
0x4c2: {  	_ =	swait.ge [sflag:s9], $0x4000  }
0x4c3: {  	[sflag:s9] =	ssyncset.done $0x0  }
0x4c4: {  	s30 =	rddreg [dreg:$0x17];
	[sflag:s9] =	ssyncadd.s32 $0xFFFFC000  }
0x4c5: {  	[hbm4b:s30+s2] =	stream.linear.scatter [tilespmem:s5], [sflag:$0x5], $0x4000, $0x38;
	[tilespmem:$0x16400] =	vst v63  }
0x4c6: {  	_ =	swait.ge [sflag:s6], $0x4000  }
0x4c7: {  	s31 =	sld [smem:$0x7F0]  }
0x4c8: {  	[sflag:s6] =	ssyncset.done $0x0  }
0x4c9: {  	[sflag:s6] =	ssyncadd.s32 $0xFFFFC000  }
0x4ca: {  	[tilespmem:s5], [sflag:$0x1] =	stream.indirect.gather [hbm4b:s3+s8], $0x20, s31, s8, $0xb8;
	[tilespmem:$0x16400] =	vst v63  }
0x4cb: {  	_ =	swait.ge [sflag:s11], $0x4000  }
0x4cc: {  	[sflag:s11] =	ssyncset.done $0x0  }
0x4cd: {  	s1 =	rddreg [dreg:$0x18];
	[sflag:s11] =	ssyncadd.s32 $0xFFFFC000  }
0x4ce: {  	[hbm4b:s1+s2] =	stream.linear.scatter [tilespmem:s4], [sflag:$0x6], $0x4000, $0x38;
	[tilespmem:$0x16400] =	vst v63  }
0x4cf: {  	_ =	swait.ge [sflag:s7], $0x4000  }
0x4d0: {  	s30 =	sld [smem:$0x7F1]  }
0x4d1: {  	[sflag:s7] =	ssyncset.done $0x0  }
0x4d2: {  	[sflag:s7] =	ssyncadd.s32 $0xFFFFC000  }
0x4d3: {  	[tilespmem:s4], [sflag:$0x2] =	stream.indirect.gather [hbm4b:s3+s8], $0x20, s30, s8, $0xb8;
	[tilespmem:$0x16400] =	vst v63  }
0x4d4: {  	_ =	swait.ge [sflag:s15], $0x4000  }
0x4d5: {  	[sflag:s15] =	ssyncset.done $0x0  }
0x4d6: {  	s31 =	rddreg [dreg:$0x19];
	[sflag:s15] =	ssyncadd.s32 $0xFFFFC000  }
0x4d7: {  	[hbm4b:s31+s2] =	stream.linear.scatter [tilespmem:s12], [sflag:$0x7], $0x4000, $0x38;
	[tilespmem:$0x16400] =	vst v63  }
0x4d8: {  	_ =	swait.ge [sflag:s13], $0x4000  }
0x4d9: {  	s1 =	sld [smem:$0x7F2]  }
0x4da: {  	[sflag:s13] =	ssyncset.done $0x0  }
0x4db: {  	[sflag:s13] =	ssyncadd.s32 $0xFFFFC000  }
0x4dc: {  	[tilespmem:s12], [sflag:$0x3] =	stream.indirect.gather [hbm4b:s3+s8], $0x20, s1, s8, $0xb8;
	[tilespmem:$0x16400] =	vst v63  }
0x4dd: {  	_ =	swait.ge [sflag:s16], $0x4000  }
0x4de: {  	[sflag:s16] =	ssyncset.done $0x0  }
0x4df: {  	s30 =	rddreg [dreg:$0x1a];
	[sflag:s16] =	ssyncadd.s32 $0xFFFFC000  }
0x4e0: {  	[hbm4b:s30+s2] =	stream.linear.scatter [tilespmem:s10], [sflag:$0x8], $0x4000, $0x38;
	[tilespmem:$0x16400] =	vst v63  }
0x4e1: {  	_ =	swait.ge [sflag:s14], $0x4000  }
0x4e2: {  	s31 =	sld [smem:$0x7F3]  }
0x4e3: {  	[sflag:s14] =	ssyncset.done $0x0  }
0x4e4: {  	[sflag:s14] =	ssyncadd.s32 $0xFFFFC000  }
0x4e5: {  	[tilespmem:s10], [sflag:$0x4] =	stream.indirect.gather [hbm4b:s3+s8], $0x20, s31, s8, $0xb8;
	[tilespmem:$0x16400] =	vst v63  }
0x4e6: {  	_ =	swait.ge [sflag:s9], $0x4000  }
0x4e7: {  	[sflag:s9] =	ssyncset.done $0x0  }
0x4e8: {  	s1 =	rddreg [dreg:$0x1b];
	[sflag:s9] =	ssyncadd.s32 $0xFFFFC000  }
0x4e9: {  	[hbm4b:s1+s2] =	stream.linear.scatter [tilespmem:s5], [sflag:$0x5], $0x4000, $0x38;
	[tilespmem:$0x16400] =	vst v63  }
0x4ea: {  	_ =	swait.ge [sflag:s6], $0x4000  }
0x4eb: {  	s30 =	sld [smem:$0x7F4]  }
0x4ec: {  	[sflag:s6] =	ssyncset.done $0x0  }
0x4ed: {  	[sflag:s6] =	ssyncadd.s32 $0xFFFFC000  }
0x4ee: {  	[tilespmem:s5], [sflag:$0x1] =	stream.indirect.gather [hbm4b:s3+s8], $0x20, s30, s8, $0xb8;
	[tilespmem:$0x16400] =	vst v63  }
0x4ef: {  	_ =	swait.ge [sflag:s11], $0x4000  }
0x4f0: {  	[sflag:s11] =	ssyncset.done $0x0  }
0x4f1: {  	s31 =	rddreg [dreg:$0x1c];
	[sflag:s11] =	ssyncadd.s32 $0xFFFFC000  }
0x4f2: {  	[hbm4b:s31+s2] =	stream.linear.scatter [tilespmem:s4], [sflag:$0x6], $0x4000, $0x38;
	[tilespmem:$0x16400] =	vst v63  }
0x4f3: {  	_ =	swait.ge [sflag:s7], $0x4000  }
0x4f4: {  	s1 =	sld [smem:$0x7F5]  }
0x4f5: {  	[sflag:s7] =	ssyncset.done $0x0  }
0x4f6: {  	[sflag:s7] =	ssyncadd.s32 $0xFFFFC000  }
0x4f7: {  	[tilespmem:s4], [sflag:$0x2] =	stream.indirect.gather [hbm4b:s3+s8], $0x20, s1, s8, $0xb8;
	[tilespmem:$0x16400] =	vst v63  }
0x4f8: {  	_ =	swait.ge [sflag:s15], $0x4000  }
0x4f9: {  	[sflag:s15] =	ssyncset.done $0x0  }
0x4fa: {  	s30 =	rddreg [dreg:$0x1d];
	[sflag:s15] =	ssyncadd.s32 $0xFFFFC000  }
0x4fb: {  	[hbm4b:s30+s2] =	stream.linear.scatter [tilespmem:s12], [sflag:$0x7], $0x4000, $0x38;
	[tilespmem:$0x16400] =	vst v63  }
0x4fc: {  	_ =	swait.ge [sflag:s13], $0x4000  }
0x4fd: {  	s31 =	sld [smem:$0x7F6]  }
0x4fe: {  	[sflag:s13] =	ssyncset.done $0x0  }
0x4ff: {  	[sflag:s13] =	ssyncadd.s32 $0xFFFFC000  }
0x500: {  	[tilespmem:s12], [sflag:$0x3] =	stream.indirect.gather [hbm4b:s3+s8], $0x20, s31, s8, $0xb8;
	[tilespmem:$0x16400] =	vst v63  }
0x501: {  	_ =	swait.ge [sflag:s16], $0x4000  }
0x502: {  	[sflag:s16] =	ssyncset.done $0x0  }
0x503: {  	s1 =	rddreg [dreg:$0x1e];
	[sflag:s16] =	ssyncadd.s32 $0xFFFFC000  }
0x504: {  	[hbm4b:s1+s2] =	stream.linear.scatter [tilespmem:s10], [sflag:$0x8], $0x4000, $0x38;
	[tilespmem:$0x16400] =	vst v63  }
0x505: {  	_ =	swait.ge [sflag:s14], $0x4000  }
0x506: {  	s30 =	sld [smem:$0x7F7]  }
0x507: {  	[sflag:s14] =	ssyncset.done $0x0  }
0x508: {  	[sflag:s14] =	ssyncadd.s32 $0xFFFFC000  }
0x509: {  	[tilespmem:s10], [sflag:$0x4] =	stream.indirect.gather [hbm4b:s3+s8], $0x20, s30, s8, $0xb8;
	[tilespmem:$0x16400] =	vst v63  }
0x50a: {  	_ =	swait.ge [sflag:s9], $0x4000  }
0x50b: {  	[sflag:s9] =	ssyncset.done $0x0  }
0x50c: {  	s31 =	rddreg [dreg:$0x1f];
	[sflag:s9] =	ssyncadd.s32 $0xFFFFC000  }
0x50d: {  	[hbm4b:s31+s2] =	stream.linear.scatter [tilespmem:s5], [sflag:$0x5], $0x4000, $0x38;
	[tilespmem:$0x16400] =	vst v63  }
0x50e: {  	_ =	swait.ge [sflag:s6], $0x4000  }
0x50f: {  	s1 =	sld [smem:$0x7F8]  }
0x510: {  	[sflag:s6] =	ssyncset.done $0x0  }
0x511: {  	[sflag:s6] =	ssyncadd.s32 $0xFFFFC000  }
0x512: {  	[tilespmem:s5], [sflag:$0x1] =	stream.indirect.gather [hbm4b:s3+s8], $0x20, s1, s8, $0xb8;
	[tilespmem:$0x16400] =	vst v63  }
0x513: {  	_ =	swait.ge [sflag:s11], $0x4000  }
0x514: {  	s30 =	sld [smem:$0x7C5]  }
0x515: {  	[sflag:s11] =	ssyncset.done $0x0  }
0x516: {  	[sflag:s11] =	ssyncadd.s32 $0xFFFFC000  }
0x517: {  	[hbm4b:s30+s2] =	stream.linear.scatter [tilespmem:s4], [sflag:$0x6], $0x4000, $0x38;
	[tilespmem:$0x16400] =	vst v63  }
0x518: {  	_ =	swait.ge [sflag:s7], $0x4000  }
0x519: {  	s31 =	sld [smem:$0x7F9]  }
0x51a: {  	[sflag:s7] =	ssyncset.done $0x0  }
0x51b: {  	[sflag:s7] =	ssyncadd.s32 $0xFFFFC000  }
0x51c: {  	[tilespmem:s4], [sflag:$0x2] =	stream.indirect.gather [hbm4b:s3+s8], $0x20, s31, s8, $0xb8;
	[tilespmem:$0x16400] =	vst v63  }
0x51d: {  	_ =	swait.ge [sflag:s15], $0x4000  }
0x51e: {  	s1 =	sld [smem:$0x7C6]  }
0x51f: {  	[sflag:s15] =	ssyncset.done $0x0  }
0x520: {  	[sflag:s15] =	ssyncadd.s32 $0xFFFFC000  }
0x521: {  	[hbm4b:s1+s2] =	stream.linear.scatter [tilespmem:s12], [sflag:$0x7], $0x4000, $0x38;
	[tilespmem:$0x16400] =	vst v63  }
0x522: {  	_ =	swait.ge [sflag:s13], $0x4000  }
0x523: {  	s30 =	sld [smem:$0x7FA]  }
0x524: {  	[sflag:s13] =	ssyncset.done $0x0  }
0x525: {  	[sflag:s13] =	ssyncadd.s32 $0xFFFFC000  }
0x526: {  	[tilespmem:s12], [sflag:$0x3] =	stream.indirect.gather [hbm4b:s3+s8], $0x20, s30, s8, $0xb8;
	[tilespmem:$0x16400] =	vst v63  }
0x527: {  	_ =	swait.ge [sflag:s16], $0x4000  }
0x528: {  	s31 =	sld [smem:$0x7C7]  }
0x529: {  	[sflag:s16] =	ssyncset.done $0x0  }
0x52a: {  	[sflag:s16] =	ssyncadd.s32 $0xFFFFC000  }
0x52b: {  	[hbm4b:s31+s2] =	stream.linear.scatter [tilespmem:s10], [sflag:$0x8], $0x4000, $0x38;
	[tilespmem:$0x16400] =	vst v63  }
0x52c: {  	_ =	swait.ge [sflag:s14], $0x4000  }
0x52d: {  	s1 =	sld [smem:$0x7FB]  }
0x52e: {  	[sflag:s14] =	ssyncset.done $0x0  }
0x52f: {  	[sflag:s14] =	ssyncadd.s32 $0xFFFFC000  }
0x530: {  	[tilespmem:s10], [sflag:$0x4] =	stream.indirect.gather [hbm4b:s3+s8], $0x20, s1, s8, $0xb8;
	[tilespmem:$0x16400] =	vst v63  }
0x531: {  	_ =	swait.ge [sflag:s9], $0x4000  }
0x532: {  	s30 =	sld [smem:$0x7C8]  }
0x533: {  	[sflag:s9] =	ssyncset.done $0x0  }
0x534: {  	[sflag:s9] =	ssyncadd.s32 $0xFFFFC000  }
0x535: {  	[hbm4b:s30+s2] =	stream.linear.scatter [tilespmem:s5], [sflag:$0x5], $0x4000, $0x38;
	[tilespmem:$0x16400] =	vst v63  }
0x536: {  	_ =	swait.ge [sflag:s6], $0x4000  }
0x537: {  	s31 =	sld [smem:$0x7FC]  }
0x538: {  	[sflag:s6] =	ssyncset.done $0x0  }
0x539: {  	[sflag:s6] =	ssyncadd.s32 $0xFFFFC000  }
0x53a: {  	[tilespmem:s5], [sflag:$0x1] =	stream.indirect.gather [hbm4b:s3+s8], $0x20, s31, s8, $0xb8;
	[tilespmem:$0x16400] =	vst v63  }
0x53b: {  	_ =	swait.ge [sflag:s11], $0x4000  }
0x53c: {  	s1 =	sld [smem:$0x7C9]  }
0x53d: {  	[sflag:s11] =	ssyncset.done $0x0  }
0x53e: {  	[sflag:s11] =	ssyncadd.s32 $0xFFFFC000  }
0x53f: {  	[hbm4b:s1+s2] =	stream.linear.scatter [tilespmem:s4], [sflag:$0x6], $0x4000, $0x38;
	[tilespmem:$0x16400] =	vst v63  }
0x540: {  	_ =	swait.ge [sflag:s7], $0x4000  }
0x541: {  	s30 =	sld [smem:$0x7FD]  }
0x542: {  	[sflag:s7] =	ssyncset.done $0x0  }
0x543: {  	[sflag:s7] =	ssyncadd.s32 $0xFFFFC000  }
0x544: {  	[tilespmem:s4], [sflag:$0x2] =	stream.indirect.gather [hbm4b:s3+s8], $0x20, s30, s8, $0xb8;
	[tilespmem:$0x16400] =	vst v63  }
0x545: {  	_ =	swait.ge [sflag:s15], $0x4000  }
0x546: {  	s31 =	sld [smem:$0x7CA]  }
0x547: {  	[sflag:s15] =	ssyncset.done $0x0  }
0x548: {  	[sflag:s15] =	ssyncadd.s32 $0xFFFFC000  }
0x549: {  	[hbm4b:s31+s2] =	stream.linear.scatter [tilespmem:s12], [sflag:$0x7], $0x4000, $0x38;
	[tilespmem:$0x16400] =	vst v63  }
0x54a: {  	_ =	swait.ge [sflag:s13], $0x4000  }
0x54b: {  	[sflag:s13] =	ssyncset.done $0x0  }
0x54c: {  	[sflag:s13] =	ssyncadd.s32 $0xFFFFC000  }
0x54d: {  	[tilespmem:s12], [sflag:$0x3] =	stream.indirect.gather [hbm4b:s3+s8], $0x20, s18, s8, $0xb8;
	[tilespmem:$0x16400] =	vst v63  }
0x54e: {  	_ =	swait.ge [sflag:s16], $0x4000  }
0x54f: {  	s1 =	sld [smem:$0x7CB]  }
0x550: {  	[sflag:s16] =	ssyncset.done $0x0  }
0x551: {  	[sflag:s16] =	ssyncadd.s32 $0xFFFFC000  }
0x552: {  	[hbm4b:s1+s2] =	stream.linear.scatter [tilespmem:s10], [sflag:$0x8], $0x4000, $0x38;
	[tilespmem:$0x16400] =	vst v63  }
0x553: {  	_ =	swait.ge [sflag:s14], $0x4000  }
0x554: {  	[sflag:s14] =	ssyncset.done $0x0  }
0x555: {  	[sflag:s14] =	ssyncadd.s32 $0xFFFFC000  }
0x556: {  	[tilespmem:s10], [sflag:$0x4] =	stream.indirect.gather [hbm4b:s3+s8], $0x20, s29, s8, $0xb8;
	[tilespmem:$0x16400] =	vst v63  }
0x557: {  	_ =	swait.ge [sflag:s9], $0x4000  }
0x558: {  	s18 =	sld [smem:$0x7CC]  }
0x559: {  	[sflag:s9] =	ssyncset.done $0x0  }
0x55a: {  	[sflag:s9] =	ssyncadd.s32 $0xFFFFC000  }
0x55b: {  	[hbm4b:s18+s2] =	stream.linear.scatter [tilespmem:s5], [sflag:$0x5], $0x4000, $0x38;
	[tilespmem:$0x16400] =	vst v63  }
0x55c: {  	_ =	swait.ge [sflag:s6], $0x4000  }
0x55d: {  	[sflag:s6] =	ssyncset.done $0x0  }
0x55e: {  	[sflag:s6] =	ssyncadd.s32 $0xFFFFC000  }
0x55f: {  	[tilespmem:s5], [sflag:$0x1] =	stream.indirect.gather [hbm4b:s3+s8], $0x20, s28, s8, $0xb8;
	[tilespmem:$0x16400] =	vst v63  }
0x560: {  	_ =	swait.ge [sflag:s11], $0x4000  }
0x561: {  	s29 =	sld [smem:$0x7CD]  }
0x562: {  	[sflag:s11] =	ssyncset.done $0x0  }
0x563: {  	[sflag:s11] =	ssyncadd.s32 $0xFFFFC000  }
0x564: {  	[hbm4b:s29+s2] =	stream.linear.scatter [tilespmem:s4], [sflag:$0x6], $0x4000, $0x38;
	[tilespmem:$0x16400] =	vst v63  }
0x565: {  	_ =	swait.ge [sflag:s7], $0x4000  }
0x566: {  	[sflag:s7] =	ssyncset.done $0x0  }
0x567: {  	[sflag:s7] =	ssyncadd.s32 $0xFFFFC000  }
0x568: {  	[tilespmem:s4], [sflag:$0x2] =	stream.indirect.gather [hbm4b:s3+s8], $0x20, s26, s8, $0xb8;
	[tilespmem:$0x16400] =	vst v63  }
0x569: {  	_ =	swait.ge [sflag:s15], $0x4000  }
0x56a: {  	s30 =	sld [smem:$0x7CE]  }
0x56b: {  	[sflag:s15] =	ssyncset.done $0x0  }
0x56c: {  	[sflag:s15] =	ssyncadd.s32 $0xFFFFC000  }
0x56d: {  	[hbm4b:s30+s2] =	stream.linear.scatter [tilespmem:s12], [sflag:$0x7], $0x4000, $0x38;
	[tilespmem:$0x16400] =	vst v63  }
0x56e: {  	_ =	swait.ge [sflag:s13], $0x4000  }
0x56f: {  	[sflag:s13] =	ssyncset.done $0x0  }
0x570: {  	[sflag:s13] =	ssyncadd.s32 $0xFFFFC000  }
0x571: {  	[tilespmem:s12], [sflag:$0x3] =	stream.indirect.gather [hbm4b:s3+s8], $0x20, s25, s8, $0xb8;
	[tilespmem:$0x16400] =	vst v63  }
0x572: {  	_ =	swait.ge [sflag:s16], $0x4000  }
0x573: {  	s31 =	sld [smem:$0x7CF]  }
0x574: {  	[sflag:s16] =	ssyncset.done $0x0  }
0x575: {  	[sflag:s16] =	ssyncadd.s32 $0xFFFFC000  }
0x576: {  	[hbm4b:s31+s2] =	stream.linear.scatter [tilespmem:s10], [sflag:$0x8], $0x4000, $0x38;
	[tilespmem:$0x16400] =	vst v63  }
0x577: {  	_ =	swait.ge [sflag:s14], $0x4000  }
0x578: {  	[sflag:s14] =	ssyncset.done $0x0  }
0x579: {  	[sflag:s14] =	ssyncadd.s32 $0xFFFFC000  }
0x57a: {  	[tilespmem:s10], [sflag:$0x4] =	stream.indirect.gather [hbm4b:s3+s8], $0x20, s24, s8, $0xb8;
	[tilespmem:$0x16400] =	vst v63  }
0x57b: {  	_ =	swait.ge [sflag:s9], $0x4000  }
0x57c: {  	s1 =	sld [smem:$0x7D0]  }
0x57d: {  	[sflag:s9] =	ssyncset.done $0x0  }
0x57e: {  	[sflag:s9] =	ssyncadd.s32 $0xFFFFC000  }
0x57f: {  	[hbm4b:s1+s2] =	stream.linear.scatter [tilespmem:s5], [sflag:$0x5], $0x4000, $0x38;
	[tilespmem:$0x16400] =	vst v63  }
0x580: {  	_ =	swait.ge [sflag:s6], $0x4000  }
0x581: {  	[sflag:s6] =	ssyncset.done $0x0  }
0x582: {  	[sflag:s6] =	ssyncadd.s32 $0xFFFFC000  }
0x583: {  	[tilespmem:s5], [sflag:$0x1] =	stream.indirect.gather [hbm4b:s3+s8], $0x20, s23, s8, $0xb8;
	[tilespmem:$0x16400] =	vst v63  }
0x584: {  	_ =	swait.ge [sflag:s11], $0x4000  }
0x585: {  	s18 =	sld [smem:$0x7D1]  }
0x586: {  	[sflag:s11] =	ssyncset.done $0x0  }
0x587: {  	[sflag:s11] =	ssyncadd.s32 $0xFFFFC000  }
0x588: {  	[hbm4b:s18+s2] =	stream.linear.scatter [tilespmem:s4], [sflag:$0x6], $0x4000, $0x38;
	[tilespmem:$0x16400] =	vst v63  }
0x589: {  	_ =	swait.ge [sflag:s7], $0x4000  }
0x58a: {  	[sflag:s7] =	ssyncset.done $0x0  }
0x58b: {  	[sflag:s7] =	ssyncadd.s32 $0xFFFFC000  }
0x58c: {  	[tilespmem:s4], [sflag:$0x2] =	stream.indirect.gather [hbm4b:s3+s8], $0x20, s22, s8, $0xb8;
	[tilespmem:$0x16400] =	vst v63  }
0x58d: {  	_ =	swait.ge [sflag:s15], $0x4000  }
0x58e: {  	s22 =	sld [smem:$0x7D2]  }
0x58f: {  	[sflag:s15] =	ssyncset.done $0x0  }
0x590: {  	[sflag:s15] =	ssyncadd.s32 $0xFFFFC000  }
0x591: {  	[hbm4b:s22+s2] =	stream.linear.scatter [tilespmem:s12], [sflag:$0x7], $0x4000, $0x38;
	[tilespmem:$0x16400] =	vst v63  }
0x592: {  	_ =	swait.ge [sflag:s13], $0x4000  }
0x593: {  	[sflag:s13] =	ssyncset.done $0x0  }
0x594: {  	[sflag:s13] =	ssyncadd.s32 $0xFFFFC000  }
0x595: {  	[tilespmem:s12], [sflag:$0x3] =	stream.indirect.gather [hbm4b:s3+s8], $0x20, s21, s8, $0xb8;
	[tilespmem:$0x16400] =	vst v63  }
0x596: {  	_ =	swait.ge [sflag:s16], $0x4000  }
0x597: {  	s23 =	sld [smem:$0x7D3]  }
0x598: {  	[sflag:s16] =	ssyncset.done $0x0  }
0x599: {  	[sflag:s16] =	ssyncadd.s32 $0xFFFFC000  }
0x59a: {  	[hbm4b:s23+s2] =	stream.linear.scatter [tilespmem:s10], [sflag:$0x8], $0x4000, $0x38;
	[tilespmem:$0x16400] =	vst v63  }
0x59b: {  	_ =	swait.ge [sflag:s14], $0x4000  }
0x59c: {  	[sflag:s14] =	ssyncset.done $0x0  }
0x59d: {  	[sflag:s14] =	ssyncadd.s32 $0xFFFFC000  }
0x59e: {  	[tilespmem:s10], [sflag:$0x4] =	stream.indirect.gather [hbm4b:s3+s8], $0x20, s20, s8, $0xb8;
	[tilespmem:$0x16400] =	vst v63  }
0x59f: {  	_ =	swait.ge [sflag:s9], $0x4000  }
0x5a0: {  	s24 =	sld [smem:$0x7D4]  }
0x5a1: {  	[sflag:s9] =	ssyncset.done $0x0  }
0x5a2: {  	[sflag:s9] =	ssyncadd.s32 $0xFFFFC000  }
0x5a3: {  	[hbm4b:s24+s2] =	stream.linear.scatter [tilespmem:s5], [sflag:$0x5], $0x4000, $0x38;
	[tilespmem:$0x16400] =	vst v63  }
0x5a4: {  	_ =	swait.ge [sflag:s6], $0x4000  }
0x5a5: {  	[sflag:s6] =	ssyncset.done $0x0  }
0x5a6: {  	[sflag:s6] =	ssyncadd.s32 $0xFFFFC000  }
0x5a7: {  	[tilespmem:s5], [sflag:$0x1] =	stream.indirect.gather [hbm4b:s3+s8], $0x20, s19, s8, $0xb8;
	[tilespmem:$0x16400] =	vst v63  }
0x5a8: {  	_ =	swait.ge [sflag:s11], $0x4000  }
0x5a9: {  	s25 =	sld [smem:$0x7D5]  }
0x5aa: {  	[sflag:s11] =	ssyncset.done $0x0  }
0x5ab: {  	[sflag:s11] =	ssyncadd.s32 $0xFFFFC000  }
0x5ac: {  	[hbm4b:s25+s2] =	stream.linear.scatter [tilespmem:s4], [sflag:$0x6], $0x4000, $0x38;
	[tilespmem:$0x16400] =	vst v63  }
0x5ad: {  	_ =	swait.ge [sflag:s7], $0x4000  }
0x5ae: {  	[sflag:s7] =	ssyncset.done $0x0  }
0x5af: {  	s26 =	simm.s32 $0x6200;
	[sflag:s7] =	ssyncadd.s32 $0xFFFFC000  }
0x5b0: {  	[tilespmem:s4], [sflag:$0x2] =	stream.indirect.gather [hbm4b:s3+s8], $0x20, s26, s8, $0xb8;
	[tilespmem:$0x16400] =	vst v63  }
0x5b1: {  	_ =	swait.ge [sflag:s15], $0x4000  }
0x5b2: {  	s28 =	sld [smem:$0x7D6]  }
0x5b3: {  	[sflag:s15] =	ssyncset.done $0x0  }
0x5b4: {  	[sflag:s15] =	ssyncadd.s32 $0xFFFFC000  }
0x5b5: {  	[hbm4b:s28+s2] =	stream.linear.scatter [tilespmem:s12], [sflag:$0x7], $0x4000, $0x38;
	[tilespmem:$0x16400] =	vst v63  }
0x5b6: {  	_ =	swait.ge [sflag:s16], $0x4000  }
0x5b7: {  	s29 =	sld [smem:$0x7D7]  }
0x5b8: {  	[sflag:s16] =	ssyncset.done $0x0  }
0x5b9: {  	[sflag:s16] =	ssyncadd.s32 $0xFFFFC000  }
0x5ba: {  	[hbm4b:s29+s2] =	stream.linear.scatter [tilespmem:s10], [sflag:$0x8], $0x4000, $0x38;
	[tilespmem:$0x16400] =	vst v63  }
0x5bb: {  	_ =	swait.ge [sflag:s9], $0x4000  }
0x5bc: {  	s30 =	sld [smem:$0x7D8]  }
0x5bd: {  	[sflag:s9] =	ssyncset.done $0x0  }
0x5be: {  	[sflag:s9] =	ssyncadd.s32 $0xFFFFC000  }
0x5bf: {  	[hbm4b:s30+s2] =	stream.linear.scatter [tilespmem:s5], [sflag:$0x5], $0x4000, $0x38;
	[tilespmem:$0x16400] =	vst v63  }
0x5c0: {  	_ =	swait.ge [sflag:s11], $0x4000  }
0x5c1: {  	s31 =	sld [smem:$0x7D9]  }
0x5c2: {  	[sflag:s11] =	ssyncset.done $0x0  }
0x5c3: {  	[sflag:s11] =	ssyncadd.s32 $0xFFFFC000  }
0x5c4: {  	[hbm4b:s31+s2] =	stream.linear.scatter [tilespmem:s4], [sflag:$0x6], $0x4000, $0x38;
	[tilespmem:$0x16400] =	vst v63  }
0x5c5: {  	_ =	swait.ge [sflag:s13], $0x4000  }
0x5c6: {  	[sflag:s13] =	ssyncset.done $0x0  }
0x5c7: {  	[sflag:s13] =	ssyncadd.s32 $0xFFFFC000  }
0x5c8: {  	_ =	swait.ge [sflag:s14], $0x4000  }
0x5c9: {  	[sflag:s14] =	ssyncset.done $0x0  }
0x5ca: {  	[sflag:s14] =	ssyncadd.s32 $0xFFFFC000  }
0x5cb: {  	_ =	swait.ge [sflag:s6], $0x4000  }
0x5cc: {  	[sflag:s6] =	ssyncset.done $0x0  }
0x5cd: {  	[sflag:s6] =	ssyncadd.s32 $0xFFFFC000  }
0x5ce: {  	_ =	swait.ge [sflag:s7], $0x4000  }
0x5cf: {  	[sflag:s7] =	ssyncset.done $0x0  }
0x5d0: {  	[sflag:s7] =	ssyncadd.s32 $0xFFFFC000  }
0x5d1: {  	_ =	sfence.sel $0x180000  }
0x5d2: {  	[bflag:$0x0] =	sbarrier.arrive $0xFFFF  }
0x5d3: {  	_ =	strace $0x90000047  }
0x5d4: {  	[bflag:$0x2] =	sbarrier.arrive $0xFFFF  }
0x5d5: {  	p0 =	sne.s32 s17, $0x0;
	s0 =	rddreg [dreg:$0x2]  }
0x5d6: {  	s0 =	sadd.s32 @!p0 $0x100000, s0  }
0x5d7: {  	[sflag:s0] =	ssyncadd.tile.s32 @!p0 $0x1;
	_ =	shalt  }
.LBB2_1:
.Ltmp3:
0x5d8: {  	(pc) =	sbr.rel .LBB2_6-.Ltmp3, $4  }
0x5d9: {  	s18 =	simm.s32 $0x4C00;
	s29 =	simm.s32 $0x4E00  }
0x5da: {  	s28 =	simm.s32 $0x5000;
	s26 =	simm.s32 $0x5200;
	s25 =	simm.s32 $0x5400  }
0x5db: {  	s24 =	simm.s32 $0x5600;
	s23 =	simm.s32 $0x5800;
	s22 =	simm.s32 $0x5A00  }
0x5dc: {  	s21 =	simm.s32 $0x5C00;
	s20 =	simm.s32 $0x5E00;
	s19 =	simm.s32 $0x6000  }
.LBB2_3:
.Ltmp4:
0x5dd: {  	(pc) =	sbr.rel .LBB2_6-.Ltmp4, $4  }
0x5de: {  	s18 =	simm.s32 $0x4C00;
	s29 =	simm.s32 $0x4E00;
	s28 =	simm.s32 $0x5000  }
0x5df: {  	s26 =	simm.s32 $0x5200;
	s25 =	simm.s32 $0x5400;
	s24 =	simm.s32 $0x5600  }
0x5e0: {  	s23 =	simm.s32 $0x5800;
	s22 =	simm.s32 $0x5A00;
	s21 =	simm.s32 $0x5C00  }
0x5e1: {  	s20 =	simm.s32 $0x5E00;
	s19 =	simm.s32 $0x6000;
	s17 =	stileid.u32  }
.Lfunc_end2:
_tile_overlayer_lowered:
.L_overlay_start_2:
0x5e2: {  	(tag) =	ssettag $0x2  }
0x5e3: {  	s0 =	rddreg [dreg:$0x0];
	s2 =	stileid.u32  }
0x5e4: {  	s1 =	rddreg [dreg:$0x1];
	p0 =	sne.s32 s2, $0x0  }
0x5e5: {  	s3 =	rddreg [dreg:$0x2];
	[bflag:$0x3] =	sbarrier.arrive $0xFFFF;
	s2 =	simm.s32 @!p0 $0x1C09  }
0x5e6: {  	[timem:s3], [sflag:s2] =	dma.local @!p0 [hbm:s0], s1  }
0x5e7: {  	s0 =	simm.s32 @!p0 $0x9  }
0x5e8: {  	_ =	swait.ge @!p0 [sflag:s0], s1  }
0x5e9: {  	s1 =	ssub.s32 @!p0 $0x0, s1;
	[sflag:s0] =	ssyncset.done @!p0 $0x0  }
0x5ea: {  	[sflag:s0] =	ssyncadd.s32 @!p0 s1  }
0x5eb: {  	[bflag:$0x3] =	sbarrier.arrive $0xFFFF  }
0x5ec: {  	_ =	shalt  }

// kernel: sparse-core-data-format-call.1.cloned.1.call-start
scs
called_computation.1_lowered:
.L_overlay_start_0:
0x0: {  	s2 =	sld [smem:$0x3FD9]  }
0x1: {  	s3 =	sld [smem:$0x3FFE];
	_ =	sdelay $0x1  }
0x2: {  	s1 =	srdreg.scid  }
0x3: {  	s0 =	sand.u32 $0x1, s1  }
0x4: {  	s18 =	sshll.u32 s0, $0xA;
	s2 =	sadd.s32 s3, s2  }
0x5: {  	s2 =	sadd.s32 s2, s18  }
0x6: {  	[smem:$0x3FC6] =	sst s2  }
0x7: {  	_ = 	snop  }
0x8: {  	s2 =	sld [smem:$0x3FD0];
	(tm) =	ssettm $0x1  }
0x9: {  	s19 =	sld [smem:$0x3FFB];
	_ =	sdelay $0x3  }
0xa: {  	_ =	strace s19  }
0xb: {  	s3 =	sld [smem:$0x3FFC];
	_ =	sdelay $0x3  }
0xc: {  	_ =	strace s3  }
0xd: {  	s3 =	sld [smem:$0x3FFD];
	_ =	sdelay $0x3  }
0xe: {  	_ =	strace s3  }
0xf: {  	_ =	strace $0x8FFFFFFF  }
0x10: {  	s20 =	sld [smem:$0x3FDB];
	_ =	sdelay $0x1  }
0x11: {  	s4 =	simm.s32 $_scs_section_size  }
0x12: {  	s5 =	simm.s32 $_size__tile_overlayer_lowered;
	s6 =	simm.s32 $_tile_overlayer_lowered  }
0x13: {  	s23 =	simm.s32 $0x1BFF;
	s22 =	sshll.u32 s6, $0x1;
	s3 =	sadd.s32 s4, s20  }
0x14: {  	s7 =	simm.s32 $0x0;
	s21 =	sshll.u32 s5, $0x1;
	s5 =	sadd.s32 s22, s3  }
0x15: {  	[timem:s7], [sflag:s23] =	dma.local [hbm:s5], s21  }
0x16: {  	_ =	swait.ge [sflag:s23], s21  }
0x17: {  	s4 =	ssub.s32 $0x0, s21;
	[sflag:s23] =	ssyncset.done $0x0  }
0x18: {  	[sflag:s23] =	ssyncadd.s32 s4;
	_ =	sdelay $0x1  }
0x19: {  	s24 =	simm.s32 $0x1B8B  }
0x1a: {  	_ =	swait.ge [sflag:s24], $0x1  }
0x1b: {  	[sflag:s24] =	ssyncset.done $0x0  }
0x1c: {  	s26 =	simm.s32 $0x1B8E;
	s25 =	sld [smem:$0x3FFE];
	[sflag:s24] =	ssyncadd.s32 $0xFFFFFFFF  }
0x1d: {  	s27 =	simm.s32 $execute0_lowered;
	[smem:$0x3FD2] =	sst s26  }
0x1e: {  	s5 =	sshll.u32 s27, $0x1;
	_ =	strace $0x80000049;
	[dreg:$0x1] =	wrdreg $0xFFFFFFFF  }
0x1f: {  	s28 =	simm.s32 $_size_execute0_lowered;
	s3 =	sadd.s32 s3, s5;
	[dreg:$0x0] =	wrdreg $0x0  }
0x20: {  	s5 =	sshll.u32 s28, $0x1;
	[dreg:$0x2] =	wrdreg s3  }
0x21: {  	[dreg:$0x3] =	wrdreg s5  }
0x22: {  	[dreg:$0x4] =	wrdreg $0xC0  }
0x23: {  	_ =	task [dreg:s7], $0x5FFFF  }
0x24: {  	[dreg:$0x1] =	wrdreg $0xFFFFFFFF  }
0x25: {  	[dreg:$0x0] =	wrdreg $0x60  }
0x26: {  	[dreg:$0x2] =	wrdreg s25  }
0x27: {  	[dreg:$0x3] =	wrdreg s2  }
0x28: {  	[dreg:$0x4] =	wrdreg $0x9  }
0x29: {  	_ =	task.clear_ibuf [dreg:s7], $0x5FFFF;
	_ =	strace $0x90000049  }
0x2a: {  	s29 =	simm.s32 $0x9;
	_ =	strace $0x8000004B  }
0x2b: {  	_ =	swait.ge [sflag:s29], $0x1  }
0x2c: {  	[sflag:s29] =	ssyncadd.s32 $0xFFFFFFFF  }
0x2d: {  	_ =	strace $0x9000004B  }
0x2e: {  	_ =	sfence  }
0x2f: {  	s30 =	sld [smem:$0x0];
	_ =	sdelay $0x2  }
0x30: {  	s31 =	sshll.u32 s1, $0xD;
	s1 =	sshrl.u32 s1, $0x2  }
0x31: {  	s3 =	sand.u32 $0x4000, s31;
	s1 =	sadd.s32 s1, s30  }
0x32: {  	s0 =	sor.u32 s3, s0;
	s1 =	sshll.u32 s1, $0x11  }
0x33: {  	s0 =	sor.u32 s1, s0  }
0x34: {  	s0 =	sadd.s32 $0x8F2B, s0  }
0x35: {  	[sflag:s0] =	ssyncadd.remote.s32 $0x1  }
0x36: {  	_ =	sfence.sel $0xFFFF  }
0x37: {  	[dreg:$0x0] =	wrdreg $0xFFFFFFFF;
	(pc) =	sbr.abs _section_cstart, $3  }
0x38: {  	[dreg:$0x1] =	wrdreg $0xFFFFFFFF  }
0x39: {  	_ =	task.clear_ibuf [dreg:s7], $0x2FFFF;
	_ =	strace $0x9FFFFFFF  }
0x3a: {  	(tm) =	ssettm $0x7FFFFFFF  }
0x3b: {  	_ =	shalt  }
tec
execute0_lowered:
.L_overlay_start_1:
0x0: {  	(tag) =	ssettag $0x1  }
0x1: {  	s0 =	srdreg.scid  }
0x2: {  	s1 =	sshll.u32 s0, $0x4  }
0x3: {  	s4 =	rddreg [dreg:$0x0];
	s0 =	stileid.u32;
	s1 =	sand.u32 $0x10, s1  }
0x4: {  	s2 =	rddreg [dreg:$0x1];
	s7 =	simm.s32 $0x1;
	s1 =	sor.u32 s0, s1  }
0x5: {  	s8 =	simm.s32 $0x2;
	s11 =	simm.s32 $0x0;
	s3 =	sshll.u32 s1, $0x7  }
0x6: {  	s10 =	simm.s32 $0x0;
	s4 =	sadd.s32 $0xE00, s4;
	s6 =	ssub.s32 $0xC8000, s3  }
.Ltmp0:
0x7: {  	s1 =	rddreg [dreg:$0x2];
	s5 =	sand.u32 $0xF80, s6;
	(pc) =	sbr.rel .LBB1_1-.Ltmp0, $4  }
0x8: {  	_ =	strace $0x8000004A;
	s9 =	smov.u32 s3;
	p0 =	sne.s32 s5, $0x0  }
0x9: {  	s6 =	sshrl.u32 s6, $0xC;
	s5 =	simm.s32 $0x1;
	s7 =	simm.s32 @!p0 $0x0  }
0xa: {  	[sflag:s5] =	ssyncpa.u1 $0x0;
	p0 =	por $0x0, $0x0;
	s6 =	sadd.s32 s7, s6  }
0xb: {  	[sflag:s8] =	ssyncpa.u1 $0x0;
	s8 =	simm.s32 $0x640000;
	s7 =	sadd.s32 $0x1, s6  }
.LBB1_4:
0xc: {  	s14 =	sshll.u32 s11, $0x3  }
0xd: {  	s30 =	sand.u32 $0x7F, s11;
	s15 =	sand.u32 $0xFFFFFC00, s14  }
0xe: {  	s11 =	sor.u32 s30, s15  }
0xf: {  	s15 =	smulhi.u32 $0x51EB851F, s11  }
0x10: {  	s14 =	smulhi.u32 $0x51EB851F, s14  }
0x11: {  	s15 =	sshrl.u32 s15, $0x12  }
0x12: {  	s14 =	sshrl.u32 s14, $0x12;
	s15 =	smul.u32 $0xC8000, s15  }
0x13: {  	s14 =	sand.u32 $0x1F, s14  }
0x14: {  	s14 =	smul.u32 $0x19000, s14;
	s11 =	ssub.s32 s11, s15  }
0x15: {  	s15 =	sand.u32 $0x7, s11  }
0x16: {  	s14 =	sadd.s32 s2, s14;
	s11 =	sshrl.u32 s11, $0x3;
	s15 =	sshll.u32 s15, $0x12  }
0x17: {  	[tilespmem:s13+$0x0 ss:$0x81] =	vst.msk $0xffff, v0;
	s11 =	sadd.s32 s11, s14;
	s31 =	sor.u32 $0x400, s15  }
0x18: {  	[hbm4b:s11+s31] =	stream.strided.scatter [tilespmem:s12], [sflag:$0x2], $0x1000, s8, s31, $0x20;
	[tilespmem:$0x4040] =	vst v63  }
.LBB1_5:
0x19: {  	s13 =	sadd.s32 $0x1000, s9  }
0x1a: {  	p2 =	sgt.s32 s13, $0xC7FFF  }
0x1b: {  	s13 =	smov.u32 @p2 s3;
	p2 =	sne.s32 s10, s7  }
.Ltmp1:
0x1c: {  	p1 =	slt.u32 s10, $0x2;
	(pc) =	sbr.rel @!p2 .LBB1_6-.Ltmp1, $4  }
0x1d: {  	s12 =	simm.s32 @!p1 $0x2  }
0x1e: {  	s14 =	sadd.s32 $0x1, s10;
	_ =	swait.ge @!p1 [sflag:s12], $0x1000  }
0x1f: {  	s11 =	smov.u32 s9;
	p0 =	por !p0, !p0;
	[sflag:s12] =	ssyncset.done @!p1 $0x0  }
0x20: {  	s10 =	smov.u32 s14;
	s9 =	smov.u32 s13;
	[sflag:s12] =	ssyncadd.s32 @!p1 $0xFFFFF000  }
.LBB1_1:
0x21: {  	p1 =	sge.u32 s10, s6  }
0x22: {  	s12 =	sand.u32 @!p1 $0x1FFFFFF, s9  }
0x23: {  	s13 =	smulhi.u32 @!p1 $0x147AE15, s12;
	_ =	sdelay $0x1  }
0x24: {  	s13 =	sshrl.u32 @!p1 s13, $0xC  }
0x25: {  	s13 =	smul.u32 @!p1 $0xC8000, s13;
	_ =	sdelay $0x1  }
0x26: {  	s31 =	sadd.s32 $0xFFFFFFFF, s10;
	s14 =	sxor.u32 @!p1 $0xFFFFFFFF, s10;
	s12 =	ssub.s32 @!p1 s12, s13  }
0x27: {  	s15 =	simm.s32 @!p1 $0x80;
	s14 =	sshll.u32 @!p1 s14, $0xC;
	s12 =	sshll.u32 @!p1 s12, $0x4  }
0x28: {  	s13 =	sand.u32 @!p1 $0x1000, s14;
	s14 =	simm.s32 @!p1 $0x20;
	s12 =	sadd.s32 @!p1 s4, s12  }
0x29: {  	[tilespmem:s13], [sflag:$0x1] =	stream.strided.gather @!p1 [hbm4b:s12+s14], $0x1000, s15, s14, $0x38;
	[tilespmem:$0x4040] =	vst v63  }
0x2a: {  	p1 =	sge.u32 s31, s6  }
.Ltmp2:
0x2b: {  	_ = 	snop;
	(pc) =	sbr.rel @p1 .LBB1_5-.Ltmp2, $1  }
0x2c: {  	_ =	sdelay $0x3  }
0x2d: {  	s12 =	simm.s32 $0x1  }
0x2e: {  	_ =	swait.ge [sflag:s5], $0x1000;
	s12 =	simm.s32 @!p0 $0x0  }
0x2f: {  	[sflag:s5] =	ssyncset.done $0x0;
	s13 =	sshll.u32 s12, $0xC  }
0x30: {  	[sflag:s5] =	ssyncadd.s32 $0xFFFFF000;
	s16 =	sor.u32 $0x10, s13  }
0x31: {  	s12 =	smul.u32 $0x4080, s12;
	v1 =	vld [tilespmem:s16+$0x0]  }
0x32: {  	s30 =	sand.u32 $0x1, s10;
	v0 =	vld [tilespmem:s16+$0xFFFFFFF0]  }
0x33: {  	s13 =	smul.u32 $0x4080, s30;
	s12 =	sshrl.u32 s12, $0x2  }
0x34: {  	s14 =	sor.u32 $0x2000, s12  }
0x35: {  	s31 =	sshrl.u32 s13, $0x2;
	s13 =	sadd.s32 $0x0, s14  }
0x36: {  	s15 =	simm.s32 $0x4;
	s16 =	sadd.s32 $0x20, s16;
	s12 =	sor.u32 $0x2000, s31;
	[tilespmem:s13+$0x810 ss:$0x81] =	vst.msk $0xffff, v1  }
.LBB1_3:
0x37: {  	v1 =	vld [tilespmem:s16+$0x0];
	p1 =	sne.s32 s15, $0x1FC;
	[tilespmem:s13+$0x0 ss:$0x81] =	vst.msk $0xffff, v0;
	s13 =	smov.u32 s15;
	s15 =	sadd.s32 $0x4, s15  }
.Ltmp3:
0x38: {  	v0 =	vld [tilespmem:s16+$0xFFFFFFF0];
	(pc) =	sbr.rel @p1 .LBB1_3-.Ltmp3, $4  }
0x39: {  	_ = 	snop  }
0x3a: {  	s13 =	sshra.s32 s13, $0x2  }
0x3b: {  	s13 =	sadd.s32 s13, s14  }
0x3c: {  	s16 =	sadd.s32 $0x20, s16;
	[tilespmem:s13+$0x810 ss:$0x81] =	vst.msk $0xffff, v1  }
.Ltmp4:
0x3d: {  	_ = 	snop;
	(pc) =	sbr.rel .LBB1_4-.Ltmp4, $1  }
0x3e: {  	_ =	sdelay $0x3  }
.LBB1_6:
0x3f: {  	_ =	sfence.sel $0x180000  }
0x40: {  	s2 =	simm.s32 $0x1;
	[bflag:$0x0] =	sbarrier.arrive $0xFFFF  }
0x41: {  	s31 =	simm.s32 $0x2;
	[sflag:s2] =	ssyncpa.u1 $0x1  }
0x42: {  	[sflag:s31] =	ssyncpa.u1 $0x1  }
0x43: {  	p0 =	sne.s32 s0, $0x0;
	_ =	strace $0x9000004A  }
0x44: {  	s0 =	sadd.s32 @!p0 $0x100000, s1;
	[bflag:$0x2] =	sbarrier.arrive $0xFFFF  }
0x45: {  	[sflag:s0] =	ssyncadd.tile.s32 @!p0 $0x1;
	_ =	shalt  }
.Lfunc_end1:
_tile_overlayer_lowered:
.L_overlay_start_2:
0x46: {  	(tag) =	ssettag $0x2  }
0x47: {  	s0 =	rddreg [dreg:$0x0];
	s2 =	stileid.u32  }
0x48: {  	s1 =	rddreg [dreg:$0x1];
	p0 =	sne.s32 s2, $0x0  }
0x49: {  	s3 =	rddreg [dreg:$0x2];
	[bflag:$0x3] =	sbarrier.arrive $0xFFFF;
	s2 =	simm.s32 @!p0 $0x1C01  }
0x4a: {  	[timem:s3], [sflag:s2] =	dma.local @!p0 [hbm:s0], s1  }
0x4b: {  	s0 =	simm.s32 @!p0 $0x1  }
0x4c: {  	_ =	swait.ge @!p0 [sflag:s0], s1  }
0x4d: {  	s1 =	ssub.s32 @!p0 $0x0, s1;
	[sflag:s0] =	ssyncset.done @!p0 $0x0  }
0x4e: {  	[sflag:s0] =	ssyncadd.s32 @!p0 s1  }
0x4f: {  	[bflag:$0x3] =	sbarrier.arrive $0xFFFF  }
0x50: {  	_ =	shalt  }

// kernel: sparse-core-data-format-call.cloned.1.call-start
scs
called_computation_lowered:
.L_overlay_start_0:
0x0: {  	s2 =	sld [smem:$0x3FD9]  }
0x1: {  	s3 =	sld [smem:$0x3FFE];
	_ =	sdelay $0x1  }
0x2: {  	s1 =	srdreg.scid  }
0x3: {  	s0 =	sand.u32 $0x1, s1  }
0x4: {  	s18 =	sshll.u32 s0, $0xA;
	s2 =	sadd.s32 s3, s2  }
0x5: {  	s2 =	sadd.s32 s2, s18  }
0x6: {  	[smem:$0x3FC6] =	sst s2  }
0x7: {  	_ = 	snop  }
0x8: {  	s2 =	sld [smem:$0x3FD0];
	(tm) =	ssettm $0x1  }
0x9: {  	s19 =	sld [smem:$0x3FFB];
	_ =	sdelay $0x3  }
0xa: {  	_ =	strace s19  }
0xb: {  	s3 =	sld [smem:$0x3FFC];
	_ =	sdelay $0x3  }
0xc: {  	_ =	strace s3  }
0xd: {  	s3 =	sld [smem:$0x3FFD];
	_ =	sdelay $0x3  }
0xe: {  	_ =	strace s3  }
0xf: {  	_ =	strace $0x8FFFFFFF  }
0x10: {  	s20 =	sld [smem:$0x3FDB];
	_ =	sdelay $0x1  }
0x11: {  	s4 =	simm.s32 $_scs_section_size  }
0x12: {  	s5 =	simm.s32 $_size__tile_overlayer_lowered;
	s6 =	simm.s32 $_tile_overlayer_lowered  }
0x13: {  	s23 =	simm.s32 $0x1BFF;
	s22 =	sshll.u32 s6, $0x1;
	s3 =	sadd.s32 s4, s20  }
0x14: {  	s7 =	simm.s32 $0x0;
	s21 =	sshll.u32 s5, $0x1;
	s5 =	sadd.s32 s22, s3  }
0x15: {  	[timem:s7], [sflag:s23] =	dma.local [hbm:s5], s21  }
0x16: {  	_ =	swait.ge [sflag:s23], s21  }
0x17: {  	s4 =	ssub.s32 $0x0, s21;
	[sflag:s23] =	ssyncset.done $0x0  }
0x18: {  	[sflag:s23] =	ssyncadd.s32 s4;
	_ =	sdelay $0x1  }
0x19: {  	s24 =	simm.s32 $0x1B8B  }
0x1a: {  	_ =	swait.ge [sflag:s24], $0x1  }
0x1b: {  	[sflag:s24] =	ssyncset.done $0x0  }
0x1c: {  	s26 =	simm.s32 $0x1B8E;
	s25 =	sld [smem:$0x3FFE];
	[sflag:s24] =	ssyncadd.s32 $0xFFFFFFFF  }
0x1d: {  	s27 =	simm.s32 $execute0_lowered;
	[smem:$0x3FD2] =	sst s26  }
0x1e: {  	s5 =	sshll.u32 s27, $0x1;
	_ =	strace $0x8000004C;
	[dreg:$0x1] =	wrdreg $0xFFFFFFFF  }
0x1f: {  	s28 =	simm.s32 $_size_execute0_lowered;
	s3 =	sadd.s32 s3, s5;
	[dreg:$0x0] =	wrdreg $0x0  }
0x20: {  	s5 =	sshll.u32 s28, $0x1;
	[dreg:$0x2] =	wrdreg s3  }
0x21: {  	[dreg:$0x3] =	wrdreg s5  }
0x22: {  	[dreg:$0x4] =	wrdreg $0xC0  }
0x23: {  	_ =	task [dreg:s7], $0x5FFFF  }
0x24: {  	[dreg:$0x1] =	wrdreg $0xFFFFFFFF  }
0x25: {  	[dreg:$0x0] =	wrdreg $0x60  }
0x26: {  	[dreg:$0x2] =	wrdreg s25  }
0x27: {  	[dreg:$0x3] =	wrdreg s2  }
0x28: {  	[dreg:$0x4] =	wrdreg $0x9  }
0x29: {  	_ =	task.clear_ibuf [dreg:s7], $0x5FFFF;
	_ =	strace $0x9000004C  }
0x2a: {  	s29 =	simm.s32 $0x9;
	_ =	strace $0x8000004E  }
0x2b: {  	_ =	swait.ge [sflag:s29], $0x1  }
0x2c: {  	[sflag:s29] =	ssyncadd.s32 $0xFFFFFFFF  }
0x2d: {  	_ =	strace $0x9000004E  }
0x2e: {  	_ =	sfence  }
0x2f: {  	s30 =	sld [smem:$0x0];
	_ =	sdelay $0x2  }
0x30: {  	s31 =	sshll.u32 s1, $0xD;
	s1 =	sshrl.u32 s1, $0x2  }
0x31: {  	s3 =	sand.u32 $0x4000, s31;
	s1 =	sadd.s32 s1, s30  }
0x32: {  	s0 =	sor.u32 s3, s0;
	s1 =	sshll.u32 s1, $0x11  }
0x33: {  	s0 =	sor.u32 s1, s0  }
0x34: {  	s0 =	sadd.s32 $0x8F2B, s0  }
0x35: {  	[sflag:s0] =	ssyncadd.remote.s32 $0x1  }
0x36: {  	_ =	sfence.sel $0xFFFF  }
0x37: {  	[dreg:$0x0] =	wrdreg $0xFFFFFFFF;
	(pc) =	sbr.abs _section_cstart, $3  }
0x38: {  	[dreg:$0x1] =	wrdreg $0xFFFFFFFF  }
0x39: {  	_ =	task.clear_ibuf [dreg:s7], $0x2FFFF;
	_ =	strace $0x9FFFFFFF  }
0x3a: {  	(tm) =	ssettm $0x7FFFFFFF  }
0x3b: {  	_ =	shalt  }
tec
execute0_lowered:
.L_overlay_start_1:
0x0: {  	(tag) =	ssettag $0x1  }
0x1: {  	s8 =	rddreg [dreg:$0x0]  }
0x2: {  	s2 =	rddreg [dreg:$0x1];
	s1 =	stileid.u32  }
0x3: {  	s4 =	srdreg.scid;
	s0 =	rddreg [dreg:$0x2];
	_ =	strace $0x8000004D  }
0x4: {  	s9 =	simm.s32 $0x1;
	s31 =	simm.s32 $0x2;
	s16 =	simm.s32 $0x0  }
0x5: {  	s17 =	simm.s32 $0x0;
	s11 =	simm.s32 $0x0;
	s12 =	simm.s32 $0x0  }
0x6: {  	s15 =	simm.s32 $0x0;
	s3 =	sshll.u32 s1, $0x1;
	s4 =	sshll.u32 s4, $0x7  }
0x7: {  	s4 =	sand.u32 $0x80, s4;
	s5 =	ssub.s32 $0x20, s3;
	s14 =	smov.u32 s3  }
0x8: {  	s6 =	sshrl.u32 s5, $0x5;
	s5 =	sand.u32 $0x1E, s5;
	s7 =	ssub.s32 $0x4000, s4  }
0x9: {  	p0 =	sne.s32 s5, $0x0;
	s30 =	sshrl.u32 s7, $0x7;
	s7 =	sshrl.u32 s7, $0x8  }
.Ltmp0:
0xa: {  	s9 =	simm.s32 @!p0 $0x0;
	s10 =	sand.u32 $0x1, s30;
	(pc) =	sbr.rel .LBB1_1-.Ltmp0, $4  }
0xb: {  	s5 =	simm.s32 $0x1;
	s6 =	sadd.s32 s9, s6;
	s7 =	sadd.s32 s7, s10  }
0xc: {  	s13 =	smov.u32 s4;
	[sflag:s5] =	ssyncpa.u1 $0x0;
	s6 =	smul.u32 s6, s7  }
0xd: {  	p0 =	por $0x0, $0x0;
	[sflag:s31] =	ssyncpa.u1 $0x0;
	s10 =	simm.s32 $0x80000  }
0xe: {  	s7 =	sadd.s32 $0xE00, s8;
	s8 =	sadd.s32 $0x40E00, s8;
	s9 =	sadd.s32 $0x1, s6  }
.LBB1_7:
0xf: {  	p1 =	slt.u32 s15, $0x2  }
0x10: {  	s19 =	smov.u32 s17;
	p2 =	sgt.s32 @!p1 s17, $0x1E;
	s18 =	sshra.s32 @!p1 s17, $0x1F  }
0x11: {  	p3 =	sgt.s32 @!p1 s16, $0x3F80;
	s20 =	sshra.s32 @!p1 s16, $0x1F;
	p2 =	por !p2, p1  }
0x12: {  	s17 =	sand.u32 @!p1 s18, s17;
	p3 =	por !p3, p1;
	s18 =	smov.u32 s16  }
0x13: {  	s16 =	sand.u32 @!p1 s20, s16;
	s19 =	simm.s32 @p2 $0x1E;
	s18 =	simm.s32 @p3 $0x3F80  }
0x14: {  	s20 =	smov.u32 s14;
	s17 =	ssub.s32 @!p1 s19, s17;
	s16 =	ssub.s32 @!p1 s18, s16  }
0x15: {  	s18 =	sadd.s32 @!p1 $0xFFFFFFE2, s17;
	s17 =	ssub.s32 @!p1 $0x20, s17;
	s19 =	sadd.s32 @!p1 $0xFFFFC080, s16  }
0x16: {  	p2 =	sgt.s32 @!p1 s18, $0x1;
	s17 =	smul.u32 @!p1 $0x32, s17;
	p3 =	sgt.s32 @!p1 s19, $0x7F  }
0x17: {  	s16 =	ssub.s32 @!p1 $0x4000, s16;
	p2 =	por !p2, p1;
	p3 =	por !p3, p1  }
0x18: {  	s18 =	sadd.s32 $0x100, s13;
	s17 =	simm.s32 @!p2 $0x0;
	s16 =	simm.s32 @!p3 $0x0  }
0x19: {  	p2 =	sgt.s32 s18, $0x3FFF;
	s16 =	smul.u32 @!p1 s16, s17;
	s17 =	sadd.s32 $0x20, s14  }
0x1a: {  	s20 =	smov.u32 @p2 s17  }
0x1b: {  	s18 =	smov.u32 @p2 s4;
	p2 =	sgt.s32 s20, $0x1F  }
0x1c: {  	s20 =	smov.u32 @p2 s3;
	p2 =	sne.s32 s15, s9  }
.Ltmp1:
0x1d: {  	p0 =	por !p0, !p0;
	s19 =	simm.s32 @!p1 $0x2;
	(pc) =	sbr.rel @!p2 .LBB1_8-.Ltmp1, $4  }
0x1e: {  	s17 =	smov.u32 s12;
	s12 =	smov.u32 s14;
	s16 =	sand.u32 @!p1 $0x3FFFFFFE, s16  }
0x1f: {  	_ =	swait.ge @!p1 [sflag:s19], s16;
	s21 =	ssub.s32 @!p1 $0x0, s16;
	s16 =	smov.u32 s11  }
0x20: {  	s15 =	sadd.s32 $0x1, s15;
	s11 =	smov.u32 s13;
	[sflag:s19] =	ssyncset.done @!p1 $0x0  }
0x21: {  	s13 =	smov.u32 s18;
	s14 =	smov.u32 s20;
	[sflag:s19] =	ssyncadd.s32 @!p1 s21  }
.LBB1_1:
0x22: {  	p1 =	sge.u32 s15, s6  }
0x23: {  	s18 =	sxor.u32 @!p1 $0xFFFFFFFF, s15;
	s19 =	sshll.u32 @!p1 s14, $0x12  }
0x24: {  	s20 =	sshll.u32 @!p1 s13, $0x4;
	s22 =	simm.s32 @!p1 $0x40;
	s23 =	simm.s32 @!p1 $0x80  }
0x25: {  	s18 =	sshll.u32 @!p1 s18, $0xE;
	s20 =	sand.u32 @!p1 $0x3FFF0, s20;
	s21 =	sadd.s32 @!p1 s7, s19  }
0x26: {  	s19 =	sadd.s32 @!p1 s19, s8;
	s18 =	sand.u32 @!p1 $0x4000, s18;
	s21 =	sadd.s32 @!p1 s20, s21  }
0x27: {  	[tilespmem:s18], [sflag:$0x1] =	stream.strided.gather @!p1 [hbm4b:s21+s22], $0x2000, s23, s22, $0x38;
	[tilespmem:$0x10100] =	vst v63  }
0x28: {  	s31 =	sadd.s32 $0xFFFFFFFF, s15;
	s19 =	sadd.s32 @!p1 s20, s19;
	s18 =	sor.u32 @!p1 $0x2000, s18  }
0x29: {  	[tilespmem:s18], [sflag:$0x1] =	stream.strided.gather @!p1 [hbm4b:s19+s22], $0x2000, s23, s22, $0x38;
	[tilespmem:$0x10100] =	vst v63  }
0x2a: {  	p1 =	sge.u32 s31, s6  }
.Ltmp2:
0x2b: {  	_ = 	snop;
	(pc) =	sbr.rel @p1 .LBB1_7-.Ltmp2, $1  }
0x2c: {  	_ =	sdelay $0x3  }
0x2d: {  	s18 =	simm.s32 $0x1;
	s20 =	sand.u32 $0x1, s15  }
0x2e: {  	_ =	swait.ge [sflag:s5], $0x4000;
	s18 =	simm.s32 @!p0 $0x0;
	s20 =	smul.u32 $0x10200, s20  }
0x2f: {  	p2 =	por $0x1, $0x1;
	[sflag:s5] =	ssyncset.done $0x0;
	s19 =	smul.u32 $0x10200, s18  }
0x30: {  	s21 =	sshll.u32 s18, $0x10;
	[sflag:s5] =	ssyncadd.s32 $0xFFFFC000;
	s30 =	sshrl.u32 s20, $0x2  }
0x31: {  	s31 =	sshrl.u32 s21, $0x2;
	s21 =	simm.s32 $0x0;
	s19 =	sshrl.u32 s19, $0x2  }
0x32: {  	s18 =	sor.u32 $0x8000, s30;
	s20 =	sadd.s32 $0x20, s31;
	s19 =	sor.u32 $0x8000, s19  }
.LBB1_3:
0x33: {  	s22 =	sshll.u32 s21, $0xD  }
0x34: {  	s22 =	sand.u32 $0x3FFFE000, s22  }
0x35: {  	s24 =	sadd.s32 s22, s20  }
0x36: {  	s31 =	smul.u32 $0x204, s21;
	v3 =	vld [tilespmem:s24+$0x10]  }
0x37: {  	v1 =	vld [tilespmem:s24+$0xFFFFFFF0]  }
0x38: {  	s21 =	sshra.s32 s31, $0x2;
	v0 =	vld [tilespmem:s24+$0x0]  }
0x39: {  	s21 =	sadd.s32 s21, s19;
	v2 =	vld [tilespmem:s24+$0xFFFFFFE0]  }
0x3a: {  	s22 =	sadd.s32 $0x0, s21  }
0x3b: {  	p1 =	por p2, p2;
	s23 =	simm.s32 $0x4;
	s24 =	sadd.s32 $0x40, s24;
	[tilespmem:s22+$0x3060 ss:$0x102] =	vst.msk $0xffff, v3  }
.LBB1_4:
0x3c: {  	v3 =	vld [tilespmem:s24+$0x10];
	p2 =	sne.s32 s23, $0x1FC;
	[tilespmem:s22+$0x1020 ss:$0x102] =	vst.msk $0xffff, v1;
	s25 =	smov.u32 s23;
	s23 =	sadd.s32 $0x4, s23  }
.Ltmp3:
0x3d: {  	v1 =	vld [tilespmem:s24+$0xFFFFFFF0];
	[tilespmem:s22+$0x2040 ss:$0x102] =	vst.msk $0xffff, v0;
	(pc) =	sbr.rel @p2 .LBB1_4-.Ltmp3, $4  }
0x3e: {  	v0 =	vld [tilespmem:s24+$0x0];
	[tilespmem:s22+$0x0 ss:$0x102] =	vst.msk $0xffff, v2  }
0x3f: {  	s22 =	sshra.s32 s25, $0x2;
	v2 =	vld [tilespmem:s24+$0xFFFFFFE0]  }
0x40: {  	s22 =	sadd.s32 s22, s21  }
0x41: {  	s24 =	sadd.s32 $0x40, s24;
	[tilespmem:s22+$0x3060 ss:$0x102] =	vst.msk $0xffff, v3  }
.Ltmp4:
0x42: {  	(pc) =	sbr.rel @p1 .LBB1_3-.Ltmp4, $4  }
0x43: {  	_ = 	snop  }
0x44: {  	[tilespmem:s22+$0x1020 ss:$0x102] =	vst.msk $0xffff, v1  }
0x45: {  	[tilespmem:s22+$0x2040 ss:$0x102] =	vst.msk $0xffff, v0  }
0x46: {  	s21 =	simm.s32 $0x1;
	p2 =	por $0x0, $0x0;
	[tilespmem:s22+$0x0 ss:$0x102] =	vst.msk $0xffff, v2  }
0x47: {  	s19 =	sand.u32 $0x78, s11;
	p1 =	sgt.s32 s12, $0x1E;
	s20 =	smov.u32 s12  }
0x48: {  	s21 =	sshra.s32 s12, $0x1F;
	s22 =	sshll.u32 s12, $0xE;
	s23 =	sshll.u32 s11, $0x3  }
0x49: {  	s30 =	sshra.s32 s11, $0x1F;
	s25 =	sshll.u32 s12, $0x7;
	s20 =	simm.s32 @!p1 $0x1E  }
0x4a: {  	s21 =	sand.u32 s21, s12;
	s22 =	sand.u32 $0x60000, s22;
	p1 =	sgt.s32 s11, $0x3F80  }
0x4b: {  	s25 =	sand.u32 $0x380, s25;
	s20 =	ssub.s32 s20, s21;
	s21 =	smov.u32 s11  }
0x4c: {  	s22 =	sadd.s32 s22, s23;
	s24 =	sadd.s32 $0xFFFFFFE2, s20;
	s21 =	simm.s32 @!p1 $0x3F80  }
0x4d: {  	s20 =	ssub.s32 $0x20, s20;
	p1 =	sgt.s32 s24, $0x1;
	s24 =	sand.u32 s30, s11  }
0x4e: {  	s23 =	sand.u32 $0x3C00, s23;
	s20 =	smul.u32 $0x32, s20;
	s21 =	ssub.s32 s21, s24  }
0x4f: {  	s19 =	sor.u32 s25, s19;
	s22 =	sand.u32 $0x7C000, s22;
	s24 =	sadd.s32 $0xFFFFC080, s21  }
0x50: {  	s20 =	simm.s32 @p1 $0x0;
	s21 =	ssub.s32 $0x4000, s21;
	p1 =	sgt.s32 s24, $0x7F  }
.Ltmp5:
0x51: {  	s19 =	sor.u32 s23, s19;
	s21 =	simm.s32 @p1 $0x0;
	(pc) =	sbr.rel .LBB1_7-.Ltmp5, $4  }
0x52: {  	s31 =	sand.u32 $0x7, s11;
	s19 =	sor.u32 s22, s19;
	s20 =	smul.u32 s21, s20  }
0x53: {  	s19 =	sshrl.u32 s19, $0x3;
	s21 =	sshll.u32 s31, $0x12  }
0x54: {  	s19 =	sadd.s32 s2, s19;
	s21 =	sor.u32 $0x100, s21;
	s20 =	sand.u32 $0x3FFFFFFE, s20  }
0x55: {  	[hbm4b:s19+s21] =	stream.strided.scatter [tilespmem:s18], [sflag:$0x2], s20, s10, s21, $0x20;
	[tilespmem:$0x10100] =	vst v63  }
.LBB1_8:
0x56: {  	_ =	sfence.sel $0x180000  }
0x57: {  	s2 =	simm.s32 $0x1;
	[bflag:$0x0] =	sbarrier.arrive $0xFFFF  }
0x58: {  	s31 =	simm.s32 $0x2;
	[sflag:s2] =	ssyncpa.u1 $0x1  }
0x59: {  	[sflag:s31] =	ssyncpa.u1 $0x1  }
0x5a: {  	p0 =	sne.s32 s1, $0x0;
	_ =	strace $0x9000004D  }
0x5b: {  	s0 =	sadd.s32 @!p0 $0x100000, s0;
	[bflag:$0x2] =	sbarrier.arrive $0xFFFF  }
0x5c: {  	[sflag:s0] =	ssyncadd.tile.s32 @!p0 $0x1;
	_ =	shalt  }
.Lfunc_end1:
_tile_overlayer_lowered:
.L_overlay_start_2:
0x5d: {  	(tag) =	ssettag $0x2  }
0x5e: {  	s0 =	rddreg [dreg:$0x0];
	s2 =	stileid.u32  }
0x5f: {  	s1 =	rddreg [dreg:$0x1];
	p0 =	sne.s32 s2, $0x0  }
0x60: {  	s3 =	rddreg [dreg:$0x2];
	[bflag:$0x3] =	sbarrier.arrive $0xFFFF;
	s2 =	simm.s32 @!p0 $0x1C01  }
0x61: {  	[timem:s3], [sflag:s2] =	dma.local @!p0 [hbm:s0], s1  }
0x62: {  	s0 =	simm.s32 @!p0 $0x1  }
0x63: {  	_ =	swait.ge @!p0 [sflag:s0], s1  }
0x64: {  	s1 =	ssub.s32 @!p0 $0x0, s1;
	[sflag:s0] =	ssyncset.done @!p0 $0x0  }
0x65: {  	[sflag:s0] =	ssyncadd.s32 @!p0 s1  }
0x66: {  	[bflag:$0x3] =	sbarrier.arrive $0xFFFF  }
0x67: {  	_ =	shalt  }

</sc_bundles>
